<compile_context>
chip_gen: v7x
topology: tpu7x:2x2x1
jax: 0.10.2.dev20260603
libtpu: 0.0.44.dev20260713+nightly
codegen_flags: <defaults>
</compile_context>

<pallas_src>
import functools
import jax
import jax.numpy as jnp
from jax import lax
from jax.experimental import pallas as pl
from jax.experimental.pallas import tpu as pltpu
from jax.experimental.pallas import tpu_sc as plsc

N = 10000
NPAD = 10240
E = 320000
C0 = 2000
C0PAD = 2048
C1 = 400

NC = 2
NS = 16
NW = NC * NS
L = 16

E_PER_W = E // NW
CHUNK = 128
NCHUNK = -(-E_PER_W // CHUNK)
E_PER_WP = NCHUNK * CHUNK
EPAD = E_PER_WP - E_PER_W
DUMP1 = NPAD - 8
DUMP2 = C0PAD - 1
MCHUNK = 80


def _seg_sum_sc(t1, col_r, row_r, feat, nrows_out):
    rows_per_s = nrows_out // NS
    nrows_tab = t1.shape[0]
    assert nrows_tab // NS <= rows_per_s
    mesh = plsc.VectorSubcoreMesh(core_axis_name="c", subcore_axis_name="s")

    @functools.partial(
        pl.kernel,
        out_type=jax.ShapeDtypeStruct((NC * nrows_out, feat), jnp.float32),
        mesh=mesh,
        compiler_params=pltpu.CompilerParams(use_tc_tiling_on_sc=False,
                                             needs_layout_passes=False),
        scratch_types=[
            pltpu.VMEM((NCHUNK, CHUNK), jnp.int32),
            pltpu.VMEM((NCHUNK, CHUNK), jnp.int32),
            pltpu.VMEM((CHUNK, feat), jnp.float32),
            pltpu.VMEM((CHUNK, feat), jnp.float32),
            pltpu.VMEM((rows_per_s, feat), jnp.float32),
            pltpu.VMEM_SHARED((nrows_out, feat), jnp.float32),
            pltpu.VMEM_SHARED((nrows_tab, feat), jnp.float32),
            pltpu.SemaphoreType.DMA,
            pltpu.SemaphoreType.DMA,
            pltpu.SemaphoreType.DMA,
            pltpu.SemaphoreType.DMA,
        ],
    )
    def k(t1_hbm, col_hbm, row_hbm, out_hbm, col_v, row_v, rows0_v, rows1_v,
          stage_v, acc_sh, tab_sh, gs0, gs1, ss0, ss1):
        c = lax.axis_index("c")
        s = lax.axis_index("s")
        wid = c * NS + s

        def zrow(i, _):
            for f0 in range(feat // L):
                stage_v[i, pl.ds(f0 * L, L)] = jnp.zeros((L,), jnp.float32)
            return ()
        lax.fori_loop(0, rows_per_s, zrow, ())
        pltpu.sync_copy(stage_v, acc_sh.at[pl.ds(s * rows_per_s, rows_per_s)])

        tab_per_s = nrows_tab // NS
        pltpu.sync_copy(t1_hbm.at[pl.ds(s * tab_per_s, tab_per_s)],
                        stage_v.at[pl.ds(0, tab_per_s)])
        pltpu.sync_copy(stage_v.at[pl.ds(0, tab_per_s)],
                        tab_sh.at[pl.ds(s * tab_per_s, tab_per_s)])

        pltpu.sync_copy(col_hbm.at[wid], col_v)
        pltpu.sync_copy(row_hbm.at[wid], row_v)
        plsc.subcore_barrier()

        def sg(j, buf, sem):
            pltpu.async_copy(tab_sh.at[col_v.at[j]], buf, sem)

        def wg(buf, sem):
            pltpu.make_async_copy(tab_sh.at[col_v.at[0]], buf, sem).wait()

        def ssc(j, buf, sem):
            pltpu.async_copy(buf, acc_sh.at[row_v.at[j]], sem, add=True)

        def wsc(buf, sem):
            pltpu.make_async_copy(buf, acc_sh.at[row_v.at[0]], sem).wait()

        sg(0, rows0_v, gs0)
        wg(rows0_v, gs0)
        sg(1, rows1_v, gs1)
        ssc(0, rows0_v, ss0)

        def pair(t, _):
            j = 2 * t + 1
            wg(rows1_v, gs1)
            wsc(rows0_v, ss0)
            sg(j + 1, rows0_v, gs0)
            ssc(j, rows1_v, ss1)
            wg(rows0_v, gs0)
            wsc(rows1_v, ss1)
            sg(j + 2, rows1_v, gs1)
            ssc(j + 1, rows0_v, ss0)
            return ()
        lax.fori_loop(0, (NCHUNK - 3) // 2, pair, ())

        wg(rows1_v, gs1)
        wsc(rows0_v, ss0)
        sg(NCHUNK - 1, rows0_v, gs0)
        ssc(NCHUNK - 2, rows1_v, ss1)
        wg(rows0_v, gs0)
        wsc(rows1_v, ss1)
        ssc(NCHUNK - 1, rows0_v, ss0)
        wsc(rows0_v, ss0)

        plsc.subcore_barrier()
        pltpu.sync_copy(acc_sh.at[pl.ds(s * rows_per_s, rows_per_s)], stage_v)
        pltpu.sync_copy(
            stage_v,
            out_hbm.at[pl.ds(c * nrows_out + s * rows_per_s, rows_per_s)])

    return k(t1, col_r, row_r)


def _seg_sum2_sc(t2, cluster0, col_r, row_r, feat, nrows_out):
    rows_per_s = nrows_out // NS
    nrows_tab = t2.shape[0]
    assert nrows_tab // NS <= rows_per_s
    mesh = plsc.VectorSubcoreMesh(core_axis_name="c", subcore_axis_name="s")

    @functools.partial(
        pl.kernel,
        out_type=jax.ShapeDtypeStruct((NC * nrows_out, feat), jnp.float32),
        mesh=mesh,
        compiler_params=pltpu.CompilerParams(use_tc_tiling_on_sc=False,
                                             needs_layout_passes=False),
        scratch_types=[
            pltpu.VMEM((NPAD,), jnp.int32),
            pltpu.VMEM((E_PER_WP,), jnp.int32),
            pltpu.VMEM((E_PER_WP,), jnp.int32),
            pltpu.VMEM((NCHUNK, CHUNK), jnp.int32),
            pltpu.VMEM((NCHUNK, CHUNK), jnp.int32),
            pltpu.VMEM((CHUNK, feat), jnp.float32),
            pltpu.VMEM((CHUNK, feat), jnp.float32),
            pltpu.VMEM((rows_per_s, feat), jnp.float32),
            pltpu.VMEM_SHARED((nrows_out, feat), jnp.float32),
            pltpu.VMEM_SHARED((nrows_tab, feat), jnp.float32),
            pltpu.SemaphoreType.DMA,
            pltpu.SemaphoreType.DMA,
            pltpu.SemaphoreType.DMA,
            pltpu.SemaphoreType.DMA,
        ],
    )
    def k(t2_hbm, c0_hbm, col_hbm, row_hbm, out_hbm, c0_v, colf_v, rowf_v,
          ccol_v, crow_v, rows0_v, rows1_v, stage_v, acc_sh, tab_sh,
          gs0, gs1, ss0, ss1):
        c = lax.axis_index("c")
        s = lax.axis_index("s")
        wid = c * NS + s

        def zrow(i, _):
            for f0 in range(feat // L):
                stage_v[i, pl.ds(f0 * L, L)] = jnp.zeros((L,), jnp.float32)
            return ()
        lax.fori_loop(0, rows_per_s, zrow, ())
        pltpu.sync_copy(stage_v, acc_sh.at[pl.ds(s * rows_per_s, rows_per_s)])

        tab_per_s = nrows_tab // NS
        pltpu.sync_copy(t2_hbm.at[pl.ds(s * tab_per_s, tab_per_s)],
                        stage_v.at[pl.ds(0, tab_per_s)])
        pltpu.sync_copy(stage_v.at[pl.ds(0, tab_per_s)],
                        tab_sh.at[pl.ds(s * tab_per_s, tab_per_s)])

        pltpu.sync_copy(c0_hbm, c0_v)
        pltpu.sync_copy(col_hbm.at[wid], colf_v)
        pltpu.sync_copy(row_hbm.at[wid], rowf_v)

        def remap(g, _):
            j = g // (CHUNK // L)
            kk = g % (CHUNK // L)
            cv = colf_v[pl.ds(g * L, L)]
            rv = rowf_v[pl.ds(g * L, L)]
            ccol_v[j, pl.ds(kk * L, L)] = plsc.load_gather(c0_v, [cv])
            crow_v[j, pl.ds(kk * L, L)] = plsc.load_gather(c0_v, [rv])
            return ()
        lax.fori_loop(0, E_PER_WP // L, remap, ())
        plsc.subcore_barrier()

        def sg(j, buf, sem):
            pltpu.async_copy(tab_sh.at[ccol_v.at[j]], buf, sem)

        def wg(buf, sem):
            pltpu.make_async_copy(tab_sh.at[ccol_v.at[0]], buf, sem).wait()

        def ssc(j, buf, sem):
            pltpu.async_copy(buf, acc_sh.at[crow_v.at[j]], sem, add=True)

        def wsc(buf, sem):
            pltpu.make_async_copy(buf, acc_sh.at[crow_v.at[0]], sem).wait()

        sg(0, rows0_v, gs0)
        wg(rows0_v, gs0)
        sg(1, rows1_v, gs1)
        ssc(0, rows0_v, ss0)

        def pair(t, _):
            j = 2 * t + 1
            wg(rows1_v, gs1)
            wsc(rows0_v, ss0)
            sg(j + 1, rows0_v, gs0)
            ssc(j, rows1_v, ss1)
            wg(rows0_v, gs0)
            wsc(rows1_v, ss1)
            sg(j + 2, rows1_v, gs1)
            ssc(j + 1, rows0_v, ss0)
            return ()
        lax.fori_loop(0, (NCHUNK - 3) // 2, pair, ())

        wg(rows1_v, gs1)
        wsc(rows0_v, ss0)
        sg(NCHUNK - 1, rows0_v, gs0)
        ssc(NCHUNK - 2, rows1_v, ss1)
        wg(rows0_v, gs0)
        wsc(rows1_v, ss1)
        ssc(NCHUNK - 1, rows0_v, ss0)
        wsc(rows0_v, ss0)

        plsc.subcore_barrier()
        pltpu.sync_copy(acc_sh.at[pl.ds(s * rows_per_s, rows_per_s)], stage_v)
        pltpu.sync_copy(
            stage_v,
            out_hbm.at[pl.ds(c * nrows_out + s * rows_per_s, rows_per_s)])

    return k(t2, cluster0, col_r, row_r)


def _pool_max_sc(hcomb, cluster, n_ids, nrows, cl_per_w, feat, mcap,
                 W=None, feat_out=None):
    mbuf = mcap + L
    acc_rows = cl_per_w + 1
    fo = feat if W is None else feat_out
    mesh = plsc.VectorSubcoreMesh(core_axis_name="c", subcore_axis_name="s")

    @functools.partial(
        pl.kernel,
        out_type=jax.ShapeDtypeStruct((NW * cl_per_w * fo,), jnp.float32),
        mesh=mesh,
        compiler_params=pltpu.CompilerParams(use_tc_tiling_on_sc=False,
                                             needs_layout_passes=False),
        scratch_types=[
            pltpu.VMEM((n_ids,), jnp.int32),
            pltpu.VMEM((mbuf,), jnp.int32),
            pltpu.VMEM((mbuf,), jnp.int32),
            pltpu.VMEM((mbuf,), jnp.int32),
            pltpu.VMEM((mcap, feat), jnp.float32),
            pltpu.VMEM((mcap, feat), jnp.float32),
            pltpu.VMEM((acc_rows * feat,), jnp.float32),
            pltpu.VMEM((feat, fo), jnp.float32),
            pltpu.VMEM((cl_per_w * fo,), jnp.float32),
            pltpu.SemaphoreType.DMA,
        ],
    )
    def k(h_hbm, cl_hbm, *rest):
        if W is None:
            (out_hbm, cl_v, mcid_v, midx_v, midx2_v, mr0_v, mr1_v,
             acc_v, w_v, t2s_v, sem) = rest
        else:
            (w_hbm, out_hbm, cl_v, mcid_v, midx_v, midx2_v, mr0_v, mr1_v,
             acc_v, w_v, t2s_v, sem) = rest
        c = lax.axis_index("c")
        s = lax.axis_index("s")
        wid = c * NS + s
        lo = wid * cl_per_w
        lane = lax.iota(jnp.int32, L)

        def zacc(i, _):
            acc_v[pl.ds(i * L, L)] = jnp.zeros((L,), jnp.float32)
            return ()
        lax.fori_loop(0, acc_rows * feat // L, zacc, ())

        def zmem(i, _):
            mcid_v[pl.ds(i * L, L)] = jnp.full((L,), cl_per_w, jnp.int32)
            midx_v[pl.ds(i * L, L)] = jnp.zeros((L,), jnp.int32)
            midx2_v[pl.ds(i * L, L)] = jnp.full((L,), nrows, jnp.int32)
            return ()
        lax.fori_loop(0, mbuf // L, zmem, ())

        pltpu.sync_copy(cl_hbm, cl_v)

        def scan(g, off):
            cid = cl_v[pl.ds(g * L, L)]
            r = cid - lo
            m = (r >= 0) & (r < cl_per_w)
            cum = jnp.where(m, jnp.int32(1), jnp.int32(0))
            for st in (1, 2, 4, 8):
                sh = cum.at[jnp.maximum(lane - st, 0)].get(
                    mode="promise_in_bounds")
                cum = cum + jnp.where(lane >= st, sh, 0)
            pos = off + cum - 1
            nidx = g * L + lane
            plsc.store_scatter(mcid_v, [pos], r, mask=m)
            plsc.store_scatter(midx_v, [pos], nidx, mask=m)
            plsc.store_scatter(midx2_v, [pos], nidx + nrows, mask=m)
            return off + plsc.all_reduce_population_count(m)
        lax.fori_loop(0, n_ids // L, scan, jnp.zeros((L,), jnp.int32))

        for j in range(mcap // MCHUNK):
            pltpu.async_copy(h_hbm.at[midx_v.at[pl.ds(j * MCHUNK, MCHUNK)]],
                             mr0_v.at[pl.ds(j * MCHUNK, MCHUNK)], sem).wait()
            pltpu.async_copy(h_hbm.at[midx2_v.at[pl.ds(j * MCHUNK, MCHUNK)]],
                             mr1_v.at[pl.ds(j * MCHUNK, MCHUNK)], sem).wait()

        def fold(g, _):
            cidv = mcid_v[pl.ds(g * L, L)]
            for kk in range(L):
                csplat = cidv.at[jnp.full((L,), kk, jnp.int32)].get(
                    mode="promise_in_bounds")
                i = g * L + kk
                for f0 in range(feat // L):
                    idx = csplat * feat + f0 * L + lane
                    cur = plsc.load_gather(acc_v, [idx])
                    vv = jnp.maximum(
                        mr0_v[i, pl.ds(f0 * L, L)] + mr1_v[i, pl.ds(f0 * L, L)],
                        0.0)
                    plsc.store_scatter(acc_v, [idx], jnp.maximum(cur, vv))
            return ()
        lax.fori_loop(0, mcap // L, fold, ())

        if W is None:
            pltpu.sync_copy(acc_v.at[pl.ds(0, cl_per_w * feat)],
                            out_hbm.at[pl.ds(wid * cl_per_w * feat,
                                             cl_per_w * feat)])
        else:
            pltpu.sync_copy(w_hbm, w_v)

            def mmrow(r, _):
                accs = [jnp.zeros((L,), jnp.float32) for _ in range(fo // L)]
                for kk in range(feat):
                    a = plsc.load_gather(
                        acc_v, [jnp.full((L,), jnp.int32(0)) + (r * feat + kk)])
                    for f0 in range(fo // L):
                        accs[f0] = accs[f0] + a * w_v[kk, pl.ds(f0 * L, L)]
                for f0 in range(fo // L):
                    t2s_v[pl.ds(r * fo + f0 * L, L)] = accs[f0]
                return ()
            lax.fori_loop(0, cl_per_w, mmrow, ())
            pltpu.sync_copy(t2s_v,
                            out_hbm.at[pl.ds(wid * cl_per_w * fo,
                                             cl_per_w * fo)])

    return (k(hcomb, cluster) if W is None else k(hcomb, cluster, W))


def _matmul_tc(a, b):
    def mm(a_ref, b_ref, o_ref):
        o_ref[...] = jnp.dot(a_ref[...], b_ref[...],
                             preferred_element_type=jnp.float32)
    return pl.pallas_call(
        mm, out_shape=jax.ShapeDtypeStruct((a.shape[0], b.shape[1]),
                                           jnp.float32))(a, b)


def _head_tc(h3, Wfc1, bfc1, Wfc2r, bfc2):
    def head(h_ref, w1_ref, b1_ref, w2_ref, b2_ref, o_ref):
        sm = jnp.sum(h_ref[...], axis=0, keepdims=True) / float(C1)
        z = jnp.maximum(
            jnp.dot(sm, w1_ref[...], preferred_element_type=jnp.float32)
            + b1_ref[...], 0.0)
        o_ref[...] = jnp.sum(z * w2_ref[...], axis=1, keepdims=True) + b2_ref[...]
    return pl.pallas_call(
        head, out_shape=jax.ShapeDtypeStruct((1, 1), jnp.float32))(
            h3, Wfc1, bfc1.reshape(1, -1), Wfc2r, bfc2.reshape(1, 1))


def kernel(x, edge_index, edge_attr, cluster0, cluster1, batch,
           W1, We1, Wa1, W2, We2, Wa2, Wfc1, bfc1, Wfc2, bfc2):
    row = edge_index[0]
    col = edge_index[1]
    colp = jnp.concatenate(
        [col.reshape(NW, E_PER_W),
         jnp.zeros((NW, EPAD), jnp.int32)], axis=1)
    rowp = jnp.concatenate(
        [row.reshape(NW, E_PER_W),
         jnp.full((NW, EPAD), DUMP1, jnp.int32)], axis=1)
    col_r3 = colp.reshape(NW, NCHUNK, CHUNK)
    row_r3 = rowp.reshape(NW, NCHUNK, CHUNK)
    c0p = jnp.concatenate(
        [cluster0, jnp.full((NPAD - N,), DUMP2, jnp.int32)])

    t1 = _matmul_tc(x, W1)
    hc = _seg_sum_sc(t1, col_r3, row_r3, 16, NPAD)
    t2 = _pool_max_sc(hc, cluster0, N, NPAD, 63, 16, 320,
                      W=W2, feat_out=32).reshape(2016, 32)
    gc = _seg_sum2_sc(t2, c0p, colp, rowp, 32, C0PAD)
    h3 = _pool_max_sc(gc, cluster1, C0, C0PAD, 13, 32, 80).reshape(416, 32)
    return _head_tc(h3, Wfc1, bfc1, Wfc2.reshape(1, -1), bfc2)

# --- scband reference (transcript-rebuilt; emitter-appended) ---
"""Pipeline reference for scband-net-20143396618690 (READ-ONLY COPY).

The authoritative reference and input builder live on the scoring server;
editing this copy changes nothing except your own understanding.
"""

import jax, jax.numpy as jnp
import numpy as np

N = 10000
E = 320000
D = 128
DE = 4
C0 = 2000
C1 = 400


def setup_inputs(seed: int = 0) -> dict:
    key = jax.random.key(seed)
    ks = jax.random.split(key, 20)
    x = jax.random.normal(ks[0], (N, D), dtype=jnp.float32)
    edge_index = jax.random.randint(ks[1], (2, E), 0, N, dtype=jnp.int32)
    edge_attr = jax.random.uniform(ks[2], (E, DE), dtype=jnp.float32)
    # cluster assignments: permuted tiled arange guarantees every cluster id is occupied
    cluster0 = jax.random.permutation(ks[3], jnp.arange(N, dtype=jnp.int32) % C0)
    cluster1 = jax.random.permutation(ks[4], jnp.arange(C0, dtype=jnp.int32) % C1)
    batch = jnp.zeros((N,), dtype=jnp.int32)  # single graph in the batch
    # GINet layer 1 params (fc: D->16, fc_edge_attr: DE->3, fc_attention: 2*16+3 -> 1)
    W1 = jax.random.normal(ks[5], (D, 16), dtype=jnp.float32) * 0.05
    We1 = jax.random.normal(ks[6], (DE, 3), dtype=jnp.float32) * 0.05
    Wa1 = jax.random.normal(ks[7], (2 * 16 + 3, 1), dtype=jnp.float32) * 0.05
    # GINet layer 2 params (16->32)
    W2 = jax.random.normal(ks[8], (16, 32), dtype=jnp.float32) * 0.05
    We2 = jax.random.normal(ks[9], (DE, 3), dtype=jnp.float32) * 0.05
    Wa2 = jax.random.normal(ks[10], (2 * 32 + 3, 1), dtype=jnp.float32) * 0.05
    # MLP head
    Wfc1 = jax.random.normal(ks[11], (32, 64), dtype=jnp.float32) * 0.05
    bfc1 = jnp.zeros((64,), dtype=jnp.float32)
    Wfc2 = jax.random.normal(ks[12], (64, 1), dtype=jnp.float32) * 0.05
    bfc2 = jnp.zeros((1,), dtype=jnp.float32)
    return {"x": x, "edge_index": edge_index, "edge_attr": edge_attr,
            "cluster0": cluster0, "cluster1": cluster1, "batch": batch,
            "W1": W1, "We1": We1, "Wa1": Wa1,
            "W2": W2, "We2": We2, "Wa2": Wa2,
            "Wfc1": Wfc1, "bfc1": bfc1, "Wfc2": Wfc2, "bfc2": bfc2}


def _ginet(x, ei, ea, W, We, Wa):
    # GINet conv layer (deeprank-gnn style): edge-attention weighted scatter-sum
    row = ei[0]
    col = ei[1]
    xcol = x[col] @ W            # gather + project (memory bound)
    xrow = x[row] @ W
    ed = ea @ We
    alpha = jnp.concatenate([xrow, xcol, ed], axis=1) @ Wa  # [E, 1]
    alpha = jax.nn.leaky_relu(alpha, negative_slope=0.01)
    alpha = jax.nn.softmax(alpha, axis=1)  # faithful to original (softmax over size-1 dim)
    h = alpha * xcol
    return jax.ops.segment_sum(h, row, num_segments=x.shape[0])


def reference(x, edge_index, edge_attr, cluster0, cluster1, batch,
              W1, We1, Wa1, W2, We2, Wa2, Wfc1, bfc1, Wfc2, bfc2):
    act = jax.nn.relu
    # conv1
    h = act(_ginet(x, edge_index, edge_attr, W1, We1, Wa1))
    # get_preloaded_cluster: identity for single-graph batch (batch all zeros)
    # community_pooling with cluster0: max-pool node feats, remap edges through cluster ids
    hp = jax.ops.segment_max(h, cluster0, num_segments=C0)
    eip = cluster0[edge_index]
    batch1 = jax.ops.segment_max(batch, cluster0, num_segments=C0)
    # conv2 on pooled graph
    h2 = act(_ginet(hp, eip, edge_attr, W2, We2, Wa2))
    # max_pool_x with cluster1
    h3 = jax.ops.segment_max(h2, cluster1, num_segments=C1)
    batch2 = jax.ops.segment_max(batch1, cluster1, num_segments=C1)
    # scatter_mean over batch (1 graph)
    sums = jax.ops.segment_sum(h3, batch2, num_segments=1)
    cnt = jax.ops.segment_sum(jnp.ones((h3.shape[0],), dtype=h3.dtype), batch2, num_segments=1)
    xm = sums / cnt[:, None]
    out = act(xm @ Wfc1 + bfc1)
    out = out @ Wfc2 + bfc2
    return out

if __name__ == "__main__":
    import jax
    _d = setup_inputs()
    print(jax.jit(kernel)(*tuple(_d.values())))

</pallas_src>

<mosaic_0001>
#map = affine_map<(d0, d1) -> (0, 0)>
#map1 = affine_map<(d0, d1) -> (0, 0, 0)>
module attributes {stable_mosaic.version = 14 : i64} {
  func.func @k(%arg0: i32, %arg1: i32, %arg2: memref<10000x16xf32, #tpu.memory_space<hbm>>, %arg3: memref<32x79x128xi32, #tpu.memory_space<hbm>>, %arg4: memref<32x79x128xi32, #tpu.memory_space<hbm>>, %arg5: memref<20480x16xf32, #tpu.memory_space<hbm>>, %arg6: memref<79x128xi32, #tpu.memory_space<vmem>>, %arg7: memref<79x128xi32, #tpu.memory_space<vmem>>, %arg8: memref<128x16xf32, #tpu.memory_space<vmem>>, %arg9: memref<128x16xf32, #tpu.memory_space<vmem>>, %arg10: memref<640x16xf32, #tpu.memory_space<vmem>>, %arg11: memref<10240x16xf32, #tpu.memory_space<vmem_shared>>, %arg12: memref<10000x16xf32, #tpu.memory_space<vmem_shared>>, %arg13: memref<!tpu.dma_semaphore, #tpu.memory_space<semaphore_mem>>, %arg14: memref<!tpu.dma_semaphore, #tpu.memory_space<semaphore_mem>>, %arg15: memref<!tpu.dma_semaphore, #tpu.memory_space<semaphore_mem>>, %arg16: memref<!tpu.dma_semaphore, #tpu.memory_space<semaphore_mem>>) attributes {dimension_semantics = [#tpu.dimension_semantics<core_parallel>, #tpu.dimension_semantics<subcore_parallel>], iteration_bounds = array<i64: 2, 16>, scalar_prefetch = 0 : i64, scratch_operands = 11 : i64, tpu.core_type = #tpu.core_type<sc_vector_subcore>, window_params = [{transform_indices = #map}, {transform_indices = #map1}, {transform_indices = #map1}, {transform_indices = #map}]} {
    %mul3A = arith.constant 16 : i32
    %mul3A_0 = arith.muli %arg0, %mul3A : i32
    %add3A = arith.addi %mul3A_0, %arg1 : i32
    %scan3A = arith.constant 0 : i32
    %scan3A_1 = arith.constant 640 : i32
    %scan3A_2 = arith.addi %scan3A, %scan3A_1 : i32
    %scan3A_3 = arith.constant 1 : i32
    scf.for %scan3A_106 = %scan3A to %scan3A_2 step %scan3A_3  : i32 {
      %broadcast_in_dim3A = arith.constant 0.000000e+00 : f32
      %broadcast_in_dim3A_107 = vector.broadcast %broadcast_in_dim3A : f32 to vector<16xf32>
      %swap3A = arith.index_cast %scan3A_106 : i32 to index
      %swap3A_108 = arith.constant 0 : index
      %swap3A_109 = tpu.vector_load %arg10[%swap3A, %swap3A_108] {strides = array<i32>} : memref<640x16xf32, #tpu.memory_space<vmem>>, vector<16xf32>,
      tpu.vector_store %arg10[%swap3A, %swap3A_108], %broadcast_in_dim3A_107 {strides = array<i32>} : memref<640x16xf32, #tpu.memory_space<vmem>>, vector<16xf32>,
    }
    %scan3A_4 = arith.constant 640 : i32
    %mul3A_5 = arith.constant 640 : i32
    %mul3A_6 = arith.muli %arg1, %mul3A_5 : i32
    "tpu.region"() ({
      %run_scoped3A = tpu.sem_alloc : memref<!tpu.dma_semaphore, #tpu.memory_space<semaphore_mem>>
      %dma_start3A_106 = arith.constant 0 : i32
      %dma_start3A_107 = tpu.memref_slice %arg11[%mul3A_6, %dma_start3A_106] : memref<10240x16xf32, #tpu.memory_space<vmem_shared>> -> memref<640x16xf32, #tpu.memory_space<vmem_shared>>
      %dma_start3A_108 = arith.constant 0 : i32
      %dma_start3A_109 = tpu.memref_slice %arg11[%mul3A_6, %dma_start3A_108] : memref<10240x16xf32, #tpu.memory_space<vmem_shared>> -> memref<640x16xf32, #tpu.memory_space<vmem_shared>>
      tpu.enqueue_dma source(%arg10 : memref<640x16xf32, #tpu.memory_space<vmem>>) target(%dma_start3A_109 : memref<640x16xf32, #tpu.memory_space<vmem_shared>>) target_semaphore(%run_scoped3A : memref<!tpu.dma_semaphore, #tpu.memory_space<semaphore_mem>>)
      %dma_wait3A_110 = arith.constant 0 : i32
      %dma_wait3A_111 = tpu.memref_slice %arg11[%mul3A_6, %dma_wait3A_110] : memref<10240x16xf32, #tpu.memory_space<vmem_shared>> -> memref<640x16xf32, #tpu.memory_space<vmem_shared>>
      %dma_wait3A_112 = arith.constant 0 : i32
      %dma_wait3A_113 = tpu.memref_slice %arg11[%mul3A_6, %dma_wait3A_112] : memref<10240x16xf32, #tpu.memory_space<vmem_shared>> -> memref<640x16xf32, #tpu.memory_space<vmem_shared>>
      tpu.wait_dma2 semaphore(%run_scoped3A : memref<!tpu.dma_semaphore, #tpu.memory_space<semaphore_mem>>) src(%arg10 : memref<640x16xf32, #tpu.memory_space<vmem>>) dst(%dma_wait3A_113 : memref<640x16xf32, #tpu.memory_space<vmem_shared>>)
      tpu.yield
    }) : () -> ()
    %mul3A_7 = arith.constant 625 : i32
    %mul3A_8 = arith.muli %arg1, %mul3A_7 : i32
    "tpu.region"() ({
      %run_scoped3A = tpu.sem_alloc : memref<!tpu.dma_semaphore, #tpu.memory_space<semaphore_mem>>
      %dma_start3A_106 = arith.constant 0 : i32
      %dma_start3A_107 = arith.constant 0 : i32
      %dma_start3A_108 = tpu.memref_slice %arg10[%dma_start3A_106, %dma_start3A_107] : memref<640x16xf32, #tpu.memory_space<vmem>> -> memref<625x16xf32, #tpu.memory_space<vmem>>
      %dma_start3A_109 = arith.constant 0 : i32
      %dma_start3A_110 = tpu.memref_slice %arg2[%mul3A_8, %dma_start3A_109] : memref<10000x16xf32, #tpu.memory_space<hbm>> -> memref<625x16xf32, #tpu.memory_space<hbm>>
      %dma_start3A_111 = arith.constant 0 : i32
      %dma_start3A_112 = arith.constant 0 : i32
      %dma_start3A_113 = tpu.memref_slice %arg10[%dma_start3A_111, %dma_start3A_112] : memref<640x16xf32, #tpu.memory_space<vmem>> -> memref<625x16xf32, #tpu.memory_space<vmem>>
      %dma_start3A_114 = arith.constant 0 : i32
      %dma_start3A_115 = tpu.memref_slice %arg2[%mul3A_8, %dma_start3A_114] : memref<10000x16xf32, #tpu.memory_space<hbm>> -> memref<625x16xf32, #tpu.memory_space<hbm>>
      tpu.enqueue_dma source(%dma_start3A_115 : memref<625x16xf32, #tpu.memory_space<hbm>>) target(%dma_start3A_113 : memref<625x16xf32, #tpu.memory_space<vmem>>) target_semaphore(%run_scoped3A : memref<!tpu.dma_semaphore, #tpu.memory_space<semaphore_mem>>)
      %dma_wait3A_116 = arith.constant 0 : i32
      %dma_wait3A_117 = arith.constant 0 : i32
      %dma_wait3A_118 = tpu.memref_slice %arg10[%dma_wait3A_116, %dma_wait3A_117] : memref<640x16xf32, #tpu.memory_space<vmem>> -> memref<625x16xf32, #tpu.memory_space<vmem>>
      %dma_wait3A_119 = arith.constant 0 : i32
      %dma_wait3A_120 = tpu.memref_slice %arg2[%mul3A_8, %dma_wait3A_119] : memref<10000x16xf32, #tpu.memory_space<hbm>> -> memref<625x16xf32, #tpu.memory_space<hbm>>
      %dma_wait3A_121 = arith.constant 0 : i32
      %dma_wait3A_122 = arith.constant 0 : i32
      %dma_wait3A_123 = tpu.memref_slice %arg10[%dma_wait3A_121, %dma_wait3A_122] : memref<640x16xf32, #tpu.memory_space<vmem>> -> memref<625x16xf32, #tpu.memory_space<vmem>>
      %dma_wait3A_124 = arith.constant 0 : i32
      %dma_wait3A_125 = tpu.memref_slice %arg2[%mul3A_8, %dma_wait3A_124] : memref<10000x16xf32, #tpu.memory_space<hbm>> -> memref<625x16xf32, #tpu.memory_space<hbm>>
      tpu.wait_dma2 semaphore(%run_scoped3A : memref<!tpu.dma_semaphore, #tpu.memory_space<semaphore_mem>>) src(%dma_wait3A_125 : memref<625x16xf32, #tpu.memory_space<hbm>>) dst(%dma_wait3A_123 : memref<625x16xf32, #tpu.memory_space<vmem>>)
      tpu.yield
    }) : () -> ()
    %mul3A_9 = arith.constant 625 : i32
    %mul3A_10 = arith.muli %arg1, %mul3A_9 : i32
    "tpu.region"() ({
      %run_scoped3A = tpu.sem_alloc : memref<!tpu.dma_semaphore, #tpu.memory_space<semaphore_mem>>
      %dma_start3A_106 = arith.constant 0 : i32
      %dma_start3A_107 = arith.constant 0 : i32
      %dma_start3A_108 = tpu.memref_slice %arg10[%dma_start3A_106, %dma_start3A_107] : memref<640x16xf32, #tpu.memory_space<vmem>> -> memref<625x16xf32, #tpu.memory_space<vmem>>
      %dma_start3A_109 = arith.constant 0 : i32
      %dma_start3A_110 = tpu.memref_slice %arg12[%mul3A_10, %dma_start3A_109] : memref<10000x16xf32, #tpu.memory_space<vmem_shared>> -> memref<625x16xf32, #tpu.memory_space<vmem_shared>>
      %dma_start3A_111 = arith.constant 0 : i32
      %dma_start3A_112 = tpu.memref_slice %arg12[%mul3A_10, %dma_start3A_111] : memref<10000x16xf32, #tpu.memory_space<vmem_shared>> -> memref<625x16xf32, #tpu.memory_space<vmem_shared>>
      %dma_start3A_113 = arith.constant 0 : i32
      %dma_start3A_114 = arith.constant 0 : i32
      %dma_start3A_115 = tpu.memref_slice %arg10[%dma_start3A_113, %dma_start3A_114] : memref<640x16xf32, #tpu.memory_space<vmem>> -> memref<625x16xf32, #tpu.memory_space<vmem>>
      tpu.enqueue_dma source(%dma_start3A_115 : memref<625x16xf32, #tpu.memory_space<vmem>>) target(%dma_start3A_112 : memref<625x16xf32, #tpu.memory_space<vmem_shared>>) target_semaphore(%run_scoped3A : memref<!tpu.dma_semaphore, #tpu.memory_space<semaphore_mem>>)
      %dma_wait3A_116 = arith.constant 0 : i32
      %dma_wait3A_117 = arith.constant 0 : i32
      %dma_wait3A_118 = tpu.memref_slice %arg10[%dma_wait3A_116, %dma_wait3A_117] : memref<640x16xf32, #tpu.memory_space<vmem>> -> memref<625x16xf32, #tpu.memory_space<vmem>>
      %dma_wait3A_119 = arith.constant 0 : i32
      %dma_wait3A_120 = tpu.memref_slice %arg12[%mul3A_10, %dma_wait3A_119] : memref<10000x16xf32, #tpu.memory_space<vmem_shared>> -> memref<625x16xf32, #tpu.memory_space<vmem_shared>>
      %dma_wait3A_121 = arith.constant 0 : i32
      %dma_wait3A_122 = tpu.memref_slice %arg12[%mul3A_10, %dma_wait3A_121] : memref<10000x16xf32, #tpu.memory_space<vmem_shared>> -> memref<625x16xf32, #tpu.memory_space<vmem_shared>>
      %dma_wait3A_123 = arith.constant 0 : i32
      %dma_wait3A_124 = arith.constant 0 : i32
      %dma_wait3A_125 = tpu.memref_slice %arg10[%dma_wait3A_123, %dma_wait3A_124] : memref<640x16xf32, #tpu.memory_space<vmem>> -> memref<625x16xf32, #tpu.memory_space<vmem>>
      tpu.wait_dma2 semaphore(%run_scoped3A : memref<!tpu.dma_semaphore, #tpu.memory_space<semaphore_mem>>) src(%dma_wait3A_125 : memref<625x16xf32, #tpu.memory_space<vmem>>) dst(%dma_wait3A_122 : memref<625x16xf32, #tpu.memory_space<vmem_shared>>)
      tpu.yield
    }) : () -> ()
    "tpu.region"() ({
      %run_scoped3A = tpu.sem_alloc : memref<!tpu.dma_semaphore, #tpu.memory_space<semaphore_mem>>
      %dma_start3A_106 = arith.constant 0 : i32
      %dma_start3A_107 = arith.constant 0 : i32
      %dma_start3A_108 = tpu.memref_slice %arg3[%add3A, %dma_start3A_106, %dma_start3A_107] : memref<32x79x128xi32, #tpu.memory_space<hbm>> -> memref<1x79x128xi32, #tpu.memory_space<hbm>>
      %dma_start3A_109 = tpu.memref_squeeze %dma_start3A_108 : memref<1x79x128xi32, #tpu.memory_space<hbm>> -> memref<79x128xi32, #tpu.memory_space<hbm>>
      %dma_start3A_110 = arith.constant 0 : i32
      %dma_start3A_111 = arith.constant 0 : i32
      %dma_start3A_112 = tpu.memref_slice %arg3[%add3A, %dma_start3A_110, %dma_start3A_111] : memref<32x79x128xi32, #tpu.memory_space<hbm>> -> memref<1x79x128xi32, #tpu.memory_space<hbm>>
      %dma_start3A_113 = tpu.memref_squeeze %dma_start3A_112 : memref<1x79x128xi32, #tpu.memory_space<hbm>> -> memref<79x128xi32, #tpu.memory_space<hbm>>
      tpu.enqueue_dma source(%dma_start3A_113 : memref<79x128xi32, #tpu.memory_space<hbm>>) target(%arg6 : memref<79x128xi32, #tpu.memory_space<vmem>>) target_semaphore(%run_scoped3A : memref<!tpu.dma_semaphore, #tpu.memory_space<semaphore_mem>>)
      %dma_wait3A_114 = arith.constant 0 : i32
      %dma_wait3A_115 = arith.constant 0 : i32
      %dma_wait3A_116 = tpu.memref_slice %arg3[%add3A, %dma_wait3A_114, %dma_wait3A_115] : memref<32x79x128xi32, #tpu.memory_space<hbm>> -> memref<1x79x128xi32, #tpu.memory_space<hbm>>
      %dma_wait3A_117 = tpu.memref_squeeze %dma_wait3A_116 : memref<1x79x128xi32, #tpu.memory_space<hbm>> -> memref<79x128xi32, #tpu.memory_space<hbm>>
      %dma_wait3A_118 = arith.constant 0 : i32
      %dma_wait3A_119 = arith.constant 0 : i32
      %dma_wait3A_120 = tpu.memref_slice %arg3[%add3A, %dma_wait3A_118, %dma_wait3A_119] : memref<32x79x128xi32, #tpu.memory_space<hbm>> -> memref<1x79x128xi32, #tpu.memory_space<hbm>>
      %dma_wait3A_121 = tpu.memref_squeeze %dma_wait3A_120 : memref<1x79x128xi32, #tpu.memory_space<hbm>> -> memref<79x128xi32, #tpu.memory_space<hbm>>
      tpu.wait_dma2 semaphore(%run_scoped3A : memref<!tpu.dma_semaphore, #tpu.memory_space<semaphore_mem>>) src(%dma_wait3A_121 : memref<79x128xi32, #tpu.memory_space<hbm>>) dst(%arg6 : memref<79x128xi32, #tpu.memory_space<vmem>>)
      tpu.yield
    }) : () -> ()
    "tpu.region"() ({
      %run_scoped3A = tpu.sem_alloc : memref<!tpu.dma_semaphore, #tpu.memory_space<semaphore_mem>>
      %dma_start3A_106 = arith.constant 0 : i32
      %dma_start3A_107 = arith.constant 0 : i32
      %dma_start3A_108 = tpu.memref_slice %arg4[%add3A, %dma_start3A_106, %dma_start3A_107] : memref<32x79x128xi32, #tpu.memory_space<hbm>> -> memref<1x79x128xi32, #tpu.memory_space<hbm>>
      %dma_start3A_109 = tpu.memref_squeeze %dma_start3A_108 : memref<1x79x128xi32, #tpu.memory_space<hbm>> -> memref<79x128xi32, #tpu.memory_space<hbm>>
      %dma_start3A_110 = arith.constant 0 : i32
      %dma_start3A_111 = arith.constant 0 : i32
      %dma_start3A_112 = tpu.memref_slice %arg4[%add3A, %dma_start3A_110, %dma_start3A_111] : memref<32x79x128xi32, #tpu.memory_space<hbm>> -> memref<1x79x128xi32, #tpu.memory_space<hbm>>
      %dma_start3A_113 = tpu.memref_squeeze %dma_start3A_112 : memref<1x79x128xi32, #tpu.memory_space<hbm>> -> memref<79x128xi32, #tpu.memory_space<hbm>>
      tpu.enqueue_dma source(%dma_start3A_113 : memref<79x128xi32, #tpu.memory_space<hbm>>) target(%arg7 : memref<79x128xi32, #tpu.memory_space<vmem>>) target_semaphore(%run_scoped3A : memref<!tpu.dma_semaphore, #tpu.memory_space<semaphore_mem>>)
      %dma_wait3A_114 = arith.constant 0 : i32
      %dma_wait3A_115 = arith.constant 0 : i32
      %dma_wait3A_116 = tpu.memref_slice %arg4[%add3A, %dma_wait3A_114, %dma_wait3A_115] : memref<32x79x128xi32, #tpu.memory_space<hbm>> -> memref<1x79x128xi32, #tpu.memory_space<hbm>>
      %dma_wait3A_117 = tpu.memref_squeeze %dma_wait3A_116 : memref<1x79x128xi32, #tpu.memory_space<hbm>> -> memref<79x128xi32, #tpu.memory_space<hbm>>
      %dma_wait3A_118 = arith.constant 0 : i32
      %dma_wait3A_119 = arith.constant 0 : i32
      %dma_wait3A_120 = tpu.memref_slice %arg4[%add3A, %dma_wait3A_118, %dma_wait3A_119] : memref<32x79x128xi32, #tpu.memory_space<hbm>> -> memref<1x79x128xi32, #tpu.memory_space<hbm>>
      %dma_wait3A_121 = tpu.memref_squeeze %dma_wait3A_120 : memref<1x79x128xi32, #tpu.memory_space<hbm>> -> memref<79x128xi32, #tpu.memory_space<hbm>>
      tpu.wait_dma2 semaphore(%run_scoped3A : memref<!tpu.dma_semaphore, #tpu.memory_space<semaphore_mem>>) src(%dma_wait3A_121 : memref<79x128xi32, #tpu.memory_space<hbm>>) dst(%arg7 : memref<79x128xi32, #tpu.memory_space<vmem>>)
      tpu.yield
    }) : () -> ()
    %barrier3A = arith.constant 0 : index
    tpu.barrier barrier_id(%barrier3A)
    %dma_start3A = arith.constant 0 : i32
    %dma_start3A_11 = arith.constant 0 : i32
    %dma_start3A_12 = tpu.memref_slice %arg6[%dma_start3A, %dma_start3A_11] : memref<79x128xi32, #tpu.memory_space<vmem>> -> memref<1x128xi32, #tpu.memory_space<vmem>>
    %dma_start3A_13 = tpu.memref_squeeze %dma_start3A_12 : memref<1x128xi32, #tpu.memory_space<vmem>> -> memref<128xi32, #tpu.memory_space<vmem>>
    %dma_start3A_14 = arith.constant 0 : i32
    %dma_start3A_15 = arith.constant 0 : i32
    %dma_start3A_16 = tpu.memref_slice %arg12[%dma_start3A_14, %dma_start3A_15] : memref<10000x16xf32, #tpu.memory_space<vmem_shared>> -> memref<10000x16xf32, #tpu.memory_space<vmem_shared>>
    tpu.enqueue_indirect_dma source(%dma_start3A_16 : memref<10000x16xf32, #tpu.memory_space<vmem_shared>>) target(%arg8 : memref<128x16xf32, #tpu.memory_space<vmem>>) offsets(%dma_start3A_13 : memref<128xi32, #tpu.memory_space<vmem>>) semaphore(%arg13 : memref<!tpu.dma_semaphore, #tpu.memory_space<semaphore_mem>>)
    %dma_wait3A = arith.constant 0 : i32
    %dma_wait3A_17 = arith.constant 0 : i32
    %dma_wait3A_18 = tpu.memref_slice %arg6[%dma_wait3A, %dma_wait3A_17] : memref<79x128xi32, #tpu.memory_space<vmem>> -> memref<1x128xi32, #tpu.memory_space<vmem>>
    %dma_wait3A_19 = tpu.memref_squeeze %dma_wait3A_18 : memref<1x128xi32, #tpu.memory_space<vmem>> -> memref<128xi32, #tpu.memory_space<vmem>>
    %dma_wait3A_20 = arith.constant 0 : i32
    %dma_wait3A_21 = arith.constant 0 : i32
    %dma_wait3A_22 = tpu.memref_slice %arg12[%dma_wait3A_20, %dma_wait3A_21] : memref<10000x16xf32, #tpu.memory_space<vmem_shared>> -> memref<10000x16xf32, #tpu.memory_space<vmem_shared>>
    tpu.wait_indirect_dma semaphore(%arg13 : memref<!tpu.dma_semaphore, #tpu.memory_space<semaphore_mem>>) src(%dma_wait3A_22 : memref<10000x16xf32, #tpu.memory_space<vmem_shared>>) dst(%arg8 : memref<128x16xf32, #tpu.memory_space<vmem>>)
    %dma_start3A_23 = arith.constant 1 : i32
    %dma_start3A_24 = arith.constant 0 : i32
    %dma_start3A_25 = tpu.memref_slice %arg6[%dma_start3A_23, %dma_start3A_24] : memref<79x128xi32, #tpu.memory_space<vmem>> -> memref<1x128xi32, #tpu.memory_space<vmem>>
    %dma_start3A_26 = tpu.memref_squeeze %dma_start3A_25 : memref<1x128xi32, #tpu.memory_space<vmem>> -> memref<128xi32, #tpu.memory_space<vmem>>
    %dma_start3A_27 = arith.constant 0 : i32
    %dma_start3A_28 = arith.constant 0 : i32
    %dma_start3A_29 = tpu.memref_slice %arg12[%dma_start3A_27, %dma_start3A_28] : memref<10000x16xf32, #tpu.memory_space<vmem_shared>> -> memref<10000x16xf32, #tpu.memory_space<vmem_shared>>
    tpu.enqueue_indirect_dma source(%dma_start3A_29 : memref<10000x16xf32, #tpu.memory_space<vmem_shared>>) target(%arg9 : memref<128x16xf32, #tpu.memory_space<vmem>>) offsets(%dma_start3A_26 : memref<128xi32, #tpu.memory_space<vmem>>) semaphore(%arg14 : memref<!tpu.dma_semaphore, #tpu.memory_space<semaphore_mem>>)
    %dma_start3A_30 = arith.constant 0 : i32
    %dma_start3A_31 = arith.constant 0 : i32
    %dma_start3A_32 = tpu.memref_slice %arg7[%dma_start3A_30, %dma_start3A_31] : memref<79x128xi32, #tpu.memory_space<vmem>> -> memref<1x128xi32, #tpu.memory_space<vmem>>
    %dma_start3A_33 = tpu.memref_squeeze %dma_start3A_32 : memref<1x128xi32, #tpu.memory_space<vmem>> -> memref<128xi32, #tpu.memory_space<vmem>>
    %dma_start3A_34 = arith.constant 0 : i32
    %dma_start3A_35 = arith.constant 0 : i32
    %dma_start3A_36 = tpu.memref_slice %arg11[%dma_start3A_34, %dma_start3A_35] : memref<10240x16xf32, #tpu.memory_space<vmem_shared>> -> memref<10240x16xf32, #tpu.memory_space<vmem_shared>>
    tpu.enqueue_indirect_dma source(%arg8 : memref<128x16xf32, #tpu.memory_space<vmem>>) target(%dma_start3A_36 : memref<10240x16xf32, #tpu.memory_space<vmem_shared>>) offsets(%dma_start3A_33 : memref<128xi32, #tpu.memory_space<vmem>>) semaphore(%arg15 : memref<!tpu.dma_semaphore, #tpu.memory_space<semaphore_mem>>) {add = true}
    %scan3A_37 = arith.constant 0 : i32
    %scan3A_38 = arith.constant 38 : i32
    %scan3A_39 = arith.addi %scan3A_37, %scan3A_38 : i32
    %scan3A_40 = arith.constant 1 : i32
    scf.for %scan3A_106 = %scan3A_37 to %scan3A_39 step %scan3A_40  : i32 {
      %mul3A_107 = arith.constant 2 : i32
      %mul3A_108 = arith.muli %mul3A_107, %scan3A_106 : i32
      %add3A_109 = arith.constant 1 : i32
      %add3A_110 = arith.addi %mul3A_108, %add3A_109 : i32
      %dma_wait3A_111 = arith.constant 0 : i32
      %dma_wait3A_112 = arith.constant 0 : i32
      %dma_wait3A_113 = tpu.memref_slice %arg6[%dma_wait3A_111, %dma_wait3A_112] : memref<79x128xi32, #tpu.memory_space<vmem>> -> memref<1x128xi32, #tpu.memory_space<vmem>>
      %dma_wait3A_114 = tpu.memref_squeeze %dma_wait3A_113 : memref<1x128xi32, #tpu.memory_space<vmem>> -> memref<128xi32, #tpu.memory_space<vmem>>
      %dma_wait3A_115 = arith.constant 0 : i32
      %dma_wait3A_116 = arith.constant 0 : i32
      %dma_wait3A_117 = tpu.memref_slice %arg12[%dma_wait3A_115, %dma_wait3A_116] : memref<10000x16xf32, #tpu.memory_space<vmem_shared>> -> memref<10000x16xf32, #tpu.memory_space<vmem_shared>>
      tpu.wait_indirect_dma semaphore(%arg14 : memref<!tpu.dma_semaphore, #tpu.memory_space<semaphore_mem>>) src(%dma_wait3A_117 : memref<10000x16xf32, #tpu.memory_space<vmem_shared>>) dst(%arg9 : memref<128x16xf32, #tpu.memory_space<vmem>>)
      %dma_wait3A_118 = arith.constant 0 : i32
      %dma_wait3A_119 = arith.constant 0 : i32
      %dma_wait3A_120 = tpu.memref_slice %arg7[%dma_wait3A_118, %dma_wait3A_119] : memref<79x128xi32, #tpu.memory_space<vmem>> -> memref<1x128xi32, #tpu.memory_space<vmem>>
      %dma_wait3A_121 = tpu.memref_squeeze %dma_wait3A_120 : memref<1x128xi32, #tpu.memory_space<vmem>> -> memref<128xi32, #tpu.memory_space<vmem>>
      %dma_wait3A_122 = arith.constant 0 : i32
      %dma_wait3A_123 = arith.constant 0 : i32
      %dma_wait3A_124 = tpu.memref_slice %arg11[%dma_wait3A_122, %dma_wait3A_123] : memref<10240x16xf32, #tpu.memory_space<vmem_shared>> -> memref<10240x16xf32, #tpu.memory_space<vmem_shared>>
      tpu.wait_indirect_dma semaphore(%arg15 : memref<!tpu.dma_semaphore, #tpu.memory_space<semaphore_mem>>) src(%arg8 : memref<128x16xf32, #tpu.memory_space<vmem>>) dst(%dma_wait3A_124 : memref<10240x16xf32, #tpu.memory_space<vmem_shared>>)
      %add3A_125 = arith.constant 1 : i32
      %add3A_126 = arith.addi %add3A_110, %add3A_125 : i32
      %dma_start3A_127 = arith.constant 0 : i32
      %dma_start3A_128 = tpu.memref_slice %arg6[%add3A_126, %dma_start3A_127] : memref<79x128xi32, #tpu.memory_space<vmem>> -> memref<1x128xi32, #tpu.memory_space<vmem>>
      %dma_start3A_129 = tpu.memref_squeeze %dma_start3A_128 : memref<1x128xi32, #tpu.memory_space<vmem>> -> memref<128xi32, #tpu.memory_space<vmem>>
      %dma_start3A_130 = arith.constant 0 : i32
      %dma_start3A_131 = arith.constant 0 : i32
      %dma_start3A_132 = tpu.memref_slice %arg12[%dma_start3A_130, %dma_start3A_131] : memref<10000x16xf32, #tpu.memory_space<vmem_shared>> -> memref<10000x16xf32, #tpu.memory_space<vmem_shared>>
      tpu.enqueue_indirect_dma source(%dma_start3A_132 : memref<10000x16xf32, #tpu.memory_space<vmem_shared>>) target(%arg8 : memref<128x16xf32, #tpu.memory_space<vmem>>) offsets(%dma_start3A_129 : memref<128xi32, #tpu.memory_space<vmem>>) semaphore(%arg13 : memref<!tpu.dma_semaphore, #tpu.memory_space<semaphore_mem>>)
      %dma_start3A_133 = arith.constant 0 : i32
      %dma_start3A_134 = tpu.memref_slice %arg7[%add3A_110, %dma_start3A_133] : memref<79x128xi32, #tpu.memory_space<vmem>> -> memref<1x128xi32, #tpu.memory_space<vmem>>
      %dma_start3A_135 = tpu.memref_squeeze %dma_start3A_134 : memref<1x128xi32, #tpu.memory_space<vmem>> -> memref<128xi32, #tpu.memory_space<vmem>>
      %dma_start3A_136 = arith.constant 0 : i32
      %dma_start3A_137 = arith.constant 0 : i32
      %dma_start3A_138 = tpu.memref_slice %arg11[%dma_start3A_136, %dma_start3A_137] : memref<10240x16xf32, #tpu.memory_space<vmem_shared>> -> memref<10240x16xf32, #tpu.memory_space<vmem_shared>>
      tpu.enqueue_indirect_dma source(%arg9 : memref<128x16xf32, #tpu.memory_space<vmem>>) target(%dma_start3A_138 : memref<10240x16xf32, #tpu.memory_space<vmem_shared>>) offsets(%dma_start3A_135 : memref<128xi32, #tpu.memory_space<vmem>>) semaphore(%arg16 : memref<!tpu.dma_semaphore, #tpu.memory_space<semaphore_mem>>) {add = true}
      %dma_wait3A_139 = arith.constant 0 : i32
      %dma_wait3A_140 = arith.constant 0 : i32
      %dma_wait3A_141 = tpu.memref_slice %arg6[%dma_wait3A_139, %dma_wait3A_140] : memref<79x128xi32, #tpu.memory_space<vmem>> -> memref<1x128xi32, #tpu.memory_space<vmem>>
      %dma_wait3A_142 = tpu.memref_squeeze %dma_wait3A_141 : memref<1x128xi32, #tpu.memory_space<vmem>> -> memref<128xi32, #tpu.memory_space<vmem>>
      %dma_wait3A_143 = arith.constant 0 : i32
      %dma_wait3A_144 = arith.constant 0 : i32
      %dma_wait3A_145 = tpu.memref_slice %arg12[%dma_wait3A_143, %dma_wait3A_144] : memref<10000x16xf32, #tpu.memory_space<vmem_shared>> -> memref<10000x16xf32, #tpu.memory_space<vmem_shared>>
      tpu.wait_indirect_dma semaphore(%arg13 : memref<!tpu.dma_semaphore, #tpu.memory_space<semaphore_mem>>) src(%dma_wait3A_145 : memref<10000x16xf32, #tpu.memory_space<vmem_shared>>) dst(%arg8 : memref<128x16xf32, #tpu.memory_space<vmem>>)
      %dma_wait3A_146 = arith.constant 0 : i32
      %dma_wait3A_147 = arith.constant 0 : i32
      %dma_wait3A_148 = tpu.memref_slice %arg7[%dma_wait3A_146, %dma_wait3A_147] : memref<79x128xi32, #tpu.memory_space<vmem>> -> memref<1x128xi32, #tpu.memory_space<vmem>>
      %dma_wait3A_149 = tpu.memref_squeeze %dma_wait3A_148 : memref<1x128xi32, #tpu.memory_space<vmem>> -> memref<128xi32, #tpu.memory_space<vmem>>
      %dma_wait3A_150 = arith.constant 0 : i32
      %dma_wait3A_151 = arith.constant 0 : i32
      %dma_wait3A_152 = tpu.memref_slice %arg11[%dma_wait3A_150, %dma_wait3A_151] : memref<10240x16xf32, #tpu.memory_space<vmem_shared>> -> memref<10240x16xf32, #tpu.memory_space<vmem_shared>>
      tpu.wait_indirect_dma semaphore(%arg16 : memref<!tpu.dma_semaphore, #tpu.memory_space<semaphore_mem>>) src(%arg9 : memref<128x16xf32, #tpu.memory_space<vmem>>) dst(%dma_wait3A_152 : memref<10240x16xf32, #tpu.memory_space<vmem_shared>>)
      %add3A_153 = arith.constant 2 : i32
      %add3A_154 = arith.addi %add3A_110, %add3A_153 : i32
      %dma_start3A_155 = arith.constant 0 : i32
      %dma_start3A_156 = tpu.memref_slice %arg6[%add3A_154, %dma_start3A_155] : memref<79x128xi32, #tpu.memory_space<vmem>> -> memref<1x128xi32, #tpu.memory_space<vmem>>
      %dma_start3A_157 = tpu.memref_squeeze %dma_start3A_156 : memref<1x128xi32, #tpu.memory_space<vmem>> -> memref<128xi32, #tpu.memory_space<vmem>>
      %dma_start3A_158 = arith.constant 0 : i32
      %dma_start3A_159 = arith.constant 0 : i32
      %dma_start3A_160 = tpu.memref_slice %arg12[%dma_start3A_158, %dma_start3A_159] : memref<10000x16xf32, #tpu.memory_space<vmem_shared>> -> memref<10000x16xf32, #tpu.memory_space<vmem_shared>>
      tpu.enqueue_indirect_dma source(%dma_start3A_160 : memref<10000x16xf32, #tpu.memory_space<vmem_shared>>) target(%arg9 : memref<128x16xf32, #tpu.memory_space<vmem>>) offsets(%dma_start3A_157 : memref<128xi32, #tpu.memory_space<vmem>>) semaphore(%arg14 : memref<!tpu.dma_semaphore, #tpu.memory_space<semaphore_mem>>)
      %add3A_161 = arith.constant 1 : i32
      %add3A_162 = arith.addi %add3A_110, %add3A_161 : i32
      %dma_start3A_163 = arith.constant 0 : i32
      %dma_start3A_164 = tpu.memref_slice %arg7[%add3A_162, %dma_start3A_163] : memref<79x128xi32, #tpu.memory_space<vmem>> -> memref<1x128xi32, #tpu.memory_space<vmem>>
      %dma_start3A_165 = tpu.memref_squeeze %dma_start3A_164 : memref<1x128xi32, #tpu.memory_space<vmem>> -> memref<128xi32, #tpu.memory_space<vmem>>
      %dma_start3A_166 = arith.constant 0 : i32
      %dma_start3A_167 = arith.constant 0 : i32
      %dma_start3A_168 = tpu.memref_slice %arg11[%dma_start3A_166, %dma_start3A_167] : memref<10240x16xf32, #tpu.memory_space<vmem_shared>> -> memref<10240x16xf32, #tpu.memory_space<vmem_shared>>
      tpu.enqueue_indirect_dma source(%arg8 : memref<128x16xf32, #tpu.memory_space<vmem>>) target(%dma_start3A_168 : memref<10240x16xf32, #tpu.memory_space<vmem_shared>>) offsets(%dma_start3A_165 : memref<128xi32, #tpu.memory_space<vmem>>) semaphore(%arg15 : memref<!tpu.dma_semaphore, #tpu.memory_space<semaphore_mem>>) {add = true}
    }
    %scan3A_41 = arith.constant 38 : i32
    %dma_wait3A_42 = arith.constant 0 : i32
    %dma_wait3A_43 = arith.constant 0 : i32
    %dma_wait3A_44 = tpu.memref_slice %arg6[%dma_wait3A_42, %dma_wait3A_43] : memref<79x128xi32, #tpu.memory_space<vmem>> -> memref<1x128xi32, #tpu.memory_space<vmem>>
    %dma_wait3A_45 = tpu.memref_squeeze %dma_wait3A_44 : memref<1x128xi32, #tpu.memory_space<vmem>> -> memref<128xi32, #tpu.memory_space<vmem>>
    %dma_wait3A_46 = arith.constant 0 : i32
    %dma_wait3A_47 = arith.constant 0 : i32
    %dma_wait3A_48 = tpu.memref_slice %arg12[%dma_wait3A_46, %dma_wait3A_47] : memref<10000x16xf32, #tpu.memory_space<vmem_shared>> -> memref<10000x16xf32, #tpu.memory_space<vmem_shared>>
    tpu.wait_indirect_dma semaphore(%arg14 : memref<!tpu.dma_semaphore, #tpu.memory_space<semaphore_mem>>) src(%dma_wait3A_48 : memref<10000x16xf32, #tpu.memory_space<vmem_shared>>) dst(%arg9 : memref<128x16xf32, #tpu.memory_space<vmem>>)
    %dma_wait3A_49 = arith.constant 0 : i32
    %dma_wait3A_50 = arith.constant 0 : i32
    %dma_wait3A_51 = tpu.memref_slice %arg7[%dma_wait3A_49, %dma_wait3A_50] : memref<79x128xi32, #tpu.memory_space<vmem>> -> memref<1x128xi32, #tpu.memory_space<vmem>>
    %dma_wait3A_52 = tpu.memref_squeeze %dma_wait3A_51 : memref<1x128xi32, #tpu.memory_space<vmem>> -> memref<128xi32, #tpu.memory_space<vmem>>
    %dma_wait3A_53 = arith.constant 0 : i32
    %dma_wait3A_54 = arith.constant 0 : i32
    %dma_wait3A_55 = tpu.memref_slice %arg11[%dma_wait3A_53, %dma_wait3A_54] : memref<10240x16xf32, #tpu.memory_space<vmem_shared>> -> memref<10240x16xf32, #tpu.memory_space<vmem_shared>>
    tpu.wait_indirect_dma semaphore(%arg15 : memref<!tpu.dma_semaphore, #tpu.memory_space<semaphore_mem>>) src(%arg8 : memref<128x16xf32, #tpu.memory_space<vmem>>) dst(%dma_wait3A_55 : memref<10240x16xf32, #tpu.memory_space<vmem_shared>>)
    %dma_start3A_56 = arith.constant 78 : i32
    %dma_start3A_57 = arith.constant 0 : i32
    %dma_start3A_58 = tpu.memref_slice %arg6[%dma_start3A_56, %dma_start3A_57] : memref<79x128xi32, #tpu.memory_space<vmem>> -> memref<1x128xi32, #tpu.memory_space<vmem>>
    %dma_start3A_59 = tpu.memref_squeeze %dma_start3A_58 : memref<1x128xi32, #tpu.memory_space<vmem>> -> memref<128xi32, #tpu.memory_space<vmem>>
    %dma_start3A_60 = arith.constant 0 : i32
    %dma_start3A_61 = arith.constant 0 : i32
    %dma_start3A_62 = tpu.memref_slice %arg12[%dma_start3A_60, %dma_start3A_61] : memref<10000x16xf32, #tpu.memory_space<vmem_shared>> -> memref<10000x16xf32, #tpu.memory_space<vmem_shared>>
    tpu.enqueue_indirect_dma source(%dma_start3A_62 : memref<10000x16xf32, #tpu.memory_space<vmem_shared>>) target(%arg8 : memref<128x16xf32, #tpu.memory_space<vmem>>) offsets(%dma_start3A_59 : memref<128xi32, #tpu.memory_space<vmem>>) semaphore(%arg13 : memref<!tpu.dma_semaphore, #tpu.memory_space<semaphore_mem>>)
    %dma_start3A_63 = arith.constant 77 : i32
    %dma_start3A_64 = arith.constant 0 : i32
    %dma_start3A_65 = tpu.memref_slice %arg7[%dma_start3A_63, %dma_start3A_64] : memref<79x128xi32, #tpu.memory_space<vmem>> -> memref<1x128xi32, #tpu.memory_space<vmem>>
    %dma_start3A_66 = tpu.memref_squeeze %dma_start3A_65 : memref<1x128xi32, #tpu.memory_space<vmem>> -> memref<128xi32, #tpu.memory_space<vmem>>
    %dma_start3A_67 = arith.constant 0 : i32
    %dma_start3A_68 = arith.constant 0 : i32
    %dma_start3A_69 = tpu.memref_slice %arg11[%dma_start3A_67, %dma_start3A_68] : memref<10240x16xf32, #tpu.memory_space<vmem_shared>> -> memref<10240x16xf32, #tpu.memory_space<vmem_shared>>
    tpu.enqueue_indirect_dma source(%arg9 : memref<128x16xf32, #tpu.memory_space<vmem>>) target(%dma_start3A_69 : memref<10240x16xf32, #tpu.memory_space<vmem_shared>>) offsets(%dma_start3A_66 : memref<128xi32, #tpu.memory_space<vmem>>) semaphore(%arg16 : memref<!tpu.dma_semaphore, #tpu.memory_space<semaphore_mem>>) {add = true}
    %dma_wait3A_70 = arith.constant 0 : i32
    %dma_wait3A_71 = arith.constant 0 : i32
    %dma_wait3A_72 = tpu.memref_slice %arg6[%dma_wait3A_70, %dma_wait3A_71] : memref<79x128xi32, #tpu.memory_space<vmem>> -> memref<1x128xi32, #tpu.memory_space<vmem>>
    %dma_wait3A_73 = tpu.memref_squeeze %dma_wait3A_72 : memref<1x128xi32, #tpu.memory_space<vmem>> -> memref<128xi32, #tpu.memory_space<vmem>>
    %dma_wait3A_74 = arith.constant 0 : i32
    %dma_wait3A_75 = arith.constant 0 : i32
    %dma_wait3A_76 = tpu.memref_slice %arg12[%dma_wait3A_74, %dma_wait3A_75] : memref<10000x16xf32, #tpu.memory_space<vmem_shared>> -> memref<10000x16xf32, #tpu.memory_space<vmem_shared>>
    tpu.wait_indirect_dma semaphore(%arg13 : memref<!tpu.dma_semaphore, #tpu.memory_space<semaphore_mem>>) src(%dma_wait3A_76 : memref<10000x16xf32, #tpu.memory_space<vmem_shared>>) dst(%arg8 : memref<128x16xf32, #tpu.memory_space<vmem>>)
    %dma_wait3A_77 = arith.constant 0 : i32
    %dma_wait3A_78 = arith.constant 0 : i32
    %dma_wait3A_79 = tpu.memref_slice %arg7[%dma_wait3A_77, %dma_wait3A_78] : memref<79x128xi32, #tpu.memory_space<vmem>> -> memref<1x128xi32, #tpu.memory_space<vmem>>
    %dma_wait3A_80 = tpu.memref_squeeze %dma_wait3A_79 : memref<1x128xi32, #tpu.memory_space<vmem>> -> memref<128xi32, #tpu.memory_space<vmem>>
    %dma_wait3A_81 = arith.constant 0 : i32
    %dma_wait3A_82 = arith.constant 0 : i32
    %dma_wait3A_83 = tpu.memref_slice %arg11[%dma_wait3A_81, %dma_wait3A_82] : memref<10240x16xf32, #tpu.memory_space<vmem_shared>> -> memref<10240x16xf32, #tpu.memory_space<vmem_shared>>
    tpu.wait_indirect_dma semaphore(%arg16 : memref<!tpu.dma_semaphore, #tpu.memory_space<semaphore_mem>>) src(%arg9 : memref<128x16xf32, #tpu.memory_space<vmem>>) dst(%dma_wait3A_83 : memref<10240x16xf32, #tpu.memory_space<vmem_shared>>)
    %dma_start3A_84 = arith.constant 78 : i32
    %dma_start3A_85 = arith.constant 0 : i32
    %dma_start3A_86 = tpu.memref_slice %arg7[%dma_start3A_84, %dma_start3A_85] : memref<79x128xi32, #tpu.memory_space<vmem>> -> memref<1x128xi32, #tpu.memory_space<vmem>>
    %dma_start3A_87 = tpu.memref_squeeze %dma_start3A_86 : memref<1x128xi32, #tpu.memory_space<vmem>> -> memref<128xi32, #tpu.memory_space<vmem>>
    %dma_start3A_88 = arith.constant 0 : i32
    %dma_start3A_89 = arith.constant 0 : i32
    %dma_start3A_90 = tpu.memref_slice %arg11[%dma_start3A_88, %dma_start3A_89] : memref<10240x16xf32, #tpu.memory_space<vmem_shared>> -> memref<10240x16xf32, #tpu.memory_space<vmem_shared>>
    tpu.enqueue_indirect_dma source(%arg8 : memref<128x16xf32, #tpu.memory_space<vmem>>) target(%dma_start3A_90 : memref<10240x16xf32, #tpu.memory_space<vmem_shared>>) offsets(%dma_start3A_87 : memref<128xi32, #tpu.memory_space<vmem>>) semaphore(%arg15 : memref<!tpu.dma_semaphore, #tpu.memory_space<semaphore_mem>>) {add = true}
    %dma_wait3A_91 = arith.constant 0 : i32
    %dma_wait3A_92 = arith.constant 0 : i32
    %dma_wait3A_93 = tpu.memref_slice %arg7[%dma_wait3A_91, %dma_wait3A_92] : memref<79x128xi32, #tpu.memory_space<vmem>> -> memref<1x128xi32, #tpu.memory_space<vmem>>
    %dma_wait3A_94 = tpu.memref_squeeze %dma_wait3A_93 : memref<1x128xi32, #tpu.memory_space<vmem>> -> memref<128xi32, #tpu.memory_space<vmem>>
    %dma_wait3A_95 = arith.constant 0 : i32
    %dma_wait3A_96 = arith.constant 0 : i32
    %dma_wait3A_97 = tpu.memref_slice %arg11[%dma_wait3A_95, %dma_wait3A_96] : memref<10240x16xf32, #tpu.memory_space<vmem_shared>> -> memref<10240x16xf32, #tpu.memory_space<vmem_shared>>
    tpu.wait_indirect_dma semaphore(%arg15 : memref<!tpu.dma_semaphore, #tpu.memory_space<semaphore_mem>>) src(%arg8 : memref<128x16xf32, #tpu.memory_space<vmem>>) dst(%dma_wait3A_97 : memref<10240x16xf32, #tpu.memory_space<vmem_shared>>)
    %barrier3A_98 = arith.constant 0 : index
    tpu.barrier barrier_id(%barrier3A_98)
    %mul3A_99 = arith.constant 640 : i32
    %mul3A_100 = arith.muli %arg1, %mul3A_99 : i32
    "tpu.region"() ({
      %run_scoped3A = tpu.sem_alloc : memref<!tpu.dma_semaphore, #tpu.memory_space<semaphore_mem>>
      %dma_start3A_106 = arith.constant 0 : i32
      %dma_start3A_107 = tpu.memref_slice %arg11[%mul3A_100, %dma_start3A_106] : memref<10240x16xf32, #tpu.memory_space<vmem_shared>> -> memref<640x16xf32, #tpu.memory_space<vmem_shared>>
      %dma_start3A_108 = arith.constant 0 : i32
      %dma_start3A_109 = tpu.memref_slice %arg11[%mul3A_100, %dma_start3A_108] : memref<10240x16xf32, #tpu.memory_space<vmem_shared>> -> memref<640x16xf32, #tpu.memory_space<vmem_shared>>
      tpu.enqueue_dma source(%dma_start3A_109 : memref<640x16xf32, #tpu.memory_space<vmem_shared>>) target(%arg10 : memref<640x16xf32, #tpu.memory_space<vmem>>) target_semaphore(%run_scoped3A : memref<!tpu.dma_semaphore, #tpu.memory_space<semaphore_mem>>)
      %dma_wait3A_110 = arith.constant 0 : i32
      %dma_wait3A_111 = tpu.memref_slice %arg11[%mul3A_100, %dma_wait3A_110] : memref<10240x16xf32, #tpu.memory_space<vmem_shared>> -> memref<640x16xf32, #tpu.memory_space<vmem_shared>>
      %dma_wait3A_112 = arith.constant 0 : i32
      %dma_wait3A_113 = tpu.memref_slice %arg11[%mul3A_100, %dma_wait3A_112] : memref<10240x16xf32, #tpu.memory_space<vmem_shared>> -> memref<640x16xf32, #tpu.memory_space<vmem_shared>>
      tpu.wait_dma2 semaphore(%run_scoped3A : memref<!tpu.dma_semaphore, #tpu.memory_space<semaphore_mem>>) src(%dma_wait3A_113 : memref<640x16xf32, #tpu.memory_space<vmem_shared>>) dst(%arg10 : memref<640x16xf32, #tpu.memory_space<vmem>>)
      tpu.yield
    }) : () -> ()
    %mul3A_101 = arith.constant 10240 : i32
    %mul3A_102 = arith.muli %arg0, %mul3A_101 : i32
    %mul3A_103 = arith.constant 640 : i32
    %mul3A_104 = arith.muli %arg1, %mul3A_103 : i32
    %add3A_105 = arith.addi %mul3A_102, %mul3A_104 : i32
    "tpu.region"() ({
      %run_scoped3A = tpu.sem_alloc : memref<!tpu.dma_semaphore, #tpu.memory_space<semaphore_mem>>
      %dma_start3A_106 = arith.constant 0 : i32
      %dma_start3A_107 = tpu.memref_slice %arg5[%add3A_105, %dma_start3A_106] : memref<20480x16xf32, #tpu.memory_space<hbm>> -> memref<640x16xf32, #tpu.memory_space<hbm>>
      %dma_start3A_108 = arith.constant 0 : i32
      %dma_start3A_109 = tpu.memref_slice %arg5[%add3A_105, %dma_start3A_108] : memref<20480x16xf32, #tpu.memory_space<hbm>> -> memref<640x16xf32, #tpu.memory_space<hbm>>
      tpu.enqueue_dma source(%arg10 : memref<640x16xf32, #tpu.memory_space<vmem>>) target(%dma_start3A_109 : memref<640x16xf32, #tpu.memory_space<hbm>>) target_semaphore(%run_scoped3A : memref<!tpu.dma_semaphore, #tpu.memory_space<semaphore_mem>>)
      %dma_wait3A_110 = arith.constant 0 : i32
      %dma_wait3A_111 = tpu.memref_slice %arg5[%add3A_105, %dma_wait3A_110] : memref<20480x16xf32, #tpu.memory_space<hbm>> -> memref<640x16xf32, #tpu.memory_space<hbm>>
      %dma_wait3A_112 = arith.constant 0 : i32
      %dma_wait3A_113 = tpu.memref_slice %arg5[%add3A_105, %dma_wait3A_112] : memref<20480x16xf32, #tpu.memory_space<hbm>> -> memref<640x16xf32, #tpu.memory_space<hbm>>
      tpu.wait_dma2 semaphore(%run_scoped3A : memref<!tpu.dma_semaphore, #tpu.memory_space<semaphore_mem>>) src(%arg10 : memref<640x16xf32, #tpu.memory_space<vmem>>) dst(%dma_wait3A_113 : memref<640x16xf32, #tpu.memory_space<hbm>>)
      tpu.yield
    }) : () -> ()
    return
  }
}

#map = affine_map<(d0, d1) -> (0, 0)>
#map1 = affine_map<(d0, d1) -> (0)>
module attributes {stable_mosaic.version = 14 : i64} {
  func.func @k(%arg0: i32, %arg1: i32, %arg2: memref<20480x16xf32, #tpu.memory_space<hbm>>, %arg3: memref<10000xi32, #tpu.memory_space<hbm>>, %arg4: memref<16x32xf32, #tpu.memory_space<hbm>>, %arg5: memref<64512xf32, #tpu.memory_space<hbm>>, %arg6: memref<10000xi32, #tpu.memory_space<vmem>>, %arg7: memref<336xi32, #tpu.memory_space<vmem>>, %arg8: memref<336xi32, #tpu.memory_space<vmem>>, %arg9: memref<336xi32, #tpu.memory_space<vmem>>, %arg10: memref<320x16xf32, #tpu.memory_space<vmem>>, %arg11: memref<320x16xf32, #tpu.memory_space<vmem>>, %arg12: memref<1024xf32, #tpu.memory_space<vmem>>, %arg13: memref<16x32xf32, #tpu.memory_space<vmem>>, %arg14: memref<2016xf32, #tpu.memory_space<vmem>>, %arg15: memref<!tpu.dma_semaphore, #tpu.memory_space<semaphore_mem>>) attributes {dimension_semantics = [#tpu.dimension_semantics<core_parallel>, #tpu.dimension_semantics<subcore_parallel>], iteration_bounds = array<i64: 2, 16>, scalar_prefetch = 0 : i64, scratch_operands = 10 : i64, tpu.core_type = #tpu.core_type<sc_vector_subcore>, window_params = [{transform_indices = #map}, {transform_indices = #map1}, {transform_indices = #map}, {transform_indices = #map1}]} {
    %mul3A = arith.constant 16 : i32
    %mul3A_0 = arith.muli %arg0, %mul3A : i32
    %add3A = arith.addi %mul3A_0, %arg1 : i32
    %mul3A_1 = arith.constant 63 : i32
    %mul3A_2 = arith.muli %add3A, %mul3A_1 : i32
    %iota3A = tpu.iota {dimensions = array<i32: 0>} : vector<16xi32>
    %scan3A = arith.constant 0 : i32
    %scan3A_3 = arith.constant 64 : i32
    %scan3A_4 = arith.addi %scan3A, %scan3A_3 : i32
    %scan3A_5 = arith.constant 1 : i32
    scf.for %scan3A_159 = %scan3A to %scan3A_4 step %scan3A_5  : i32 {
      %broadcast_in_dim3A_160 = arith.constant 0.000000e+00 : f32
      %broadcast_in_dim3A_161 = vector.broadcast %broadcast_in_dim3A_160 : f32 to vector<16xf32>
      %mul3A_162 = arith.constant 16 : i32
      %mul3A_163 = arith.muli %scan3A_159, %mul3A_162 : i32
      %swap3A = arith.index_cast %mul3A_163 : i32 to index
      %swap3A_164 = tpu.vector_load %arg12[%swap3A] {strides = array<i32>} : memref<1024xf32, #tpu.memory_space<vmem>>, vector<16xf32>,
      tpu.vector_store %arg12[%swap3A], %broadcast_in_dim3A_161 {strides = array<i32>} : memref<1024xf32, #tpu.memory_space<vmem>>, vector<16xf32>,
    }
    %scan3A_6 = arith.constant 64 : i32
    %scan3A_7 = arith.constant 0 : i32
    %scan3A_8 = arith.constant 21 : i32
    %scan3A_9 = arith.addi %scan3A_7, %scan3A_8 : i32
    %scan3A_10 = arith.constant 1 : i32
    scf.for %scan3A_159 = %scan3A_7 to %scan3A_9 step %scan3A_10  : i32 {
      %broadcast_in_dim3A_160 = arith.constant 63 : i32
      %broadcast_in_dim3A_161 = vector.broadcast %broadcast_in_dim3A_160 : i32 to vector<16xi32>
      %mul3A_162 = arith.constant 16 : i32
      %mul3A_163 = arith.muli %scan3A_159, %mul3A_162 : i32
      %swap3A = arith.index_cast %mul3A_163 : i32 to index
      %swap3A_164 = tpu.vector_load %arg7[%swap3A] {strides = array<i32>} : memref<336xi32, #tpu.memory_space<vmem>>, vector<16xi32>,
      tpu.vector_store %arg7[%swap3A], %broadcast_in_dim3A_161 {strides = array<i32>} : memref<336xi32, #tpu.memory_space<vmem>>, vector<16xi32>,
      %broadcast_in_dim3A_165 = arith.constant 0 : i32
      %broadcast_in_dim3A_166 = vector.broadcast %broadcast_in_dim3A_165 : i32 to vector<16xi32>
      %mul3A_167 = arith.constant 16 : i32
      %mul3A_168 = arith.muli %scan3A_159, %mul3A_167 : i32
      %swap3A_169 = arith.index_cast %mul3A_168 : i32 to index
      %swap3A_170 = tpu.vector_load %arg8[%swap3A_169] {strides = array<i32>} : memref<336xi32, #tpu.memory_space<vmem>>, vector<16xi32>,
      tpu.vector_store %arg8[%swap3A_169], %broadcast_in_dim3A_166 {strides = array<i32>} : memref<336xi32, #tpu.memory_space<vmem>>, vector<16xi32>,
      %broadcast_in_dim3A_171 = arith.constant 10240 : i32
      %broadcast_in_dim3A_172 = vector.broadcast %broadcast_in_dim3A_171 : i32 to vector<16xi32>
      %mul3A_173 = arith.constant 16 : i32
      %mul3A_174 = arith.muli %scan3A_159, %mul3A_173 : i32
      %swap3A_175 = arith.index_cast %mul3A_174 : i32 to index
      %swap3A_176 = tpu.vector_load %arg9[%swap3A_175] {strides = array<i32>} : memref<336xi32, #tpu.memory_space<vmem>>, vector<16xi32>,
      tpu.vector_store %arg9[%swap3A_175], %broadcast_in_dim3A_172 {strides = array<i32>} : memref<336xi32, #tpu.memory_space<vmem>>, vector<16xi32>,
    }
    %scan3A_11 = arith.constant 21 : i32
    "tpu.region"() ({
      %run_scoped3A = tpu.sem_alloc : memref<!tpu.dma_semaphore, #tpu.memory_space<semaphore_mem>>
      tpu.enqueue_dma source(%arg3 : memref<10000xi32, #tpu.memory_space<hbm>>) target(%arg6 : memref<10000xi32, #tpu.memory_space<vmem>>) target_semaphore(%run_scoped3A : memref<!tpu.dma_semaphore, #tpu.memory_space<semaphore_mem>>)
      tpu.wait_dma2 semaphore(%run_scoped3A : memref<!tpu.dma_semaphore, #tpu.memory_space<semaphore_mem>>) src(%arg3 : memref<10000xi32, #tpu.memory_space<hbm>>) dst(%arg6 : memref<10000xi32, #tpu.memory_space<vmem>>)
      tpu.yield
    }) : () -> ()
    %broadcast_in_dim3A = arith.constant 0 : i32
    %broadcast_in_dim3A_12 = vector.broadcast %broadcast_in_dim3A : i32 to vector<16xi32>
    %scan3A_13 = arith.constant 0 : i32
    %scan3A_14 = arith.constant 625 : i32
    %scan3A_15 = arith.addi %scan3A_13, %scan3A_14 : i32
    %scan3A_16 = arith.constant 1 : i32
    %scan3A_17 = scf.for %scan3A_159 = %scan3A_13 to %scan3A_15 step %scan3A_16 iter_args(%scan3A_160 = %broadcast_in_dim3A_12) -> (vector<16xi32>)  : i32 {
      %mul3A_161 = arith.constant 16 : i32
      %mul3A_162 = arith.muli %scan3A_159, %mul3A_161 : i32
      %get3A = arith.index_cast %mul3A_162 : i32 to index
      %get3A_163 = tpu.vector_load %arg6[%get3A] {strides = array<i32>} : memref<10000xi32, #tpu.memory_space<vmem>>, vector<16xi32>,
      %sub3A = vector.broadcast %mul3A_2 : i32 to vector<16xi32>
      %sub3A_164 = arith.subi %get3A_163, %sub3A : vector<16xi32>
      %ge3A = arith.constant 0 : i32
      %ge3A_165 = vector.broadcast %ge3A : i32 to vector<16xi32>
      %ge3A_166 = arith.cmpi sge, %sub3A_164, %ge3A_165 : vector<16xi32>
      %lt3A = arith.constant 63 : i32
      %lt3A_167 = vector.broadcast %lt3A : i32 to vector<16xi32>
      %lt3A_168 = arith.cmpi slt, %sub3A_164, %lt3A_167 : vector<16xi32>
      %and3A = arith.andi %ge3A_166, %lt3A_168 : vector<16xi1>
      %jit3A = arith.constant 1 : i32
      %jit3A_169 = arith.constant 0 : i32
      %broadcast_in_dim3A_170 = vector.broadcast %jit3A : i32 to vector<16xi32>
      %broadcast_in_dim3A_171 = vector.broadcast %jit3A_169 : i32 to vector<16xi32>
      %select_n3A = arith.select %and3A, %broadcast_in_dim3A_170, %broadcast_in_dim3A_171 : vector<16xi1>, vector<16xi32>
      %sub3A_172 = arith.constant 1 : i32
      %sub3A_173 = vector.broadcast %sub3A_172 : i32 to vector<16xi32>
      %sub3A_174 = arith.subi %iota3A, %sub3A_173 : vector<16xi32>
      %max3A = arith.constant 0 : i32
      %max3A_175 = vector.broadcast %max3A : i32 to vector<16xi32>
      %max3A_176 = arith.maxsi %sub3A_174, %max3A_175 : vector<16xi32>
      %lt3A_177 = arith.constant 0 : i32
      %lt3A_178 = vector.broadcast %lt3A_177 : i32 to vector<16xi32>
      %lt3A_179 = arith.cmpi slt, %max3A_176, %lt3A_178 : vector<16xi32>
      %add3A_180 = arith.constant 16 : i32
      %add3A_181 = vector.broadcast %add3A_180 : i32 to vector<16xi32>
      %add3A_182 = arith.addi %max3A_176, %add3A_181 : vector<16xi32>
      %select_n3A_183 = arith.select %lt3A_179, %add3A_182, %max3A_176 : vector<16xi1>, vector<16xi32>
      %broadcast_in_dim3A_184 = vector.shape_cast %select_n3A_183 : vector<16xi32> to vector<16x1xi32>
      %gather3A = vector.shape_cast %broadcast_in_dim3A_184 : vector<16x1xi32> to vector<16xi32>
      %gather3A_185 = tpu.dynamic_gather %select_n3A[%gather3A] in [0] : vector<16xi32>, vector<16xi32> -> vector<16xi32>
      %ge3A_186 = arith.constant 1 : i32
      %ge3A_187 = vector.broadcast %ge3A_186 : i32 to vector<16xi32>
      %ge3A_188 = arith.cmpi sge, %iota3A, %ge3A_187 : vector<16xi32>
      %jit3A_189 = arith.constant 0 : i32
      %broadcast_in_dim3A_190 = vector.broadcast %jit3A_189 : i32 to vector<16xi32>
      %select_n3A_191 = arith.select %ge3A_188, %gather3A_185, %broadcast_in_dim3A_190 : vector<16xi1>, vector<16xi32>
      %add3A_192 = arith.addi %select_n3A, %select_n3A_191 : vector<16xi32>
      %sub3A_193 = arith.constant 2 : i32
      %sub3A_194 = vector.broadcast %sub3A_193 : i32 to vector<16xi32>
      %sub3A_195 = arith.subi %iota3A, %sub3A_194 : vector<16xi32>
      %max3A_196 = arith.constant 0 : i32
      %max3A_197 = vector.broadcast %max3A_196 : i32 to vector<16xi32>
      %max3A_198 = arith.maxsi %sub3A_195, %max3A_197 : vector<16xi32>
      %lt3A_199 = arith.constant 0 : i32
      %lt3A_200 = vector.broadcast %lt3A_199 : i32 to vector<16xi32>
      %lt3A_201 = arith.cmpi slt, %max3A_198, %lt3A_200 : vector<16xi32>
      %add3A_202 = arith.constant 16 : i32
      %add3A_203 = vector.broadcast %add3A_202 : i32 to vector<16xi32>
      %add3A_204 = arith.addi %max3A_198, %add3A_203 : vector<16xi32>
      %select_n3A_205 = arith.select %lt3A_201, %add3A_204, %max3A_198 : vector<16xi1>, vector<16xi32>
      %broadcast_in_dim3A_206 = vector.shape_cast %select_n3A_205 : vector<16xi32> to vector<16x1xi32>
      %gather3A_207 = vector.shape_cast %broadcast_in_dim3A_206 : vector<16x1xi32> to vector<16xi32>
      %gather3A_208 = tpu.dynamic_gather %add3A_192[%gather3A_207] in [0] : vector<16xi32>, vector<16xi32> -> vector<16xi32>
      %ge3A_209 = arith.constant 2 : i32
      %ge3A_210 = vector.broadcast %ge3A_209 : i32 to vector<16xi32>
      %ge3A_211 = arith.cmpi sge, %iota3A, %ge3A_210 : vector<16xi32>
      %jit3A_212 = arith.constant 0 : i32
      %broadcast_in_dim3A_213 = vector.broadcast %jit3A_212 : i32 to vector<16xi32>
      %select_n3A_214 = arith.select %ge3A_211, %gather3A_208, %broadcast_in_dim3A_213 : vector<16xi1>, vector<16xi32>
      %add3A_215 = arith.addi %add3A_192, %select_n3A_214 : vector<16xi32>
      %sub3A_216 = arith.constant 4 : i32
      %sub3A_217 = vector.broadcast %sub3A_216 : i32 to vector<16xi32>
      %sub3A_218 = arith.subi %iota3A, %sub3A_217 : vector<16xi32>
      %max3A_219 = arith.constant 0 : i32
      %max3A_220 = vector.broadcast %max3A_219 : i32 to vector<16xi32>
      %max3A_221 = arith.maxsi %sub3A_218, %max3A_220 : vector<16xi32>
      %lt3A_222 = arith.constant 0 : i32
      %lt3A_223 = vector.broadcast %lt3A_222 : i32 to vector<16xi32>
      %lt3A_224 = arith.cmpi slt, %max3A_221, %lt3A_223 : vector<16xi32>
      %add3A_225 = arith.constant 16 : i32
      %add3A_226 = vector.broadcast %add3A_225 : i32 to vector<16xi32>
      %add3A_227 = arith.addi %max3A_221, %add3A_226 : vector<16xi32>
      %select_n3A_228 = arith.select %lt3A_224, %add3A_227, %max3A_221 : vector<16xi1>, vector<16xi32>
      %broadcast_in_dim3A_229 = vector.shape_cast %select_n3A_228 : vector<16xi32> to vector<16x1xi32>
      %gather3A_230 = vector.shape_cast %broadcast_in_dim3A_229 : vector<16x1xi32> to vector<16xi32>
      %gather3A_231 = tpu.dynamic_gather %add3A_215[%gather3A_230] in [0] : vector<16xi32>, vector<16xi32> -> vector<16xi32>
      %ge3A_232 = arith.constant 4 : i32
      %ge3A_233 = vector.broadcast %ge3A_232 : i32 to vector<16xi32>
      %ge3A_234 = arith.cmpi sge, %iota3A, %ge3A_233 : vector<16xi32>
      %jit3A_235 = arith.constant 0 : i32
      %broadcast_in_dim3A_236 = vector.broadcast %jit3A_235 : i32 to vector<16xi32>
      %select_n3A_237 = arith.select %ge3A_234, %gather3A_231, %broadcast_in_dim3A_236 : vector<16xi1>, vector<16xi32>
      %add3A_238 = arith.addi %add3A_215, %select_n3A_237 : vector<16xi32>
      %sub3A_239 = arith.constant 8 : i32
      %sub3A_240 = vector.broadcast %sub3A_239 : i32 to vector<16xi32>
      %sub3A_241 = arith.subi %iota3A, %sub3A_240 : vector<16xi32>
      %max3A_242 = arith.constant 0 : i32
      %max3A_243 = vector.broadcast %max3A_242 : i32 to vector<16xi32>
      %max3A_244 = arith.maxsi %sub3A_241, %max3A_243 : vector<16xi32>
      %lt3A_245 = arith.constant 0 : i32
      %lt3A_246 = vector.broadcast %lt3A_245 : i32 to vector<16xi32>
      %lt3A_247 = arith.cmpi slt, %max3A_244, %lt3A_246 : vector<16xi32>
      %add3A_248 = arith.constant 16 : i32
      %add3A_249 = vector.broadcast %add3A_248 : i32 to vector<16xi32>
      %add3A_250 = arith.addi %max3A_244, %add3A_249 : vector<16xi32>
      %select_n3A_251 = arith.select %lt3A_247, %add3A_250, %max3A_244 : vector<16xi1>, vector<16xi32>
      %broadcast_in_dim3A_252 = vector.shape_cast %select_n3A_251 : vector<16xi32> to vector<16x1xi32>
      %gather3A_253 = vector.shape_cast %broadcast_in_dim3A_252 : vector<16x1xi32> to vector<16xi32>
      %gather3A_254 = tpu.dynamic_gather %add3A_238[%gather3A_253] in [0] : vector<16xi32>, vector<16xi32> -> vector<16xi32>
      %ge3A_255 = arith.constant 8 : i32
      %ge3A_256 = vector.broadcast %ge3A_255 : i32 to vector<16xi32>
      %ge3A_257 = arith.cmpi sge, %iota3A, %ge3A_256 : vector<16xi32>
      %jit3A_258 = arith.constant 0 : i32
      %broadcast_in_dim3A_259 = vector.broadcast %jit3A_258 : i32 to vector<16xi32>
      %select_n3A_260 = arith.select %ge3A_257, %gather3A_254, %broadcast_in_dim3A_259 : vector<16xi1>, vector<16xi32>
      %add3A_261 = arith.addi %add3A_238, %select_n3A_260 : vector<16xi32>
      %add3A_262 = arith.addi %scan3A_160, %add3A_261 : vector<16xi32>
      %sub3A_263 = arith.constant 1 : i32
      %sub3A_264 = vector.broadcast %sub3A_263 : i32 to vector<16xi32>
      %sub3A_265 = arith.subi %add3A_262, %sub3A_264 : vector<16xi32>
      %mul3A_266 = arith.constant 16 : i32
      %mul3A_267 = arith.muli %scan3A_159, %mul3A_266 : i32
      %add3A_268 = vector.broadcast %mul3A_267 : i32 to vector<16xi32>
      %add3A_269 = arith.addi %add3A_268, %iota3A : vector<16xi32>
      tpu.vector_store_idx %arg7[%sub3A_265], %sub3A_164 masked %and3A : memref<336xi32, #tpu.memory_space<vmem>>[vector<16xi32>], vector<16xi32>, vector<16xi1>
      tpu.vector_store_idx %arg8[%sub3A_265], %add3A_269 masked %and3A : memref<336xi32, #tpu.memory_space<vmem>>[vector<16xi32>], vector<16xi32>, vector<16xi1>
      %add3A_270 = arith.constant 10240 : i32
      %add3A_271 = vector.broadcast %add3A_270 : i32 to vector<16xi32>
      %add3A_272 = arith.addi %add3A_269, %add3A_271 : vector<16xi32>
      tpu.vector_store_idx %arg9[%sub3A_265], %add3A_272 masked %and3A : memref<336xi32, #tpu.memory_space<vmem>>[vector<16xi32>], vector<16xi32>, vector<16xi1>
      %all_reduce_population_count3A = tpu.all_reduce %and3A {dim = 0 : i64, kind = #tpu.reduction_kind<sum>} : vector<16xi1> -> vector<16xi32>
      %add3A_273 = arith.addi %scan3A_160, %all_reduce_population_count3A : vector<16xi32>
      scf.yield %add3A_273 : vector<16xi32>
    }
    %scan3A_18 = arith.constant 625 : i32
    %dma_start3A = arith.constant 0 : i32
    %dma_start3A_19 = arith.constant 0 : i32
    %dma_start3A_20 = tpu.memref_slice %arg10[%dma_start3A, %dma_start3A_19] : memref<320x16xf32, #tpu.memory_space<vmem>> -> memref<80x16xf32, #tpu.memory_space<vmem>>
    %dma_start3A_21 = arith.constant 0 : i32
    %dma_start3A_22 = tpu.memref_slice %arg8[%dma_start3A_21] : memref<336xi32, #tpu.memory_space<vmem>> -> memref<80xi32, #tpu.memory_space<vmem>>
    %dma_start3A_23 = arith.constant 0 : i32
    %dma_start3A_24 = arith.constant 0 : i32
    %dma_start3A_25 = tpu.memref_slice %arg2[%dma_start3A_23, %dma_start3A_24] : memref<20480x16xf32, #tpu.memory_space<hbm>> -> memref<20480x16xf32, #tpu.memory_space<hbm>>
    tpu.enqueue_indirect_dma source(%dma_start3A_25 : memref<20480x16xf32, #tpu.memory_space<hbm>>) target(%dma_start3A_20 : memref<80x16xf32, #tpu.memory_space<vmem>>) offsets(%dma_start3A_22 : memref<80xi32, #tpu.memory_space<vmem>>) semaphore(%arg15 : memref<!tpu.dma_semaphore, #tpu.memory_space<semaphore_mem>>)
    %dma_wait3A = arith.constant 0 : i32
    %dma_wait3A_26 = arith.constant 0 : i32
    %dma_wait3A_27 = tpu.memref_slice %arg10[%dma_wait3A, %dma_wait3A_26] : memref<320x16xf32, #tpu.memory_space<vmem>> -> memref<80x16xf32, #tpu.memory_space<vmem>>
    %dma_wait3A_28 = arith.constant 0 : i32
    %dma_wait3A_29 = tpu.memref_slice %arg8[%dma_wait3A_28] : memref<336xi32, #tpu.memory_space<vmem>> -> memref<80xi32, #tpu.memory_space<vmem>>
    %dma_wait3A_30 = arith.constant 0 : i32
    %dma_wait3A_31 = arith.constant 0 : i32
    %dma_wait3A_32 = tpu.memref_slice %arg2[%dma_wait3A_30, %dma_wait3A_31] : memref<20480x16xf32, #tpu.memory_space<hbm>> -> memref<20480x16xf32, #tpu.memory_space<hbm>>
    tpu.wait_indirect_dma semaphore(%arg15 : memref<!tpu.dma_semaphore, #tpu.memory_space<semaphore_mem>>) src(%dma_wait3A_32 : memref<20480x16xf32, #tpu.memory_space<hbm>>) dst(%dma_wait3A_27 : memref<80x16xf32, #tpu.memory_space<vmem>>)
    %dma_start3A_33 = arith.constant 0 : i32
    %dma_start3A_34 = arith.constant 0 : i32
    %dma_start3A_35 = tpu.memref_slice %arg11[%dma_start3A_33, %dma_start3A_34] : memref<320x16xf32, #tpu.memory_space<vmem>> -> memref<80x16xf32, #tpu.memory_space<vmem>>
    %dma_start3A_36 = arith.constant 0 : i32
    %dma_start3A_37 = tpu.memref_slice %arg9[%dma_start3A_36] : memref<336xi32, #tpu.memory_space<vmem>> -> memref<80xi32, #tpu.memory_space<vmem>>
    %dma_start3A_38 = arith.constant 0 : i32
    %dma_start3A_39 = arith.constant 0 : i32
    %dma_start3A_40 = tpu.memref_slice %arg2[%dma_start3A_38, %dma_start3A_39] : memref<20480x16xf32, #tpu.memory_space<hbm>> -> memref<20480x16xf32, #tpu.memory_space<hbm>>
    tpu.enqueue_indirect_dma source(%dma_start3A_40 : memref<20480x16xf32, #tpu.memory_space<hbm>>) target(%dma_start3A_35 : memref<80x16xf32, #tpu.memory_space<vmem>>) offsets(%dma_start3A_37 : memref<80xi32, #tpu.memory_space<vmem>>) semaphore(%arg15 : memref<!tpu.dma_semaphore, #tpu.memory_space<semaphore_mem>>)
    %dma_wait3A_41 = arith.constant 0 : i32
    %dma_wait3A_42 = arith.constant 0 : i32
    %dma_wait3A_43 = tpu.memref_slice %arg11[%dma_wait3A_41, %dma_wait3A_42] : memref<320x16xf32, #tpu.memory_space<vmem>> -> memref<80x16xf32, #tpu.memory_space<vmem>>
    %dma_wait3A_44 = arith.constant 0 : i32
    %dma_wait3A_45 = tpu.memref_slice %arg9[%dma_wait3A_44] : memref<336xi32, #tpu.memory_space<vmem>> -> memref<80xi32, #tpu.memory_space<vmem>>
    %dma_wait3A_46 = arith.constant 0 : i32
    %dma_wait3A_47 = arith.constant 0 : i32
    %dma_wait3A_48 = tpu.memref_slice %arg2[%dma_wait3A_46, %dma_wait3A_47] : memref<20480x16xf32, #tpu.memory_space<hbm>> -> memref<20480x16xf32, #tpu.memory_space<hbm>>
    tpu.wait_indirect_dma semaphore(%arg15 : memref<!tpu.dma_semaphore, #tpu.memory_space<semaphore_mem>>) src(%dma_wait3A_48 : memref<20480x16xf32, #tpu.memory_space<hbm>>) dst(%dma_wait3A_43 : memref<80x16xf32, #tpu.memory_space<vmem>>)
    %dma_start3A_49 = arith.constant 80 : i32
    %dma_start3A_50 = arith.constant 0 : i32
    %dma_start3A_51 = tpu.memref_slice %arg10[%dma_start3A_49, %dma_start3A_50] : memref<320x16xf32, #tpu.memory_space<vmem>> -> memref<80x16xf32, #tpu.memory_space<vmem>>
    %dma_start3A_52 = arith.constant 80 : i32
    %dma_start3A_53 = tpu.memref_slice %arg8[%dma_start3A_52] : memref<336xi32, #tpu.memory_space<vmem>> -> memref<80xi32, #tpu.memory_space<vmem>>
    %dma_start3A_54 = arith.constant 0 : i32
    %dma_start3A_55 = arith.constant 0 : i32
    %dma_start3A_56 = tpu.memref_slice %arg2[%dma_start3A_54, %dma_start3A_55] : memref<20480x16xf32, #tpu.memory_space<hbm>> -> memref<20480x16xf32, #tpu.memory_space<hbm>>
    tpu.enqueue_indirect_dma source(%dma_start3A_56 : memref<20480x16xf32, #tpu.memory_space<hbm>>) target(%dma_start3A_51 : memref<80x16xf32, #tpu.memory_space<vmem>>) offsets(%dma_start3A_53 : memref<80xi32, #tpu.memory_space<vmem>>) semaphore(%arg15 : memref<!tpu.dma_semaphore, #tpu.memory_space<semaphore_mem>>)
    %dma_wait3A_57 = arith.constant 80 : i32
    %dma_wait3A_58 = arith.constant 0 : i32
    %dma_wait3A_59 = tpu.memref_slice %arg10[%dma_wait3A_57, %dma_wait3A_58] : memref<320x16xf32, #tpu.memory_space<vmem>> -> memref<80x16xf32, #tpu.memory_space<vmem>>
    %dma_wait3A_60 = arith.constant 80 : i32
    %dma_wait3A_61 = tpu.memref_slice %arg8[%dma_wait3A_60] : memref<336xi32, #tpu.memory_space<vmem>> -> memref<80xi32, #tpu.memory_space<vmem>>
    %dma_wait3A_62 = arith.constant 0 : i32
    %dma_wait3A_63 = arith.constant 0 : i32
    %dma_wait3A_64 = tpu.memref_slice %arg2[%dma_wait3A_62, %dma_wait3A_63] : memref<20480x16xf32, #tpu.memory_space<hbm>> -> memref<20480x16xf32, #tpu.memory_space<hbm>>
    tpu.wait_indirect_dma semaphore(%arg15 : memref<!tpu.dma_semaphore, #tpu.memory_space<semaphore_mem>>) src(%dma_wait3A_64 : memref<20480x16xf32, #tpu.memory_space<hbm>>) dst(%dma_wait3A_59 : memref<80x16xf32, #tpu.memory_space<vmem>>)
    %dma_start3A_65 = arith.constant 80 : i32
    %dma_start3A_66 = arith.constant 0 : i32
    %dma_start3A_67 = tpu.memref_slice %arg11[%dma_start3A_65, %dma_start3A_66] : memref<320x16xf32, #tpu.memory_space<vmem>> -> memref<80x16xf32, #tpu.memory_space<vmem>>
    %dma_start3A_68 = arith.constant 80 : i32
    %dma_start3A_69 = tpu.memref_slice %arg9[%dma_start3A_68] : memref<336xi32, #tpu.memory_space<vmem>> -> memref<80xi32, #tpu.memory_space<vmem>>
    %dma_start3A_70 = arith.constant 0 : i32
    %dma_start3A_71 = arith.constant 0 : i32
    %dma_start3A_72 = tpu.memref_slice %arg2[%dma_start3A_70, %dma_start3A_71] : memref<20480x16xf32, #tpu.memory_space<hbm>> -> memref<20480x16xf32, #tpu.memory_space<hbm>>
    tpu.enqueue_indirect_dma source(%dma_start3A_72 : memref<20480x16xf32, #tpu.memory_space<hbm>>) target(%dma_start3A_67 : memref<80x16xf32, #tpu.memory_space<vmem>>) offsets(%dma_start3A_69 : memref<80xi32, #tpu.memory_space<vmem>>) semaphore(%arg15 : memref<!tpu.dma_semaphore, #tpu.memory_space<semaphore_mem>>)
    %dma_wait3A_73 = arith.constant 80 : i32
    %dma_wait3A_74 = arith.constant 0 : i32
    %dma_wait3A_75 = tpu.memref_slice %arg11[%dma_wait3A_73, %dma_wait3A_74] : memref<320x16xf32, #tpu.memory_space<vmem>> -> memref<80x16xf32, #tpu.memory_space<vmem>>
    %dma_wait3A_76 = arith.constant 80 : i32
    %dma_wait3A_77 = tpu.memref_slice %arg9[%dma_wait3A_76] : memref<336xi32, #tpu.memory_space<vmem>> -> memref<80xi32, #tpu.memory_space<vmem>>
    %dma_wait3A_78 = arith.constant 0 : i32
    %dma_wait3A_79 = arith.constant 0 : i32
    %dma_wait3A_80 = tpu.memref_slice %arg2[%dma_wait3A_78, %dma_wait3A_79] : memref<20480x16xf32, #tpu.memory_space<hbm>> -> memref<20480x16xf32, #tpu.memory_space<hbm>>
    tpu.wait_indirect_dma semaphore(%arg15 : memref<!tpu.dma_semaphore, #tpu.memory_space<semaphore_mem>>) src(%dma_wait3A_80 : memref<20480x16xf32, #tpu.memory_space<hbm>>) dst(%dma_wait3A_75 : memref<80x16xf32, #tpu.memory_space<vmem>>)
    %dma_start3A_81 = arith.constant 160 : i32
    %dma_start3A_82 = arith.constant 0 : i32
    %dma_start3A_83 = tpu.memref_slice %arg10[%dma_start3A_81, %dma_start3A_82] : memref<320x16xf32, #tpu.memory_space<vmem>> -> memref<80x16xf32, #tpu.memory_space<vmem>>
    %dma_start3A_84 = arith.constant 160 : i32
    %dma_start3A_85 = tpu.memref_slice %arg8[%dma_start3A_84] : memref<336xi32, #tpu.memory_space<vmem>> -> memref<80xi32, #tpu.memory_space<vmem>>
    %dma_start3A_86 = arith.constant 0 : i32
    %dma_start3A_87 = arith.constant 0 : i32
    %dma_start3A_88 = tpu.memref_slice %arg2[%dma_start3A_86, %dma_start3A_87] : memref<20480x16xf32, #tpu.memory_space<hbm>> -> memref<20480x16xf32, #tpu.memory_space<hbm>>
    tpu.enqueue_indirect_dma source(%dma_start3A_88 : memref<20480x16xf32, #tpu.memory_space<hbm>>) target(%dma_start3A_83 : memref<80x16xf32, #tpu.memory_space<vmem>>) offsets(%dma_start3A_85 : memref<80xi32, #tpu.memory_space<vmem>>) semaphore(%arg15 : memref<!tpu.dma_semaphore, #tpu.memory_space<semaphore_mem>>)
    %dma_wait3A_89 = arith.constant 160 : i32
    %dma_wait3A_90 = arith.constant 0 : i32
    %dma_wait3A_91 = tpu.memref_slice %arg10[%dma_wait3A_89, %dma_wait3A_90] : memref<320x16xf32, #tpu.memory_space<vmem>> -> memref<80x16xf32, #tpu.memory_space<vmem>>
    %dma_wait3A_92 = arith.constant 160 : i32
    %dma_wait3A_93 = tpu.memref_slice %arg8[%dma_wait3A_92] : memref<336xi32, #tpu.memory_space<vmem>> -> memref<80xi32, #tpu.memory_space<vmem>>
    %dma_wait3A_94 = arith.constant 0 : i32
    %dma_wait3A_95 = arith.constant 0 : i32
    %dma_wait3A_96 = tpu.memref_slice %arg2[%dma_wait3A_94, %dma_wait3A_95] : memref<20480x16xf32, #tpu.memory_space<hbm>> -> memref<20480x16xf32, #tpu.memory_space<hbm>>
    tpu.wait_indirect_dma semaphore(%arg15 : memref<!tpu.dma_semaphore, #tpu.memory_space<semaphore_mem>>) src(%dma_wait3A_96 : memref<20480x16xf32, #tpu.memory_space<hbm>>) dst(%dma_wait3A_91 : memref<80x16xf32, #tpu.memory_space<vmem>>)
    %dma_start3A_97 = arith.constant 160 : i32
    %dma_start3A_98 = arith.constant 0 : i32
    %dma_start3A_99 = tpu.memref_slice %arg11[%dma_start3A_97, %dma_start3A_98] : memref<320x16xf32, #tpu.memory_space<vmem>> -> memref<80x16xf32, #tpu.memory_space<vmem>>
    %dma_start3A_100 = arith.constant 160 : i32
    %dma_start3A_101 = tpu.memref_slice %arg9[%dma_start3A_100] : memref<336xi32, #tpu.memory_space<vmem>> -> memref<80xi32, #tpu.memory_space<vmem>>
    %dma_start3A_102 = arith.constant 0 : i32
    %dma_start3A_103 = arith.constant 0 : i32
    %dma_start3A_104 = tpu.memref_slice %arg2[%dma_start3A_102, %dma_start3A_103] : memref<20480x16xf32, #tpu.memory_space<hbm>> -> memref<20480x16xf32, #tpu.memory_space<hbm>>
    tpu.enqueue_indirect_dma source(%dma_start3A_104 : memref<20480x16xf32, #tpu.memory_space<hbm>>) target(%dma_start3A_99 : memref<80x16xf32, #tpu.memory_space<vmem>>) offsets(%dma_start3A_101 : memref<80xi32, #tpu.memory_space<vmem>>) semaphore(%arg15 : memref<!tpu.dma_semaphore, #tpu.memory_space<semaphore_mem>>)
    %dma_wait3A_105 = arith.constant 160 : i32
    %dma_wait3A_106 = arith.constant 0 : i32
    %dma_wait3A_107 = tpu.memref_slice %arg11[%dma_wait3A_105, %dma_wait3A_106] : memref<320x16xf32, #tpu.memory_space<vmem>> -> memref<80x16xf32, #tpu.memory_space<vmem>>
    %dma_wait3A_108 = arith.constant 160 : i32
    %dma_wait3A_109 = tpu.memref_slice %arg9[%dma_wait3A_108] : memref<336xi32, #tpu.memory_space<vmem>> -> memref<80xi32, #tpu.memory_space<vmem>>
    %dma_wait3A_110 = arith.constant 0 : i32
    %dma_wait3A_111 = arith.constant 0 : i32
    %dma_wait3A_112 = tpu.memref_slice %arg2[%dma_wait3A_110, %dma_wait3A_111] : memref<20480x16xf32, #tpu.memory_space<hbm>> -> memref<20480x16xf32, #tpu.memory_space<hbm>>
    tpu.wait_indirect_dma semaphore(%arg15 : memref<!tpu.dma_semaphore, #tpu.memory_space<semaphore_mem>>) src(%dma_wait3A_112 : memref<20480x16xf32, #tpu.memory_space<hbm>>) dst(%dma_wait3A_107 : memref<80x16xf32, #tpu.memory_space<vmem>>)
    %dma_start3A_113 = arith.constant 240 : i32
    %dma_start3A_114 = arith.constant 0 : i32
    %dma_start3A_115 = tpu.memref_slice %arg10[%dma_start3A_113, %dma_start3A_114] : memref<320x16xf32, #tpu.memory_space<vmem>> -> memref<80x16xf32, #tpu.memory_space<vmem>>
    %dma_start3A_116 = arith.constant 240 : i32
    %dma_start3A_117 = tpu.memref_slice %arg8[%dma_start3A_116] : memref<336xi32, #tpu.memory_space<vmem>> -> memref<80xi32, #tpu.memory_space<vmem>>
    %dma_start3A_118 = arith.constant 0 : i32
    %dma_start3A_119 = arith.constant 0 : i32
    %dma_start3A_120 = tpu.memref_slice %arg2[%dma_start3A_118, %dma_start3A_119] : memref<20480x16xf32, #tpu.memory_space<hbm>> -> memref<20480x16xf32, #tpu.memory_space<hbm>>
    tpu.enqueue_indirect_dma source(%dma_start3A_120 : memref<20480x16xf32, #tpu.memory_space<hbm>>) target(%dma_start3A_115 : memref<80x16xf32, #tpu.memory_space<vmem>>) offsets(%dma_start3A_117 : memref<80xi32, #tpu.memory_space<vmem>>) semaphore(%arg15 : memref<!tpu.dma_semaphore, #tpu.memory_space<semaphore_mem>>)
    %dma_wait3A_121 = arith.constant 240 : i32
    %dma_wait3A_122 = arith.constant 0 : i32
    %dma_wait3A_123 = tpu.memref_slice %arg10[%dma_wait3A_121, %dma_wait3A_122] : memref<320x16xf32, #tpu.memory_space<vmem>> -> memref<80x16xf32, #tpu.memory_space<vmem>>
    %dma_wait3A_124 = arith.constant 240 : i32
    %dma_wait3A_125 = tpu.memref_slice %arg8[%dma_wait3A_124] : memref<336xi32, #tpu.memory_space<vmem>> -> memref<80xi32, #tpu.memory_space<vmem>>
    %dma_wait3A_126 = arith.constant 0 : i32
    %dma_wait3A_127 = arith.constant 0 : i32
    %dma_wait3A_128 = tpu.memref_slice %arg2[%dma_wait3A_126, %dma_wait3A_127] : memref<20480x16xf32, #tpu.memory_space<hbm>> -> memref<20480x16xf32, #tpu.memory_space<hbm>>
    tpu.wait_indirect_dma semaphore(%arg15 : memref<!tpu.dma_semaphore, #tpu.memory_space<semaphore_mem>>) src(%dma_wait3A_128 : memref<20480x16xf32, #tpu.memory_space<hbm>>) dst(%dma_wait3A_123 : memref<80x16xf32, #tpu.memory_space<vmem>>)
    %dma_start3A_129 = arith.constant 240 : i32
    %dma_start3A_130 = arith.constant 0 : i32
    %dma_start3A_131 = tpu.memref_slice %arg11[%dma_start3A_129, %dma_start3A_130] : memref<320x16xf32, #tpu.memory_space<vmem>> -> memref<80x16xf32, #tpu.memory_space<vmem>>
    %dma_start3A_132 = arith.constant 240 : i32
    %dma_start3A_133 = tpu.memref_slice %arg9[%dma_start3A_132] : memref<336xi32, #tpu.memory_space<vmem>> -> memref<80xi32, #tpu.memory_space<vmem>>
    %dma_start3A_134 = arith.constant 0 : i32
    %dma_start3A_135 = arith.constant 0 : i32
    %dma_start3A_136 = tpu.memref_slice %arg2[%dma_start3A_134, %dma_start3A_135] : memref<20480x16xf32, #tpu.memory_space<hbm>> -> memref<20480x16xf32, #tpu.memory_space<hbm>>
    tpu.enqueue_indirect_dma source(%dma_start3A_136 : memref<20480x16xf32, #tpu.memory_space<hbm>>) target(%dma_start3A_131 : memref<80x16xf32, #tpu.memory_space<vmem>>) offsets(%dma_start3A_133 : memref<80xi32, #tpu.memory_space<vmem>>) semaphore(%arg15 : memref<!tpu.dma_semaphore, #tpu.memory_space<semaphore_mem>>)
    %dma_wait3A_137 = arith.constant 240 : i32
    %dma_wait3A_138 = arith.constant 0 : i32
    %dma_wait3A_139 = tpu.memref_slice %arg11[%dma_wait3A_137, %dma_wait3A_138] : memref<320x16xf32, #tpu.memory_space<vmem>> -> memref<80x16xf32, #tpu.memory_space<vmem>>
    %dma_wait3A_140 = arith.constant 240 : i32
    %dma_wait3A_141 = tpu.memref_slice %arg9[%dma_wait3A_140] : memref<336xi32, #tpu.memory_space<vmem>> -> memref<80xi32, #tpu.memory_space<vmem>>
    %dma_wait3A_142 = arith.constant 0 : i32
    %dma_wait3A_143 = arith.constant 0 : i32
    %dma_wait3A_144 = tpu.memref_slice %arg2[%dma_wait3A_142, %dma_wait3A_143] : memref<20480x16xf32, #tpu.memory_space<hbm>> -> memref<20480x16xf32, #tpu.memory_space<hbm>>
    tpu.wait_indirect_dma semaphore(%arg15 : memref<!tpu.dma_semaphore, #tpu.memory_space<semaphore_mem>>) src(%dma_wait3A_144 : memref<20480x16xf32, #tpu.memory_space<hbm>>) dst(%dma_wait3A_139 : memref<80x16xf32, #tpu.memory_space<vmem>>)
    %scan3A_145 = arith.constant 0 : i32
    %scan3A_146 = arith.constant 20 : i32
    %scan3A_147 = arith.addi %scan3A_145, %scan3A_146 : i32
    %scan3A_148 = arith.constant 1 : i32
    scf.for %scan3A_159 = %scan3A_145 to %scan3A_147 step %scan3A_148  : i32 {
      %mul3A_160 = arith.constant 16 : i32
      %mul3A_161 = arith.muli %scan3A_159, %mul3A_160 : i32
      %get3A = arith.index_cast %mul3A_161 : i32 to index
      %get3A_162 = tpu.vector_load %arg7[%get3A] {strides = array<i32>} : memref<336xi32, #tpu.memory_space<vmem>>, vector<16xi32>,
      %broadcast_in_dim3A_163 = arith.constant 0 : i32
      %broadcast_in_dim3A_164 = vector.broadcast %broadcast_in_dim3A_163 : i32 to vector<16xi32>
      %lt3A = arith.constant 0 : i32
      %lt3A_165 = vector.broadcast %lt3A : i32 to vector<16xi32>
      %lt3A_166 = arith.cmpi slt, %broadcast_in_dim3A_164, %lt3A_165 : vector<16xi32>
      %add3A_167 = arith.constant 16 : i32
      %add3A_168 = vector.broadcast %add3A_167 : i32 to vector<16xi32>
      %add3A_169 = arith.addi %broadcast_in_dim3A_164, %add3A_168 : vector<16xi32>
      %select_n3A = arith.select %lt3A_166, %add3A_169, %broadcast_in_dim3A_164 : vector<16xi1>, vector<16xi32>
      %broadcast_in_dim3A_170 = vector.shape_cast %select_n3A : vector<16xi32> to vector<16x1xi32>
      %gather3A = vector.shape_cast %broadcast_in_dim3A_170 : vector<16x1xi32> to vector<16xi32>
      %gather3A_171 = tpu.dynamic_gather %get3A_162[%gather3A] in [0] : vector<16xi32>, vector<16xi32> -> vector<16xi32>
      %mul3A_172 = arith.constant 16 : i32
      %mul3A_173 = arith.muli %scan3A_159, %mul3A_172 : i32
      %add3A_174 = arith.constant 0 : i32
      %add3A_175 = arith.addi %mul3A_173, %add3A_174 : i32
      %mul3A_176 = arith.constant 16 : i32
      %mul3A_177 = vector.broadcast %mul3A_176 : i32 to vector<16xi32>
      %mul3A_178 = arith.muli %gather3A_171, %mul3A_177 : vector<16xi32>
      %add3A_179 = arith.constant 0 : i32
      %add3A_180 = vector.broadcast %add3A_179 : i32 to vector<16xi32>
      %add3A_181 = arith.addi %mul3A_178, %add3A_180 : vector<16xi32>
      %add3A_182 = arith.addi %add3A_181, %iota3A : vector<16xi32>
      %gather3A_183 = tpu.vector_load_idx %arg12[%add3A_182] : memref<1024xf32, #tpu.memory_space<vmem>>[vector<16xi32>], vector<16xf32>,
      %get3A_184 = arith.index_cast %add3A_175 : i32 to index
      %get3A_185 = arith.constant 0 : index
      %get3A_186 = tpu.vector_load %arg10[%get3A_184, %get3A_185] {strides = array<i32>} : memref<320x16xf32, #tpu.memory_space<vmem>>, vector<16xf32>,
      %get3A_187 = arith.index_cast %add3A_175 : i32 to index
      %get3A_188 = arith.constant 0 : index
      %get3A_189 = tpu.vector_load %arg11[%get3A_187, %get3A_188] {strides = array<i32>} : memref<320x16xf32, #tpu.memory_space<vmem>>, vector<16xf32>,
      %add3A_190 = arith.addf %get3A_186, %get3A_189 : vector<16xf32>
      %max3A = arith.constant 0.000000e+00 : f32
      %max3A_191 = vector.broadcast %max3A : f32 to vector<16xf32>
      %max3A_192 = arith.maximumf %add3A_190, %max3A_191 : vector<16xf32>
      %max3A_193 = arith.maximumf %gather3A_183, %max3A_192 : vector<16xf32>
      tpu.vector_store_idx %arg12[%add3A_182], %max3A_193 : memref<1024xf32, #tpu.memory_space<vmem>>[vector<16xi32>], vector<16xf32>,
      %broadcast_in_dim3A_194 = arith.constant 1 : i32
      %broadcast_in_dim3A_195 = vector.broadcast %broadcast_in_dim3A_194 : i32 to vector<16xi32>
      %lt3A_196 = arith.constant 0 : i32
      %lt3A_197 = vector.broadcast %lt3A_196 : i32 to vector<16xi32>
      %lt3A_198 = arith.cmpi slt, %broadcast_in_dim3A_195, %lt3A_197 : vector<16xi32>
      %add3A_199 = arith.constant 16 : i32
      %add3A_200 = vector.broadcast %add3A_199 : i32 to vector<16xi32>
      %add3A_201 = arith.addi %broadcast_in_dim3A_195, %add3A_200 : vector<16xi32>
      %select_n3A_202 = arith.select %lt3A_198, %add3A_201, %broadcast_in_dim3A_195 : vector<16xi1>, vector<16xi32>
      %broadcast_in_dim3A_203 = vector.shape_cast %select_n3A_202 : vector<16xi32> to vector<16x1xi32>
      %gather3A_204 = vector.shape_cast %broadcast_in_dim3A_203 : vector<16x1xi32> to vector<16xi32>
      %gather3A_205 = tpu.dynamic_gather %get3A_162[%gather3A_204] in [0] : vector<16xi32>, vector<16xi32> -> vector<16xi32>
      %mul3A_206 = arith.constant 16 : i32
      %mul3A_207 = arith.muli %scan3A_159, %mul3A_206 : i32
      %add3A_208 = arith.constant 1 : i32
      %add3A_209 = arith.addi %mul3A_207, %add3A_208 : i32
      %mul3A_210 = arith.constant 16 : i32
      %mul3A_211 = vector.broadcast %mul3A_210 : i32 to vector<16xi32>
      %mul3A_212 = arith.muli %gather3A_205, %mul3A_211 : vector<16xi32>
      %add3A_213 = arith.constant 0 : i32
      %add3A_214 = vector.broadcast %add3A_213 : i32 to vector<16xi32>
      %add3A_215 = arith.addi %mul3A_212, %add3A_214 : vector<16xi32>
      %add3A_216 = arith.addi %add3A_215, %iota3A : vector<16xi32>
      %gather3A_217 = tpu.vector_load_idx %arg12[%add3A_216] : memref<1024xf32, #tpu.memory_space<vmem>>[vector<16xi32>], vector<16xf32>,
      %get3A_218 = arith.index_cast %add3A_209 : i32 to index
      %get3A_219 = arith.constant 0 : index
      %get3A_220 = tpu.vector_load %arg10[%get3A_218, %get3A_219] {strides = array<i32>} : memref<320x16xf32, #tpu.memory_space<vmem>>, vector<16xf32>,
      %get3A_221 = arith.index_cast %add3A_209 : i32 to index
      %get3A_222 = arith.constant 0 : index
      %get3A_223 = tpu.vector_load %arg11[%get3A_221, %get3A_222] {strides = array<i32>} : memref<320x16xf32, #tpu.memory_space<vmem>>, vector<16xf32>,
      %add3A_224 = arith.addf %get3A_220, %get3A_223 : vector<16xf32>
      %max3A_225 = arith.constant 0.000000e+00 : f32
      %max3A_226 = vector.broadcast %max3A_225 : f32 to vector<16xf32>
      %max3A_227 = arith.maximumf %add3A_224, %max3A_226 : vector<16xf32>
      %max3A_228 = arith.maximumf %gather3A_217, %max3A_227 : vector<16xf32>
      tpu.vector_store_idx %arg12[%add3A_216], %max3A_228 : memref<1024xf32, #tpu.memory_space<vmem>>[vector<16xi32>], vector<16xf32>,
      %broadcast_in_dim3A_229 = arith.constant 2 : i32
      %broadcast_in_dim3A_230 = vector.broadcast %broadcast_in_dim3A_229 : i32 to vector<16xi32>
      %lt3A_231 = arith.constant 0 : i32
      %lt3A_232 = vector.broadcast %lt3A_231 : i32 to vector<16xi32>
      %lt3A_233 = arith.cmpi slt, %broadcast_in_dim3A_230, %lt3A_232 : vector<16xi32>
      %add3A_234 = arith.constant 16 : i32
      %add3A_235 = vector.broadcast %add3A_234 : i32 to vector<16xi32>
      %add3A_236 = arith.addi %broadcast_in_dim3A_230, %add3A_235 : vector<16xi32>
      %select_n3A_237 = arith.select %lt3A_233, %add3A_236, %broadcast_in_dim3A_230 : vector<16xi1>, vector<16xi32>
      %broadcast_in_dim3A_238 = vector.shape_cast %select_n3A_237 : vector<16xi32> to vector<16x1xi32>
      %gather3A_239 = vector.shape_cast %broadcast_in_dim3A_238 : vector<16x1xi32> to vector<16xi32>
      %gather3A_240 = tpu.dynamic_gather %get3A_162[%gather3A_239] in [0] : vector<16xi32>, vector<16xi32> -> vector<16xi32>
      %mul3A_241 = arith.constant 16 : i32
      %mul3A_242 = arith.muli %scan3A_159, %mul3A_241 : i32
      %add3A_243 = arith.constant 2 : i32
      %add3A_244 = arith.addi %mul3A_242, %add3A_243 : i32
      %mul3A_245 = arith.constant 16 : i32
      %mul3A_246 = vector.broadcast %mul3A_245 : i32 to vector<16xi32>
      %mul3A_247 = arith.muli %gather3A_240, %mul3A_246 : vector<16xi32>
      %add3A_248 = arith.constant 0 : i32
      %add3A_249 = vector.broadcast %add3A_248 : i32 to vector<16xi32>
      %add3A_250 = arith.addi %mul3A_247, %add3A_249 : vector<16xi32>
      %add3A_251 = arith.addi %add3A_250, %iota3A : vector<16xi32>
      %gather3A_252 = tpu.vector_load_idx %arg12[%add3A_251] : memref<1024xf32, #tpu.memory_space<vmem>>[vector<16xi32>], vector<16xf32>,
      %get3A_253 = arith.index_cast %add3A_244 : i32 to index
      %get3A_254 = arith.constant 0 : index
      %get3A_255 = tpu.vector_load %arg10[%get3A_253, %get3A_254] {strides = array<i32>} : memref<320x16xf32, #tpu.memory_space<vmem>>, vector<16xf32>,
      %get3A_256 = arith.index_cast %add3A_244 : i32 to index
      %get3A_257 = arith.constant 0 : index
      %get3A_258 = tpu.vector_load %arg11[%get3A_256, %get3A_257] {strides = array<i32>} : memref<320x16xf32, #tpu.memory_space<vmem>>, vector<16xf32>,
      %add3A_259 = arith.addf %get3A_255, %get3A_258 : vector<16xf32>
      %max3A_260 = arith.constant 0.000000e+00 : f32
      %max3A_261 = vector.broadcast %max3A_260 : f32 to vector<16xf32>
      %max3A_262 = arith.maximumf %add3A_259, %max3A_261 : vector<16xf32>
      %max3A_263 = arith.maximumf %gather3A_252, %max3A_262 : vector<16xf32>
      tpu.vector_store_idx %arg12[%add3A_251], %max3A_263 : memref<1024xf32, #tpu.memory_space<vmem>>[vector<16xi32>], vector<16xf32>,
      %broadcast_in_dim3A_264 = arith.constant 3 : i32
      %broadcast_in_dim3A_265 = vector.broadcast %broadcast_in_dim3A_264 : i32 to vector<16xi32>
      %lt3A_266 = arith.constant 0 : i32
      %lt3A_267 = vector.broadcast %lt3A_266 : i32 to vector<16xi32>
      %lt3A_268 = arith.cmpi slt, %broadcast_in_dim3A_265, %lt3A_267 : vector<16xi32>
      %add3A_269 = arith.constant 16 : i32
      %add3A_270 = vector.broadcast %add3A_269 : i32 to vector<16xi32>
      %add3A_271 = arith.addi %broadcast_in_dim3A_265, %add3A_270 : vector<16xi32>
      %select_n3A_272 = arith.select %lt3A_268, %add3A_271, %broadcast_in_dim3A_265 : vector<16xi1>, vector<16xi32>
      %broadcast_in_dim3A_273 = vector.shape_cast %select_n3A_272 : vector<16xi32> to vector<16x1xi32>
      %gather3A_274 = vector.shape_cast %broadcast_in_dim3A_273 : vector<16x1xi32> to vector<16xi32>
      %gather3A_275 = tpu.dynamic_gather %get3A_162[%gather3A_274] in [0] : vector<16xi32>, vector<16xi32> -> vector<16xi32>
      %mul3A_276 = arith.constant 16 : i32
      %mul3A_277 = arith.muli %scan3A_159, %mul3A_276 : i32
      %add3A_278 = arith.constant 3 : i32
      %add3A_279 = arith.addi %mul3A_277, %add3A_278 : i32
      %mul3A_280 = arith.constant 16 : i32
      %mul3A_281 = vector.broadcast %mul3A_280 : i32 to vector<16xi32>
      %mul3A_282 = arith.muli %gather3A_275, %mul3A_281 : vector<16xi32>
      %add3A_283 = arith.constant 0 : i32
      %add3A_284 = vector.broadcast %add3A_283 : i32 to vector<16xi32>
      %add3A_285 = arith.addi %mul3A_282, %add3A_284 : vector<16xi32>
      %add3A_286 = arith.addi %add3A_285, %iota3A : vector<16xi32>
      %gather3A_287 = tpu.vector_load_idx %arg12[%add3A_286] : memref<1024xf32, #tpu.memory_space<vmem>>[vector<16xi32>], vector<16xf32>,
      %get3A_288 = arith.index_cast %add3A_279 : i32 to index
      %get3A_289 = arith.constant 0 : index
      %get3A_290 = tpu.vector_load %arg10[%get3A_288, %get3A_289] {strides = array<i32>} : memref<320x16xf32, #tpu.memory_space<vmem>>, vector<16xf32>,
      %get3A_291 = arith.index_cast %add3A_279 : i32 to index
      %get3A_292 = arith.constant 0 : index
      %get3A_293 = tpu.vector_load %arg11[%get3A_291, %get3A_292] {strides = array<i32>} : memref<320x16xf32, #tpu.memory_space<vmem>>, vector<16xf32>,
      %add3A_294 = arith.addf %get3A_290, %get3A_293 : vector<16xf32>
      %max3A_295 = arith.constant 0.000000e+00 : f32
      %max3A_296 = vector.broadcast %max3A_295 : f32 to vector<16xf32>
      %max3A_297 = arith.maximumf %add3A_294, %max3A_296 : vector<16xf32>
      %max3A_298 = arith.maximumf %gather3A_287, %max3A_297 : vector<16xf32>
      tpu.vector_store_idx %arg12[%add3A_286], %max3A_298 : memref<1024xf32, #tpu.memory_space<vmem>>[vector<16xi32>], vector<16xf32>,
      %broadcast_in_dim3A_299 = arith.constant 4 : i32
      %broadcast_in_dim3A_300 = vector.broadcast %broadcast_in_dim3A_299 : i32 to vector<16xi32>
      %lt3A_301 = arith.constant 0 : i32
      %lt3A_302 = vector.broadcast %lt3A_301 : i32 to vector<16xi32>
      %lt3A_303 = arith.cmpi slt, %broadcast_in_dim3A_300, %lt3A_302 : vector<16xi32>
      %add3A_304 = arith.constant 16 : i32
      %add3A_305 = vector.broadcast %add3A_304 : i32 to vector<16xi32>
      %add3A_306 = arith.addi %broadcast_in_dim3A_300, %add3A_305 : vector<16xi32>
      %select_n3A_307 = arith.select %lt3A_303, %add3A_306, %broadcast_in_dim3A_300 : vector<16xi1>, vector<16xi32>
      %broadcast_in_dim3A_308 = vector.shape_cast %select_n3A_307 : vector<16xi32> to vector<16x1xi32>
      %gather3A_309 = vector.shape_cast %broadcast_in_dim3A_308 : vector<16x1xi32> to vector<16xi32>
      %gather3A_310 = tpu.dynamic_gather %get3A_162[%gather3A_309] in [0] : vector<16xi32>, vector<16xi32> -> vector<16xi32>
      %mul3A_311 = arith.constant 16 : i32
      %mul3A_312 = arith.muli %scan3A_159, %mul3A_311 : i32
      %add3A_313 = arith.constant 4 : i32
      %add3A_314 = arith.addi %mul3A_312, %add3A_313 : i32
      %mul3A_315 = arith.constant 16 : i32
      %mul3A_316 = vector.broadcast %mul3A_315 : i32 to vector<16xi32>
      %mul3A_317 = arith.muli %gather3A_310, %mul3A_316 : vector<16xi32>
      %add3A_318 = arith.constant 0 : i32
      %add3A_319 = vector.broadcast %add3A_318 : i32 to vector<16xi32>
      %add3A_320 = arith.addi %mul3A_317, %add3A_319 : vector<16xi32>
      %add3A_321 = arith.addi %add3A_320, %iota3A : vector<16xi32>
      %gather3A_322 = tpu.vector_load_idx %arg12[%add3A_321] : memref<1024xf32, #tpu.memory_space<vmem>>[vector<16xi32>], vector<16xf32>,
      %get3A_323 = arith.index_cast %add3A_314 : i32 to index
      %get3A_324 = arith.constant 0 : index
      %get3A_325 = tpu.vector_load %arg10[%get3A_323, %get3A_324] {strides = array<i32>} : memref<320x16xf32, #tpu.memory_space<vmem>>, vector<16xf32>,
      %get3A_326 = arith.index_cast %add3A_314 : i32 to index
      %get3A_327 = arith.constant 0 : index
      %get3A_328 = tpu.vector_load %arg11[%get3A_326, %get3A_327] {strides = array<i32>} : memref<320x16xf32, #tpu.memory_space<vmem>>, vector<16xf32>,
      %add3A_329 = arith.addf %get3A_325, %get3A_328 : vector<16xf32>
      %max3A_330 = arith.constant 0.000000e+00 : f32
      %max3A_331 = vector.broadcast %max3A_330 : f32 to vector<16xf32>
      %max3A_332 = arith.maximumf %add3A_329, %max3A_331 : vector<16xf32>
      %max3A_333 = arith.maximumf %gather3A_322, %max3A_332 : vector<16xf32>
      tpu.vector_store_idx %arg12[%add3A_321], %max3A_333 : memref<1024xf32, #tpu.memory_space<vmem>>[vector<16xi32>], vector<16xf32>,
      %broadcast_in_dim3A_334 = arith.constant 5 : i32
      %broadcast_in_dim3A_335 = vector.broadcast %broadcast_in_dim3A_334 : i32 to vector<16xi32>
      %lt3A_336 = arith.constant 0 : i32
      %lt3A_337 = vector.broadcast %lt3A_336 : i32 to vector<16xi32>
      %lt3A_338 = arith.cmpi slt, %broadcast_in_dim3A_335, %lt3A_337 : vector<16xi32>
      %add3A_339 = arith.constant 16 : i32
      %add3A_340 = vector.broadcast %add3A_339 : i32 to vector<16xi32>
      %add3A_341 = arith.addi %broadcast_in_dim3A_335, %add3A_340 : vector<16xi32>
      %select_n3A_342 = arith.select %lt3A_338, %add3A_341, %broadcast_in_dim3A_335 : vector<16xi1>, vector<16xi32>
      %broadcast_in_dim3A_343 = vector.shape_cast %select_n3A_342 : vector<16xi32> to vector<16x1xi32>
      %gather3A_344 = vector.shape_cast %broadcast_in_dim3A_343 : vector<16x1xi32> to vector<16xi32>
      %gather3A_345 = tpu.dynamic_gather %get3A_162[%gather3A_344] in [0] : vector<16xi32>, vector<16xi32> -> vector<16xi32>
      %mul3A_346 = arith.constant 16 : i32
      %mul3A_347 = arith.muli %scan3A_159, %mul3A_346 : i32
      %add3A_348 = arith.constant 5 : i32
      %add3A_349 = arith.addi %mul3A_347, %add3A_348 : i32
      %mul3A_350 = arith.constant 16 : i32
      %mul3A_351 = vector.broadcast %mul3A_350 : i32 to vector<16xi32>
      %mul3A_352 = arith.muli %gather3A_345, %mul3A_351 : vector<16xi32>
      %add3A_353 = arith.constant 0 : i32
      %add3A_354 = vector.broadcast %add3A_353 : i32 to vector<16xi32>
      %add3A_355 = arith.addi %mul3A_352, %add3A_354 : vector<16xi32>
      %add3A_356 = arith.addi %add3A_355, %iota3A : vector<16xi32>
      %gather3A_357 = tpu.vector_load_idx %arg12[%add3A_356] : memref<1024xf32, #tpu.memory_space<vmem>>[vector<16xi32>], vector<16xf32>,
      %get3A_358 = arith.index_cast %add3A_349 : i32 to index
      %get3A_359 = arith.constant 0 : index
      %get3A_360 = tpu.vector_load %arg10[%get3A_358, %get3A_359] {strides = array<i32>} : memref<320x16xf32, #tpu.memory_space<vmem>>, vector<16xf32>,
      %get3A_361 = arith.index_cast %add3A_349 : i32 to index
      %get3A_362 = arith.constant 0 : index
      %get3A_363 = tpu.vector_load %arg11[%get3A_361, %get3A_362] {strides = array<i32>} : memref<320x16xf32, #tpu.memory_space<vmem>>, vector<16xf32>,
      %add3A_364 = arith.addf %get3A_360, %get3A_363 : vector<16xf32>
      %max3A_365 = arith.constant 0.000000e+00 : f32
      %max3A_366 = vector.broadcast %max3A_365 : f32 to vector<16xf32>
      %max3A_367 = arith.maximumf %add3A_364, %max3A_366 : vector<16xf32>
      %max3A_368 = arith.maximumf %gather3A_357, %max3A_367 : vector<16xf32>
      tpu.vector_store_idx %arg12[%add3A_356], %max3A_368 : memref<1024xf32, #tpu.memory_space<vmem>>[vector<16xi32>], vector<16xf32>,
      %broadcast_in_dim3A_369 = arith.constant 6 : i32
      %broadcast_in_dim3A_370 = vector.broadcast %broadcast_in_dim3A_369 : i32 to vector<16xi32>
      %lt3A_371 = arith.constant 0 : i32
      %lt3A_372 = vector.broadcast %lt3A_371 : i32 to vector<16xi32>
      %lt3A_373 = arith.cmpi slt, %broadcast_in_dim3A_370, %lt3A_372 : vector<16xi32>
      %add3A_374 = arith.constant 16 : i32
      %add3A_375 = vector.broadcast %add3A_374 : i32 to vector<16xi32>
      %add3A_376 = arith.addi %broadcast_in_dim3A_370, %add3A_375 : vector<16xi32>
      %select_n3A_377 = arith.select %lt3A_373, %add3A_376, %broadcast_in_dim3A_370 : vector<16xi1>, vector<16xi32>
      %broadcast_in_dim3A_378 = vector.shape_cast %select_n3A_377 : vector<16xi32> to vector<16x1xi32>
      %gather3A_379 = vector.shape_cast %broadcast_in_dim3A_378 : vector<16x1xi32> to vector<16xi32>
      %gather3A_380 = tpu.dynamic_gather %get3A_162[%gather3A_379] in [0] : vector<16xi32>, vector<16xi32> -> vector<16xi32>
      %mul3A_381 = arith.constant 16 : i32
      %mul3A_382 = arith.muli %scan3A_159, %mul3A_381 : i32
      %add3A_383 = arith.constant 6 : i32
      %add3A_384 = arith.addi %mul3A_382, %add3A_383 : i32
      %mul3A_385 = arith.constant 16 : i32
      %mul3A_386 = vector.broadcast %mul3A_385 : i32 to vector<16xi32>
      %mul3A_387 = arith.muli %gather3A_380, %mul3A_386 : vector<16xi32>
      %add3A_388 = arith.constant 0 : i32
      %add3A_389 = vector.broadcast %add3A_388 : i32 to vector<16xi32>
      %add3A_390 = arith.addi %mul3A_387, %add3A_389 : vector<16xi32>
      %add3A_391 = arith.addi %add3A_390, %iota3A : vector<16xi32>
      %gather3A_392 = tpu.vector_load_idx %arg12[%add3A_391] : memref<1024xf32, #tpu.memory_space<vmem>>[vector<16xi32>], vector<16xf32>,
      %get3A_393 = arith.index_cast %add3A_384 : i32 to index
      %get3A_394 = arith.constant 0 : index
      %get3A_395 = tpu.vector_load %arg10[%get3A_393, %get3A_394] {strides = array<i32>} : memref<320x16xf32, #tpu.memory_space<vmem>>, vector<16xf32>,
      %get3A_396 = arith.index_cast %add3A_384 : i32 to index
      %get3A_397 = arith.constant 0 : index
      %get3A_398 = tpu.vector_load %arg11[%get3A_396, %get3A_397] {strides = array<i32>} : memref<320x16xf32, #tpu.memory_space<vmem>>, vector<16xf32>,
      %add3A_399 = arith.addf %get3A_395, %get3A_398 : vector<16xf32>
      %max3A_400 = arith.constant 0.000000e+00 : f32
      %max3A_401 = vector.broadcast %max3A_400 : f32 to vector<16xf32>
      %max3A_402 = arith.maximumf %add3A_399, %max3A_401 : vector<16xf32>
      %max3A_403 = arith.maximumf %gather3A_392, %max3A_402 : vector<16xf32>
      tpu.vector_store_idx %arg12[%add3A_391], %max3A_403 : memref<1024xf32, #tpu.memory_space<vmem>>[vector<16xi32>], vector<16xf32>,
      %broadcast_in_dim3A_404 = arith.constant 7 : i32
      %broadcast_in_dim3A_405 = vector.broadcast %broadcast_in_dim3A_404 : i32 to vector<16xi32>
      %lt3A_406 = arith.constant 0 : i32
      %lt3A_407 = vector.broadcast %lt3A_406 : i32 to vector<16xi32>
      %lt3A_408 = arith.cmpi slt, %broadcast_in_dim3A_405, %lt3A_407 : vector<16xi32>
      %add3A_409 = arith.constant 16 : i32
      %add3A_410 = vector.broadcast %add3A_409 : i32 to vector<16xi32>
      %add3A_411 = arith.addi %broadcast_in_dim3A_405, %add3A_410 : vector<16xi32>
      %select_n3A_412 = arith.select %lt3A_408, %add3A_411, %broadcast_in_dim3A_405 : vector<16xi1>, vector<16xi32>
      %broadcast_in_dim3A_413 = vector.shape_cast %select_n3A_412 : vector<16xi32> to vector<16x1xi32>
      %gather3A_414 = vector.shape_cast %broadcast_in_dim3A_413 : vector<16x1xi32> to vector<16xi32>
      %gather3A_415 = tpu.dynamic_gather %get3A_162[%gather3A_414] in [0] : vector<16xi32>, vector<16xi32> -> vector<16xi32>
      %mul3A_416 = arith.constant 16 : i32
      %mul3A_417 = arith.muli %scan3A_159, %mul3A_416 : i32
      %add3A_418 = arith.constant 7 : i32
      %add3A_419 = arith.addi %mul3A_417, %add3A_418 : i32
      %mul3A_420 = arith.constant 16 : i32
      %mul3A_421 = vector.broadcast %mul3A_420 : i32 to vector<16xi32>
      %mul3A_422 = arith.muli %gather3A_415, %mul3A_421 : vector<16xi32>
      %add3A_423 = arith.constant 0 : i32
      %add3A_424 = vector.broadcast %add3A_423 : i32 to vector<16xi32>
      %add3A_425 = arith.addi %mul3A_422, %add3A_424 : vector<16xi32>
      %add3A_426 = arith.addi %add3A_425, %iota3A : vector<16xi32>
      %gather3A_427 = tpu.vector_load_idx %arg12[%add3A_426] : memref<1024xf32, #tpu.memory_space<vmem>>[vector<16xi32>], vector<16xf32>,
      %get3A_428 = arith.index_cast %add3A_419 : i32 to index
      %get3A_429 = arith.constant 0 : index
      %get3A_430 = tpu.vector_load %arg10[%get3A_428, %get3A_429] {strides = array<i32>} : memref<320x16xf32, #tpu.memory_space<vmem>>, vector<16xf32>,
      %get3A_431 = arith.index_cast %add3A_419 : i32 to index
      %get3A_432 = arith.constant 0 : index
      %get3A_433 = tpu.vector_load %arg11[%get3A_431, %get3A_432] {strides = array<i32>} : memref<320x16xf32, #tpu.memory_space<vmem>>, vector<16xf32>,
      %add3A_434 = arith.addf %get3A_430, %get3A_433 : vector<16xf32>
      %max3A_435 = arith.constant 0.000000e+00 : f32
      %max3A_436 = vector.broadcast %max3A_435 : f32 to vector<16xf32>
      %max3A_437 = arith.maximumf %add3A_434, %max3A_436 : vector<16xf32>
      %max3A_438 = arith.maximumf %gather3A_427, %max3A_437 : vector<16xf32>
      tpu.vector_store_idx %arg12[%add3A_426], %max3A_438 : memref<1024xf32, #tpu.memory_space<vmem>>[vector<16xi32>], vector<16xf32>,
      %broadcast_in_dim3A_439 = arith.constant 8 : i32
      %broadcast_in_dim3A_440 = vector.broadcast %broadcast_in_dim3A_439 : i32 to vector<16xi32>
      %lt3A_441 = arith.constant 0 : i32
      %lt3A_442 = vector.broadcast %lt3A_441 : i32 to vector<16xi32>
      %lt3A_443 = arith.cmpi slt, %broadcast_in_dim3A_440, %lt3A_442 : vector<16xi32>
      %add3A_444 = arith.constant 16 : i32
      %add3A_445 = vector.broadcast %add3A_444 : i32 to vector<16xi32>
      %add3A_446 = arith.addi %broadcast_in_dim3A_440, %add3A_445 : vector<16xi32>
      %select_n3A_447 = arith.select %lt3A_443, %add3A_446, %broadcast_in_dim3A_440 : vector<16xi1>, vector<16xi32>
      %broadcast_in_dim3A_448 = vector.shape_cast %select_n3A_447 : vector<16xi32> to vector<16x1xi32>
      %gather3A_449 = vector.shape_cast %broadcast_in_dim3A_448 : vector<16x1xi32> to vector<16xi32>
      %gather3A_450 = tpu.dynamic_gather %get3A_162[%gather3A_449] in [0] : vector<16xi32>, vector<16xi32> -> vector<16xi32>
      %mul3A_451 = arith.constant 16 : i32
      %mul3A_452 = arith.muli %scan3A_159, %mul3A_451 : i32
      %add3A_453 = arith.constant 8 : i32
      %add3A_454 = arith.addi %mul3A_452, %add3A_453 : i32
      %mul3A_455 = arith.constant 16 : i32
      %mul3A_456 = vector.broadcast %mul3A_455 : i32 to vector<16xi32>
      %mul3A_457 = arith.muli %gather3A_450, %mul3A_456 : vector<16xi32>
      %add3A_458 = arith.constant 0 : i32
      %add3A_459 = vector.broadcast %add3A_458 : i32 to vector<16xi32>
      %add3A_460 = arith.addi %mul3A_457, %add3A_459 : vector<16xi32>
      %add3A_461 = arith.addi %add3A_460, %iota3A : vector<16xi32>
      %gather3A_462 = tpu.vector_load_idx %arg12[%add3A_461] : memref<1024xf32, #tpu.memory_space<vmem>>[vector<16xi32>], vector<16xf32>,
      %get3A_463 = arith.index_cast %add3A_454 : i32 to index
      %get3A_464 = arith.constant 0 : index
      %get3A_465 = tpu.vector_load %arg10[%get3A_463, %get3A_464] {strides = array<i32>} : memref<320x16xf32, #tpu.memory_space<vmem>>, vector<16xf32>,
      %get3A_466 = arith.index_cast %add3A_454 : i32 to index
      %get3A_467 = arith.constant 0 : index
      %get3A_468 = tpu.vector_load %arg11[%get3A_466, %get3A_467] {strides = array<i32>} : memref<320x16xf32, #tpu.memory_space<vmem>>, vector<16xf32>,
      %add3A_469 = arith.addf %get3A_465, %get3A_468 : vector<16xf32>
      %max3A_470 = arith.constant 0.000000e+00 : f32
      %max3A_471 = vector.broadcast %max3A_470 : f32 to vector<16xf32>
      %max3A_472 = arith.maximumf %add3A_469, %max3A_471 : vector<16xf32>
      %max3A_473 = arith.maximumf %gather3A_462, %max3A_472 : vector<16xf32>
      tpu.vector_store_idx %arg12[%add3A_461], %max3A_473 : memref<1024xf32, #tpu.memory_space<vmem>>[vector<16xi32>], vector<16xf32>,
      %broadcast_in_dim3A_474 = arith.constant 9 : i32
      %broadcast_in_dim3A_475 = vector.broadcast %broadcast_in_dim3A_474 : i32 to vector<16xi32>
      %lt3A_476 = arith.constant 0 : i32
      %lt3A_477 = vector.broadcast %lt3A_476 : i32 to vector<16xi32>
      %lt3A_478 = arith.cmpi slt, %broadcast_in_dim3A_475, %lt3A_477 : vector<16xi32>
      %add3A_479 = arith.constant 16 : i32
      %add3A_480 = vector.broadcast %add3A_479 : i32 to vector<16xi32>
      %add3A_481 = arith.addi %broadcast_in_dim3A_475, %add3A_480 : vector<16xi32>
      %select_n3A_482 = arith.select %lt3A_478, %add3A_481, %broadcast_in_dim3A_475 : vector<16xi1>, vector<16xi32>
      %broadcast_in_dim3A_483 = vector.shape_cast %select_n3A_482 : vector<16xi32> to vector<16x1xi32>
      %gather3A_484 = vector.shape_cast %broadcast_in_dim3A_483 : vector<16x1xi32> to vector<16xi32>
      %gather3A_485 = tpu.dynamic_gather %get3A_162[%gather3A_484] in [0] : vector<16xi32>, vector<16xi32> -> vector<16xi32>
      %mul3A_486 = arith.constant 16 : i32
      %mul3A_487 = arith.muli %scan3A_159, %mul3A_486 : i32
      %add3A_488 = arith.constant 9 : i32
      %add3A_489 = arith.addi %mul3A_487, %add3A_488 : i32
      %mul3A_490 = arith.constant 16 : i32
      %mul3A_491 = vector.broadcast %mul3A_490 : i32 to vector<16xi32>
      %mul3A_492 = arith.muli %gather3A_485, %mul3A_491 : vector<16xi32>
      %add3A_493 = arith.constant 0 : i32
      %add3A_494 = vector.broadcast %add3A_493 : i32 to vector<16xi32>
      %add3A_495 = arith.addi %mul3A_492, %add3A_494 : vector<16xi32>
      %add3A_496 = arith.addi %add3A_495, %iota3A : vector<16xi32>
      %gather3A_497 = tpu.vector_load_idx %arg12[%add3A_496] : memref<1024xf32, #tpu.memory_space<vmem>>[vector<16xi32>], vector<16xf32>,
      %get3A_498 = arith.index_cast %add3A_489 : i32 to index
      %get3A_499 = arith.constant 0 : index
      %get3A_500 = tpu.vector_load %arg10[%get3A_498, %get3A_499] {strides = array<i32>} : memref<320x16xf32, #tpu.memory_space<vmem>>, vector<16xf32>,
      %get3A_501 = arith.index_cast %add3A_489 : i32 to index
      %get3A_502 = arith.constant 0 : index
      %get3A_503 = tpu.vector_load %arg11[%get3A_501, %get3A_502] {strides = array<i32>} : memref<320x16xf32, #tpu.memory_space<vmem>>, vector<16xf32>,
      %add3A_504 = arith.addf %get3A_500, %get3A_503 : vector<16xf32>
      %max3A_505 = arith.constant 0.000000e+00 : f32
      %max3A_506 = vector.broadcast %max3A_505 : f32 to vector<16xf32>
      %max3A_507 = arith.maximumf %add3A_504, %max3A_506 : vector<16xf32>
      %max3A_508 = arith.maximumf %gather3A_497, %max3A_507 : vector<16xf32>
      tpu.vector_store_idx %arg12[%add3A_496], %max3A_508 : memref<1024xf32, #tpu.memory_space<vmem>>[vector<16xi32>], vector<16xf32>,
      %broadcast_in_dim3A_509 = arith.constant 10 : i32
      %broadcast_in_dim3A_510 = vector.broadcast %broadcast_in_dim3A_509 : i32 to vector<16xi32>
      %lt3A_511 = arith.constant 0 : i32
      %lt3A_512 = vector.broadcast %lt3A_511 : i32 to vector<16xi32>
      %lt3A_513 = arith.cmpi slt, %broadcast_in_dim3A_510, %lt3A_512 : vector<16xi32>
      %add3A_514 = arith.constant 16 : i32
      %add3A_515 = vector.broadcast %add3A_514 : i32 to vector<16xi32>
      %add3A_516 = arith.addi %broadcast_in_dim3A_510, %add3A_515 : vector<16xi32>
      %select_n3A_517 = arith.select %lt3A_513, %add3A_516, %broadcast_in_dim3A_510 : vector<16xi1>, vector<16xi32>
      %broadcast_in_dim3A_518 = vector.shape_cast %select_n3A_517 : vector<16xi32> to vector<16x1xi32>
      %gather3A_519 = vector.shape_cast %broadcast_in_dim3A_518 : vector<16x1xi32> to vector<16xi32>
      %gather3A_520 = tpu.dynamic_gather %get3A_162[%gather3A_519] in [0] : vector<16xi32>, vector<16xi32> -> vector<16xi32>
      %mul3A_521 = arith.constant 16 : i32
      %mul3A_522 = arith.muli %scan3A_159, %mul3A_521 : i32
      %add3A_523 = arith.constant 10 : i32
      %add3A_524 = arith.addi %mul3A_522, %add3A_523 : i32
      %mul3A_525 = arith.constant 16 : i32
      %mul3A_526 = vector.broadcast %mul3A_525 : i32 to vector<16xi32>
      %mul3A_527 = arith.muli %gather3A_520, %mul3A_526 : vector<16xi32>
      %add3A_528 = arith.constant 0 : i32
      %add3A_529 = vector.broadcast %add3A_528 : i32 to vector<16xi32>
      %add3A_530 = arith.addi %mul3A_527, %add3A_529 : vector<16xi32>
      %add3A_531 = arith.addi %add3A_530, %iota3A : vector<16xi32>
      %gather3A_532 = tpu.vector_load_idx %arg12[%add3A_531] : memref<1024xf32, #tpu.memory_space<vmem>>[vector<16xi32>], vector<16xf32>,
      %get3A_533 = arith.index_cast %add3A_524 : i32 to index
      %get3A_534 = arith.constant 0 : index
      %get3A_535 = tpu.vector_load %arg10[%get3A_533, %get3A_534] {strides = array<i32>} : memref<320x16xf32, #tpu.memory_space<vmem>>, vector<16xf32>,
      %get3A_536 = arith.index_cast %add3A_524 : i32 to index
      %get3A_537 = arith.constant 0 : index
      %get3A_538 = tpu.vector_load %arg11[%get3A_536, %get3A_537] {strides = array<i32>} : memref<320x16xf32, #tpu.memory_space<vmem>>, vector<16xf32>,
      %add3A_539 = arith.addf %get3A_535, %get3A_538 : vector<16xf32>
      %max3A_540 = arith.constant 0.000000e+00 : f32
      %max3A_541 = vector.broadcast %max3A_540 : f32 to vector<16xf32>
      %max3A_542 = arith.maximumf %add3A_539, %max3A_541 : vector<16xf32>
      %max3A_543 = arith.maximumf %gather3A_532, %max3A_542 : vector<16xf32>
      tpu.vector_store_idx %arg12[%add3A_531], %max3A_543 : memref<1024xf32, #tpu.memory_space<vmem>>[vector<16xi32>], vector<16xf32>,
      %broadcast_in_dim3A_544 = arith.constant 11 : i32
      %broadcast_in_dim3A_545 = vector.broadcast %broadcast_in_dim3A_544 : i32 to vector<16xi32>
      %lt3A_546 = arith.constant 0 : i32
      %lt3A_547 = vector.broadcast %lt3A_546 : i32 to vector<16xi32>
      %lt3A_548 = arith.cmpi slt, %broadcast_in_dim3A_545, %lt3A_547 : vector<16xi32>
      %add3A_549 = arith.constant 16 : i32
      %add3A_550 = vector.broadcast %add3A_549 : i32 to vector<16xi32>
      %add3A_551 = arith.addi %broadcast_in_dim3A_545, %add3A_550 : vector<16xi32>
      %select_n3A_552 = arith.select %lt3A_548, %add3A_551, %broadcast_in_dim3A_545 : vector<16xi1>, vector<16xi32>
      %broadcast_in_dim3A_553 = vector.shape_cast %select_n3A_552 : vector<16xi32> to vector<16x1xi32>
      %gather3A_554 = vector.shape_cast %broadcast_in_dim3A_553 : vector<16x1xi32> to vector<16xi32>
      %gather3A_555 = tpu.dynamic_gather %get3A_162[%gather3A_554] in [0] : vector<16xi32>, vector<16xi32> -> vector<16xi32>
      %mul3A_556 = arith.constant 16 : i32
      %mul3A_557 = arith.muli %scan3A_159, %mul3A_556 : i32
      %add3A_558 = arith.constant 11 : i32
      %add3A_559 = arith.addi %mul3A_557, %add3A_558 : i32
      %mul3A_560 = arith.constant 16 : i32
      %mul3A_561 = vector.broadcast %mul3A_560 : i32 to vector<16xi32>
      %mul3A_562 = arith.muli %gather3A_555, %mul3A_561 : vector<16xi32>
      %add3A_563 = arith.constant 0 : i32
      %add3A_564 = vector.broadcast %add3A_563 : i32 to vector<16xi32>
      %add3A_565 = arith.addi %mul3A_562, %add3A_564 : vector<16xi32>
      %add3A_566 = arith.addi %add3A_565, %iota3A : vector<16xi32>
      %gather3A_567 = tpu.vector_load_idx %arg12[%add3A_566] : memref<1024xf32, #tpu.memory_space<vmem>>[vector<16xi32>], vector<16xf32>,
      %get3A_568 = arith.index_cast %add3A_559 : i32 to index
      %get3A_569 = arith.constant 0 : index
      %get3A_570 = tpu.vector_load %arg10[%get3A_568, %get3A_569] {strides = array<i32>} : memref<320x16xf32, #tpu.memory_space<vmem>>, vector<16xf32>,
      %get3A_571 = arith.index_cast %add3A_559 : i32 to index
      %get3A_572 = arith.constant 0 : index
      %get3A_573 = tpu.vector_load %arg11[%get3A_571, %get3A_572] {strides = array<i32>} : memref<320x16xf32, #tpu.memory_space<vmem>>, vector<16xf32>,
      %add3A_574 = arith.addf %get3A_570, %get3A_573 : vector<16xf32>
      %max3A_575 = arith.constant 0.000000e+00 : f32
      %max3A_576 = vector.broadcast %max3A_575 : f32 to vector<16xf32>
      %max3A_577 = arith.maximumf %add3A_574, %max3A_576 : vector<16xf32>
      %max3A_578 = arith.maximumf %gather3A_567, %max3A_577 : vector<16xf32>
      tpu.vector_store_idx %arg12[%add3A_566], %max3A_578 : memref<1024xf32, #tpu.memory_space<vmem>>[vector<16xi32>], vector<16xf32>,
      %broadcast_in_dim3A_579 = arith.constant 12 : i32
      %broadcast_in_dim3A_580 = vector.broadcast %broadcast_in_dim3A_579 : i32 to vector<16xi32>
      %lt3A_581 = arith.constant 0 : i32
      %lt3A_582 = vector.broadcast %lt3A_581 : i32 to vector<16xi32>
      %lt3A_583 = arith.cmpi slt, %broadcast_in_dim3A_580, %lt3A_582 : vector<16xi32>
      %add3A_584 = arith.constant 16 : i32
      %add3A_585 = vector.broadcast %add3A_584 : i32 to vector<16xi32>
      %add3A_586 = arith.addi %broadcast_in_dim3A_580, %add3A_585 : vector<16xi32>
      %select_n3A_587 = arith.select %lt3A_583, %add3A_586, %broadcast_in_dim3A_580 : vector<16xi1>, vector<16xi32>
      %broadcast_in_dim3A_588 = vector.shape_cast %select_n3A_587 : vector<16xi32> to vector<16x1xi32>
      %gather3A_589 = vector.shape_cast %broadcast_in_dim3A_588 : vector<16x1xi32> to vector<16xi32>
      %gather3A_590 = tpu.dynamic_gather %get3A_162[%gather3A_589] in [0] : vector<16xi32>, vector<16xi32> -> vector<16xi32>
      %mul3A_591 = arith.constant 16 : i32
      %mul3A_592 = arith.muli %scan3A_159, %mul3A_591 : i32
      %add3A_593 = arith.constant 12 : i32
      %add3A_594 = arith.addi %mul3A_592, %add3A_593 : i32
      %mul3A_595 = arith.constant 16 : i32
      %mul3A_596 = vector.broadcast %mul3A_595 : i32 to vector<16xi32>
      %mul3A_597 = arith.muli %gather3A_590, %mul3A_596 : vector<16xi32>
      %add3A_598 = arith.constant 0 : i32
      %add3A_599 = vector.broadcast %add3A_598 : i32 to vector<16xi32>
      %add3A_600 = arith.addi %mul3A_597, %add3A_599 : vector<16xi32>
      %add3A_601 = arith.addi %add3A_600, %iota3A : vector<16xi32>
      %gather3A_602 = tpu.vector_load_idx %arg12[%add3A_601] : memref<1024xf32, #tpu.memory_space<vmem>>[vector<16xi32>], vector<16xf32>,
      %get3A_603 = arith.index_cast %add3A_594 : i32 to index
      %get3A_604 = arith.constant 0 : index
      %get3A_605 = tpu.vector_load %arg10[%get3A_603, %get3A_604] {strides = array<i32>} : memref<320x16xf32, #tpu.memory_space<vmem>>, vector<16xf32>,
      %get3A_606 = arith.index_cast %add3A_594 : i32 to index
      %get3A_607 = arith.constant 0 : index
      %get3A_608 = tpu.vector_load %arg11[%get3A_606, %get3A_607] {strides = array<i32>} : memref<320x16xf32, #tpu.memory_space<vmem>>, vector<16xf32>,
      %add3A_609 = arith.addf %get3A_605, %get3A_608 : vector<16xf32>
      %max3A_610 = arith.constant 0.000000e+00 : f32
      %max3A_611 = vector.broadcast %max3A_610 : f32 to vector<16xf32>
      %max3A_612 = arith.maximumf %add3A_609, %max3A_611 : vector<16xf32>
      %max3A_613 = arith.maximumf %gather3A_602, %max3A_612 : vector<16xf32>
      tpu.vector_store_idx %arg12[%add3A_601], %max3A_613 : memref<1024xf32, #tpu.memory_space<vmem>>[vector<16xi32>], vector<16xf32>,
      %broadcast_in_dim3A_614 = arith.constant 13 : i32
      %broadcast_in_dim3A_615 = vector.broadcast %broadcast_in_dim3A_614 : i32 to vector<16xi32>
      %lt3A_616 = arith.constant 0 : i32
      %lt3A_617 = vector.broadcast %lt3A_616 : i32 to vector<16xi32>
      %lt3A_618 = arith.cmpi slt, %broadcast_in_dim3A_615, %lt3A_617 : vector<16xi32>
      %add3A_619 = arith.constant 16 : i32
      %add3A_620 = vector.broadcast %add3A_619 : i32 to vector<16xi32>
      %add3A_621 = arith.addi %broadcast_in_dim3A_615, %add3A_620 : vector<16xi32>
      %select_n3A_622 = arith.select %lt3A_618, %add3A_621, %broadcast_in_dim3A_615 : vector<16xi1>, vector<16xi32>
      %broadcast_in_dim3A_623 = vector.shape_cast %select_n3A_622 : vector<16xi32> to vector<16x1xi32>
      %gather3A_624 = vector.shape_cast %broadcast_in_dim3A_623 : vector<16x1xi32> to vector<16xi32>
      %gather3A_625 = tpu.dynamic_gather %get3A_162[%gather3A_624] in [0] : vector<16xi32>, vector<16xi32> -> vector<16xi32>
      %mul3A_626 = arith.constant 16 : i32
      %mul3A_627 = arith.muli %scan3A_159, %mul3A_626 : i32
      %add3A_628 = arith.constant 13 : i32
      %add3A_629 = arith.addi %mul3A_627, %add3A_628 : i32
      %mul3A_630 = arith.constant 16 : i32
      %mul3A_631 = vector.broadcast %mul3A_630 : i32 to vector<16xi32>
      %mul3A_632 = arith.muli %gather3A_625, %mul3A_631 : vector<16xi32>
      %add3A_633 = arith.constant 0 : i32
      %add3A_634 = vector.broadcast %add3A_633 : i32 to vector<16xi32>
      %add3A_635 = arith.addi %mul3A_632, %add3A_634 : vector<16xi32>
      %add3A_636 = arith.addi %add3A_635, %iota3A : vector<16xi32>
      %gather3A_637 = tpu.vector_load_idx %arg12[%add3A_636] : memref<1024xf32, #tpu.memory_space<vmem>>[vector<16xi32>], vector<16xf32>,
      %get3A_638 = arith.index_cast %add3A_629 : i32 to index
      %get3A_639 = arith.constant 0 : index
      %get3A_640 = tpu.vector_load %arg10[%get3A_638, %get3A_639] {strides = array<i32>} : memref<320x16xf32, #tpu.memory_space<vmem>>, vector<16xf32>,
      %get3A_641 = arith.index_cast %add3A_629 : i32 to index
      %get3A_642 = arith.constant 0 : index
      %get3A_643 = tpu.vector_load %arg11[%get3A_641, %get3A_642] {strides = array<i32>} : memref<320x16xf32, #tpu.memory_space<vmem>>, vector<16xf32>,
      %add3A_644 = arith.addf %get3A_640, %get3A_643 : vector<16xf32>
      %max3A_645 = arith.constant 0.000000e+00 : f32
      %max3A_646 = vector.broadcast %max3A_645 : f32 to vector<16xf32>
      %max3A_647 = arith.maximumf %add3A_644, %max3A_646 : vector<16xf32>
      %max3A_648 = arith.maximumf %gather3A_637, %max3A_647 : vector<16xf32>
      tpu.vector_store_idx %arg12[%add3A_636], %max3A_648 : memref<1024xf32, #tpu.memory_space<vmem>>[vector<16xi32>], vector<16xf32>,
      %broadcast_in_dim3A_649 = arith.constant 14 : i32
      %broadcast_in_dim3A_650 = vector.broadcast %broadcast_in_dim3A_649 : i32 to vector<16xi32>
      %lt3A_651 = arith.constant 0 : i32
      %lt3A_652 = vector.broadcast %lt3A_651 : i32 to vector<16xi32>
      %lt3A_653 = arith.cmpi slt, %broadcast_in_dim3A_650, %lt3A_652 : vector<16xi32>
      %add3A_654 = arith.constant 16 : i32
      %add3A_655 = vector.broadcast %add3A_654 : i32 to vector<16xi32>
      %add3A_656 = arith.addi %broadcast_in_dim3A_650, %add3A_655 : vector<16xi32>
      %select_n3A_657 = arith.select %lt3A_653, %add3A_656, %broadcast_in_dim3A_650 : vector<16xi1>, vector<16xi32>
      %broadcast_in_dim3A_658 = vector.shape_cast %select_n3A_657 : vector<16xi32> to vector<16x1xi32>
      %gather3A_659 = vector.shape_cast %broadcast_in_dim3A_658 : vector<16x1xi32> to vector<16xi32>
      %gather3A_660 = tpu.dynamic_gather %get3A_162[%gather3A_659] in [0] : vector<16xi32>, vector<16xi32> -> vector<16xi32>
      %mul3A_661 = arith.constant 16 : i32
      %mul3A_662 = arith.muli %scan3A_159, %mul3A_661 : i32
      %add3A_663 = arith.constant 14 : i32
      %add3A_664 = arith.addi %mul3A_662, %add3A_663 : i32
      %mul3A_665 = arith.constant 16 : i32
      %mul3A_666 = vector.broadcast %mul3A_665 : i32 to vector<16xi32>
      %mul3A_667 = arith.muli %gather3A_660, %mul3A_666 : vector<16xi32>
      %add3A_668 = arith.constant 0 : i32
      %add3A_669 = vector.broadcast %add3A_668 : i32 to vector<16xi32>
      %add3A_670 = arith.addi %mul3A_667, %add3A_669 : vector<16xi32>
      %add3A_671 = arith.addi %add3A_670, %iota3A : vector<16xi32>
      %gather3A_672 = tpu.vector_load_idx %arg12[%add3A_671] : memref<1024xf32, #tpu.memory_space<vmem>>[vector<16xi32>], vector<16xf32>,
      %get3A_673 = arith.index_cast %add3A_664 : i32 to index
      %get3A_674 = arith.constant 0 : index
      %get3A_675 = tpu.vector_load %arg10[%get3A_673, %get3A_674] {strides = array<i32>} : memref<320x16xf32, #tpu.memory_space<vmem>>, vector<16xf32>,
      %get3A_676 = arith.index_cast %add3A_664 : i32 to index
      %get3A_677 = arith.constant 0 : index
      %get3A_678 = tpu.vector_load %arg11[%get3A_676, %get3A_677] {strides = array<i32>} : memref<320x16xf32, #tpu.memory_space<vmem>>, vector<16xf32>,
      %add3A_679 = arith.addf %get3A_675, %get3A_678 : vector<16xf32>
      %max3A_680 = arith.constant 0.000000e+00 : f32
      %max3A_681 = vector.broadcast %max3A_680 : f32 to vector<16xf32>
      %max3A_682 = arith.maximumf %add3A_679, %max3A_681 : vector<16xf32>
      %max3A_683 = arith.maximumf %gather3A_672, %max3A_682 : vector<16xf32>
      tpu.vector_store_idx %arg12[%add3A_671], %max3A_683 : memref<1024xf32, #tpu.memory_space<vmem>>[vector<16xi32>], vector<16xf32>,
      %broadcast_in_dim3A_684 = arith.constant 15 : i32
      %broadcast_in_dim3A_685 = vector.broadcast %broadcast_in_dim3A_684 : i32 to vector<16xi32>
      %lt3A_686 = arith.constant 0 : i32
      %lt3A_687 = vector.broadcast %lt3A_686 : i32 to vector<16xi32>
      %lt3A_688 = arith.cmpi slt, %broadcast_in_dim3A_685, %lt3A_687 : vector<16xi32>
      %add3A_689 = arith.constant 16 : i32
      %add3A_690 = vector.broadcast %add3A_689 : i32 to vector<16xi32>
      %add3A_691 = arith.addi %broadcast_in_dim3A_685, %add3A_690 : vector<16xi32>
      %select_n3A_692 = arith.select %lt3A_688, %add3A_691, %broadcast_in_dim3A_685 : vector<16xi1>, vector<16xi32>
      %broadcast_in_dim3A_693 = vector.shape_cast %select_n3A_692 : vector<16xi32> to vector<16x1xi32>
      %gather3A_694 = vector.shape_cast %broadcast_in_dim3A_693 : vector<16x1xi32> to vector<16xi32>
      %gather3A_695 = tpu.dynamic_gather %get3A_162[%gather3A_694] in [0] : vector<16xi32>, vector<16xi32> -> vector<16xi32>
      %mul3A_696 = arith.constant 16 : i32
      %mul3A_697 = arith.muli %scan3A_159, %mul3A_696 : i32
      %add3A_698 = arith.constant 15 : i32
      %add3A_699 = arith.addi %mul3A_697, %add3A_698 : i32
      %mul3A_700 = arith.constant 16 : i32
      %mul3A_701 = vector.broadcast %mul3A_700 : i32 to vector<16xi32>
      %mul3A_702 = arith.muli %gather3A_695, %mul3A_701 : vector<16xi32>
      %add3A_703 = arith.constant 0 : i32
      %add3A_704 = vector.broadcast %add3A_703 : i32 to vector<16xi32>
      %add3A_705 = arith.addi %mul3A_702, %add3A_704 : vector<16xi32>
      %add3A_706 = arith.addi %add3A_705, %iota3A : vector<16xi32>
      %gather3A_707 = tpu.vector_load_idx %arg12[%add3A_706] : memref<1024xf32, #tpu.memory_space<vmem>>[vector<16xi32>], vector<16xf32>,
      %get3A_708 = arith.index_cast %add3A_699 : i32 to index
      %get3A_709 = arith.constant 0 : index
      %get3A_710 = tpu.vector_load %arg10[%get3A_708, %get3A_709] {strides = array<i32>} : memref<320x16xf32, #tpu.memory_space<vmem>>, vector<16xf32>,
      %get3A_711 = arith.index_cast %add3A_699 : i32 to index
      %get3A_712 = arith.constant 0 : index
      %get3A_713 = tpu.vector_load %arg11[%get3A_711, %get3A_712] {strides = array<i32>} : memref<320x16xf32, #tpu.memory_space<vmem>>, vector<16xf32>,
      %add3A_714 = arith.addf %get3A_710, %get3A_713 : vector<16xf32>
      %max3A_715 = arith.constant 0.000000e+00 : f32
      %max3A_716 = vector.broadcast %max3A_715 : f32 to vector<16xf32>
      %max3A_717 = arith.maximumf %add3A_714, %max3A_716 : vector<16xf32>
      %max3A_718 = arith.maximumf %gather3A_707, %max3A_717 : vector<16xf32>
      tpu.vector_store_idx %arg12[%add3A_706], %max3A_718 : memref<1024xf32, #tpu.memory_space<vmem>>[vector<16xi32>], vector<16xf32>,
    }
    %scan3A_149 = arith.constant 20 : i32
    "tpu.region"() ({
      %run_scoped3A = tpu.sem_alloc : memref<!tpu.dma_semaphore, #tpu.memory_space<semaphore_mem>>
      tpu.enqueue_dma source(%arg4 : memref<16x32xf32, #tpu.memory_space<hbm>>) target(%arg13 : memref<16x32xf32, #tpu.memory_space<vmem>>) target_semaphore(%run_scoped3A : memref<!tpu.dma_semaphore, #tpu.memory_space<semaphore_mem>>)
      tpu.wait_dma2 semaphore(%run_scoped3A : memref<!tpu.dma_semaphore, #tpu.memory_space<semaphore_mem>>) src(%arg4 : memref<16x32xf32, #tpu.memory_space<hbm>>) dst(%arg13 : memref<16x32xf32, #tpu.memory_space<vmem>>)
      tpu.yield
    }) : () -> ()
    %scan3A_150 = arith.constant 0 : i32
    %scan3A_151 = arith.constant 63 : i32
    %scan3A_152 = arith.addi %scan3A_150, %scan3A_151 : i32
    %scan3A_153 = arith.constant 1 : i32
    scf.for %scan3A_159 = %scan3A_150 to %scan3A_152 step %scan3A_153  : i32 {
      %broadcast_in_dim3A_160 = arith.constant 0.000000e+00 : f32
      %broadcast_in_dim3A_161 = vector.broadcast %broadcast_in_dim3A_160 : f32 to vector<16xf32>
      %broadcast_in_dim3A_162 = arith.constant 0.000000e+00 : f32
      %broadcast_in_dim3A_163 = vector.broadcast %broadcast_in_dim3A_162 : f32 to vector<16xf32>
      %broadcast_in_dim3A_164 = arith.constant 0 : i32
      %broadcast_in_dim3A_165 = vector.broadcast %broadcast_in_dim3A_164 : i32 to vector<16xi32>
      %mul3A_166 = arith.constant 16 : i32
      %mul3A_167 = arith.muli %scan3A_159, %mul3A_166 : i32
      %add3A_168 = arith.constant 0 : i32
      %add3A_169 = arith.addi %mul3A_167, %add3A_168 : i32
      %add3A_170 = vector.broadcast %add3A_169 : i32 to vector<16xi32>
      %add3A_171 = arith.addi %broadcast_in_dim3A_165, %add3A_170 : vector<16xi32>
      %gather3A = tpu.vector_load_idx %arg12[%add3A_171] : memref<1024xf32, #tpu.memory_space<vmem>>[vector<16xi32>], vector<16xf32>,
      %get3A = arith.constant 0 : i32
      %get3A_172 = arith.index_cast %get3A : i32 to index
      %get3A_173 = arith.constant 0 : index
      %get3A_174 = tpu.vector_load %arg13[%get3A_172, %get3A_173] {strides = array<i32>} : memref<16x32xf32, #tpu.memory_space<vmem>>, vector<16xf32>,
      %mul3A_175 = arith.mulf %gather3A, %get3A_174 : vector<16xf32>
      %add3A_176 = arith.addf %broadcast_in_dim3A_161, %mul3A_175 : vector<16xf32>
      %get3A_177 = arith.constant 0 : i32
      %get3A_178 = arith.index_cast %get3A_177 : i32 to index
      %get3A_179 = arith.constant 16 : index
      %get3A_180 = tpu.vector_load %arg13[%get3A_178, %get3A_179] {strides = array<i32>} : memref<16x32xf32, #tpu.memory_space<vmem>>, vector<16xf32>,
      %mul3A_181 = arith.mulf %gather3A, %get3A_180 : vector<16xf32>
      %add3A_182 = arith.addf %broadcast_in_dim3A_163, %mul3A_181 : vector<16xf32>
      %broadcast_in_dim3A_183 = arith.constant 0 : i32
      %broadcast_in_dim3A_184 = vector.broadcast %broadcast_in_dim3A_183 : i32 to vector<16xi32>
      %mul3A_185 = arith.constant 16 : i32
      %mul3A_186 = arith.muli %scan3A_159, %mul3A_185 : i32
      %add3A_187 = arith.constant 1 : i32
      %add3A_188 = arith.addi %mul3A_186, %add3A_187 : i32
      %add3A_189 = vector.broadcast %add3A_188 : i32 to vector<16xi32>
      %add3A_190 = arith.addi %broadcast_in_dim3A_184, %add3A_189 : vector<16xi32>
      %gather3A_191 = tpu.vector_load_idx %arg12[%add3A_190] : memref<1024xf32, #tpu.memory_space<vmem>>[vector<16xi32>], vector<16xf32>,
      %get3A_192 = arith.constant 1 : i32
      %get3A_193 = arith.index_cast %get3A_192 : i32 to index
      %get3A_194 = arith.constant 0 : index
      %get3A_195 = tpu.vector_load %arg13[%get3A_193, %get3A_194] {strides = array<i32>} : memref<16x32xf32, #tpu.memory_space<vmem>>, vector<16xf32>,
      %mul3A_196 = arith.mulf %gather3A_191, %get3A_195 : vector<16xf32>
      %add3A_197 = arith.addf %add3A_176, %mul3A_196 : vector<16xf32>
      %get3A_198 = arith.constant 1 : i32
      %get3A_199 = arith.index_cast %get3A_198 : i32 to index
      %get3A_200 = arith.constant 16 : index
      %get3A_201 = tpu.vector_load %arg13[%get3A_199, %get3A_200] {strides = array<i32>} : memref<16x32xf32, #tpu.memory_space<vmem>>, vector<16xf32>,
      %mul3A_202 = arith.mulf %gather3A_191, %get3A_201 : vector<16xf32>
      %add3A_203 = arith.addf %add3A_182, %mul3A_202 : vector<16xf32>
      %broadcast_in_dim3A_204 = arith.constant 0 : i32
      %broadcast_in_dim3A_205 = vector.broadcast %broadcast_in_dim3A_204 : i32 to vector<16xi32>
      %mul3A_206 = arith.constant 16 : i32
      %mul3A_207 = arith.muli %scan3A_159, %mul3A_206 : i32
      %add3A_208 = arith.constant 2 : i32
      %add3A_209 = arith.addi %mul3A_207, %add3A_208 : i32
      %add3A_210 = vector.broadcast %add3A_209 : i32 to vector<16xi32>
      %add3A_211 = arith.addi %broadcast_in_dim3A_205, %add3A_210 : vector<16xi32>
      %gather3A_212 = tpu.vector_load_idx %arg12[%add3A_211] : memref<1024xf32, #tpu.memory_space<vmem>>[vector<16xi32>], vector<16xf32>,
      %get3A_213 = arith.constant 2 : i32
      %get3A_214 = arith.index_cast %get3A_213 : i32 to index
      %get3A_215 = arith.constant 0 : index
      %get3A_216 = tpu.vector_load %arg13[%get3A_214, %get3A_215] {strides = array<i32>} : memref<16x32xf32, #tpu.memory_space<vmem>>, vector<16xf32>,
      %mul3A_217 = arith.mulf %gather3A_212, %get3A_216 : vector<16xf32>
      %add3A_218 = arith.addf %add3A_197, %mul3A_217 : vector<16xf32>
      %get3A_219 = arith.constant 2 : i32
      %get3A_220 = arith.index_cast %get3A_219 : i32 to index
      %get3A_221 = arith.constant 16 : index
      %get3A_222 = tpu.vector_load %arg13[%get3A_220, %get3A_221] {strides = array<i32>} : memref<16x32xf32, #tpu.memory_space<vmem>>, vector<16xf32>,
      %mul3A_223 = arith.mulf %gather3A_212, %get3A_222 : vector<16xf32>
      %add3A_224 = arith.addf %add3A_203, %mul3A_223 : vector<16xf32>
      %broadcast_in_dim3A_225 = arith.constant 0 : i32
      %broadcast_in_dim3A_226 = vector.broadcast %broadcast_in_dim3A_225 : i32 to vector<16xi32>
      %mul3A_227 = arith.constant 16 : i32
      %mul3A_228 = arith.muli %scan3A_159, %mul3A_227 : i32
      %add3A_229 = arith.constant 3 : i32
      %add3A_230 = arith.addi %mul3A_228, %add3A_229 : i32
      %add3A_231 = vector.broadcast %add3A_230 : i32 to vector<16xi32>
      %add3A_232 = arith.addi %broadcast_in_dim3A_226, %add3A_231 : vector<16xi32>
      %gather3A_233 = tpu.vector_load_idx %arg12[%add3A_232] : memref<1024xf32, #tpu.memory_space<vmem>>[vector<16xi32>], vector<16xf32>,
      %get3A_234 = arith.constant 3 : i32
      %get3A_235 = arith.index_cast %get3A_234 : i32 to index
      %get3A_236 = arith.constant 0 : index
      %get3A_237 = tpu.vector_load %arg13[%get3A_235, %get3A_236] {strides = array<i32>} : memref<16x32xf32, #tpu.memory_space<vmem>>, vector<16xf32>,
      %mul3A_238 = arith.mulf %gather3A_233, %get3A_237 : vector<16xf32>
      %add3A_239 = arith.addf %add3A_218, %mul3A_238 : vector<16xf32>
      %get3A_240 = arith.constant 3 : i32
      %get3A_241 = arith.index_cast %get3A_240 : i32 to index
      %get3A_242 = arith.constant 16 : index
      %get3A_243 = tpu.vector_load %arg13[%get3A_241, %get3A_242] {strides = array<i32>} : memref<16x32xf32, #tpu.memory_space<vmem>>, vector<16xf32>,
      %mul3A_244 = arith.mulf %gather3A_233, %get3A_243 : vector<16xf32>
      %add3A_245 = arith.addf %add3A_224, %mul3A_244 : vector<16xf32>
      %broadcast_in_dim3A_246 = arith.constant 0 : i32
      %broadcast_in_dim3A_247 = vector.broadcast %broadcast_in_dim3A_246 : i32 to vector<16xi32>
      %mul3A_248 = arith.constant 16 : i32
      %mul3A_249 = arith.muli %scan3A_159, %mul3A_248 : i32
      %add3A_250 = arith.constant 4 : i32
      %add3A_251 = arith.addi %mul3A_249, %add3A_250 : i32
      %add3A_252 = vector.broadcast %add3A_251 : i32 to vector<16xi32>
      %add3A_253 = arith.addi %broadcast_in_dim3A_247, %add3A_252 : vector<16xi32>
      %gather3A_254 = tpu.vector_load_idx %arg12[%add3A_253] : memref<1024xf32, #tpu.memory_space<vmem>>[vector<16xi32>], vector<16xf32>,
      %get3A_255 = arith.constant 4 : i32
      %get3A_256 = arith.index_cast %get3A_255 : i32 to index
      %get3A_257 = arith.constant 0 : index
      %get3A_258 = tpu.vector_load %arg13[%get3A_256, %get3A_257] {strides = array<i32>} : memref<16x32xf32, #tpu.memory_space<vmem>>, vector<16xf32>,
      %mul3A_259 = arith.mulf %gather3A_254, %get3A_258 : vector<16xf32>
      %add3A_260 = arith.addf %add3A_239, %mul3A_259 : vector<16xf32>
      %get3A_261 = arith.constant 4 : i32
      %get3A_262 = arith.index_cast %get3A_261 : i32 to index
      %get3A_263 = arith.constant 16 : index
      %get3A_264 = tpu.vector_load %arg13[%get3A_262, %get3A_263] {strides = array<i32>} : memref<16x32xf32, #tpu.memory_space<vmem>>, vector<16xf32>,
      %mul3A_265 = arith.mulf %gather3A_254, %get3A_264 : vector<16xf32>
      %add3A_266 = arith.addf %add3A_245, %mul3A_265 : vector<16xf32>
      %broadcast_in_dim3A_267 = arith.constant 0 : i32
      %broadcast_in_dim3A_268 = vector.broadcast %broadcast_in_dim3A_267 : i32 to vector<16xi32>
      %mul3A_269 = arith.constant 16 : i32
      %mul3A_270 = arith.muli %scan3A_159, %mul3A_269 : i32
      %add3A_271 = arith.constant 5 : i32
      %add3A_272 = arith.addi %mul3A_270, %add3A_271 : i32
      %add3A_273 = vector.broadcast %add3A_272 : i32 to vector<16xi32>
      %add3A_274 = arith.addi %broadcast_in_dim3A_268, %add3A_273 : vector<16xi32>
      %gather3A_275 = tpu.vector_load_idx %arg12[%add3A_274] : memref<1024xf32, #tpu.memory_space<vmem>>[vector<16xi32>], vector<16xf32>,
      %get3A_276 = arith.constant 5 : i32
      %get3A_277 = arith.index_cast %get3A_276 : i32 to index
      %get3A_278 = arith.constant 0 : index
      %get3A_279 = tpu.vector_load %arg13[%get3A_277, %get3A_278] {strides = array<i32>} : memref<16x32xf32, #tpu.memory_space<vmem>>, vector<16xf32>,
      %mul3A_280 = arith.mulf %gather3A_275, %get3A_279 : vector<16xf32>
      %add3A_281 = arith.addf %add3A_260, %mul3A_280 : vector<16xf32>
      %get3A_282 = arith.constant 5 : i32
      %get3A_283 = arith.index_cast %get3A_282 : i32 to index
      %get3A_284 = arith.constant 16 : index
      %get3A_285 = tpu.vector_load %arg13[%get3A_283, %get3A_284] {strides = array<i32>} : memref<16x32xf32, #tpu.memory_space<vmem>>, vector<16xf32>,
      %mul3A_286 = arith.mulf %gather3A_275, %get3A_285 : vector<16xf32>
      %add3A_287 = arith.addf %add3A_266, %mul3A_286 : vector<16xf32>
      %broadcast_in_dim3A_288 = arith.constant 0 : i32
      %broadcast_in_dim3A_289 = vector.broadcast %broadcast_in_dim3A_288 : i32 to vector<16xi32>
      %mul3A_290 = arith.constant 16 : i32
      %mul3A_291 = arith.muli %scan3A_159, %mul3A_290 : i32
      %add3A_292 = arith.constant 6 : i32
      %add3A_293 = arith.addi %mul3A_291, %add3A_292 : i32
      %add3A_294 = vector.broadcast %add3A_293 : i32 to vector<16xi32>
      %add3A_295 = arith.addi %broadcast_in_dim3A_289, %add3A_294 : vector<16xi32>
      %gather3A_296 = tpu.vector_load_idx %arg12[%add3A_295] : memref<1024xf32, #tpu.memory_space<vmem>>[vector<16xi32>], vector<16xf32>,
      %get3A_297 = arith.constant 6 : i32
      %get3A_298 = arith.index_cast %get3A_297 : i32 to index
      %get3A_299 = arith.constant 0 : index
      %get3A_300 = tpu.vector_load %arg13[%get3A_298, %get3A_299] {strides = array<i32>} : memref<16x32xf32, #tpu.memory_space<vmem>>, vector<16xf32>,
      %mul3A_301 = arith.mulf %gather3A_296, %get3A_300 : vector<16xf32>
      %add3A_302 = arith.addf %add3A_281, %mul3A_301 : vector<16xf32>
      %get3A_303 = arith.constant 6 : i32
      %get3A_304 = arith.index_cast %get3A_303 : i32 to index
      %get3A_305 = arith.constant 16 : index
      %get3A_306 = tpu.vector_load %arg13[%get3A_304, %get3A_305] {strides = array<i32>} : memref<16x32xf32, #tpu.memory_space<vmem>>, vector<16xf32>,
      %mul3A_307 = arith.mulf %gather3A_296, %get3A_306 : vector<16xf32>
      %add3A_308 = arith.addf %add3A_287, %mul3A_307 : vector<16xf32>
      %broadcast_in_dim3A_309 = arith.constant 0 : i32
      %broadcast_in_dim3A_310 = vector.broadcast %broadcast_in_dim3A_309 : i32 to vector<16xi32>
      %mul3A_311 = arith.constant 16 : i32
      %mul3A_312 = arith.muli %scan3A_159, %mul3A_311 : i32
      %add3A_313 = arith.constant 7 : i32
      %add3A_314 = arith.addi %mul3A_312, %add3A_313 : i32
      %add3A_315 = vector.broadcast %add3A_314 : i32 to vector<16xi32>
      %add3A_316 = arith.addi %broadcast_in_dim3A_310, %add3A_315 : vector<16xi32>
      %gather3A_317 = tpu.vector_load_idx %arg12[%add3A_316] : memref<1024xf32, #tpu.memory_space<vmem>>[vector<16xi32>], vector<16xf32>,
      %get3A_318 = arith.constant 7 : i32
      %get3A_319 = arith.index_cast %get3A_318 : i32 to index
      %get3A_320 = arith.constant 0 : index
      %get3A_321 = tpu.vector_load %arg13[%get3A_319, %get3A_320] {strides = array<i32>} : memref<16x32xf32, #tpu.memory_space<vmem>>, vector<16xf32>,
      %mul3A_322 = arith.mulf %gather3A_317, %get3A_321 : vector<16xf32>
      %add3A_323 = arith.addf %add3A_302, %mul3A_322 : vector<16xf32>
      %get3A_324 = arith.constant 7 : i32
      %get3A_325 = arith.index_cast %get3A_324 : i32 to index
      %get3A_326 = arith.constant 16 : index
      %get3A_327 = tpu.vector_load %arg13[%get3A_325, %get3A_326] {strides = array<i32>} : memref<16x32xf32, #tpu.memory_space<vmem>>, vector<16xf32>,
      %mul3A_328 = arith.mulf %gather3A_317, %get3A_327 : vector<16xf32>
      %add3A_329 = arith.addf %add3A_308, %mul3A_328 : vector<16xf32>
      %broadcast_in_dim3A_330 = arith.constant 0 : i32
      %broadcast_in_dim3A_331 = vector.broadcast %broadcast_in_dim3A_330 : i32 to vector<16xi32>
      %mul3A_332 = arith.constant 16 : i32
      %mul3A_333 = arith.muli %scan3A_159, %mul3A_332 : i32
      %add3A_334 = arith.constant 8 : i32
      %add3A_335 = arith.addi %mul3A_333, %add3A_334 : i32
      %add3A_336 = vector.broadcast %add3A_335 : i32 to vector<16xi32>
      %add3A_337 = arith.addi %broadcast_in_dim3A_331, %add3A_336 : vector<16xi32>
      %gather3A_338 = tpu.vector_load_idx %arg12[%add3A_337] : memref<1024xf32, #tpu.memory_space<vmem>>[vector<16xi32>], vector<16xf32>,
      %get3A_339 = arith.constant 8 : i32
      %get3A_340 = arith.index_cast %get3A_339 : i32 to index
      %get3A_341 = arith.constant 0 : index
      %get3A_342 = tpu.vector_load %arg13[%get3A_340, %get3A_341] {strides = array<i32>} : memref<16x32xf32, #tpu.memory_space<vmem>>, vector<16xf32>,
      %mul3A_343 = arith.mulf %gather3A_338, %get3A_342 : vector<16xf32>
      %add3A_344 = arith.addf %add3A_323, %mul3A_343 : vector<16xf32>
      %get3A_345 = arith.constant 8 : i32
      %get3A_346 = arith.index_cast %get3A_345 : i32 to index
      %get3A_347 = arith.constant 16 : index
      %get3A_348 = tpu.vector_load %arg13[%get3A_346, %get3A_347] {strides = array<i32>} : memref<16x32xf32, #tpu.memory_space<vmem>>, vector<16xf32>,
      %mul3A_349 = arith.mulf %gather3A_338, %get3A_348 : vector<16xf32>
      %add3A_350 = arith.addf %add3A_329, %mul3A_349 : vector<16xf32>
      %broadcast_in_dim3A_351 = arith.constant 0 : i32
      %broadcast_in_dim3A_352 = vector.broadcast %broadcast_in_dim3A_351 : i32 to vector<16xi32>
      %mul3A_353 = arith.constant 16 : i32
      %mul3A_354 = arith.muli %scan3A_159, %mul3A_353 : i32
      %add3A_355 = arith.constant 9 : i32
      %add3A_356 = arith.addi %mul3A_354, %add3A_355 : i32
      %add3A_357 = vector.broadcast %add3A_356 : i32 to vector<16xi32>
      %add3A_358 = arith.addi %broadcast_in_dim3A_352, %add3A_357 : vector<16xi32>
      %gather3A_359 = tpu.vector_load_idx %arg12[%add3A_358] : memref<1024xf32, #tpu.memory_space<vmem>>[vector<16xi32>], vector<16xf32>,
      %get3A_360 = arith.constant 9 : i32
      %get3A_361 = arith.index_cast %get3A_360 : i32 to index
      %get3A_362 = arith.constant 0 : index
      %get3A_363 = tpu.vector_load %arg13[%get3A_361, %get3A_362] {strides = array<i32>} : memref<16x32xf32, #tpu.memory_space<vmem>>, vector<16xf32>,
      %mul3A_364 = arith.mulf %gather3A_359, %get3A_363 : vector<16xf32>
      %add3A_365 = arith.addf %add3A_344, %mul3A_364 : vector<16xf32>
      %get3A_366 = arith.constant 9 : i32
      %get3A_367 = arith.index_cast %get3A_366 : i32 to index
      %get3A_368 = arith.constant 16 : index
      %get3A_369 = tpu.vector_load %arg13[%get3A_367, %get3A_368] {strides = array<i32>} : memref<16x32xf32, #tpu.memory_space<vmem>>, vector<16xf32>,
      %mul3A_370 = arith.mulf %gather3A_359, %get3A_369 : vector<16xf32>
      %add3A_371 = arith.addf %add3A_350, %mul3A_370 : vector<16xf32>
      %broadcast_in_dim3A_372 = arith.constant 0 : i32
      %broadcast_in_dim3A_373 = vector.broadcast %broadcast_in_dim3A_372 : i32 to vector<16xi32>
      %mul3A_374 = arith.constant 16 : i32
      %mul3A_375 = arith.muli %scan3A_159, %mul3A_374 : i32
      %add3A_376 = arith.constant 10 : i32
      %add3A_377 = arith.addi %mul3A_375, %add3A_376 : i32
      %add3A_378 = vector.broadcast %add3A_377 : i32 to vector<16xi32>
      %add3A_379 = arith.addi %broadcast_in_dim3A_373, %add3A_378 : vector<16xi32>
      %gather3A_380 = tpu.vector_load_idx %arg12[%add3A_379] : memref<1024xf32, #tpu.memory_space<vmem>>[vector<16xi32>], vector<16xf32>,
      %get3A_381 = arith.constant 10 : i32
      %get3A_382 = arith.index_cast %get3A_381 : i32 to index
      %get3A_383 = arith.constant 0 : index
      %get3A_384 = tpu.vector_load %arg13[%get3A_382, %get3A_383] {strides = array<i32>} : memref<16x32xf32, #tpu.memory_space<vmem>>, vector<16xf32>,
      %mul3A_385 = arith.mulf %gather3A_380, %get3A_384 : vector<16xf32>
      %add3A_386 = arith.addf %add3A_365, %mul3A_385 : vector<16xf32>
      %get3A_387 = arith.constant 10 : i32
      %get3A_388 = arith.index_cast %get3A_387 : i32 to index
      %get3A_389 = arith.constant 16 : index
      %get3A_390 = tpu.vector_load %arg13[%get3A_388, %get3A_389] {strides = array<i32>} : memref<16x32xf32, #tpu.memory_space<vmem>>, vector<16xf32>,
      %mul3A_391 = arith.mulf %gather3A_380, %get3A_390 : vector<16xf32>
      %add3A_392 = arith.addf %add3A_371, %mul3A_391 : vector<16xf32>
      %broadcast_in_dim3A_393 = arith.constant 0 : i32
      %broadcast_in_dim3A_394 = vector.broadcast %broadcast_in_dim3A_393 : i32 to vector<16xi32>
      %mul3A_395 = arith.constant 16 : i32
      %mul3A_396 = arith.muli %scan3A_159, %mul3A_395 : i32
      %add3A_397 = arith.constant 11 : i32
      %add3A_398 = arith.addi %mul3A_396, %add3A_397 : i32
      %add3A_399 = vector.broadcast %add3A_398 : i32 to vector<16xi32>
      %add3A_400 = arith.addi %broadcast_in_dim3A_394, %add3A_399 : vector<16xi32>
      %gather3A_401 = tpu.vector_load_idx %arg12[%add3A_400] : memref<1024xf32, #tpu.memory_space<vmem>>[vector<16xi32>], vector<16xf32>,
      %get3A_402 = arith.constant 11 : i32
      %get3A_403 = arith.index_cast %get3A_402 : i32 to index
      %get3A_404 = arith.constant 0 : index
      %get3A_405 = tpu.vector_load %arg13[%get3A_403, %get3A_404] {strides = array<i32>} : memref<16x32xf32, #tpu.memory_space<vmem>>, vector<16xf32>,
      %mul3A_406 = arith.mulf %gather3A_401, %get3A_405 : vector<16xf32>
      %add3A_407 = arith.addf %add3A_386, %mul3A_406 : vector<16xf32>
      %get3A_408 = arith.constant 11 : i32
      %get3A_409 = arith.index_cast %get3A_408 : i32 to index
      %get3A_410 = arith.constant 16 : index
      %get3A_411 = tpu.vector_load %arg13[%get3A_409, %get3A_410] {strides = array<i32>} : memref<16x32xf32, #tpu.memory_space<vmem>>, vector<16xf32>,
      %mul3A_412 = arith.mulf %gather3A_401, %get3A_411 : vector<16xf32>
      %add3A_413 = arith.addf %add3A_392, %mul3A_412 : vector<16xf32>
      %broadcast_in_dim3A_414 = arith.constant 0 : i32
      %broadcast_in_dim3A_415 = vector.broadcast %broadcast_in_dim3A_414 : i32 to vector<16xi32>
      %mul3A_416 = arith.constant 16 : i32
      %mul3A_417 = arith.muli %scan3A_159, %mul3A_416 : i32
      %add3A_418 = arith.constant 12 : i32
      %add3A_419 = arith.addi %mul3A_417, %add3A_418 : i32
      %add3A_420 = vector.broadcast %add3A_419 : i32 to vector<16xi32>
      %add3A_421 = arith.addi %broadcast_in_dim3A_415, %add3A_420 : vector<16xi32>
      %gather3A_422 = tpu.vector_load_idx %arg12[%add3A_421] : memref<1024xf32, #tpu.memory_space<vmem>>[vector<16xi32>], vector<16xf32>,
      %get3A_423 = arith.constant 12 : i32
      %get3A_424 = arith.index_cast %get3A_423 : i32 to index
      %get3A_425 = arith.constant 0 : index
      %get3A_426 = tpu.vector_load %arg13[%get3A_424, %get3A_425] {strides = array<i32>} : memref<16x32xf32, #tpu.memory_space<vmem>>, vector<16xf32>,
      %mul3A_427 = arith.mulf %gather3A_422, %get3A_426 : vector<16xf32>
      %add3A_428 = arith.addf %add3A_407, %mul3A_427 : vector<16xf32>
      %get3A_429 = arith.constant 12 : i32
      %get3A_430 = arith.index_cast %get3A_429 : i32 to index
      %get3A_431 = arith.constant 16 : index
      %get3A_432 = tpu.vector_load %arg13[%get3A_430, %get3A_431] {strides = array<i32>} : memref<16x32xf32, #tpu.memory_space<vmem>>, vector<16xf32>,
      %mul3A_433 = arith.mulf %gather3A_422, %get3A_432 : vector<16xf32>
      %add3A_434 = arith.addf %add3A_413, %mul3A_433 : vector<16xf32>
      %broadcast_in_dim3A_435 = arith.constant 0 : i32
      %broadcast_in_dim3A_436 = vector.broadcast %broadcast_in_dim3A_435 : i32 to vector<16xi32>
      %mul3A_437 = arith.constant 16 : i32
      %mul3A_438 = arith.muli %scan3A_159, %mul3A_437 : i32
      %add3A_439 = arith.constant 13 : i32
      %add3A_440 = arith.addi %mul3A_438, %add3A_439 : i32
      %add3A_441 = vector.broadcast %add3A_440 : i32 to vector<16xi32>
      %add3A_442 = arith.addi %broadcast_in_dim3A_436, %add3A_441 : vector<16xi32>
      %gather3A_443 = tpu.vector_load_idx %arg12[%add3A_442] : memref<1024xf32, #tpu.memory_space<vmem>>[vector<16xi32>], vector<16xf32>,
      %get3A_444 = arith.constant 13 : i32
      %get3A_445 = arith.index_cast %get3A_444 : i32 to index
      %get3A_446 = arith.constant 0 : index
      %get3A_447 = tpu.vector_load %arg13[%get3A_445, %get3A_446] {strides = array<i32>} : memref<16x32xf32, #tpu.memory_space<vmem>>, vector<16xf32>,
      %mul3A_448 = arith.mulf %gather3A_443, %get3A_447 : vector<16xf32>
      %add3A_449 = arith.addf %add3A_428, %mul3A_448 : vector<16xf32>
      %get3A_450 = arith.constant 13 : i32
      %get3A_451 = arith.index_cast %get3A_450 : i32 to index
      %get3A_452 = arith.constant 16 : index
      %get3A_453 = tpu.vector_load %arg13[%get3A_451, %get3A_452] {strides = array<i32>} : memref<16x32xf32, #tpu.memory_space<vmem>>, vector<16xf32>,
      %mul3A_454 = arith.mulf %gather3A_443, %get3A_453 : vector<16xf32>
      %add3A_455 = arith.addf %add3A_434, %mul3A_454 : vector<16xf32>
      %broadcast_in_dim3A_456 = arith.constant 0 : i32
      %broadcast_in_dim3A_457 = vector.broadcast %broadcast_in_dim3A_456 : i32 to vector<16xi32>
      %mul3A_458 = arith.constant 16 : i32
      %mul3A_459 = arith.muli %scan3A_159, %mul3A_458 : i32
      %add3A_460 = arith.constant 14 : i32
      %add3A_461 = arith.addi %mul3A_459, %add3A_460 : i32
      %add3A_462 = vector.broadcast %add3A_461 : i32 to vector<16xi32>
      %add3A_463 = arith.addi %broadcast_in_dim3A_457, %add3A_462 : vector<16xi32>
      %gather3A_464 = tpu.vector_load_idx %arg12[%add3A_463] : memref<1024xf32, #tpu.memory_space<vmem>>[vector<16xi32>], vector<16xf32>,
      %get3A_465 = arith.constant 14 : i32
      %get3A_466 = arith.index_cast %get3A_465 : i32 to index
      %get3A_467 = arith.constant 0 : index
      %get3A_468 = tpu.vector_load %arg13[%get3A_466, %get3A_467] {strides = array<i32>} : memref<16x32xf32, #tpu.memory_space<vmem>>, vector<16xf32>,
      %mul3A_469 = arith.mulf %gather3A_464, %get3A_468 : vector<16xf32>
      %add3A_470 = arith.addf %add3A_449, %mul3A_469 : vector<16xf32>
      %get3A_471 = arith.constant 14 : i32
      %get3A_472 = arith.index_cast %get3A_471 : i32 to index
      %get3A_473 = arith.constant 16 : index
      %get3A_474 = tpu.vector_load %arg13[%get3A_472, %get3A_473] {strides = array<i32>} : memref<16x32xf32, #tpu.memory_space<vmem>>, vector<16xf32>,
      %mul3A_475 = arith.mulf %gather3A_464, %get3A_474 : vector<16xf32>
      %add3A_476 = arith.addf %add3A_455, %mul3A_475 : vector<16xf32>
      %broadcast_in_dim3A_477 = arith.constant 0 : i32
      %broadcast_in_dim3A_478 = vector.broadcast %broadcast_in_dim3A_477 : i32 to vector<16xi32>
      %mul3A_479 = arith.constant 16 : i32
      %mul3A_480 = arith.muli %scan3A_159, %mul3A_479 : i32
      %add3A_481 = arith.constant 15 : i32
      %add3A_482 = arith.addi %mul3A_480, %add3A_481 : i32
      %add3A_483 = vector.broadcast %add3A_482 : i32 to vector<16xi32>
      %add3A_484 = arith.addi %broadcast_in_dim3A_478, %add3A_483 : vector<16xi32>
      %gather3A_485 = tpu.vector_load_idx %arg12[%add3A_484] : memref<1024xf32, #tpu.memory_space<vmem>>[vector<16xi32>], vector<16xf32>,
      %get3A_486 = arith.constant 15 : i32
      %get3A_487 = arith.index_cast %get3A_486 : i32 to index
      %get3A_488 = arith.constant 0 : index
      %get3A_489 = tpu.vector_load %arg13[%get3A_487, %get3A_488] {strides = array<i32>} : memref<16x32xf32, #tpu.memory_space<vmem>>, vector<16xf32>,
      %mul3A_490 = arith.mulf %gather3A_485, %get3A_489 : vector<16xf32>
      %add3A_491 = arith.addf %add3A_470, %mul3A_490 : vector<16xf32>
      %get3A_492 = arith.constant 15 : i32
      %get3A_493 = arith.index_cast %get3A_492 : i32 to index
      %get3A_494 = arith.constant 16 : index
      %get3A_495 = tpu.vector_load %arg13[%get3A_493, %get3A_494] {strides = array<i32>} : memref<16x32xf32, #tpu.memory_space<vmem>>, vector<16xf32>,
      %mul3A_496 = arith.mulf %gather3A_485, %get3A_495 : vector<16xf32>
      %add3A_497 = arith.addf %add3A_476, %mul3A_496 : vector<16xf32>
      %mul3A_498 = arith.constant 32 : i32
      %mul3A_499 = arith.muli %scan3A_159, %mul3A_498 : i32
      %add3A_500 = arith.constant 0 : i32
      %add3A_501 = arith.addi %mul3A_499, %add3A_500 : i32
      %swap3A = arith.index_cast %add3A_501 : i32 to index
      %swap3A_502 = tpu.vector_load %arg14[%swap3A] {strides = array<i32>} : memref<2016xf32, #tpu.memory_space<vmem>>, vector<16xf32>,
      tpu.vector_store %arg14[%swap3A], %add3A_491 {strides = array<i32>} : memref<2016xf32, #tpu.memory_space<vmem>>, vector<16xf32>,
      %mul3A_503 = arith.constant 32 : i32
      %mul3A_504 = arith.muli %scan3A_159, %mul3A_503 : i32
      %add3A_505 = arith.constant 16 : i32
      %add3A_506 = arith.addi %mul3A_504, %add3A_505 : i32
      %swap3A_507 = arith.index_cast %add3A_506 : i32 to index
      %swap3A_508 = tpu.vector_load %arg14[%swap3A_507] {strides = array<i32>} : memref<2016xf32, #tpu.memory_space<vmem>>, vector<16xf32>,
      tpu.vector_store %arg14[%swap3A_507], %add3A_497 {strides = array<i32>} : memref<2016xf32, #tpu.memory_space<vmem>>, vector<16xf32>,
    }
    %scan3A_154 = arith.constant 63 : i32
    %mul3A_155 = arith.constant 63 : i32
    %mul3A_156 = arith.muli %add3A, %mul3A_155 : i32
    %mul3A_157 = arith.constant 32 : i32
    %mul3A_158 = arith.muli %mul3A_156, %mul3A_157 : i32
    "tpu.region"() ({
      %run_scoped3A = tpu.sem_alloc : memref<!tpu.dma_semaphore, #tpu.memory_space<semaphore_mem>>
      %dma_start3A_159 = tpu.memref_slice %arg5[%mul3A_158] : memref<64512xf32, #tpu.memory_space<hbm>> -> memref<2016xf32, #tpu.memory_space<hbm>>
      %dma_start3A_160 = tpu.memref_slice %arg5[%mul3A_158] : memref<64512xf32, #tpu.memory_space<hbm>> -> memref<2016xf32, #tpu.memory_space<hbm>>
      tpu.enqueue_dma source(%arg14 : memref<2016xf32, #tpu.memory_space<vmem>>) target(%dma_start3A_160 : memref<2016xf32, #tpu.memory_space<hbm>>) target_semaphore(%run_scoped3A : memref<!tpu.dma_semaphore, #tpu.memory_space<semaphore_mem>>)
      %dma_wait3A_161 = tpu.memref_slice %arg5[%mul3A_158] : memref<64512xf32, #tpu.memory_space<hbm>> -> memref<2016xf32, #tpu.memory_space<hbm>>
      %dma_wait3A_162 = tpu.memref_slice %arg5[%mul3A_158] : memref<64512xf32, #tpu.memory_space<hbm>> -> memref<2016xf32, #tpu.memory_space<hbm>>
      tpu.wait_dma2 semaphore(%run_scoped3A : memref<!tpu.dma_semaphore, #tpu.memory_space<semaphore_mem>>) src(%arg14 : memref<2016xf32, #tpu.memory_space<vmem>>) dst(%dma_wait3A_162 : memref<2016xf32, #tpu.memory_space<hbm>>)
      tpu.yield
    }) : () -> ()
    return
  }
}

#map = affine_map<(d0, d1) -> (0, 0)>
#map1 = affine_map<(d0, d1) -> (0)>
module attributes {stable_mosaic.version = 14 : i64} {
  func.func @k(%arg0: i32, %arg1: i32, %arg2: memref<2016x32xf32, #tpu.memory_space<hbm>>, %arg3: memref<10240xi32, #tpu.memory_space<hbm>>, %arg4: memref<32x10112xi32, #tpu.memory_space<hbm>>, %arg5: memref<32x10112xi32, #tpu.memory_space<hbm>>, %arg6: memref<4096x32xf32, #tpu.memory_space<hbm>>, %arg7: memref<10240xi32, #tpu.memory_space<vmem>>, %arg8: memref<10112xi32, #tpu.memory_space<vmem>>, %arg9: memref<10112xi32, #tpu.memory_space<vmem>>, %arg10: memref<79x128xi32, #tpu.memory_space<vmem>>, %arg11: memref<79x128xi32, #tpu.memory_space<vmem>>, %arg12: memref<128x32xf32, #tpu.memory_space<vmem>>, %arg13: memref<128x32xf32, #tpu.memory_space<vmem>>, %arg14: memref<128x32xf32, #tpu.memory_space<vmem>>, %arg15: memref<2048x32xf32, #tpu.memory_space<vmem_shared>>, %arg16: memref<2016x32xf32, #tpu.memory_space<vmem_shared>>, %arg17: memref<!tpu.dma_semaphore, #tpu.memory_space<semaphore_mem>>, %arg18: memref<!tpu.dma_semaphore, #tpu.memory_space<semaphore_mem>>, %arg19: memref<!tpu.dma_semaphore, #tpu.memory_space<semaphore_mem>>, %arg20: memref<!tpu.dma_semaphore, #tpu.memory_space<semaphore_mem>>) attributes {dimension_semantics = [#tpu.dimension_semantics<core_parallel>, #tpu.dimension_semantics<subcore_parallel>], iteration_bounds = array<i64: 2, 16>, scalar_prefetch = 0 : i64, scratch_operands = 14 : i64, tpu.core_type = #tpu.core_type<sc_vector_subcore>, window_params = [{transform_indices = #map}, {transform_indices = #map1}, {transform_indices = #map}, {transform_indices = #map}, {transform_indices = #map}]} {
    %mul3A = arith.constant 16 : i32
    %mul3A_0 = arith.muli %arg0, %mul3A : i32
    %add3A = arith.addi %mul3A_0, %arg1 : i32
    %scan3A = arith.constant 0 : i32
    %scan3A_1 = arith.constant 128 : i32
    %scan3A_2 = arith.addi %scan3A, %scan3A_1 : i32
    %scan3A_3 = arith.constant 1 : i32
    scf.for %scan3A_111 = %scan3A to %scan3A_2 step %scan3A_3  : i32 {
      %broadcast_in_dim3A = arith.constant 0.000000e+00 : f32
      %broadcast_in_dim3A_112 = vector.broadcast %broadcast_in_dim3A : f32 to vector<16xf32>
      %swap3A = arith.index_cast %scan3A_111 : i32 to index
      %swap3A_113 = arith.constant 0 : index
      %swap3A_114 = tpu.vector_load %arg14[%swap3A, %swap3A_113] {strides = array<i32>} : memref<128x32xf32, #tpu.memory_space<vmem>>, vector<16xf32>,
      tpu.vector_store %arg14[%swap3A, %swap3A_113], %broadcast_in_dim3A_112 {strides = array<i32>} : memref<128x32xf32, #tpu.memory_space<vmem>>, vector<16xf32>,
      %broadcast_in_dim3A_115 = arith.constant 0.000000e+00 : f32
      %broadcast_in_dim3A_116 = vector.broadcast %broadcast_in_dim3A_115 : f32 to vector<16xf32>
      %swap3A_117 = arith.index_cast %scan3A_111 : i32 to index
      %swap3A_118 = arith.constant 16 : index
      %swap3A_119 = tpu.vector_load %arg14[%swap3A_117, %swap3A_118] {strides = array<i32>} : memref<128x32xf32, #tpu.memory_space<vmem>>, vector<16xf32>,
      tpu.vector_store %arg14[%swap3A_117, %swap3A_118], %broadcast_in_dim3A_116 {strides = array<i32>} : memref<128x32xf32, #tpu.memory_space<vmem>>, vector<16xf32>,
    }
    %scan3A_4 = arith.constant 128 : i32
    %mul3A_5 = arith.constant 128 : i32
    %mul3A_6 = arith.muli %arg1, %mul3A_5 : i32
    "tpu.region"() ({
      %run_scoped3A = tpu.sem_alloc : memref<!tpu.dma_semaphore, #tpu.memory_space<semaphore_mem>>
      %dma_start3A_111 = arith.constant 0 : i32
      %dma_start3A_112 = tpu.memref_slice %arg15[%mul3A_6, %dma_start3A_111] : memref<2048x32xf32, #tpu.memory_space<vmem_shared>> -> memref<128x32xf32, #tpu.memory_space<vmem_shared>>
      %dma_start3A_113 = arith.constant 0 : i32
      %dma_start3A_114 = tpu.memref_slice %arg15[%mul3A_6, %dma_start3A_113] : memref<2048x32xf32, #tpu.memory_space<vmem_shared>> -> memref<128x32xf32, #tpu.memory_space<vmem_shared>>
      tpu.enqueue_dma source(%arg14 : memref<128x32xf32, #tpu.memory_space<vmem>>) target(%dma_start3A_114 : memref<128x32xf32, #tpu.memory_space<vmem_shared>>) target_semaphore(%run_scoped3A : memref<!tpu.dma_semaphore, #tpu.memory_space<semaphore_mem>>)
      %dma_wait3A_115 = arith.constant 0 : i32
      %dma_wait3A_116 = tpu.memref_slice %arg15[%mul3A_6, %dma_wait3A_115] : memref<2048x32xf32, #tpu.memory_space<vmem_shared>> -> memref<128x32xf32, #tpu.memory_space<vmem_shared>>
      %dma_wait3A_117 = arith.constant 0 : i32
      %dma_wait3A_118 = tpu.memref_slice %arg15[%mul3A_6, %dma_wait3A_117] : memref<2048x32xf32, #tpu.memory_space<vmem_shared>> -> memref<128x32xf32, #tpu.memory_space<vmem_shared>>
      tpu.wait_dma2 semaphore(%run_scoped3A : memref<!tpu.dma_semaphore, #tpu.memory_space<semaphore_mem>>) src(%arg14 : memref<128x32xf32, #tpu.memory_space<vmem>>) dst(%dma_wait3A_118 : memref<128x32xf32, #tpu.memory_space<vmem_shared>>)
      tpu.yield
    }) : () -> ()
    %mul3A_7 = arith.constant 126 : i32
    %mul3A_8 = arith.muli %arg1, %mul3A_7 : i32
    "tpu.region"() ({
      %run_scoped3A = tpu.sem_alloc : memref<!tpu.dma_semaphore, #tpu.memory_space<semaphore_mem>>
      %dma_start3A_111 = arith.constant 0 : i32
      %dma_start3A_112 = arith.constant 0 : i32
      %dma_start3A_113 = tpu.memref_slice %arg14[%dma_start3A_111, %dma_start3A_112] : memref<128x32xf32, #tpu.memory_space<vmem>> -> memref<126x32xf32, #tpu.memory_space<vmem>>
      %dma_start3A_114 = arith.constant 0 : i32
      %dma_start3A_115 = tpu.memref_slice %arg2[%mul3A_8, %dma_start3A_114] : memref<2016x32xf32, #tpu.memory_space<hbm>> -> memref<126x32xf32, #tpu.memory_space<hbm>>
      %dma_start3A_116 = arith.constant 0 : i32
      %dma_start3A_117 = arith.constant 0 : i32
      %dma_start3A_118 = tpu.memref_slice %arg14[%dma_start3A_116, %dma_start3A_117] : memref<128x32xf32, #tpu.memory_space<vmem>> -> memref<126x32xf32, #tpu.memory_space<vmem>>
      %dma_start3A_119 = arith.constant 0 : i32
      %dma_start3A_120 = tpu.memref_slice %arg2[%mul3A_8, %dma_start3A_119] : memref<2016x32xf32, #tpu.memory_space<hbm>> -> memref<126x32xf32, #tpu.memory_space<hbm>>
      tpu.enqueue_dma source(%dma_start3A_120 : memref<126x32xf32, #tpu.memory_space<hbm>>) target(%dma_start3A_118 : memref<126x32xf32, #tpu.memory_space<vmem>>) target_semaphore(%run_scoped3A : memref<!tpu.dma_semaphore, #tpu.memory_space<semaphore_mem>>)
      %dma_wait3A_121 = arith.constant 0 : i32
      %dma_wait3A_122 = arith.constant 0 : i32
      %dma_wait3A_123 = tpu.memref_slice %arg14[%dma_wait3A_121, %dma_wait3A_122] : memref<128x32xf32, #tpu.memory_space<vmem>> -> memref<126x32xf32, #tpu.memory_space<vmem>>
      %dma_wait3A_124 = arith.constant 0 : i32
      %dma_wait3A_125 = tpu.memref_slice %arg2[%mul3A_8, %dma_wait3A_124] : memref<2016x32xf32, #tpu.memory_space<hbm>> -> memref<126x32xf32, #tpu.memory_space<hbm>>
      %dma_wait3A_126 = arith.constant 0 : i32
      %dma_wait3A_127 = arith.constant 0 : i32
      %dma_wait3A_128 = tpu.memref_slice %arg14[%dma_wait3A_126, %dma_wait3A_127] : memref<128x32xf32, #tpu.memory_space<vmem>> -> memref<126x32xf32, #tpu.memory_space<vmem>>
      %dma_wait3A_129 = arith.constant 0 : i32
      %dma_wait3A_130 = tpu.memref_slice %arg2[%mul3A_8, %dma_wait3A_129] : memref<2016x32xf32, #tpu.memory_space<hbm>> -> memref<126x32xf32, #tpu.memory_space<hbm>>
      tpu.wait_dma2 semaphore(%run_scoped3A : memref<!tpu.dma_semaphore, #tpu.memory_space<semaphore_mem>>) src(%dma_wait3A_130 : memref<126x32xf32, #tpu.memory_space<hbm>>) dst(%dma_wait3A_128 : memref<126x32xf32, #tpu.memory_space<vmem>>)
      tpu.yield
    }) : () -> ()
    %mul3A_9 = arith.constant 126 : i32
    %mul3A_10 = arith.muli %arg1, %mul3A_9 : i32
    "tpu.region"() ({
      %run_scoped3A = tpu.sem_alloc : memref<!tpu.dma_semaphore, #tpu.memory_space<semaphore_mem>>
      %dma_start3A_111 = arith.constant 0 : i32
      %dma_start3A_112 = arith.constant 0 : i32
      %dma_start3A_113 = tpu.memref_slice %arg14[%dma_start3A_111, %dma_start3A_112] : memref<128x32xf32, #tpu.memory_space<vmem>> -> memref<126x32xf32, #tpu.memory_space<vmem>>
      %dma_start3A_114 = arith.constant 0 : i32
      %dma_start3A_115 = tpu.memref_slice %arg16[%mul3A_10, %dma_start3A_114] : memref<2016x32xf32, #tpu.memory_space<vmem_shared>> -> memref<126x32xf32, #tpu.memory_space<vmem_shared>>
      %dma_start3A_116 = arith.constant 0 : i32
      %dma_start3A_117 = tpu.memref_slice %arg16[%mul3A_10, %dma_start3A_116] : memref<2016x32xf32, #tpu.memory_space<vmem_shared>> -> memref<126x32xf32, #tpu.memory_space<vmem_shared>>
      %dma_start3A_118 = arith.constant 0 : i32
      %dma_start3A_119 = arith.constant 0 : i32
      %dma_start3A_120 = tpu.memref_slice %arg14[%dma_start3A_118, %dma_start3A_119] : memref<128x32xf32, #tpu.memory_space<vmem>> -> memref<126x32xf32, #tpu.memory_space<vmem>>
      tpu.enqueue_dma source(%dma_start3A_120 : memref<126x32xf32, #tpu.memory_space<vmem>>) target(%dma_start3A_117 : memref<126x32xf32, #tpu.memory_space<vmem_shared>>) target_semaphore(%run_scoped3A : memref<!tpu.dma_semaphore, #tpu.memory_space<semaphore_mem>>)
      %dma_wait3A_121 = arith.constant 0 : i32
      %dma_wait3A_122 = arith.constant 0 : i32
      %dma_wait3A_123 = tpu.memref_slice %arg14[%dma_wait3A_121, %dma_wait3A_122] : memref<128x32xf32, #tpu.memory_space<vmem>> -> memref<126x32xf32, #tpu.memory_space<vmem>>
      %dma_wait3A_124 = arith.constant 0 : i32
      %dma_wait3A_125 = tpu.memref_slice %arg16[%mul3A_10, %dma_wait3A_124] : memref<2016x32xf32, #tpu.memory_space<vmem_shared>> -> memref<126x32xf32, #tpu.memory_space<vmem_shared>>
      %dma_wait3A_126 = arith.constant 0 : i32
      %dma_wait3A_127 = tpu.memref_slice %arg16[%mul3A_10, %dma_wait3A_126] : memref<2016x32xf32, #tpu.memory_space<vmem_shared>> -> memref<126x32xf32, #tpu.memory_space<vmem_shared>>
      %dma_wait3A_128 = arith.constant 0 : i32
      %dma_wait3A_129 = arith.constant 0 : i32
      %dma_wait3A_130 = tpu.memref_slice %arg14[%dma_wait3A_128, %dma_wait3A_129] : memref<128x32xf32, #tpu.memory_space<vmem>> -> memref<126x32xf32, #tpu.memory_space<vmem>>
      tpu.wait_dma2 semaphore(%run_scoped3A : memref<!tpu.dma_semaphore, #tpu.memory_space<semaphore_mem>>) src(%dma_wait3A_130 : memref<126x32xf32, #tpu.memory_space<vmem>>) dst(%dma_wait3A_127 : memref<126x32xf32, #tpu.memory_space<vmem_shared>>)
      tpu.yield
    }) : () -> ()
    "tpu.region"() ({
      %run_scoped3A = tpu.sem_alloc : memref<!tpu.dma_semaphore, #tpu.memory_space<semaphore_mem>>
      tpu.enqueue_dma source(%arg3 : memref<10240xi32, #tpu.memory_space<hbm>>) target(%arg7 : memref<10240xi32, #tpu.memory_space<vmem>>) target_semaphore(%run_scoped3A : memref<!tpu.dma_semaphore, #tpu.memory_space<semaphore_mem>>)
      tpu.wait_dma2 semaphore(%run_scoped3A : memref<!tpu.dma_semaphore, #tpu.memory_space<semaphore_mem>>) src(%arg3 : memref<10240xi32, #tpu.memory_space<hbm>>) dst(%arg7 : memref<10240xi32, #tpu.memory_space<vmem>>)
      tpu.yield
    }) : () -> ()
    "tpu.region"() ({
      %run_scoped3A = tpu.sem_alloc : memref<!tpu.dma_semaphore, #tpu.memory_space<semaphore_mem>>
      %dma_start3A_111 = arith.constant 0 : i32
      %dma_start3A_112 = tpu.memref_slice %arg4[%add3A, %dma_start3A_111] : memref<32x10112xi32, #tpu.memory_space<hbm>> -> memref<1x10112xi32, #tpu.memory_space<hbm>>
      %dma_start3A_113 = tpu.memref_squeeze %dma_start3A_112 : memref<1x10112xi32, #tpu.memory_space<hbm>> -> memref<10112xi32, #tpu.memory_space<hbm>>
      %dma_start3A_114 = arith.constant 0 : i32
      %dma_start3A_115 = tpu.memref_slice %arg4[%add3A, %dma_start3A_114] : memref<32x10112xi32, #tpu.memory_space<hbm>> -> memref<1x10112xi32, #tpu.memory_space<hbm>>
      %dma_start3A_116 = tpu.memref_squeeze %dma_start3A_115 : memref<1x10112xi32, #tpu.memory_space<hbm>> -> memref<10112xi32, #tpu.memory_space<hbm>>
      tpu.enqueue_dma source(%dma_start3A_116 : memref<10112xi32, #tpu.memory_space<hbm>>) target(%arg8 : memref<10112xi32, #tpu.memory_space<vmem>>) target_semaphore(%run_scoped3A : memref<!tpu.dma_semaphore, #tpu.memory_space<semaphore_mem>>)
      %dma_wait3A_117 = arith.constant 0 : i32
      %dma_wait3A_118 = tpu.memref_slice %arg4[%add3A, %dma_wait3A_117] : memref<32x10112xi32, #tpu.memory_space<hbm>> -> memref<1x10112xi32, #tpu.memory_space<hbm>>
      %dma_wait3A_119 = tpu.memref_squeeze %dma_wait3A_118 : memref<1x10112xi32, #tpu.memory_space<hbm>> -> memref<10112xi32, #tpu.memory_space<hbm>>
      %dma_wait3A_120 = arith.constant 0 : i32
      %dma_wait3A_121 = tpu.memref_slice %arg4[%add3A, %dma_wait3A_120] : memref<32x10112xi32, #tpu.memory_space<hbm>> -> memref<1x10112xi32, #tpu.memory_space<hbm>>
      %dma_wait3A_122 = tpu.memref_squeeze %dma_wait3A_121 : memref<1x10112xi32, #tpu.memory_space<hbm>> -> memref<10112xi32, #tpu.memory_space<hbm>>
      tpu.wait_dma2 semaphore(%run_scoped3A : memref<!tpu.dma_semaphore, #tpu.memory_space<semaphore_mem>>) src(%dma_wait3A_122 : memref<10112xi32, #tpu.memory_space<hbm>>) dst(%arg8 : memref<10112xi32, #tpu.memory_space<vmem>>)
      tpu.yield
    }) : () -> ()
    "tpu.region"() ({
      %run_scoped3A = tpu.sem_alloc : memref<!tpu.dma_semaphore, #tpu.memory_space<semaphore_mem>>
      %dma_start3A_111 = arith.constant 0 : i32
      %dma_start3A_112 = tpu.memref_slice %arg5[%add3A, %dma_start3A_111] : memref<32x10112xi32, #tpu.memory_space<hbm>> -> memref<1x10112xi32, #tpu.memory_space<hbm>>
      %dma_start3A_113 = tpu.memref_squeeze %dma_start3A_112 : memref<1x10112xi32, #tpu.memory_space<hbm>> -> memref<10112xi32, #tpu.memory_space<hbm>>
      %dma_start3A_114 = arith.constant 0 : i32
      %dma_start3A_115 = tpu.memref_slice %arg5[%add3A, %dma_start3A_114] : memref<32x10112xi32, #tpu.memory_space<hbm>> -> memref<1x10112xi32, #tpu.memory_space<hbm>>
      %dma_start3A_116 = tpu.memref_squeeze %dma_start3A_115 : memref<1x10112xi32, #tpu.memory_space<hbm>> -> memref<10112xi32, #tpu.memory_space<hbm>>
      tpu.enqueue_dma source(%dma_start3A_116 : memref<10112xi32, #tpu.memory_space<hbm>>) target(%arg9 : memref<10112xi32, #tpu.memory_space<vmem>>) target_semaphore(%run_scoped3A : memref<!tpu.dma_semaphore, #tpu.memory_space<semaphore_mem>>)
      %dma_wait3A_117 = arith.constant 0 : i32
      %dma_wait3A_118 = tpu.memref_slice %arg5[%add3A, %dma_wait3A_117] : memref<32x10112xi32, #tpu.memory_space<hbm>> -> memref<1x10112xi32, #tpu.memory_space<hbm>>
      %dma_wait3A_119 = tpu.memref_squeeze %dma_wait3A_118 : memref<1x10112xi32, #tpu.memory_space<hbm>> -> memref<10112xi32, #tpu.memory_space<hbm>>
      %dma_wait3A_120 = arith.constant 0 : i32
      %dma_wait3A_121 = tpu.memref_slice %arg5[%add3A, %dma_wait3A_120] : memref<32x10112xi32, #tpu.memory_space<hbm>> -> memref<1x10112xi32, #tpu.memory_space<hbm>>
      %dma_wait3A_122 = tpu.memref_squeeze %dma_wait3A_121 : memref<1x10112xi32, #tpu.memory_space<hbm>> -> memref<10112xi32, #tpu.memory_space<hbm>>
      tpu.wait_dma2 semaphore(%run_scoped3A : memref<!tpu.dma_semaphore, #tpu.memory_space<semaphore_mem>>) src(%dma_wait3A_122 : memref<10112xi32, #tpu.memory_space<hbm>>) dst(%arg9 : memref<10112xi32, #tpu.memory_space<vmem>>)
      tpu.yield
    }) : () -> ()
    %scan3A_11 = arith.constant 0 : i32
    %scan3A_12 = arith.constant 632 : i32
    %scan3A_13 = arith.addi %scan3A_11, %scan3A_12 : i32
    %scan3A_14 = arith.constant 1 : i32
    scf.for %scan3A_111 = %scan3A_11 to %scan3A_13 step %scan3A_14  : i32 {
      %jit3A = arith.constant 8 : i32
      %div3A = arith.divsi %scan3A_111, %jit3A : i32
      %sign3A = arith.constant 0 : i32
      %sign3A_112 = arith.cmpi sgt, %scan3A_111, %sign3A : i32
      %sign3A_113 = arith.extui %sign3A_112 : i1 to i32
      %sign3A_114 = arith.constant 0 : i32
      %sign3A_115 = arith.cmpi slt, %scan3A_111, %sign3A_114 : i32
      %sign3A_116 = arith.extui %sign3A_115 : i1 to i32
      %sign3A_117 = arith.subi %sign3A_113, %sign3A_116 : i32
      %sign3A_118 = arith.constant 0 : i32
      %sign3A_119 = arith.cmpi sgt, %jit3A, %sign3A_118 : i32
      %sign3A_120 = arith.extui %sign3A_119 : i1 to i32
      %sign3A_121 = arith.constant 0 : i32
      %sign3A_122 = arith.cmpi slt, %jit3A, %sign3A_121 : i32
      %sign3A_123 = arith.extui %sign3A_122 : i1 to i32
      %sign3A_124 = arith.subi %sign3A_120, %sign3A_123 : i32
      %ne3A = arith.cmpi ne, %sign3A_117, %sign3A_124 : i32
      %rem3A = arith.remsi %scan3A_111, %jit3A : i32
      %ne3A_125 = arith.constant 0 : i32
      %ne3A_126 = arith.cmpi ne, %rem3A, %ne3A_125 : i32
      %and3A = arith.andi %ne3A, %ne3A_126 : i1
      %sub3A = arith.constant 1 : i32
      %sub3A_127 = arith.subi %div3A, %sub3A : i32
      %select_n3A = arith.select %and3A, %sub3A_127, %div3A : i32
      %jit3A_128 = arith.constant 8 : i32
      %eq3A = arith.constant 0 : i32
      %eq3A_129 = arith.cmpi eq, %jit3A_128, %eq3A : i32
      %jit3A_130 = arith.constant 1 : i32
      %select_n3A_131 = arith.select %eq3A_129, %jit3A_130, %jit3A_128 : i32
      %rem3A_132 = arith.remsi %scan3A_111, %select_n3A_131 : i32
      %ne3A_133 = arith.constant 0 : i32
      %ne3A_134 = arith.cmpi ne, %rem3A_132, %ne3A_133 : i32
      %lt3A = arith.constant 0 : i32
      %lt3A_135 = arith.cmpi slt, %rem3A_132, %lt3A : i32
      %lt3A_136 = arith.constant 0 : i32
      %lt3A_137 = arith.cmpi slt, %select_n3A_131, %lt3A_136 : i32
      %ne3A_138 = arith.xori %lt3A_135, %lt3A_137 : i1
      %and3A_139 = arith.andi %ne3A_138, %ne3A_134 : i1
      %add3A_140 = arith.addi %rem3A_132, %select_n3A_131 : i32
      %select_n3A_141 = arith.select %and3A_139, %add3A_140, %rem3A_132 : i32
      %mul3A_142 = arith.constant 16 : i32
      %mul3A_143 = arith.muli %scan3A_111, %mul3A_142 : i32
      %get3A = arith.index_cast %mul3A_143 : i32 to index
      %get3A_144 = tpu.vector_load %arg8[%get3A] {strides = array<i32>} : memref<10112xi32, #tpu.memory_space<vmem>>, vector<16xi32>,
      %mul3A_145 = arith.constant 16 : i32
      %mul3A_146 = arith.muli %scan3A_111, %mul3A_145 : i32
      %get3A_147 = arith.index_cast %mul3A_146 : i32 to index
      %get3A_148 = tpu.vector_load %arg9[%get3A_147] {strides = array<i32>} : memref<10112xi32, #tpu.memory_space<vmem>>, vector<16xi32>,
      %gather3A = tpu.vector_load_idx %arg7[%get3A_144] : memref<10240xi32, #tpu.memory_space<vmem>>[vector<16xi32>], vector<16xi32>,
      %mul3A_149 = arith.constant 16 : i32
      %mul3A_150 = arith.muli %select_n3A_141, %mul3A_149 : i32
      %swap3A = arith.index_cast %select_n3A : i32 to index
      %swap3A_151 = arith.index_cast %mul3A_150 : i32 to index
      %swap3A_152 = tpu.vector_load %arg10[%swap3A, %swap3A_151] {strides = array<i32>} : memref<79x128xi32, #tpu.memory_space<vmem>>, vector<16xi32>,
      tpu.vector_store %arg10[%swap3A, %swap3A_151], %gather3A {strides = array<i32>} : memref<79x128xi32, #tpu.memory_space<vmem>>, vector<16xi32>,
      %gather3A_153 = tpu.vector_load_idx %arg7[%get3A_148] : memref<10240xi32, #tpu.memory_space<vmem>>[vector<16xi32>], vector<16xi32>,
      %mul3A_154 = arith.constant 16 : i32
      %mul3A_155 = arith.muli %select_n3A_141, %mul3A_154 : i32
      %swap3A_156 = arith.index_cast %select_n3A : i32 to index
      %swap3A_157 = arith.index_cast %mul3A_155 : i32 to index
      %swap3A_158 = tpu.vector_load %arg11[%swap3A_156, %swap3A_157] {strides = array<i32>} : memref<79x128xi32, #tpu.memory_space<vmem>>, vector<16xi32>,
      tpu.vector_store %arg11[%swap3A_156, %swap3A_157], %gather3A_153 {strides = array<i32>} : memref<79x128xi32, #tpu.memory_space<vmem>>, vector<16xi32>,
    }
    %scan3A_15 = arith.constant 632 : i32
    %barrier3A = arith.constant 0 : index
    tpu.barrier barrier_id(%barrier3A)
    %dma_start3A = arith.constant 0 : i32
    %dma_start3A_16 = arith.constant 0 : i32
    %dma_start3A_17 = tpu.memref_slice %arg10[%dma_start3A, %dma_start3A_16] : memref<79x128xi32, #tpu.memory_space<vmem>> -> memref<1x128xi32, #tpu.memory_space<vmem>>
    %dma_start3A_18 = tpu.memref_squeeze %dma_start3A_17 : memref<1x128xi32, #tpu.memory_space<vmem>> -> memref<128xi32, #tpu.memory_space<vmem>>
    %dma_start3A_19 = arith.constant 0 : i32
    %dma_start3A_20 = arith.constant 0 : i32
    %dma_start3A_21 = tpu.memref_slice %arg16[%dma_start3A_19, %dma_start3A_20] : memref<2016x32xf32, #tpu.memory_space<vmem_shared>> -> memref<2016x32xf32, #tpu.memory_space<vmem_shared>>
    tpu.enqueue_indirect_dma source(%dma_start3A_21 : memref<2016x32xf32, #tpu.memory_space<vmem_shared>>) target(%arg12 : memref<128x32xf32, #tpu.memory_space<vmem>>) offsets(%dma_start3A_18 : memref<128xi32, #tpu.memory_space<vmem>>) semaphore(%arg17 : memref<!tpu.dma_semaphore, #tpu.memory_space<semaphore_mem>>)
    %dma_wait3A = arith.constant 0 : i32
    %dma_wait3A_22 = arith.constant 0 : i32
    %dma_wait3A_23 = tpu.memref_slice %arg10[%dma_wait3A, %dma_wait3A_22] : memref<79x128xi32, #tpu.memory_space<vmem>> -> memref<1x128xi32, #tpu.memory_space<vmem>>
    %dma_wait3A_24 = tpu.memref_squeeze %dma_wait3A_23 : memref<1x128xi32, #tpu.memory_space<vmem>> -> memref<128xi32, #tpu.memory_space<vmem>>
    %dma_wait3A_25 = arith.constant 0 : i32
    %dma_wait3A_26 = arith.constant 0 : i32
    %dma_wait3A_27 = tpu.memref_slice %arg16[%dma_wait3A_25, %dma_wait3A_26] : memref<2016x32xf32, #tpu.memory_space<vmem_shared>> -> memref<2016x32xf32, #tpu.memory_space<vmem_shared>>
    tpu.wait_indirect_dma semaphore(%arg17 : memref<!tpu.dma_semaphore, #tpu.memory_space<semaphore_mem>>) src(%dma_wait3A_27 : memref<2016x32xf32, #tpu.memory_space<vmem_shared>>) dst(%arg12 : memref<128x32xf32, #tpu.memory_space<vmem>>)
    %dma_start3A_28 = arith.constant 1 : i32
    %dma_start3A_29 = arith.constant 0 : i32
    %dma_start3A_30 = tpu.memref_slice %arg10[%dma_start3A_28, %dma_start3A_29] : memref<79x128xi32, #tpu.memory_space<vmem>> -> memref<1x128xi32, #tpu.memory_space<vmem>>
    %dma_start3A_31 = tpu.memref_squeeze %dma_start3A_30 : memref<1x128xi32, #tpu.memory_space<vmem>> -> memref<128xi32, #tpu.memory_space<vmem>>
    %dma_start3A_32 = arith.constant 0 : i32
    %dma_start3A_33 = arith.constant 0 : i32
    %dma_start3A_34 = tpu.memref_slice %arg16[%dma_start3A_32, %dma_start3A_33] : memref<2016x32xf32, #tpu.memory_space<vmem_shared>> -> memref<2016x32xf32, #tpu.memory_space<vmem_shared>>
    tpu.enqueue_indirect_dma source(%dma_start3A_34 : memref<2016x32xf32, #tpu.memory_space<vmem_shared>>) target(%arg13 : memref<128x32xf32, #tpu.memory_space<vmem>>) offsets(%dma_start3A_31 : memref<128xi32, #tpu.memory_space<vmem>>) semaphore(%arg18 : memref<!tpu.dma_semaphore, #tpu.memory_space<semaphore_mem>>)
    %dma_start3A_35 = arith.constant 0 : i32
    %dma_start3A_36 = arith.constant 0 : i32
    %dma_start3A_37 = tpu.memref_slice %arg11[%dma_start3A_35, %dma_start3A_36] : memref<79x128xi32, #tpu.memory_space<vmem>> -> memref<1x128xi32, #tpu.memory_space<vmem>>
    %dma_start3A_38 = tpu.memref_squeeze %dma_start3A_37 : memref<1x128xi32, #tpu.memory_space<vmem>> -> memref<128xi32, #tpu.memory_space<vmem>>
    %dma_start3A_39 = arith.constant 0 : i32
    %dma_start3A_40 = arith.constant 0 : i32
    %dma_start3A_41 = tpu.memref_slice %arg15[%dma_start3A_39, %dma_start3A_40] : memref<2048x32xf32, #tpu.memory_space<vmem_shared>> -> memref<2048x32xf32, #tpu.memory_space<vmem_shared>>
    tpu.enqueue_indirect_dma source(%arg12 : memref<128x32xf32, #tpu.memory_space<vmem>>) target(%dma_start3A_41 : memref<2048x32xf32, #tpu.memory_space<vmem_shared>>) offsets(%dma_start3A_38 : memref<128xi32, #tpu.memory_space<vmem>>) semaphore(%arg19 : memref<!tpu.dma_semaphore, #tpu.memory_space<semaphore_mem>>) {add = true}
    %scan3A_42 = arith.constant 0 : i32
    %scan3A_43 = arith.constant 38 : i32
    %scan3A_44 = arith.addi %scan3A_42, %scan3A_43 : i32
    %scan3A_45 = arith.constant 1 : i32
    scf.for %scan3A_111 = %scan3A_42 to %scan3A_44 step %scan3A_45  : i32 {
      %mul3A_112 = arith.constant 2 : i32
      %mul3A_113 = arith.muli %mul3A_112, %scan3A_111 : i32
      %add3A_114 = arith.constant 1 : i32
      %add3A_115 = arith.addi %mul3A_113, %add3A_114 : i32
      %dma_wait3A_116 = arith.constant 0 : i32
      %dma_wait3A_117 = arith.constant 0 : i32
      %dma_wait3A_118 = tpu.memref_slice %arg10[%dma_wait3A_116, %dma_wait3A_117] : memref<79x128xi32, #tpu.memory_space<vmem>> -> memref<1x128xi32, #tpu.memory_space<vmem>>
      %dma_wait3A_119 = tpu.memref_squeeze %dma_wait3A_118 : memref<1x128xi32, #tpu.memory_space<vmem>> -> memref<128xi32, #tpu.memory_space<vmem>>
      %dma_wait3A_120 = arith.constant 0 : i32
      %dma_wait3A_121 = arith.constant 0 : i32
      %dma_wait3A_122 = tpu.memref_slice %arg16[%dma_wait3A_120, %dma_wait3A_121] : memref<2016x32xf32, #tpu.memory_space<vmem_shared>> -> memref<2016x32xf32, #tpu.memory_space<vmem_shared>>
      tpu.wait_indirect_dma semaphore(%arg18 : memref<!tpu.dma_semaphore, #tpu.memory_space<semaphore_mem>>) src(%dma_wait3A_122 : memref<2016x32xf32, #tpu.memory_space<vmem_shared>>) dst(%arg13 : memref<128x32xf32, #tpu.memory_space<vmem>>)
      %dma_wait3A_123 = arith.constant 0 : i32
      %dma_wait3A_124 = arith.constant 0 : i32
      %dma_wait3A_125 = tpu.memref_slice %arg11[%dma_wait3A_123, %dma_wait3A_124] : memref<79x128xi32, #tpu.memory_space<vmem>> -> memref<1x128xi32, #tpu.memory_space<vmem>>
      %dma_wait3A_126 = tpu.memref_squeeze %dma_wait3A_125 : memref<1x128xi32, #tpu.memory_space<vmem>> -> memref<128xi32, #tpu.memory_space<vmem>>
      %dma_wait3A_127 = arith.constant 0 : i32
      %dma_wait3A_128 = arith.constant 0 : i32
      %dma_wait3A_129 = tpu.memref_slice %arg15[%dma_wait3A_127, %dma_wait3A_128] : memref<2048x32xf32, #tpu.memory_space<vmem_shared>> -> memref<2048x32xf32, #tpu.memory_space<vmem_shared>>
      tpu.wait_indirect_dma semaphore(%arg19 : memref<!tpu.dma_semaphore, #tpu.memory_space<semaphore_mem>>) src(%arg12 : memref<128x32xf32, #tpu.memory_space<vmem>>) dst(%dma_wait3A_129 : memref<2048x32xf32, #tpu.memory_space<vmem_shared>>)
      %add3A_130 = arith.constant 1 : i32
      %add3A_131 = arith.addi %add3A_115, %add3A_130 : i32
      %dma_start3A_132 = arith.constant 0 : i32
      %dma_start3A_133 = tpu.memref_slice %arg10[%add3A_131, %dma_start3A_132] : memref<79x128xi32, #tpu.memory_space<vmem>> -> memref<1x128xi32, #tpu.memory_space<vmem>>
      %dma_start3A_134 = tpu.memref_squeeze %dma_start3A_133 : memref<1x128xi32, #tpu.memory_space<vmem>> -> memref<128xi32, #tpu.memory_space<vmem>>
      %dma_start3A_135 = arith.constant 0 : i32
      %dma_start3A_136 = arith.constant 0 : i32
      %dma_start3A_137 = tpu.memref_slice %arg16[%dma_start3A_135, %dma_start3A_136] : memref<2016x32xf32, #tpu.memory_space<vmem_shared>> -> memref<2016x32xf32, #tpu.memory_space<vmem_shared>>
      tpu.enqueue_indirect_dma source(%dma_start3A_137 : memref<2016x32xf32, #tpu.memory_space<vmem_shared>>) target(%arg12 : memref<128x32xf32, #tpu.memory_space<vmem>>) offsets(%dma_start3A_134 : memref<128xi32, #tpu.memory_space<vmem>>) semaphore(%arg17 : memref<!tpu.dma_semaphore, #tpu.memory_space<semaphore_mem>>)
      %dma_start3A_138 = arith.constant 0 : i32
      %dma_start3A_139 = tpu.memref_slice %arg11[%add3A_115, %dma_start3A_138] : memref<79x128xi32, #tpu.memory_space<vmem>> -> memref<1x128xi32, #tpu.memory_space<vmem>>
      %dma_start3A_140 = tpu.memref_squeeze %dma_start3A_139 : memref<1x128xi32, #tpu.memory_space<vmem>> -> memref<128xi32, #tpu.memory_space<vmem>>
      %dma_start3A_141 = arith.constant 0 : i32
      %dma_start3A_142 = arith.constant 0 : i32
      %dma_start3A_143 = tpu.memref_slice %arg15[%dma_start3A_141, %dma_start3A_142] : memref<2048x32xf32, #tpu.memory_space<vmem_shared>> -> memref<2048x32xf32, #tpu.memory_space<vmem_shared>>
      tpu.enqueue_indirect_dma source(%arg13 : memref<128x32xf32, #tpu.memory_space<vmem>>) target(%dma_start3A_143 : memref<2048x32xf32, #tpu.memory_space<vmem_shared>>) offsets(%dma_start3A_140 : memref<128xi32, #tpu.memory_space<vmem>>) semaphore(%arg20 : memref<!tpu.dma_semaphore, #tpu.memory_space<semaphore_mem>>) {add = true}
      %dma_wait3A_144 = arith.constant 0 : i32
      %dma_wait3A_145 = arith.constant 0 : i32
      %dma_wait3A_146 = tpu.memref_slice %arg10[%dma_wait3A_144, %dma_wait3A_145] : memref<79x128xi32, #tpu.memory_space<vmem>> -> memref<1x128xi32, #tpu.memory_space<vmem>>
      %dma_wait3A_147 = tpu.memref_squeeze %dma_wait3A_146 : memref<1x128xi32, #tpu.memory_space<vmem>> -> memref<128xi32, #tpu.memory_space<vmem>>
      %dma_wait3A_148 = arith.constant 0 : i32
      %dma_wait3A_149 = arith.constant 0 : i32
      %dma_wait3A_150 = tpu.memref_slice %arg16[%dma_wait3A_148, %dma_wait3A_149] : memref<2016x32xf32, #tpu.memory_space<vmem_shared>> -> memref<2016x32xf32, #tpu.memory_space<vmem_shared>>
      tpu.wait_indirect_dma semaphore(%arg17 : memref<!tpu.dma_semaphore, #tpu.memory_space<semaphore_mem>>) src(%dma_wait3A_150 : memref<2016x32xf32, #tpu.memory_space<vmem_shared>>) dst(%arg12 : memref<128x32xf32, #tpu.memory_space<vmem>>)
      %dma_wait3A_151 = arith.constant 0 : i32
      %dma_wait3A_152 = arith.constant 0 : i32
      %dma_wait3A_153 = tpu.memref_slice %arg11[%dma_wait3A_151, %dma_wait3A_152] : memref<79x128xi32, #tpu.memory_space<vmem>> -> memref<1x128xi32, #tpu.memory_space<vmem>>
      %dma_wait3A_154 = tpu.memref_squeeze %dma_wait3A_153 : memref<1x128xi32, #tpu.memory_space<vmem>> -> memref<128xi32, #tpu.memory_space<vmem>>
      %dma_wait3A_155 = arith.constant 0 : i32
      %dma_wait3A_156 = arith.constant 0 : i32
      %dma_wait3A_157 = tpu.memref_slice %arg15[%dma_wait3A_155, %dma_wait3A_156] : memref<2048x32xf32, #tpu.memory_space<vmem_shared>> -> memref<2048x32xf32, #tpu.memory_space<vmem_shared>>
      tpu.wait_indirect_dma semaphore(%arg20 : memref<!tpu.dma_semaphore, #tpu.memory_space<semaphore_mem>>) src(%arg13 : memref<128x32xf32, #tpu.memory_space<vmem>>) dst(%dma_wait3A_157 : memref<2048x32xf32, #tpu.memory_space<vmem_shared>>)
      %add3A_158 = arith.constant 2 : i32
      %add3A_159 = arith.addi %add3A_115, %add3A_158 : i32
      %dma_start3A_160 = arith.constant 0 : i32
      %dma_start3A_161 = tpu.memref_slice %arg10[%add3A_159, %dma_start3A_160] : memref<79x128xi32, #tpu.memory_space<vmem>> -> memref<1x128xi32, #tpu.memory_space<vmem>>
      %dma_start3A_162 = tpu.memref_squeeze %dma_start3A_161 : memref<1x128xi32, #tpu.memory_space<vmem>> -> memref<128xi32, #tpu.memory_space<vmem>>
      %dma_start3A_163 = arith.constant 0 : i32
      %dma_start3A_164 = arith.constant 0 : i32
      %dma_start3A_165 = tpu.memref_slice %arg16[%dma_start3A_163, %dma_start3A_164] : memref<2016x32xf32, #tpu.memory_space<vmem_shared>> -> memref<2016x32xf32, #tpu.memory_space<vmem_shared>>
      tpu.enqueue_indirect_dma source(%dma_start3A_165 : memref<2016x32xf32, #tpu.memory_space<vmem_shared>>) target(%arg13 : memref<128x32xf32, #tpu.memory_space<vmem>>) offsets(%dma_start3A_162 : memref<128xi32, #tpu.memory_space<vmem>>) semaphore(%arg18 : memref<!tpu.dma_semaphore, #tpu.memory_space<semaphore_mem>>)
      %add3A_166 = arith.constant 1 : i32
      %add3A_167 = arith.addi %add3A_115, %add3A_166 : i32
      %dma_start3A_168 = arith.constant 0 : i32
      %dma_start3A_169 = tpu.memref_slice %arg11[%add3A_167, %dma_start3A_168] : memref<79x128xi32, #tpu.memory_space<vmem>> -> memref<1x128xi32, #tpu.memory_space<vmem>>
      %dma_start3A_170 = tpu.memref_squeeze %dma_start3A_169 : memref<1x128xi32, #tpu.memory_space<vmem>> -> memref<128xi32, #tpu.memory_space<vmem>>
      %dma_start3A_171 = arith.constant 0 : i32
      %dma_start3A_172 = arith.constant 0 : i32
      %dma_start3A_173 = tpu.memref_slice %arg15[%dma_start3A_171, %dma_start3A_172] : memref<2048x32xf32, #tpu.memory_space<vmem_shared>> -> memref<2048x32xf32, #tpu.memory_space<vmem_shared>>
      tpu.enqueue_indirect_dma source(%arg12 : memref<128x32xf32, #tpu.memory_space<vmem>>) target(%dma_start3A_173 : memref<2048x32xf32, #tpu.memory_space<vmem_shared>>) offsets(%dma_start3A_170 : memref<128xi32, #tpu.memory_space<vmem>>) semaphore(%arg19 : memref<!tpu.dma_semaphore, #tpu.memory_space<semaphore_mem>>) {add = true}
    }
    %scan3A_46 = arith.constant 38 : i32
    %dma_wait3A_47 = arith.constant 0 : i32
    %dma_wait3A_48 = arith.constant 0 : i32
    %dma_wait3A_49 = tpu.memref_slice %arg10[%dma_wait3A_47, %dma_wait3A_48] : memref<79x128xi32, #tpu.memory_space<vmem>> -> memref<1x128xi32, #tpu.memory_space<vmem>>
    %dma_wait3A_50 = tpu.memref_squeeze %dma_wait3A_49 : memref<1x128xi32, #tpu.memory_space<vmem>> -> memref<128xi32, #tpu.memory_space<vmem>>
    %dma_wait3A_51 = arith.constant 0 : i32
    %dma_wait3A_52 = arith.constant 0 : i32
    %dma_wait3A_53 = tpu.memref_slice %arg16[%dma_wait3A_51, %dma_wait3A_52] : memref<2016x32xf32, #tpu.memory_space<vmem_shared>> -> memref<2016x32xf32, #tpu.memory_space<vmem_shared>>
    tpu.wait_indirect_dma semaphore(%arg18 : memref<!tpu.dma_semaphore, #tpu.memory_space<semaphore_mem>>) src(%dma_wait3A_53 : memref<2016x32xf32, #tpu.memory_space<vmem_shared>>) dst(%arg13 : memref<128x32xf32, #tpu.memory_space<vmem>>)
    %dma_wait3A_54 = arith.constant 0 : i32
    %dma_wait3A_55 = arith.constant 0 : i32
    %dma_wait3A_56 = tpu.memref_slice %arg11[%dma_wait3A_54, %dma_wait3A_55] : memref<79x128xi32, #tpu.memory_space<vmem>> -> memref<1x128xi32, #tpu.memory_space<vmem>>
    %dma_wait3A_57 = tpu.memref_squeeze %dma_wait3A_56 : memref<1x128xi32, #tpu.memory_space<vmem>> -> memref<128xi32, #tpu.memory_space<vmem>>
    %dma_wait3A_58 = arith.constant 0 : i32
    %dma_wait3A_59 = arith.constant 0 : i32
    %dma_wait3A_60 = tpu.memref_slice %arg15[%dma_wait3A_58, %dma_wait3A_59] : memref<2048x32xf32, #tpu.memory_space<vmem_shared>> -> memref<2048x32xf32, #tpu.memory_space<vmem_shared>>
    tpu.wait_indirect_dma semaphore(%arg19 : memref<!tpu.dma_semaphore, #tpu.memory_space<semaphore_mem>>) src(%arg12 : memref<128x32xf32, #tpu.memory_space<vmem>>) dst(%dma_wait3A_60 : memref<2048x32xf32, #tpu.memory_space<vmem_shared>>)
    %dma_start3A_61 = arith.constant 78 : i32
    %dma_start3A_62 = arith.constant 0 : i32
    %dma_start3A_63 = tpu.memref_slice %arg10[%dma_start3A_61, %dma_start3A_62] : memref<79x128xi32, #tpu.memory_space<vmem>> -> memref<1x128xi32, #tpu.memory_space<vmem>>
    %dma_start3A_64 = tpu.memref_squeeze %dma_start3A_63 : memref<1x128xi32, #tpu.memory_space<vmem>> -> memref<128xi32, #tpu.memory_space<vmem>>
    %dma_start3A_65 = arith.constant 0 : i32
    %dma_start3A_66 = arith.constant 0 : i32
    %dma_start3A_67 = tpu.memref_slice %arg16[%dma_start3A_65, %dma_start3A_66] : memref<2016x32xf32, #tpu.memory_space<vmem_shared>> -> memref<2016x32xf32, #tpu.memory_space<vmem_shared>>
    tpu.enqueue_indirect_dma source(%dma_start3A_67 : memref<2016x32xf32, #tpu.memory_space<vmem_shared>>) target(%arg12 : memref<128x32xf32, #tpu.memory_space<vmem>>) offsets(%dma_start3A_64 : memref<128xi32, #tpu.memory_space<vmem>>) semaphore(%arg17 : memref<!tpu.dma_semaphore, #tpu.memory_space<semaphore_mem>>)
    %dma_start3A_68 = arith.constant 77 : i32
    %dma_start3A_69 = arith.constant 0 : i32
    %dma_start3A_70 = tpu.memref_slice %arg11[%dma_start3A_68, %dma_start3A_69] : memref<79x128xi32, #tpu.memory_space<vmem>> -> memref<1x128xi32, #tpu.memory_space<vmem>>
    %dma_start3A_71 = tpu.memref_squeeze %dma_start3A_70 : memref<1x128xi32, #tpu.memory_space<vmem>> -> memref<128xi32, #tpu.memory_space<vmem>>
    %dma_start3A_72 = arith.constant 0 : i32
    %dma_start3A_73 = arith.constant 0 : i32
    %dma_start3A_74 = tpu.memref_slice %arg15[%dma_start3A_72, %dma_start3A_73] : memref<2048x32xf32, #tpu.memory_space<vmem_shared>> -> memref<2048x32xf32, #tpu.memory_space<vmem_shared>>
    tpu.enqueue_indirect_dma source(%arg13 : memref<128x32xf32, #tpu.memory_space<vmem>>) target(%dma_start3A_74 : memref<2048x32xf32, #tpu.memory_space<vmem_shared>>) offsets(%dma_start3A_71 : memref<128xi32, #tpu.memory_space<vmem>>) semaphore(%arg20 : memref<!tpu.dma_semaphore, #tpu.memory_space<semaphore_mem>>) {add = true}
    %dma_wait3A_75 = arith.constant 0 : i32
    %dma_wait3A_76 = arith.constant 0 : i32
    %dma_wait3A_77 = tpu.memref_slice %arg10[%dma_wait3A_75, %dma_wait3A_76] : memref<79x128xi32, #tpu.memory_space<vmem>> -> memref<1x128xi32, #tpu.memory_space<vmem>>
    %dma_wait3A_78 = tpu.memref_squeeze %dma_wait3A_77 : memref<1x128xi32, #tpu.memory_space<vmem>> -> memref<128xi32, #tpu.memory_space<vmem>>
    %dma_wait3A_79 = arith.constant 0 : i32
    %dma_wait3A_80 = arith.constant 0 : i32
    %dma_wait3A_81 = tpu.memref_slice %arg16[%dma_wait3A_79, %dma_wait3A_80] : memref<2016x32xf32, #tpu.memory_space<vmem_shared>> -> memref<2016x32xf32, #tpu.memory_space<vmem_shared>>
    tpu.wait_indirect_dma semaphore(%arg17 : memref<!tpu.dma_semaphore, #tpu.memory_space<semaphore_mem>>) src(%dma_wait3A_81 : memref<2016x32xf32, #tpu.memory_space<vmem_shared>>) dst(%arg12 : memref<128x32xf32, #tpu.memory_space<vmem>>)
    %dma_wait3A_82 = arith.constant 0 : i32
    %dma_wait3A_83 = arith.constant 0 : i32
    %dma_wait3A_84 = tpu.memref_slice %arg11[%dma_wait3A_82, %dma_wait3A_83] : memref<79x128xi32, #tpu.memory_space<vmem>> -> memref<1x128xi32, #tpu.memory_space<vmem>>
    %dma_wait3A_85 = tpu.memref_squeeze %dma_wait3A_84 : memref<1x128xi32, #tpu.memory_space<vmem>> -> memref<128xi32, #tpu.memory_space<vmem>>
    %dma_wait3A_86 = arith.constant 0 : i32
    %dma_wait3A_87 = arith.constant 0 : i32
    %dma_wait3A_88 = tpu.memref_slice %arg15[%dma_wait3A_86, %dma_wait3A_87] : memref<2048x32xf32, #tpu.memory_space<vmem_shared>> -> memref<2048x32xf32, #tpu.memory_space<vmem_shared>>
    tpu.wait_indirect_dma semaphore(%arg20 : memref<!tpu.dma_semaphore, #tpu.memory_space<semaphore_mem>>) src(%arg13 : memref<128x32xf32, #tpu.memory_space<vmem>>) dst(%dma_wait3A_88 : memref<2048x32xf32, #tpu.memory_space<vmem_shared>>)
    %dma_start3A_89 = arith.constant 78 : i32
    %dma_start3A_90 = arith.constant 0 : i32
    %dma_start3A_91 = tpu.memref_slice %arg11[%dma_start3A_89, %dma_start3A_90] : memref<79x128xi32, #tpu.memory_space<vmem>> -> memref<1x128xi32, #tpu.memory_space<vmem>>
    %dma_start3A_92 = tpu.memref_squeeze %dma_start3A_91 : memref<1x128xi32, #tpu.memory_space<vmem>> -> memref<128xi32, #tpu.memory_space<vmem>>
    %dma_start3A_93 = arith.constant 0 : i32
    %dma_start3A_94 = arith.constant 0 : i32
    %dma_start3A_95 = tpu.memref_slice %arg15[%dma_start3A_93, %dma_start3A_94] : memref<2048x32xf32, #tpu.memory_space<vmem_shared>> -> memref<2048x32xf32, #tpu.memory_space<vmem_shared>>
    tpu.enqueue_indirect_dma source(%arg12 : memref<128x32xf32, #tpu.memory_space<vmem>>) target(%dma_start3A_95 : memref<2048x32xf32, #tpu.memory_space<vmem_shared>>) offsets(%dma_start3A_92 : memref<128xi32, #tpu.memory_space<vmem>>) semaphore(%arg19 : memref<!tpu.dma_semaphore, #tpu.memory_space<semaphore_mem>>) {add = true}
    %dma_wait3A_96 = arith.constant 0 : i32
    %dma_wait3A_97 = arith.constant 0 : i32
    %dma_wait3A_98 = tpu.memref_slice %arg11[%dma_wait3A_96, %dma_wait3A_97] : memref<79x128xi32, #tpu.memory_space<vmem>> -> memref<1x128xi32, #tpu.memory_space<vmem>>
    %dma_wait3A_99 = tpu.memref_squeeze %dma_wait3A_98 : memref<1x128xi32, #tpu.memory_space<vmem>> -> memref<128xi32, #tpu.memory_space<vmem>>
    %dma_wait3A_100 = arith.constant 0 : i32
    %dma_wait3A_101 = arith.constant 0 : i32
    %dma_wait3A_102 = tpu.memref_slice %arg15[%dma_wait3A_100, %dma_wait3A_101] : memref<2048x32xf32, #tpu.memory_space<vmem_shared>> -> memref<2048x32xf32, #tpu.memory_space<vmem_shared>>
    tpu.wait_indirect_dma semaphore(%arg19 : memref<!tpu.dma_semaphore, #tpu.memory_space<semaphore_mem>>) src(%arg12 : memref<128x32xf32, #tpu.memory_space<vmem>>) dst(%dma_wait3A_102 : memref<2048x32xf32, #tpu.memory_space<vmem_shared>>)
    %barrier3A_103 = arith.constant 0 : index
    tpu.barrier barrier_id(%barrier3A_103)
    %mul3A_104 = arith.constant 128 : i32
    %mul3A_105 = arith.muli %arg1, %mul3A_104 : i32
    "tpu.region"() ({
      %run_scoped3A = tpu.sem_alloc : memref<!tpu.dma_semaphore, #tpu.memory_space<semaphore_mem>>
      %dma_start3A_111 = arith.constant 0 : i32
      %dma_start3A_112 = tpu.memref_slice %arg15[%mul3A_105, %dma_start3A_111] : memref<2048x32xf32, #tpu.memory_space<vmem_shared>> -> memref<128x32xf32, #tpu.memory_space<vmem_shared>>
      %dma_start3A_113 = arith.constant 0 : i32
      %dma_start3A_114 = tpu.memref_slice %arg15[%mul3A_105, %dma_start3A_113] : memref<2048x32xf32, #tpu.memory_space<vmem_shared>> -> memref<128x32xf32, #tpu.memory_space<vmem_shared>>
      tpu.enqueue_dma source(%dma_start3A_114 : memref<128x32xf32, #tpu.memory_space<vmem_shared>>) target(%arg14 : memref<128x32xf32, #tpu.memory_space<vmem>>) target_semaphore(%run_scoped3A : memref<!tpu.dma_semaphore, #tpu.memory_space<semaphore_mem>>)
      %dma_wait3A_115 = arith.constant 0 : i32
      %dma_wait3A_116 = tpu.memref_slice %arg15[%mul3A_105, %dma_wait3A_115] : memref<2048x32xf32, #tpu.memory_space<vmem_shared>> -> memref<128x32xf32, #tpu.memory_space<vmem_shared>>
      %dma_wait3A_117 = arith.constant 0 : i32
      %dma_wait3A_118 = tpu.memref_slice %arg15[%mul3A_105, %dma_wait3A_117] : memref<2048x32xf32, #tpu.memory_space<vmem_shared>> -> memref<128x32xf32, #tpu.memory_space<vmem_shared>>
      tpu.wait_dma2 semaphore(%run_scoped3A : memref<!tpu.dma_semaphore, #tpu.memory_space<semaphore_mem>>) src(%dma_wait3A_118 : memref<128x32xf32, #tpu.memory_space<vmem_shared>>) dst(%arg14 : memref<128x32xf32, #tpu.memory_space<vmem>>)
      tpu.yield
    }) : () -> ()
    %mul3A_106 = arith.constant 2048 : i32
    %mul3A_107 = arith.muli %arg0, %mul3A_106 : i32
    %mul3A_108 = arith.constant 128 : i32
    %mul3A_109 = arith.muli %arg1, %mul3A_108 : i32
    %add3A_110 = arith.addi %mul3A_107, %mul3A_109 : i32
    "tpu.region"() ({
      %run_scoped3A = tpu.sem_alloc : memref<!tpu.dma_semaphore, #tpu.memory_space<semaphore_mem>>
      %dma_start3A_111 = arith.constant 0 : i32
      %dma_start3A_112 = tpu.memref_slice %arg6[%add3A_110, %dma_start3A_111] : memref<4096x32xf32, #tpu.memory_space<hbm>> -> memref<128x32xf32, #tpu.memory_space<hbm>>
      %dma_start3A_113 = arith.constant 0 : i32
      %dma_start3A_114 = tpu.memref_slice %arg6[%add3A_110, %dma_start3A_113] : memref<4096x32xf32, #tpu.memory_space<hbm>> -> memref<128x32xf32, #tpu.memory_space<hbm>>
      tpu.enqueue_dma source(%arg14 : memref<128x32xf32, #tpu.memory_space<vmem>>) target(%dma_start3A_114 : memref<128x32xf32, #tpu.memory_space<hbm>>) target_semaphore(%run_scoped3A : memref<!tpu.dma_semaphore, #tpu.memory_space<semaphore_mem>>)
      %dma_wait3A_115 = arith.constant 0 : i32
      %dma_wait3A_116 = tpu.memref_slice %arg6[%add3A_110, %dma_wait3A_115] : memref<4096x32xf32, #tpu.memory_space<hbm>> -> memref<128x32xf32, #tpu.memory_space<hbm>>
      %dma_wait3A_117 = arith.constant 0 : i32
      %dma_wait3A_118 = tpu.memref_slice %arg6[%add3A_110, %dma_wait3A_117] : memref<4096x32xf32, #tpu.memory_space<hbm>> -> memref<128x32xf32, #tpu.memory_space<hbm>>
      tpu.wait_dma2 semaphore(%run_scoped3A : memref<!tpu.dma_semaphore, #tpu.memory_space<semaphore_mem>>) src(%arg14 : memref<128x32xf32, #tpu.memory_space<vmem>>) dst(%dma_wait3A_118 : memref<128x32xf32, #tpu.memory_space<hbm>>)
      tpu.yield
    }) : () -> ()
    return
  }
}

#map = affine_map<(d0, d1) -> (0, 0)>
#map1 = affine_map<(d0, d1) -> (0)>
module attributes {stable_mosaic.version = 14 : i64} {
  func.func @k(%arg0: i32, %arg1: i32, %arg2: memref<4096x32xf32, #tpu.memory_space<hbm>>, %arg3: memref<2000xi32, #tpu.memory_space<hbm>>, %arg4: memref<13312xf32, #tpu.memory_space<hbm>>, %arg5: memref<2000xi32, #tpu.memory_space<vmem>>, %arg6: memref<96xi32, #tpu.memory_space<vmem>>, %arg7: memref<96xi32, #tpu.memory_space<vmem>>, %arg8: memref<96xi32, #tpu.memory_space<vmem>>, %arg9: memref<80x32xf32, #tpu.memory_space<vmem>>, %arg10: memref<80x32xf32, #tpu.memory_space<vmem>>, %arg11: memref<448xf32, #tpu.memory_space<vmem>>, %arg12: memref<32x32xf32, #tpu.memory_space<vmem>>, %arg13: memref<416xf32, #tpu.memory_space<vmem>>, %arg14: memref<!tpu.dma_semaphore, #tpu.memory_space<semaphore_mem>>) attributes {dimension_semantics = [#tpu.dimension_semantics<core_parallel>, #tpu.dimension_semantics<subcore_parallel>], iteration_bounds = array<i64: 2, 16>, scalar_prefetch = 0 : i64, scratch_operands = 10 : i64, tpu.core_type = #tpu.core_type<sc_vector_subcore>, window_params = [{transform_indices = #map}, {transform_indices = #map1}, {transform_indices = #map1}]} {
    %mul3A = arith.constant 16 : i32
    %mul3A_0 = arith.muli %arg0, %mul3A : i32
    %add3A = arith.addi %mul3A_0, %arg1 : i32
    %mul3A_1 = arith.constant 13 : i32
    %mul3A_2 = arith.muli %add3A, %mul3A_1 : i32
    %iota3A = tpu.iota {dimensions = array<i32: 0>} : vector<16xi32>
    %scan3A = arith.constant 0 : i32
    %scan3A_3 = arith.constant 28 : i32
    %scan3A_4 = arith.addi %scan3A, %scan3A_3 : i32
    %scan3A_5 = arith.constant 1 : i32
    scf.for %scan3A_58 = %scan3A to %scan3A_4 step %scan3A_5  : i32 {
      %broadcast_in_dim3A_59 = arith.constant 0.000000e+00 : f32
      %broadcast_in_dim3A_60 = vector.broadcast %broadcast_in_dim3A_59 : f32 to vector<16xf32>
      %mul3A_61 = arith.constant 16 : i32
      %mul3A_62 = arith.muli %scan3A_58, %mul3A_61 : i32
      %swap3A = arith.index_cast %mul3A_62 : i32 to index
      %swap3A_63 = tpu.vector_load %arg11[%swap3A] {strides = array<i32>} : memref<448xf32, #tpu.memory_space<vmem>>, vector<16xf32>,
      tpu.vector_store %arg11[%swap3A], %broadcast_in_dim3A_60 {strides = array<i32>} : memref<448xf32, #tpu.memory_space<vmem>>, vector<16xf32>,
    }
    %scan3A_6 = arith.constant 28 : i32
    %scan3A_7 = arith.constant 0 : i32
    %scan3A_8 = arith.constant 6 : i32
    %scan3A_9 = arith.addi %scan3A_7, %scan3A_8 : i32
    %scan3A_10 = arith.constant 1 : i32
    scf.for %scan3A_58 = %scan3A_7 to %scan3A_9 step %scan3A_10  : i32 {
      %broadcast_in_dim3A_59 = arith.constant 13 : i32
      %broadcast_in_dim3A_60 = vector.broadcast %broadcast_in_dim3A_59 : i32 to vector<16xi32>
      %mul3A_61 = arith.constant 16 : i32
      %mul3A_62 = arith.muli %scan3A_58, %mul3A_61 : i32
      %swap3A = arith.index_cast %mul3A_62 : i32 to index
      %swap3A_63 = tpu.vector_load %arg6[%swap3A] {strides = array<i32>} : memref<96xi32, #tpu.memory_space<vmem>>, vector<16xi32>,
      tpu.vector_store %arg6[%swap3A], %broadcast_in_dim3A_60 {strides = array<i32>} : memref<96xi32, #tpu.memory_space<vmem>>, vector<16xi32>,
      %broadcast_in_dim3A_64 = arith.constant 0 : i32
      %broadcast_in_dim3A_65 = vector.broadcast %broadcast_in_dim3A_64 : i32 to vector<16xi32>
      %mul3A_66 = arith.constant 16 : i32
      %mul3A_67 = arith.muli %scan3A_58, %mul3A_66 : i32
      %swap3A_68 = arith.index_cast %mul3A_67 : i32 to index
      %swap3A_69 = tpu.vector_load %arg7[%swap3A_68] {strides = array<i32>} : memref<96xi32, #tpu.memory_space<vmem>>, vector<16xi32>,
      tpu.vector_store %arg7[%swap3A_68], %broadcast_in_dim3A_65 {strides = array<i32>} : memref<96xi32, #tpu.memory_space<vmem>>, vector<16xi32>,
      %broadcast_in_dim3A_70 = arith.constant 2048 : i32
      %broadcast_in_dim3A_71 = vector.broadcast %broadcast_in_dim3A_70 : i32 to vector<16xi32>
      %mul3A_72 = arith.constant 16 : i32
      %mul3A_73 = arith.muli %scan3A_58, %mul3A_72 : i32
      %swap3A_74 = arith.index_cast %mul3A_73 : i32 to index
      %swap3A_75 = tpu.vector_load %arg8[%swap3A_74] {strides = array<i32>} : memref<96xi32, #tpu.memory_space<vmem>>, vector<16xi32>,
      tpu.vector_store %arg8[%swap3A_74], %broadcast_in_dim3A_71 {strides = array<i32>} : memref<96xi32, #tpu.memory_space<vmem>>, vector<16xi32>,
    }
    %scan3A_11 = arith.constant 6 : i32
    "tpu.region"() ({
      %run_scoped3A = tpu.sem_alloc : memref<!tpu.dma_semaphore, #tpu.memory_space<semaphore_mem>>
      tpu.enqueue_dma source(%arg3 : memref<2000xi32, #tpu.memory_space<hbm>>) target(%arg5 : memref<2000xi32, #tpu.memory_space<vmem>>) target_semaphore(%run_scoped3A : memref<!tpu.dma_semaphore, #tpu.memory_space<semaphore_mem>>)
      tpu.wait_dma2 semaphore(%run_scoped3A : memref<!tpu.dma_semaphore, #tpu.memory_space<semaphore_mem>>) src(%arg3 : memref<2000xi32, #tpu.memory_space<hbm>>) dst(%arg5 : memref<2000xi32, #tpu.memory_space<vmem>>)
      tpu.yield
    }) : () -> ()
    %broadcast_in_dim3A = arith.constant 0 : i32
    %broadcast_in_dim3A_12 = vector.broadcast %broadcast_in_dim3A : i32 to vector<16xi32>
    %scan3A_13 = arith.constant 0 : i32
    %scan3A_14 = arith.constant 125 : i32
    %scan3A_15 = arith.addi %scan3A_13, %scan3A_14 : i32
    %scan3A_16 = arith.constant 1 : i32
    %scan3A_17 = scf.for %scan3A_58 = %scan3A_13 to %scan3A_15 step %scan3A_16 iter_args(%scan3A_59 = %broadcast_in_dim3A_12) -> (vector<16xi32>)  : i32 {
      %mul3A_60 = arith.constant 16 : i32
      %mul3A_61 = arith.muli %scan3A_58, %mul3A_60 : i32
      %get3A = arith.index_cast %mul3A_61 : i32 to index
      %get3A_62 = tpu.vector_load %arg5[%get3A] {strides = array<i32>} : memref<2000xi32, #tpu.memory_space<vmem>>, vector<16xi32>,
      %sub3A = vector.broadcast %mul3A_2 : i32 to vector<16xi32>
      %sub3A_63 = arith.subi %get3A_62, %sub3A : vector<16xi32>
      %ge3A = arith.constant 0 : i32
      %ge3A_64 = vector.broadcast %ge3A : i32 to vector<16xi32>
      %ge3A_65 = arith.cmpi sge, %sub3A_63, %ge3A_64 : vector<16xi32>
      %lt3A = arith.constant 13 : i32
      %lt3A_66 = vector.broadcast %lt3A : i32 to vector<16xi32>
      %lt3A_67 = arith.cmpi slt, %sub3A_63, %lt3A_66 : vector<16xi32>
      %and3A = arith.andi %ge3A_65, %lt3A_67 : vector<16xi1>
      %jit3A = arith.constant 1 : i32
      %jit3A_68 = arith.constant 0 : i32
      %broadcast_in_dim3A_69 = vector.broadcast %jit3A : i32 to vector<16xi32>
      %broadcast_in_dim3A_70 = vector.broadcast %jit3A_68 : i32 to vector<16xi32>
      %select_n3A = arith.select %and3A, %broadcast_in_dim3A_69, %broadcast_in_dim3A_70 : vector<16xi1>, vector<16xi32>
      %sub3A_71 = arith.constant 1 : i32
      %sub3A_72 = vector.broadcast %sub3A_71 : i32 to vector<16xi32>
      %sub3A_73 = arith.subi %iota3A, %sub3A_72 : vector<16xi32>
      %max3A = arith.constant 0 : i32
      %max3A_74 = vector.broadcast %max3A : i32 to vector<16xi32>
      %max3A_75 = arith.maxsi %sub3A_73, %max3A_74 : vector<16xi32>
      %lt3A_76 = arith.constant 0 : i32
      %lt3A_77 = vector.broadcast %lt3A_76 : i32 to vector<16xi32>
      %lt3A_78 = arith.cmpi slt, %max3A_75, %lt3A_77 : vector<16xi32>
      %add3A_79 = arith.constant 16 : i32
      %add3A_80 = vector.broadcast %add3A_79 : i32 to vector<16xi32>
      %add3A_81 = arith.addi %max3A_75, %add3A_80 : vector<16xi32>
      %select_n3A_82 = arith.select %lt3A_78, %add3A_81, %max3A_75 : vector<16xi1>, vector<16xi32>
      %broadcast_in_dim3A_83 = vector.shape_cast %select_n3A_82 : vector<16xi32> to vector<16x1xi32>
      %gather3A = vector.shape_cast %broadcast_in_dim3A_83 : vector<16x1xi32> to vector<16xi32>
      %gather3A_84 = tpu.dynamic_gather %select_n3A[%gather3A] in [0] : vector<16xi32>, vector<16xi32> -> vector<16xi32>
      %ge3A_85 = arith.constant 1 : i32
      %ge3A_86 = vector.broadcast %ge3A_85 : i32 to vector<16xi32>
      %ge3A_87 = arith.cmpi sge, %iota3A, %ge3A_86 : vector<16xi32>
      %jit3A_88 = arith.constant 0 : i32
      %broadcast_in_dim3A_89 = vector.broadcast %jit3A_88 : i32 to vector<16xi32>
      %select_n3A_90 = arith.select %ge3A_87, %gather3A_84, %broadcast_in_dim3A_89 : vector<16xi1>, vector<16xi32>
      %add3A_91 = arith.addi %select_n3A, %select_n3A_90 : vector<16xi32>
      %sub3A_92 = arith.constant 2 : i32
      %sub3A_93 = vector.broadcast %sub3A_92 : i32 to vector<16xi32>
      %sub3A_94 = arith.subi %iota3A, %sub3A_93 : vector<16xi32>
      %max3A_95 = arith.constant 0 : i32
      %max3A_96 = vector.broadcast %max3A_95 : i32 to vector<16xi32>
      %max3A_97 = arith.maxsi %sub3A_94, %max3A_96 : vector<16xi32>
      %lt3A_98 = arith.constant 0 : i32
      %lt3A_99 = vector.broadcast %lt3A_98 : i32 to vector<16xi32>
      %lt3A_100 = arith.cmpi slt, %max3A_97, %lt3A_99 : vector<16xi32>
      %add3A_101 = arith.constant 16 : i32
      %add3A_102 = vector.broadcast %add3A_101 : i32 to vector<16xi32>
      %add3A_103 = arith.addi %max3A_97, %add3A_102 : vector<16xi32>
      %select_n3A_104 = arith.select %lt3A_100, %add3A_103, %max3A_97 : vector<16xi1>, vector<16xi32>
      %broadcast_in_dim3A_105 = vector.shape_cast %select_n3A_104 : vector<16xi32> to vector<16x1xi32>
      %gather3A_106 = vector.shape_cast %broadcast_in_dim3A_105 : vector<16x1xi32> to vector<16xi32>
      %gather3A_107 = tpu.dynamic_gather %add3A_91[%gather3A_106] in [0] : vector<16xi32>, vector<16xi32> -> vector<16xi32>
      %ge3A_108 = arith.constant 2 : i32
      %ge3A_109 = vector.broadcast %ge3A_108 : i32 to vector<16xi32>
      %ge3A_110 = arith.cmpi sge, %iota3A, %ge3A_109 : vector<16xi32>
      %jit3A_111 = arith.constant 0 : i32
      %broadcast_in_dim3A_112 = vector.broadcast %jit3A_111 : i32 to vector<16xi32>
      %select_n3A_113 = arith.select %ge3A_110, %gather3A_107, %broadcast_in_dim3A_112 : vector<16xi1>, vector<16xi32>
      %add3A_114 = arith.addi %add3A_91, %select_n3A_113 : vector<16xi32>
      %sub3A_115 = arith.constant 4 : i32
      %sub3A_116 = vector.broadcast %sub3A_115 : i32 to vector<16xi32>
      %sub3A_117 = arith.subi %iota3A, %sub3A_116 : vector<16xi32>
      %max3A_118 = arith.constant 0 : i32
      %max3A_119 = vector.broadcast %max3A_118 : i32 to vector<16xi32>
      %max3A_120 = arith.maxsi %sub3A_117, %max3A_119 : vector<16xi32>
      %lt3A_121 = arith.constant 0 : i32
      %lt3A_122 = vector.broadcast %lt3A_121 : i32 to vector<16xi32>
      %lt3A_123 = arith.cmpi slt, %max3A_120, %lt3A_122 : vector<16xi32>
      %add3A_124 = arith.constant 16 : i32
      %add3A_125 = vector.broadcast %add3A_124 : i32 to vector<16xi32>
      %add3A_126 = arith.addi %max3A_120, %add3A_125 : vector<16xi32>
      %select_n3A_127 = arith.select %lt3A_123, %add3A_126, %max3A_120 : vector<16xi1>, vector<16xi32>
      %broadcast_in_dim3A_128 = vector.shape_cast %select_n3A_127 : vector<16xi32> to vector<16x1xi32>
      %gather3A_129 = vector.shape_cast %broadcast_in_dim3A_128 : vector<16x1xi32> to vector<16xi32>
      %gather3A_130 = tpu.dynamic_gather %add3A_114[%gather3A_129] in [0] : vector<16xi32>, vector<16xi32> -> vector<16xi32>
      %ge3A_131 = arith.constant 4 : i32
      %ge3A_132 = vector.broadcast %ge3A_131 : i32 to vector<16xi32>
      %ge3A_133 = arith.cmpi sge, %iota3A, %ge3A_132 : vector<16xi32>
      %jit3A_134 = arith.constant 0 : i32
      %broadcast_in_dim3A_135 = vector.broadcast %jit3A_134 : i32 to vector<16xi32>
      %select_n3A_136 = arith.select %ge3A_133, %gather3A_130, %broadcast_in_dim3A_135 : vector<16xi1>, vector<16xi32>
      %add3A_137 = arith.addi %add3A_114, %select_n3A_136 : vector<16xi32>
      %sub3A_138 = arith.constant 8 : i32
      %sub3A_139 = vector.broadcast %sub3A_138 : i32 to vector<16xi32>
      %sub3A_140 = arith.subi %iota3A, %sub3A_139 : vector<16xi32>
      %max3A_141 = arith.constant 0 : i32
      %max3A_142 = vector.broadcast %max3A_141 : i32 to vector<16xi32>
      %max3A_143 = arith.maxsi %sub3A_140, %max3A_142 : vector<16xi32>
      %lt3A_144 = arith.constant 0 : i32
      %lt3A_145 = vector.broadcast %lt3A_144 : i32 to vector<16xi32>
      %lt3A_146 = arith.cmpi slt, %max3A_143, %lt3A_145 : vector<16xi32>
      %add3A_147 = arith.constant 16 : i32
      %add3A_148 = vector.broadcast %add3A_147 : i32 to vector<16xi32>
      %add3A_149 = arith.addi %max3A_143, %add3A_148 : vector<16xi32>
      %select_n3A_150 = arith.select %lt3A_146, %add3A_149, %max3A_143 : vector<16xi1>, vector<16xi32>
      %broadcast_in_dim3A_151 = vector.shape_cast %select_n3A_150 : vector<16xi32> to vector<16x1xi32>
      %gather3A_152 = vector.shape_cast %broadcast_in_dim3A_151 : vector<16x1xi32> to vector<16xi32>
      %gather3A_153 = tpu.dynamic_gather %add3A_137[%gather3A_152] in [0] : vector<16xi32>, vector<16xi32> -> vector<16xi32>
      %ge3A_154 = arith.constant 8 : i32
      %ge3A_155 = vector.broadcast %ge3A_154 : i32 to vector<16xi32>
      %ge3A_156 = arith.cmpi sge, %iota3A, %ge3A_155 : vector<16xi32>
      %jit3A_157 = arith.constant 0 : i32
      %broadcast_in_dim3A_158 = vector.broadcast %jit3A_157 : i32 to vector<16xi32>
      %select_n3A_159 = arith.select %ge3A_156, %gather3A_153, %broadcast_in_dim3A_158 : vector<16xi1>, vector<16xi32>
      %add3A_160 = arith.addi %add3A_137, %select_n3A_159 : vector<16xi32>
      %add3A_161 = arith.addi %scan3A_59, %add3A_160 : vector<16xi32>
      %sub3A_162 = arith.constant 1 : i32
      %sub3A_163 = vector.broadcast %sub3A_162 : i32 to vector<16xi32>
      %sub3A_164 = arith.subi %add3A_161, %sub3A_163 : vector<16xi32>
      %mul3A_165 = arith.constant 16 : i32
      %mul3A_166 = arith.muli %scan3A_58, %mul3A_165 : i32
      %add3A_167 = vector.broadcast %mul3A_166 : i32 to vector<16xi32>
      %add3A_168 = arith.addi %add3A_167, %iota3A : vector<16xi32>
      tpu.vector_store_idx %arg6[%sub3A_164], %sub3A_63 masked %and3A : memref<96xi32, #tpu.memory_space<vmem>>[vector<16xi32>], vector<16xi32>, vector<16xi1>
      tpu.vector_store_idx %arg7[%sub3A_164], %add3A_168 masked %and3A : memref<96xi32, #tpu.memory_space<vmem>>[vector<16xi32>], vector<16xi32>, vector<16xi1>
      %add3A_169 = arith.constant 2048 : i32
      %add3A_170 = vector.broadcast %add3A_169 : i32 to vector<16xi32>
      %add3A_171 = arith.addi %add3A_168, %add3A_170 : vector<16xi32>
      tpu.vector_store_idx %arg8[%sub3A_164], %add3A_171 masked %and3A : memref<96xi32, #tpu.memory_space<vmem>>[vector<16xi32>], vector<16xi32>, vector<16xi1>
      %all_reduce_population_count3A = tpu.all_reduce %and3A {dim = 0 : i64, kind = #tpu.reduction_kind<sum>} : vector<16xi1> -> vector<16xi32>
      %add3A_172 = arith.addi %scan3A_59, %all_reduce_population_count3A : vector<16xi32>
      scf.yield %add3A_172 : vector<16xi32>
    }
    %scan3A_18 = arith.constant 125 : i32
    %dma_start3A = arith.constant 0 : i32
    %dma_start3A_19 = arith.constant 0 : i32
    %dma_start3A_20 = tpu.memref_slice %arg9[%dma_start3A, %dma_start3A_19] : memref<80x32xf32, #tpu.memory_space<vmem>> -> memref<80x32xf32, #tpu.memory_space<vmem>>
    %dma_start3A_21 = arith.constant 0 : i32
    %dma_start3A_22 = tpu.memref_slice %arg7[%dma_start3A_21] : memref<96xi32, #tpu.memory_space<vmem>> -> memref<80xi32, #tpu.memory_space<vmem>>
    %dma_start3A_23 = arith.constant 0 : i32
    %dma_start3A_24 = arith.constant 0 : i32
    %dma_start3A_25 = tpu.memref_slice %arg2[%dma_start3A_23, %dma_start3A_24] : memref<4096x32xf32, #tpu.memory_space<hbm>> -> memref<4096x32xf32, #tpu.memory_space<hbm>>
    tpu.enqueue_indirect_dma source(%dma_start3A_25 : memref<4096x32xf32, #tpu.memory_space<hbm>>) target(%dma_start3A_20 : memref<80x32xf32, #tpu.memory_space<vmem>>) offsets(%dma_start3A_22 : memref<80xi32, #tpu.memory_space<vmem>>) semaphore(%arg14 : memref<!tpu.dma_semaphore, #tpu.memory_space<semaphore_mem>>)
    %dma_wait3A = arith.constant 0 : i32
    %dma_wait3A_26 = arith.constant 0 : i32
    %dma_wait3A_27 = tpu.memref_slice %arg9[%dma_wait3A, %dma_wait3A_26] : memref<80x32xf32, #tpu.memory_space<vmem>> -> memref<80x32xf32, #tpu.memory_space<vmem>>
    %dma_wait3A_28 = arith.constant 0 : i32
    %dma_wait3A_29 = tpu.memref_slice %arg7[%dma_wait3A_28] : memref<96xi32, #tpu.memory_space<vmem>> -> memref<80xi32, #tpu.memory_space<vmem>>
    %dma_wait3A_30 = arith.constant 0 : i32
    %dma_wait3A_31 = arith.constant 0 : i32
    %dma_wait3A_32 = tpu.memref_slice %arg2[%dma_wait3A_30, %dma_wait3A_31] : memref<4096x32xf32, #tpu.memory_space<hbm>> -> memref<4096x32xf32, #tpu.memory_space<hbm>>
    tpu.wait_indirect_dma semaphore(%arg14 : memref<!tpu.dma_semaphore, #tpu.memory_space<semaphore_mem>>) src(%dma_wait3A_32 : memref<4096x32xf32, #tpu.memory_space<hbm>>) dst(%dma_wait3A_27 : memref<80x32xf32, #tpu.memory_space<vmem>>)
    %dma_start3A_33 = arith.constant 0 : i32
    %dma_start3A_34 = arith.constant 0 : i32
    %dma_start3A_35 = tpu.memref_slice %arg10[%dma_start3A_33, %dma_start3A_34] : memref<80x32xf32, #tpu.memory_space<vmem>> -> memref<80x32xf32, #tpu.memory_space<vmem>>
    %dma_start3A_36 = arith.constant 0 : i32
    %dma_start3A_37 = tpu.memref_slice %arg8[%dma_start3A_36] : memref<96xi32, #tpu.memory_space<vmem>> -> memref<80xi32, #tpu.memory_space<vmem>>
    %dma_start3A_38 = arith.constant 0 : i32
    %dma_start3A_39 = arith.constant 0 : i32
    %dma_start3A_40 = tpu.memref_slice %arg2[%dma_start3A_38, %dma_start3A_39] : memref<4096x32xf32, #tpu.memory_space<hbm>> -> memref<4096x32xf32, #tpu.memory_space<hbm>>
    tpu.enqueue_indirect_dma source(%dma_start3A_40 : memref<4096x32xf32, #tpu.memory_space<hbm>>) target(%dma_start3A_35 : memref<80x32xf32, #tpu.memory_space<vmem>>) offsets(%dma_start3A_37 : memref<80xi32, #tpu.memory_space<vmem>>) semaphore(%arg14 : memref<!tpu.dma_semaphore, #tpu.memory_space<semaphore_mem>>)
    %dma_wait3A_41 = arith.constant 0 : i32
    %dma_wait3A_42 = arith.constant 0 : i32
    %dma_wait3A_43 = tpu.memref_slice %arg10[%dma_wait3A_41, %dma_wait3A_42] : memref<80x32xf32, #tpu.memory_space<vmem>> -> memref<80x32xf32, #tpu.memory_space<vmem>>
    %dma_wait3A_44 = arith.constant 0 : i32
    %dma_wait3A_45 = tpu.memref_slice %arg8[%dma_wait3A_44] : memref<96xi32, #tpu.memory_space<vmem>> -> memref<80xi32, #tpu.memory_space<vmem>>
    %dma_wait3A_46 = arith.constant 0 : i32
    %dma_wait3A_47 = arith.constant 0 : i32
    %dma_wait3A_48 = tpu.memref_slice %arg2[%dma_wait3A_46, %dma_wait3A_47] : memref<4096x32xf32, #tpu.memory_space<hbm>> -> memref<4096x32xf32, #tpu.memory_space<hbm>>
    tpu.wait_indirect_dma semaphore(%arg14 : memref<!tpu.dma_semaphore, #tpu.memory_space<semaphore_mem>>) src(%dma_wait3A_48 : memref<4096x32xf32, #tpu.memory_space<hbm>>) dst(%dma_wait3A_43 : memref<80x32xf32, #tpu.memory_space<vmem>>)
    %scan3A_49 = arith.constant 0 : i32
    %scan3A_50 = arith.constant 5 : i32
    %scan3A_51 = arith.addi %scan3A_49, %scan3A_50 : i32
    %scan3A_52 = arith.constant 1 : i32
    scf.for %scan3A_58 = %scan3A_49 to %scan3A_51 step %scan3A_52  : i32 {
      %mul3A_59 = arith.constant 16 : i32
      %mul3A_60 = arith.muli %scan3A_58, %mul3A_59 : i32
      %get3A = arith.index_cast %mul3A_60 : i32 to index
      %get3A_61 = tpu.vector_load %arg6[%get3A] {strides = array<i32>} : memref<96xi32, #tpu.memory_space<vmem>>, vector<16xi32>,
      %broadcast_in_dim3A_62 = arith.constant 0 : i32
      %broadcast_in_dim3A_63 = vector.broadcast %broadcast_in_dim3A_62 : i32 to vector<16xi32>
      %lt3A = arith.constant 0 : i32
      %lt3A_64 = vector.broadcast %lt3A : i32 to vector<16xi32>
      %lt3A_65 = arith.cmpi slt, %broadcast_in_dim3A_63, %lt3A_64 : vector<16xi32>
      %add3A_66 = arith.constant 16 : i32
      %add3A_67 = vector.broadcast %add3A_66 : i32 to vector<16xi32>
      %add3A_68 = arith.addi %broadcast_in_dim3A_63, %add3A_67 : vector<16xi32>
      %select_n3A = arith.select %lt3A_65, %add3A_68, %broadcast_in_dim3A_63 : vector<16xi1>, vector<16xi32>
      %broadcast_in_dim3A_69 = vector.shape_cast %select_n3A : vector<16xi32> to vector<16x1xi32>
      %gather3A = vector.shape_cast %broadcast_in_dim3A_69 : vector<16x1xi32> to vector<16xi32>
      %gather3A_70 = tpu.dynamic_gather %get3A_61[%gather3A] in [0] : vector<16xi32>, vector<16xi32> -> vector<16xi32>
      %mul3A_71 = arith.constant 16 : i32
      %mul3A_72 = arith.muli %scan3A_58, %mul3A_71 : i32
      %add3A_73 = arith.constant 0 : i32
      %add3A_74 = arith.addi %mul3A_72, %add3A_73 : i32
      %mul3A_75 = arith.constant 32 : i32
      %mul3A_76 = vector.broadcast %mul3A_75 : i32 to vector<16xi32>
      %mul3A_77 = arith.muli %gather3A_70, %mul3A_76 : vector<16xi32>
      %add3A_78 = arith.constant 0 : i32
      %add3A_79 = vector.broadcast %add3A_78 : i32 to vector<16xi32>
      %add3A_80 = arith.addi %mul3A_77, %add3A_79 : vector<16xi32>
      %add3A_81 = arith.addi %add3A_80, %iota3A : vector<16xi32>
      %gather3A_82 = tpu.vector_load_idx %arg11[%add3A_81] : memref<448xf32, #tpu.memory_space<vmem>>[vector<16xi32>], vector<16xf32>,
      %get3A_83 = arith.index_cast %add3A_74 : i32 to index
      %get3A_84 = arith.constant 0 : index
      %get3A_85 = tpu.vector_load %arg9[%get3A_83, %get3A_84] {strides = array<i32>} : memref<80x32xf32, #tpu.memory_space<vmem>>, vector<16xf32>,
      %get3A_86 = arith.index_cast %add3A_74 : i32 to index
      %get3A_87 = arith.constant 0 : index
      %get3A_88 = tpu.vector_load %arg10[%get3A_86, %get3A_87] {strides = array<i32>} : memref<80x32xf32, #tpu.memory_space<vmem>>, vector<16xf32>,
      %add3A_89 = arith.addf %get3A_85, %get3A_88 : vector<16xf32>
      %max3A = arith.constant 0.000000e+00 : f32
      %max3A_90 = vector.broadcast %max3A : f32 to vector<16xf32>
      %max3A_91 = arith.maximumf %add3A_89, %max3A_90 : vector<16xf32>
      %max3A_92 = arith.maximumf %gather3A_82, %max3A_91 : vector<16xf32>
      tpu.vector_store_idx %arg11[%add3A_81], %max3A_92 : memref<448xf32, #tpu.memory_space<vmem>>[vector<16xi32>], vector<16xf32>,
      %mul3A_93 = arith.constant 32 : i32
      %mul3A_94 = vector.broadcast %mul3A_93 : i32 to vector<16xi32>
      %mul3A_95 = arith.muli %gather3A_70, %mul3A_94 : vector<16xi32>
      %add3A_96 = arith.constant 16 : i32
      %add3A_97 = vector.broadcast %add3A_96 : i32 to vector<16xi32>
      %add3A_98 = arith.addi %mul3A_95, %add3A_97 : vector<16xi32>
      %add3A_99 = arith.addi %add3A_98, %iota3A : vector<16xi32>
      %gather3A_100 = tpu.vector_load_idx %arg11[%add3A_99] : memref<448xf32, #tpu.memory_space<vmem>>[vector<16xi32>], vector<16xf32>,
      %get3A_101 = arith.index_cast %add3A_74 : i32 to index
      %get3A_102 = arith.constant 16 : index
      %get3A_103 = tpu.vector_load %arg9[%get3A_101, %get3A_102] {strides = array<i32>} : memref<80x32xf32, #tpu.memory_space<vmem>>, vector<16xf32>,
      %get3A_104 = arith.index_cast %add3A_74 : i32 to index
      %get3A_105 = arith.constant 16 : index
      %get3A_106 = tpu.vector_load %arg10[%get3A_104, %get3A_105] {strides = array<i32>} : memref<80x32xf32, #tpu.memory_space<vmem>>, vector<16xf32>,
      %add3A_107 = arith.addf %get3A_103, %get3A_106 : vector<16xf32>
      %max3A_108 = arith.constant 0.000000e+00 : f32
      %max3A_109 = vector.broadcast %max3A_108 : f32 to vector<16xf32>
      %max3A_110 = arith.maximumf %add3A_107, %max3A_109 : vector<16xf32>
      %max3A_111 = arith.maximumf %gather3A_100, %max3A_110 : vector<16xf32>
      tpu.vector_store_idx %arg11[%add3A_99], %max3A_111 : memref<448xf32, #tpu.memory_space<vmem>>[vector<16xi32>], vector<16xf32>,
      %broadcast_in_dim3A_112 = arith.constant 1 : i32
      %broadcast_in_dim3A_113 = vector.broadcast %broadcast_in_dim3A_112 : i32 to vector<16xi32>
      %lt3A_114 = arith.constant 0 : i32
      %lt3A_115 = vector.broadcast %lt3A_114 : i32 to vector<16xi32>
      %lt3A_116 = arith.cmpi slt, %broadcast_in_dim3A_113, %lt3A_115 : vector<16xi32>
      %add3A_117 = arith.constant 16 : i32
      %add3A_118 = vector.broadcast %add3A_117 : i32 to vector<16xi32>
      %add3A_119 = arith.addi %broadcast_in_dim3A_113, %add3A_118 : vector<16xi32>
      %select_n3A_120 = arith.select %lt3A_116, %add3A_119, %broadcast_in_dim3A_113 : vector<16xi1>, vector<16xi32>
      %broadcast_in_dim3A_121 = vector.shape_cast %select_n3A_120 : vector<16xi32> to vector<16x1xi32>
      %gather3A_122 = vector.shape_cast %broadcast_in_dim3A_121 : vector<16x1xi32> to vector<16xi32>
      %gather3A_123 = tpu.dynamic_gather %get3A_61[%gather3A_122] in [0] : vector<16xi32>, vector<16xi32> -> vector<16xi32>
      %mul3A_124 = arith.constant 16 : i32
      %mul3A_125 = arith.muli %scan3A_58, %mul3A_124 : i32
      %add3A_126 = arith.constant 1 : i32
      %add3A_127 = arith.addi %mul3A_125, %add3A_126 : i32
      %mul3A_128 = arith.constant 32 : i32
      %mul3A_129 = vector.broadcast %mul3A_128 : i32 to vector<16xi32>
      %mul3A_130 = arith.muli %gather3A_123, %mul3A_129 : vector<16xi32>
      %add3A_131 = arith.constant 0 : i32
      %add3A_132 = vector.broadcast %add3A_131 : i32 to vector<16xi32>
      %add3A_133 = arith.addi %mul3A_130, %add3A_132 : vector<16xi32>
      %add3A_134 = arith.addi %add3A_133, %iota3A : vector<16xi32>
      %gather3A_135 = tpu.vector_load_idx %arg11[%add3A_134] : memref<448xf32, #tpu.memory_space<vmem>>[vector<16xi32>], vector<16xf32>,
      %get3A_136 = arith.index_cast %add3A_127 : i32 to index
      %get3A_137 = arith.constant 0 : index
      %get3A_138 = tpu.vector_load %arg9[%get3A_136, %get3A_137] {strides = array<i32>} : memref<80x32xf32, #tpu.memory_space<vmem>>, vector<16xf32>,
      %get3A_139 = arith.index_cast %add3A_127 : i32 to index
      %get3A_140 = arith.constant 0 : index
      %get3A_141 = tpu.vector_load %arg10[%get3A_139, %get3A_140] {strides = array<i32>} : memref<80x32xf32, #tpu.memory_space<vmem>>, vector<16xf32>,
      %add3A_142 = arith.addf %get3A_138, %get3A_141 : vector<16xf32>
      %max3A_143 = arith.constant 0.000000e+00 : f32
      %max3A_144 = vector.broadcast %max3A_143 : f32 to vector<16xf32>
      %max3A_145 = arith.maximumf %add3A_142, %max3A_144 : vector<16xf32>
      %max3A_146 = arith.maximumf %gather3A_135, %max3A_145 : vector<16xf32>
      tpu.vector_store_idx %arg11[%add3A_134], %max3A_146 : memref<448xf32, #tpu.memory_space<vmem>>[vector<16xi32>], vector<16xf32>,
      %mul3A_147 = arith.constant 32 : i32
      %mul3A_148 = vector.broadcast %mul3A_147 : i32 to vector<16xi32>
      %mul3A_149 = arith.muli %gather3A_123, %mul3A_148 : vector<16xi32>
      %add3A_150 = arith.constant 16 : i32
      %add3A_151 = vector.broadcast %add3A_150 : i32 to vector<16xi32>
      %add3A_152 = arith.addi %mul3A_149, %add3A_151 : vector<16xi32>
      %add3A_153 = arith.addi %add3A_152, %iota3A : vector<16xi32>
      %gather3A_154 = tpu.vector_load_idx %arg11[%add3A_153] : memref<448xf32, #tpu.memory_space<vmem>>[vector<16xi32>], vector<16xf32>,
      %get3A_155 = arith.index_cast %add3A_127 : i32 to index
      %get3A_156 = arith.constant 16 : index
      %get3A_157 = tpu.vector_load %arg9[%get3A_155, %get3A_156] {strides = array<i32>} : memref<80x32xf32, #tpu.memory_space<vmem>>, vector<16xf32>,
      %get3A_158 = arith.index_cast %add3A_127 : i32 to index
      %get3A_159 = arith.constant 16 : index
      %get3A_160 = tpu.vector_load %arg10[%get3A_158, %get3A_159] {strides = array<i32>} : memref<80x32xf32, #tpu.memory_space<vmem>>, vector<16xf32>,
      %add3A_161 = arith.addf %get3A_157, %get3A_160 : vector<16xf32>
      %max3A_162 = arith.constant 0.000000e+00 : f32
      %max3A_163 = vector.broadcast %max3A_162 : f32 to vector<16xf32>
      %max3A_164 = arith.maximumf %add3A_161, %max3A_163 : vector<16xf32>
      %max3A_165 = arith.maximumf %gather3A_154, %max3A_164 : vector<16xf32>
      tpu.vector_store_idx %arg11[%add3A_153], %max3A_165 : memref<448xf32, #tpu.memory_space<vmem>>[vector<16xi32>], vector<16xf32>,
      %broadcast_in_dim3A_166 = arith.constant 2 : i32
      %broadcast_in_dim3A_167 = vector.broadcast %broadcast_in_dim3A_166 : i32 to vector<16xi32>
      %lt3A_168 = arith.constant 0 : i32
      %lt3A_169 = vector.broadcast %lt3A_168 : i32 to vector<16xi32>
      %lt3A_170 = arith.cmpi slt, %broadcast_in_dim3A_167, %lt3A_169 : vector<16xi32>
      %add3A_171 = arith.constant 16 : i32
      %add3A_172 = vector.broadcast %add3A_171 : i32 to vector<16xi32>
      %add3A_173 = arith.addi %broadcast_in_dim3A_167, %add3A_172 : vector<16xi32>
      %select_n3A_174 = arith.select %lt3A_170, %add3A_173, %broadcast_in_dim3A_167 : vector<16xi1>, vector<16xi32>
      %broadcast_in_dim3A_175 = vector.shape_cast %select_n3A_174 : vector<16xi32> to vector<16x1xi32>
      %gather3A_176 = vector.shape_cast %broadcast_in_dim3A_175 : vector<16x1xi32> to vector<16xi32>
      %gather3A_177 = tpu.dynamic_gather %get3A_61[%gather3A_176] in [0] : vector<16xi32>, vector<16xi32> -> vector<16xi32>
      %mul3A_178 = arith.constant 16 : i32
      %mul3A_179 = arith.muli %scan3A_58, %mul3A_178 : i32
      %add3A_180 = arith.constant 2 : i32
      %add3A_181 = arith.addi %mul3A_179, %add3A_180 : i32
      %mul3A_182 = arith.constant 32 : i32
      %mul3A_183 = vector.broadcast %mul3A_182 : i32 to vector<16xi32>
      %mul3A_184 = arith.muli %gather3A_177, %mul3A_183 : vector<16xi32>
      %add3A_185 = arith.constant 0 : i32
      %add3A_186 = vector.broadcast %add3A_185 : i32 to vector<16xi32>
      %add3A_187 = arith.addi %mul3A_184, %add3A_186 : vector<16xi32>
      %add3A_188 = arith.addi %add3A_187, %iota3A : vector<16xi32>
      %gather3A_189 = tpu.vector_load_idx %arg11[%add3A_188] : memref<448xf32, #tpu.memory_space<vmem>>[vector<16xi32>], vector<16xf32>,
      %get3A_190 = arith.index_cast %add3A_181 : i32 to index
      %get3A_191 = arith.constant 0 : index
      %get3A_192 = tpu.vector_load %arg9[%get3A_190, %get3A_191] {strides = array<i32>} : memref<80x32xf32, #tpu.memory_space<vmem>>, vector<16xf32>,
      %get3A_193 = arith.index_cast %add3A_181 : i32 to index
      %get3A_194 = arith.constant 0 : index
      %get3A_195 = tpu.vector_load %arg10[%get3A_193, %get3A_194] {strides = array<i32>} : memref<80x32xf32, #tpu.memory_space<vmem>>, vector<16xf32>,
      %add3A_196 = arith.addf %get3A_192, %get3A_195 : vector<16xf32>
      %max3A_197 = arith.constant 0.000000e+00 : f32
      %max3A_198 = vector.broadcast %max3A_197 : f32 to vector<16xf32>
      %max3A_199 = arith.maximumf %add3A_196, %max3A_198 : vector<16xf32>
      %max3A_200 = arith.maximumf %gather3A_189, %max3A_199 : vector<16xf32>
      tpu.vector_store_idx %arg11[%add3A_188], %max3A_200 : memref<448xf32, #tpu.memory_space<vmem>>[vector<16xi32>], vector<16xf32>,
      %mul3A_201 = arith.constant 32 : i32
      %mul3A_202 = vector.broadcast %mul3A_201 : i32 to vector<16xi32>
      %mul3A_203 = arith.muli %gather3A_177, %mul3A_202 : vector<16xi32>
      %add3A_204 = arith.constant 16 : i32
      %add3A_205 = vector.broadcast %add3A_204 : i32 to vector<16xi32>
      %add3A_206 = arith.addi %mul3A_203, %add3A_205 : vector<16xi32>
      %add3A_207 = arith.addi %add3A_206, %iota3A : vector<16xi32>
      %gather3A_208 = tpu.vector_load_idx %arg11[%add3A_207] : memref<448xf32, #tpu.memory_space<vmem>>[vector<16xi32>], vector<16xf32>,
      %get3A_209 = arith.index_cast %add3A_181 : i32 to index
      %get3A_210 = arith.constant 16 : index
      %get3A_211 = tpu.vector_load %arg9[%get3A_209, %get3A_210] {strides = array<i32>} : memref<80x32xf32, #tpu.memory_space<vmem>>, vector<16xf32>,
      %get3A_212 = arith.index_cast %add3A_181 : i32 to index
      %get3A_213 = arith.constant 16 : index
      %get3A_214 = tpu.vector_load %arg10[%get3A_212, %get3A_213] {strides = array<i32>} : memref<80x32xf32, #tpu.memory_space<vmem>>, vector<16xf32>,
      %add3A_215 = arith.addf %get3A_211, %get3A_214 : vector<16xf32>
      %max3A_216 = arith.constant 0.000000e+00 : f32
      %max3A_217 = vector.broadcast %max3A_216 : f32 to vector<16xf32>
      %max3A_218 = arith.maximumf %add3A_215, %max3A_217 : vector<16xf32>
      %max3A_219 = arith.maximumf %gather3A_208, %max3A_218 : vector<16xf32>
      tpu.vector_store_idx %arg11[%add3A_207], %max3A_219 : memref<448xf32, #tpu.memory_space<vmem>>[vector<16xi32>], vector<16xf32>,
      %broadcast_in_dim3A_220 = arith.constant 3 : i32
      %broadcast_in_dim3A_221 = vector.broadcast %broadcast_in_dim3A_220 : i32 to vector<16xi32>
      %lt3A_222 = arith.constant 0 : i32
      %lt3A_223 = vector.broadcast %lt3A_222 : i32 to vector<16xi32>
      %lt3A_224 = arith.cmpi slt, %broadcast_in_dim3A_221, %lt3A_223 : vector<16xi32>
      %add3A_225 = arith.constant 16 : i32
      %add3A_226 = vector.broadcast %add3A_225 : i32 to vector<16xi32>
      %add3A_227 = arith.addi %broadcast_in_dim3A_221, %add3A_226 : vector<16xi32>
      %select_n3A_228 = arith.select %lt3A_224, %add3A_227, %broadcast_in_dim3A_221 : vector<16xi1>, vector<16xi32>
      %broadcast_in_dim3A_229 = vector.shape_cast %select_n3A_228 : vector<16xi32> to vector<16x1xi32>
      %gather3A_230 = vector.shape_cast %broadcast_in_dim3A_229 : vector<16x1xi32> to vector<16xi32>
      %gather3A_231 = tpu.dynamic_gather %get3A_61[%gather3A_230] in [0] : vector<16xi32>, vector<16xi32> -> vector<16xi32>
      %mul3A_232 = arith.constant 16 : i32
      %mul3A_233 = arith.muli %scan3A_58, %mul3A_232 : i32
      %add3A_234 = arith.constant 3 : i32
      %add3A_235 = arith.addi %mul3A_233, %add3A_234 : i32
      %mul3A_236 = arith.constant 32 : i32
      %mul3A_237 = vector.broadcast %mul3A_236 : i32 to vector<16xi32>
      %mul3A_238 = arith.muli %gather3A_231, %mul3A_237 : vector<16xi32>
      %add3A_239 = arith.constant 0 : i32
      %add3A_240 = vector.broadcast %add3A_239 : i32 to vector<16xi32>
      %add3A_241 = arith.addi %mul3A_238, %add3A_240 : vector<16xi32>
      %add3A_242 = arith.addi %add3A_241, %iota3A : vector<16xi32>
      %gather3A_243 = tpu.vector_load_idx %arg11[%add3A_242] : memref<448xf32, #tpu.memory_space<vmem>>[vector<16xi32>], vector<16xf32>,
      %get3A_244 = arith.index_cast %add3A_235 : i32 to index
      %get3A_245 = arith.constant 0 : index
      %get3A_246 = tpu.vector_load %arg9[%get3A_244, %get3A_245] {strides = array<i32>} : memref<80x32xf32, #tpu.memory_space<vmem>>, vector<16xf32>,
      %get3A_247 = arith.index_cast %add3A_235 : i32 to index
      %get3A_248 = arith.constant 0 : index
      %get3A_249 = tpu.vector_load %arg10[%get3A_247, %get3A_248] {strides = array<i32>} : memref<80x32xf32, #tpu.memory_space<vmem>>, vector<16xf32>,
      %add3A_250 = arith.addf %get3A_246, %get3A_249 : vector<16xf32>
      %max3A_251 = arith.constant 0.000000e+00 : f32
      %max3A_252 = vector.broadcast %max3A_251 : f32 to vector<16xf32>
      %max3A_253 = arith.maximumf %add3A_250, %max3A_252 : vector<16xf32>
      %max3A_254 = arith.maximumf %gather3A_243, %max3A_253 : vector<16xf32>
      tpu.vector_store_idx %arg11[%add3A_242], %max3A_254 : memref<448xf32, #tpu.memory_space<vmem>>[vector<16xi32>], vector<16xf32>,
      %mul3A_255 = arith.constant 32 : i32
      %mul3A_256 = vector.broadcast %mul3A_255 : i32 to vector<16xi32>
      %mul3A_257 = arith.muli %gather3A_231, %mul3A_256 : vector<16xi32>
      %add3A_258 = arith.constant 16 : i32
      %add3A_259 = vector.broadcast %add3A_258 : i32 to vector<16xi32>
      %add3A_260 = arith.addi %mul3A_257, %add3A_259 : vector<16xi32>
      %add3A_261 = arith.addi %add3A_260, %iota3A : vector<16xi32>
      %gather3A_262 = tpu.vector_load_idx %arg11[%add3A_261] : memref<448xf32, #tpu.memory_space<vmem>>[vector<16xi32>], vector<16xf32>,
      %get3A_263 = arith.index_cast %add3A_235 : i32 to index
      %get3A_264 = arith.constant 16 : index
      %get3A_265 = tpu.vector_load %arg9[%get3A_263, %get3A_264] {strides = array<i32>} : memref<80x32xf32, #tpu.memory_space<vmem>>, vector<16xf32>,
      %get3A_266 = arith.index_cast %add3A_235 : i32 to index
      %get3A_267 = arith.constant 16 : index
      %get3A_268 = tpu.vector_load %arg10[%get3A_266, %get3A_267] {strides = array<i32>} : memref<80x32xf32, #tpu.memory_space<vmem>>, vector<16xf32>,
      %add3A_269 = arith.addf %get3A_265, %get3A_268 : vector<16xf32>
      %max3A_270 = arith.constant 0.000000e+00 : f32
      %max3A_271 = vector.broadcast %max3A_270 : f32 to vector<16xf32>
      %max3A_272 = arith.maximumf %add3A_269, %max3A_271 : vector<16xf32>
      %max3A_273 = arith.maximumf %gather3A_262, %max3A_272 : vector<16xf32>
      tpu.vector_store_idx %arg11[%add3A_261], %max3A_273 : memref<448xf32, #tpu.memory_space<vmem>>[vector<16xi32>], vector<16xf32>,
      %broadcast_in_dim3A_274 = arith.constant 4 : i32
      %broadcast_in_dim3A_275 = vector.broadcast %broadcast_in_dim3A_274 : i32 to vector<16xi32>
      %lt3A_276 = arith.constant 0 : i32
      %lt3A_277 = vector.broadcast %lt3A_276 : i32 to vector<16xi32>
      %lt3A_278 = arith.cmpi slt, %broadcast_in_dim3A_275, %lt3A_277 : vector<16xi32>
      %add3A_279 = arith.constant 16 : i32
      %add3A_280 = vector.broadcast %add3A_279 : i32 to vector<16xi32>
      %add3A_281 = arith.addi %broadcast_in_dim3A_275, %add3A_280 : vector<16xi32>
      %select_n3A_282 = arith.select %lt3A_278, %add3A_281, %broadcast_in_dim3A_275 : vector<16xi1>, vector<16xi32>
      %broadcast_in_dim3A_283 = vector.shape_cast %select_n3A_282 : vector<16xi32> to vector<16x1xi32>
      %gather3A_284 = vector.shape_cast %broadcast_in_dim3A_283 : vector<16x1xi32> to vector<16xi32>
      %gather3A_285 = tpu.dynamic_gather %get3A_61[%gather3A_284] in [0] : vector<16xi32>, vector<16xi32> -> vector<16xi32>
      %mul3A_286 = arith.constant 16 : i32
      %mul3A_287 = arith.muli %scan3A_58, %mul3A_286 : i32
      %add3A_288 = arith.constant 4 : i32
      %add3A_289 = arith.addi %mul3A_287, %add3A_288 : i32
      %mul3A_290 = arith.constant 32 : i32
      %mul3A_291 = vector.broadcast %mul3A_290 : i32 to vector<16xi32>
      %mul3A_292 = arith.muli %gather3A_285, %mul3A_291 : vector<16xi32>
      %add3A_293 = arith.constant 0 : i32
      %add3A_294 = vector.broadcast %add3A_293 : i32 to vector<16xi32>
      %add3A_295 = arith.addi %mul3A_292, %add3A_294 : vector<16xi32>
      %add3A_296 = arith.addi %add3A_295, %iota3A : vector<16xi32>
      %gather3A_297 = tpu.vector_load_idx %arg11[%add3A_296] : memref<448xf32, #tpu.memory_space<vmem>>[vector<16xi32>], vector<16xf32>,
      %get3A_298 = arith.index_cast %add3A_289 : i32 to index
      %get3A_299 = arith.constant 0 : index
      %get3A_300 = tpu.vector_load %arg9[%get3A_298, %get3A_299] {strides = array<i32>} : memref<80x32xf32, #tpu.memory_space<vmem>>, vector<16xf32>,
      %get3A_301 = arith.index_cast %add3A_289 : i32 to index
      %get3A_302 = arith.constant 0 : index
      %get3A_303 = tpu.vector_load %arg10[%get3A_301, %get3A_302] {strides = array<i32>} : memref<80x32xf32, #tpu.memory_space<vmem>>, vector<16xf32>,
      %add3A_304 = arith.addf %get3A_300, %get3A_303 : vector<16xf32>
      %max3A_305 = arith.constant 0.000000e+00 : f32
      %max3A_306 = vector.broadcast %max3A_305 : f32 to vector<16xf32>
      %max3A_307 = arith.maximumf %add3A_304, %max3A_306 : vector<16xf32>
      %max3A_308 = arith.maximumf %gather3A_297, %max3A_307 : vector<16xf32>
      tpu.vector_store_idx %arg11[%add3A_296], %max3A_308 : memref<448xf32, #tpu.memory_space<vmem>>[vector<16xi32>], vector<16xf32>,
      %mul3A_309 = arith.constant 32 : i32
      %mul3A_310 = vector.broadcast %mul3A_309 : i32 to vector<16xi32>
      %mul3A_311 = arith.muli %gather3A_285, %mul3A_310 : vector<16xi32>
      %add3A_312 = arith.constant 16 : i32
      %add3A_313 = vector.broadcast %add3A_312 : i32 to vector<16xi32>
      %add3A_314 = arith.addi %mul3A_311, %add3A_313 : vector<16xi32>
      %add3A_315 = arith.addi %add3A_314, %iota3A : vector<16xi32>
      %gather3A_316 = tpu.vector_load_idx %arg11[%add3A_315] : memref<448xf32, #tpu.memory_space<vmem>>[vector<16xi32>], vector<16xf32>,
      %get3A_317 = arith.index_cast %add3A_289 : i32 to index
      %get3A_318 = arith.constant 16 : index
      %get3A_319 = tpu.vector_load %arg9[%get3A_317, %get3A_318] {strides = array<i32>} : memref<80x32xf32, #tpu.memory_space<vmem>>, vector<16xf32>,
      %get3A_320 = arith.index_cast %add3A_289 : i32 to index
      %get3A_321 = arith.constant 16 : index
      %get3A_322 = tpu.vector_load %arg10[%get3A_320, %get3A_321] {strides = array<i32>} : memref<80x32xf32, #tpu.memory_space<vmem>>, vector<16xf32>,
      %add3A_323 = arith.addf %get3A_319, %get3A_322 : vector<16xf32>
      %max3A_324 = arith.constant 0.000000e+00 : f32
      %max3A_325 = vector.broadcast %max3A_324 : f32 to vector<16xf32>
      %max3A_326 = arith.maximumf %add3A_323, %max3A_325 : vector<16xf32>
      %max3A_327 = arith.maximumf %gather3A_316, %max3A_326 : vector<16xf32>
      tpu.vector_store_idx %arg11[%add3A_315], %max3A_327 : memref<448xf32, #tpu.memory_space<vmem>>[vector<16xi32>], vector<16xf32>,
      %broadcast_in_dim3A_328 = arith.constant 5 : i32
      %broadcast_in_dim3A_329 = vector.broadcast %broadcast_in_dim3A_328 : i32 to vector<16xi32>
      %lt3A_330 = arith.constant 0 : i32
      %lt3A_331 = vector.broadcast %lt3A_330 : i32 to vector<16xi32>
      %lt3A_332 = arith.cmpi slt, %broadcast_in_dim3A_329, %lt3A_331 : vector<16xi32>
      %add3A_333 = arith.constant 16 : i32
      %add3A_334 = vector.broadcast %add3A_333 : i32 to vector<16xi32>
      %add3A_335 = arith.addi %broadcast_in_dim3A_329, %add3A_334 : vector<16xi32>
      %select_n3A_336 = arith.select %lt3A_332, %add3A_335, %broadcast_in_dim3A_329 : vector<16xi1>, vector<16xi32>
      %broadcast_in_dim3A_337 = vector.shape_cast %select_n3A_336 : vector<16xi32> to vector<16x1xi32>
      %gather3A_338 = vector.shape_cast %broadcast_in_dim3A_337 : vector<16x1xi32> to vector<16xi32>
      %gather3A_339 = tpu.dynamic_gather %get3A_61[%gather3A_338] in [0] : vector<16xi32>, vector<16xi32> -> vector<16xi32>
      %mul3A_340 = arith.constant 16 : i32
      %mul3A_341 = arith.muli %scan3A_58, %mul3A_340 : i32
      %add3A_342 = arith.constant 5 : i32
      %add3A_343 = arith.addi %mul3A_341, %add3A_342 : i32
      %mul3A_344 = arith.constant 32 : i32
      %mul3A_345 = vector.broadcast %mul3A_344 : i32 to vector<16xi32>
      %mul3A_346 = arith.muli %gather3A_339, %mul3A_345 : vector<16xi32>
      %add3A_347 = arith.constant 0 : i32
      %add3A_348 = vector.broadcast %add3A_347 : i32 to vector<16xi32>
      %add3A_349 = arith.addi %mul3A_346, %add3A_348 : vector<16xi32>
      %add3A_350 = arith.addi %add3A_349, %iota3A : vector<16xi32>
      %gather3A_351 = tpu.vector_load_idx %arg11[%add3A_350] : memref<448xf32, #tpu.memory_space<vmem>>[vector<16xi32>], vector<16xf32>,
      %get3A_352 = arith.index_cast %add3A_343 : i32 to index
      %get3A_353 = arith.constant 0 : index
      %get3A_354 = tpu.vector_load %arg9[%get3A_352, %get3A_353] {strides = array<i32>} : memref<80x32xf32, #tpu.memory_space<vmem>>, vector<16xf32>,
      %get3A_355 = arith.index_cast %add3A_343 : i32 to index
      %get3A_356 = arith.constant 0 : index
      %get3A_357 = tpu.vector_load %arg10[%get3A_355, %get3A_356] {strides = array<i32>} : memref<80x32xf32, #tpu.memory_space<vmem>>, vector<16xf32>,
      %add3A_358 = arith.addf %get3A_354, %get3A_357 : vector<16xf32>
      %max3A_359 = arith.constant 0.000000e+00 : f32
      %max3A_360 = vector.broadcast %max3A_359 : f32 to vector<16xf32>
      %max3A_361 = arith.maximumf %add3A_358, %max3A_360 : vector<16xf32>
      %max3A_362 = arith.maximumf %gather3A_351, %max3A_361 : vector<16xf32>
      tpu.vector_store_idx %arg11[%add3A_350], %max3A_362 : memref<448xf32, #tpu.memory_space<vmem>>[vector<16xi32>], vector<16xf32>,
      %mul3A_363 = arith.constant 32 : i32
      %mul3A_364 = vector.broadcast %mul3A_363 : i32 to vector<16xi32>
      %mul3A_365 = arith.muli %gather3A_339, %mul3A_364 : vector<16xi32>
      %add3A_366 = arith.constant 16 : i32
      %add3A_367 = vector.broadcast %add3A_366 : i32 to vector<16xi32>
      %add3A_368 = arith.addi %mul3A_365, %add3A_367 : vector<16xi32>
      %add3A_369 = arith.addi %add3A_368, %iota3A : vector<16xi32>
      %gather3A_370 = tpu.vector_load_idx %arg11[%add3A_369] : memref<448xf32, #tpu.memory_space<vmem>>[vector<16xi32>], vector<16xf32>,
      %get3A_371 = arith.index_cast %add3A_343 : i32 to index
      %get3A_372 = arith.constant 16 : index
      %get3A_373 = tpu.vector_load %arg9[%get3A_371, %get3A_372] {strides = array<i32>} : memref<80x32xf32, #tpu.memory_space<vmem>>, vector<16xf32>,
      %get3A_374 = arith.index_cast %add3A_343 : i32 to index
      %get3A_375 = arith.constant 16 : index
      %get3A_376 = tpu.vector_load %arg10[%get3A_374, %get3A_375] {strides = array<i32>} : memref<80x32xf32, #tpu.memory_space<vmem>>, vector<16xf32>,
      %add3A_377 = arith.addf %get3A_373, %get3A_376 : vector<16xf32>
      %max3A_378 = arith.constant 0.000000e+00 : f32
      %max3A_379 = vector.broadcast %max3A_378 : f32 to vector<16xf32>
      %max3A_380 = arith.maximumf %add3A_377, %max3A_379 : vector<16xf32>
      %max3A_381 = arith.maximumf %gather3A_370, %max3A_380 : vector<16xf32>
      tpu.vector_store_idx %arg11[%add3A_369], %max3A_381 : memref<448xf32, #tpu.memory_space<vmem>>[vector<16xi32>], vector<16xf32>,
      %broadcast_in_dim3A_382 = arith.constant 6 : i32
      %broadcast_in_dim3A_383 = vector.broadcast %broadcast_in_dim3A_382 : i32 to vector<16xi32>
      %lt3A_384 = arith.constant 0 : i32
      %lt3A_385 = vector.broadcast %lt3A_384 : i32 to vector<16xi32>
      %lt3A_386 = arith.cmpi slt, %broadcast_in_dim3A_383, %lt3A_385 : vector<16xi32>
      %add3A_387 = arith.constant 16 : i32
      %add3A_388 = vector.broadcast %add3A_387 : i32 to vector<16xi32>
      %add3A_389 = arith.addi %broadcast_in_dim3A_383, %add3A_388 : vector<16xi32>
      %select_n3A_390 = arith.select %lt3A_386, %add3A_389, %broadcast_in_dim3A_383 : vector<16xi1>, vector<16xi32>
      %broadcast_in_dim3A_391 = vector.shape_cast %select_n3A_390 : vector<16xi32> to vector<16x1xi32>
      %gather3A_392 = vector.shape_cast %broadcast_in_dim3A_391 : vector<16x1xi32> to vector<16xi32>
      %gather3A_393 = tpu.dynamic_gather %get3A_61[%gather3A_392] in [0] : vector<16xi32>, vector<16xi32> -> vector<16xi32>
      %mul3A_394 = arith.constant 16 : i32
      %mul3A_395 = arith.muli %scan3A_58, %mul3A_394 : i32
      %add3A_396 = arith.constant 6 : i32
      %add3A_397 = arith.addi %mul3A_395, %add3A_396 : i32
      %mul3A_398 = arith.constant 32 : i32
      %mul3A_399 = vector.broadcast %mul3A_398 : i32 to vector<16xi32>
      %mul3A_400 = arith.muli %gather3A_393, %mul3A_399 : vector<16xi32>
      %add3A_401 = arith.constant 0 : i32
      %add3A_402 = vector.broadcast %add3A_401 : i32 to vector<16xi32>
      %add3A_403 = arith.addi %mul3A_400, %add3A_402 : vector<16xi32>
      %add3A_404 = arith.addi %add3A_403, %iota3A : vector<16xi32>
      %gather3A_405 = tpu.vector_load_idx %arg11[%add3A_404] : memref<448xf32, #tpu.memory_space<vmem>>[vector<16xi32>], vector<16xf32>,
      %get3A_406 = arith.index_cast %add3A_397 : i32 to index
      %get3A_407 = arith.constant 0 : index
      %get3A_408 = tpu.vector_load %arg9[%get3A_406, %get3A_407] {strides = array<i32>} : memref<80x32xf32, #tpu.memory_space<vmem>>, vector<16xf32>,
      %get3A_409 = arith.index_cast %add3A_397 : i32 to index
      %get3A_410 = arith.constant 0 : index
      %get3A_411 = tpu.vector_load %arg10[%get3A_409, %get3A_410] {strides = array<i32>} : memref<80x32xf32, #tpu.memory_space<vmem>>, vector<16xf32>,
      %add3A_412 = arith.addf %get3A_408, %get3A_411 : vector<16xf32>
      %max3A_413 = arith.constant 0.000000e+00 : f32
      %max3A_414 = vector.broadcast %max3A_413 : f32 to vector<16xf32>
      %max3A_415 = arith.maximumf %add3A_412, %max3A_414 : vector<16xf32>
      %max3A_416 = arith.maximumf %gather3A_405, %max3A_415 : vector<16xf32>
      tpu.vector_store_idx %arg11[%add3A_404], %max3A_416 : memref<448xf32, #tpu.memory_space<vmem>>[vector<16xi32>], vector<16xf32>,
      %mul3A_417 = arith.constant 32 : i32
      %mul3A_418 = vector.broadcast %mul3A_417 : i32 to vector<16xi32>
      %mul3A_419 = arith.muli %gather3A_393, %mul3A_418 : vector<16xi32>
      %add3A_420 = arith.constant 16 : i32
      %add3A_421 = vector.broadcast %add3A_420 : i32 to vector<16xi32>
      %add3A_422 = arith.addi %mul3A_419, %add3A_421 : vector<16xi32>
      %add3A_423 = arith.addi %add3A_422, %iota3A : vector<16xi32>
      %gather3A_424 = tpu.vector_load_idx %arg11[%add3A_423] : memref<448xf32, #tpu.memory_space<vmem>>[vector<16xi32>], vector<16xf32>,
      %get3A_425 = arith.index_cast %add3A_397 : i32 to index
      %get3A_426 = arith.constant 16 : index
      %get3A_427 = tpu.vector_load %arg9[%get3A_425, %get3A_426] {strides = array<i32>} : memref<80x32xf32, #tpu.memory_space<vmem>>, vector<16xf32>,
      %get3A_428 = arith.index_cast %add3A_397 : i32 to index
      %get3A_429 = arith.constant 16 : index
      %get3A_430 = tpu.vector_load %arg10[%get3A_428, %get3A_429] {strides = array<i32>} : memref<80x32xf32, #tpu.memory_space<vmem>>, vector<16xf32>,
      %add3A_431 = arith.addf %get3A_427, %get3A_430 : vector<16xf32>
      %max3A_432 = arith.constant 0.000000e+00 : f32
      %max3A_433 = vector.broadcast %max3A_432 : f32 to vector<16xf32>
      %max3A_434 = arith.maximumf %add3A_431, %max3A_433 : vector<16xf32>
      %max3A_435 = arith.maximumf %gather3A_424, %max3A_434 : vector<16xf32>
      tpu.vector_store_idx %arg11[%add3A_423], %max3A_435 : memref<448xf32, #tpu.memory_space<vmem>>[vector<16xi32>], vector<16xf32>,
      %broadcast_in_dim3A_436 = arith.constant 7 : i32
      %broadcast_in_dim3A_437 = vector.broadcast %broadcast_in_dim3A_436 : i32 to vector<16xi32>
      %lt3A_438 = arith.constant 0 : i32
      %lt3A_439 = vector.broadcast %lt3A_438 : i32 to vector<16xi32>
      %lt3A_440 = arith.cmpi slt, %broadcast_in_dim3A_437, %lt3A_439 : vector<16xi32>
      %add3A_441 = arith.constant 16 : i32
      %add3A_442 = vector.broadcast %add3A_441 : i32 to vector<16xi32>
      %add3A_443 = arith.addi %broadcast_in_dim3A_437, %add3A_442 : vector<16xi32>
      %select_n3A_444 = arith.select %lt3A_440, %add3A_443, %broadcast_in_dim3A_437 : vector<16xi1>, vector<16xi32>
      %broadcast_in_dim3A_445 = vector.shape_cast %select_n3A_444 : vector<16xi32> to vector<16x1xi32>
      %gather3A_446 = vector.shape_cast %broadcast_in_dim3A_445 : vector<16x1xi32> to vector<16xi32>
      %gather3A_447 = tpu.dynamic_gather %get3A_61[%gather3A_446] in [0] : vector<16xi32>, vector<16xi32> -> vector<16xi32>
      %mul3A_448 = arith.constant 16 : i32
      %mul3A_449 = arith.muli %scan3A_58, %mul3A_448 : i32
      %add3A_450 = arith.constant 7 : i32
      %add3A_451 = arith.addi %mul3A_449, %add3A_450 : i32
      %mul3A_452 = arith.constant 32 : i32
      %mul3A_453 = vector.broadcast %mul3A_452 : i32 to vector<16xi32>
      %mul3A_454 = arith.muli %gather3A_447, %mul3A_453 : vector<16xi32>
      %add3A_455 = arith.constant 0 : i32
      %add3A_456 = vector.broadcast %add3A_455 : i32 to vector<16xi32>
      %add3A_457 = arith.addi %mul3A_454, %add3A_456 : vector<16xi32>
      %add3A_458 = arith.addi %add3A_457, %iota3A : vector<16xi32>
      %gather3A_459 = tpu.vector_load_idx %arg11[%add3A_458] : memref<448xf32, #tpu.memory_space<vmem>>[vector<16xi32>], vector<16xf32>,
      %get3A_460 = arith.index_cast %add3A_451 : i32 to index
      %get3A_461 = arith.constant 0 : index
      %get3A_462 = tpu.vector_load %arg9[%get3A_460, %get3A_461] {strides = array<i32>} : memref<80x32xf32, #tpu.memory_space<vmem>>, vector<16xf32>,
      %get3A_463 = arith.index_cast %add3A_451 : i32 to index
      %get3A_464 = arith.constant 0 : index
      %get3A_465 = tpu.vector_load %arg10[%get3A_463, %get3A_464] {strides = array<i32>} : memref<80x32xf32, #tpu.memory_space<vmem>>, vector<16xf32>,
      %add3A_466 = arith.addf %get3A_462, %get3A_465 : vector<16xf32>
      %max3A_467 = arith.constant 0.000000e+00 : f32
      %max3A_468 = vector.broadcast %max3A_467 : f32 to vector<16xf32>
      %max3A_469 = arith.maximumf %add3A_466, %max3A_468 : vector<16xf32>
      %max3A_470 = arith.maximumf %gather3A_459, %max3A_469 : vector<16xf32>
      tpu.vector_store_idx %arg11[%add3A_458], %max3A_470 : memref<448xf32, #tpu.memory_space<vmem>>[vector<16xi32>], vector<16xf32>,
      %mul3A_471 = arith.constant 32 : i32
      %mul3A_472 = vector.broadcast %mul3A_471 : i32 to vector<16xi32>
      %mul3A_473 = arith.muli %gather3A_447, %mul3A_472 : vector<16xi32>
      %add3A_474 = arith.constant 16 : i32
      %add3A_475 = vector.broadcast %add3A_474 : i32 to vector<16xi32>
      %add3A_476 = arith.addi %mul3A_473, %add3A_475 : vector<16xi32>
      %add3A_477 = arith.addi %add3A_476, %iota3A : vector<16xi32>
      %gather3A_478 = tpu.vector_load_idx %arg11[%add3A_477] : memref<448xf32, #tpu.memory_space<vmem>>[vector<16xi32>], vector<16xf32>,
      %get3A_479 = arith.index_cast %add3A_451 : i32 to index
      %get3A_480 = arith.constant 16 : index
      %get3A_481 = tpu.vector_load %arg9[%get3A_479, %get3A_480] {strides = array<i32>} : memref<80x32xf32, #tpu.memory_space<vmem>>, vector<16xf32>,
      %get3A_482 = arith.index_cast %add3A_451 : i32 to index
      %get3A_483 = arith.constant 16 : index
      %get3A_484 = tpu.vector_load %arg10[%get3A_482, %get3A_483] {strides = array<i32>} : memref<80x32xf32, #tpu.memory_space<vmem>>, vector<16xf32>,
      %add3A_485 = arith.addf %get3A_481, %get3A_484 : vector<16xf32>
      %max3A_486 = arith.constant 0.000000e+00 : f32
      %max3A_487 = vector.broadcast %max3A_486 : f32 to vector<16xf32>
      %max3A_488 = arith.maximumf %add3A_485, %max3A_487 : vector<16xf32>
      %max3A_489 = arith.maximumf %gather3A_478, %max3A_488 : vector<16xf32>
      tpu.vector_store_idx %arg11[%add3A_477], %max3A_489 : memref<448xf32, #tpu.memory_space<vmem>>[vector<16xi32>], vector<16xf32>,
      %broadcast_in_dim3A_490 = arith.constant 8 : i32
      %broadcast_in_dim3A_491 = vector.broadcast %broadcast_in_dim3A_490 : i32 to vector<16xi32>
      %lt3A_492 = arith.constant 0 : i32
      %lt3A_493 = vector.broadcast %lt3A_492 : i32 to vector<16xi32>
      %lt3A_494 = arith.cmpi slt, %broadcast_in_dim3A_491, %lt3A_493 : vector<16xi32>
      %add3A_495 = arith.constant 16 : i32
      %add3A_496 = vector.broadcast %add3A_495 : i32 to vector<16xi32>
      %add3A_497 = arith.addi %broadcast_in_dim3A_491, %add3A_496 : vector<16xi32>
      %select_n3A_498 = arith.select %lt3A_494, %add3A_497, %broadcast_in_dim3A_491 : vector<16xi1>, vector<16xi32>
      %broadcast_in_dim3A_499 = vector.shape_cast %select_n3A_498 : vector<16xi32> to vector<16x1xi32>
      %gather3A_500 = vector.shape_cast %broadcast_in_dim3A_499 : vector<16x1xi32> to vector<16xi32>
      %gather3A_501 = tpu.dynamic_gather %get3A_61[%gather3A_500] in [0] : vector<16xi32>, vector<16xi32> -> vector<16xi32>
      %mul3A_502 = arith.constant 16 : i32
      %mul3A_503 = arith.muli %scan3A_58, %mul3A_502 : i32
      %add3A_504 = arith.constant 8 : i32
      %add3A_505 = arith.addi %mul3A_503, %add3A_504 : i32
      %mul3A_506 = arith.constant 32 : i32
      %mul3A_507 = vector.broadcast %mul3A_506 : i32 to vector<16xi32>
      %mul3A_508 = arith.muli %gather3A_501, %mul3A_507 : vector<16xi32>
      %add3A_509 = arith.constant 0 : i32
      %add3A_510 = vector.broadcast %add3A_509 : i32 to vector<16xi32>
      %add3A_511 = arith.addi %mul3A_508, %add3A_510 : vector<16xi32>
      %add3A_512 = arith.addi %add3A_511, %iota3A : vector<16xi32>
      %gather3A_513 = tpu.vector_load_idx %arg11[%add3A_512] : memref<448xf32, #tpu.memory_space<vmem>>[vector<16xi32>], vector<16xf32>,
      %get3A_514 = arith.index_cast %add3A_505 : i32 to index
      %get3A_515 = arith.constant 0 : index
      %get3A_516 = tpu.vector_load %arg9[%get3A_514, %get3A_515] {strides = array<i32>} : memref<80x32xf32, #tpu.memory_space<vmem>>, vector<16xf32>,
      %get3A_517 = arith.index_cast %add3A_505 : i32 to index
      %get3A_518 = arith.constant 0 : index
      %get3A_519 = tpu.vector_load %arg10[%get3A_517, %get3A_518] {strides = array<i32>} : memref<80x32xf32, #tpu.memory_space<vmem>>, vector<16xf32>,
      %add3A_520 = arith.addf %get3A_516, %get3A_519 : vector<16xf32>
      %max3A_521 = arith.constant 0.000000e+00 : f32
      %max3A_522 = vector.broadcast %max3A_521 : f32 to vector<16xf32>
      %max3A_523 = arith.maximumf %add3A_520, %max3A_522 : vector<16xf32>
      %max3A_524 = arith.maximumf %gather3A_513, %max3A_523 : vector<16xf32>
      tpu.vector_store_idx %arg11[%add3A_512], %max3A_524 : memref<448xf32, #tpu.memory_space<vmem>>[vector<16xi32>], vector<16xf32>,
      %mul3A_525 = arith.constant 32 : i32
      %mul3A_526 = vector.broadcast %mul3A_525 : i32 to vector<16xi32>
      %mul3A_527 = arith.muli %gather3A_501, %mul3A_526 : vector<16xi32>
      %add3A_528 = arith.constant 16 : i32
      %add3A_529 = vector.broadcast %add3A_528 : i32 to vector<16xi32>
      %add3A_530 = arith.addi %mul3A_527, %add3A_529 : vector<16xi32>
      %add3A_531 = arith.addi %add3A_530, %iota3A : vector<16xi32>
      %gather3A_532 = tpu.vector_load_idx %arg11[%add3A_531] : memref<448xf32, #tpu.memory_space<vmem>>[vector<16xi32>], vector<16xf32>,
      %get3A_533 = arith.index_cast %add3A_505 : i32 to index
      %get3A_534 = arith.constant 16 : index
      %get3A_535 = tpu.vector_load %arg9[%get3A_533, %get3A_534] {strides = array<i32>} : memref<80x32xf32, #tpu.memory_space<vmem>>, vector<16xf32>,
      %get3A_536 = arith.index_cast %add3A_505 : i32 to index
      %get3A_537 = arith.constant 16 : index
      %get3A_538 = tpu.vector_load %arg10[%get3A_536, %get3A_537] {strides = array<i32>} : memref<80x32xf32, #tpu.memory_space<vmem>>, vector<16xf32>,
      %add3A_539 = arith.addf %get3A_535, %get3A_538 : vector<16xf32>
      %max3A_540 = arith.constant 0.000000e+00 : f32
      %max3A_541 = vector.broadcast %max3A_540 : f32 to vector<16xf32>
      %max3A_542 = arith.maximumf %add3A_539, %max3A_541 : vector<16xf32>
      %max3A_543 = arith.maximumf %gather3A_532, %max3A_542 : vector<16xf32>
      tpu.vector_store_idx %arg11[%add3A_531], %max3A_543 : memref<448xf32, #tpu.memory_space<vmem>>[vector<16xi32>], vector<16xf32>,
      %broadcast_in_dim3A_544 = arith.constant 9 : i32
      %broadcast_in_dim3A_545 = vector.broadcast %broadcast_in_dim3A_544 : i32 to vector<16xi32>
      %lt3A_546 = arith.constant 0 : i32
      %lt3A_547 = vector.broadcast %lt3A_546 : i32 to vector<16xi32>
      %lt3A_548 = arith.cmpi slt, %broadcast_in_dim3A_545, %lt3A_547 : vector<16xi32>
      %add3A_549 = arith.constant 16 : i32
      %add3A_550 = vector.broadcast %add3A_549 : i32 to vector<16xi32>
      %add3A_551 = arith.addi %broadcast_in_dim3A_545, %add3A_550 : vector<16xi32>
      %select_n3A_552 = arith.select %lt3A_548, %add3A_551, %broadcast_in_dim3A_545 : vector<16xi1>, vector<16xi32>
      %broadcast_in_dim3A_553 = vector.shape_cast %select_n3A_552 : vector<16xi32> to vector<16x1xi32>
      %gather3A_554 = vector.shape_cast %broadcast_in_dim3A_553 : vector<16x1xi32> to vector<16xi32>
      %gather3A_555 = tpu.dynamic_gather %get3A_61[%gather3A_554] in [0] : vector<16xi32>, vector<16xi32> -> vector<16xi32>
      %mul3A_556 = arith.constant 16 : i32
      %mul3A_557 = arith.muli %scan3A_58, %mul3A_556 : i32
      %add3A_558 = arith.constant 9 : i32
      %add3A_559 = arith.addi %mul3A_557, %add3A_558 : i32
      %mul3A_560 = arith.constant 32 : i32
      %mul3A_561 = vector.broadcast %mul3A_560 : i32 to vector<16xi32>
      %mul3A_562 = arith.muli %gather3A_555, %mul3A_561 : vector<16xi32>
      %add3A_563 = arith.constant 0 : i32
      %add3A_564 = vector.broadcast %add3A_563 : i32 to vector<16xi32>
      %add3A_565 = arith.addi %mul3A_562, %add3A_564 : vector<16xi32>
      %add3A_566 = arith.addi %add3A_565, %iota3A : vector<16xi32>
      %gather3A_567 = tpu.vector_load_idx %arg11[%add3A_566] : memref<448xf32, #tpu.memory_space<vmem>>[vector<16xi32>], vector<16xf32>,
      %get3A_568 = arith.index_cast %add3A_559 : i32 to index
      %get3A_569 = arith.constant 0 : index
      %get3A_570 = tpu.vector_load %arg9[%get3A_568, %get3A_569] {strides = array<i32>} : memref<80x32xf32, #tpu.memory_space<vmem>>, vector<16xf32>,
      %get3A_571 = arith.index_cast %add3A_559 : i32 to index
      %get3A_572 = arith.constant 0 : index
      %get3A_573 = tpu.vector_load %arg10[%get3A_571, %get3A_572] {strides = array<i32>} : memref<80x32xf32, #tpu.memory_space<vmem>>, vector<16xf32>,
      %add3A_574 = arith.addf %get3A_570, %get3A_573 : vector<16xf32>
      %max3A_575 = arith.constant 0.000000e+00 : f32
      %max3A_576 = vector.broadcast %max3A_575 : f32 to vector<16xf32>
      %max3A_577 = arith.maximumf %add3A_574, %max3A_576 : vector<16xf32>
      %max3A_578 = arith.maximumf %gather3A_567, %max3A_577 : vector<16xf32>
      tpu.vector_store_idx %arg11[%add3A_566], %max3A_578 : memref<448xf32, #tpu.memory_space<vmem>>[vector<16xi32>], vector<16xf32>,
      %mul3A_579 = arith.constant 32 : i32
      %mul3A_580 = vector.broadcast %mul3A_579 : i32 to vector<16xi32>
      %mul3A_581 = arith.muli %gather3A_555, %mul3A_580 : vector<16xi32>
      %add3A_582 = arith.constant 16 : i32
      %add3A_583 = vector.broadcast %add3A_582 : i32 to vector<16xi32>
      %add3A_584 = arith.addi %mul3A_581, %add3A_583 : vector<16xi32>
      %add3A_585 = arith.addi %add3A_584, %iota3A : vector<16xi32>
      %gather3A_586 = tpu.vector_load_idx %arg11[%add3A_585] : memref<448xf32, #tpu.memory_space<vmem>>[vector<16xi32>], vector<16xf32>,
      %get3A_587 = arith.index_cast %add3A_559 : i32 to index
      %get3A_588 = arith.constant 16 : index
      %get3A_589 = tpu.vector_load %arg9[%get3A_587, %get3A_588] {strides = array<i32>} : memref<80x32xf32, #tpu.memory_space<vmem>>, vector<16xf32>,
      %get3A_590 = arith.index_cast %add3A_559 : i32 to index
      %get3A_591 = arith.constant 16 : index
      %get3A_592 = tpu.vector_load %arg10[%get3A_590, %get3A_591] {strides = array<i32>} : memref<80x32xf32, #tpu.memory_space<vmem>>, vector<16xf32>,
      %add3A_593 = arith.addf %get3A_589, %get3A_592 : vector<16xf32>
      %max3A_594 = arith.constant 0.000000e+00 : f32
      %max3A_595 = vector.broadcast %max3A_594 : f32 to vector<16xf32>
      %max3A_596 = arith.maximumf %add3A_593, %max3A_595 : vector<16xf32>
      %max3A_597 = arith.maximumf %gather3A_586, %max3A_596 : vector<16xf32>
      tpu.vector_store_idx %arg11[%add3A_585], %max3A_597 : memref<448xf32, #tpu.memory_space<vmem>>[vector<16xi32>], vector<16xf32>,
      %broadcast_in_dim3A_598 = arith.constant 10 : i32
      %broadcast_in_dim3A_599 = vector.broadcast %broadcast_in_dim3A_598 : i32 to vector<16xi32>
      %lt3A_600 = arith.constant 0 : i32
      %lt3A_601 = vector.broadcast %lt3A_600 : i32 to vector<16xi32>
      %lt3A_602 = arith.cmpi slt, %broadcast_in_dim3A_599, %lt3A_601 : vector<16xi32>
      %add3A_603 = arith.constant 16 : i32
      %add3A_604 = vector.broadcast %add3A_603 : i32 to vector<16xi32>
      %add3A_605 = arith.addi %broadcast_in_dim3A_599, %add3A_604 : vector<16xi32>
      %select_n3A_606 = arith.select %lt3A_602, %add3A_605, %broadcast_in_dim3A_599 : vector<16xi1>, vector<16xi32>
      %broadcast_in_dim3A_607 = vector.shape_cast %select_n3A_606 : vector<16xi32> to vector<16x1xi32>
      %gather3A_608 = vector.shape_cast %broadcast_in_dim3A_607 : vector<16x1xi32> to vector<16xi32>
      %gather3A_609 = tpu.dynamic_gather %get3A_61[%gather3A_608] in [0] : vector<16xi32>, vector<16xi32> -> vector<16xi32>
      %mul3A_610 = arith.constant 16 : i32
      %mul3A_611 = arith.muli %scan3A_58, %mul3A_610 : i32
      %add3A_612 = arith.constant 10 : i32
      %add3A_613 = arith.addi %mul3A_611, %add3A_612 : i32
      %mul3A_614 = arith.constant 32 : i32
      %mul3A_615 = vector.broadcast %mul3A_614 : i32 to vector<16xi32>
      %mul3A_616 = arith.muli %gather3A_609, %mul3A_615 : vector<16xi32>
      %add3A_617 = arith.constant 0 : i32
      %add3A_618 = vector.broadcast %add3A_617 : i32 to vector<16xi32>
      %add3A_619 = arith.addi %mul3A_616, %add3A_618 : vector<16xi32>
      %add3A_620 = arith.addi %add3A_619, %iota3A : vector<16xi32>
      %gather3A_621 = tpu.vector_load_idx %arg11[%add3A_620] : memref<448xf32, #tpu.memory_space<vmem>>[vector<16xi32>], vector<16xf32>,
      %get3A_622 = arith.index_cast %add3A_613 : i32 to index
      %get3A_623 = arith.constant 0 : index
      %get3A_624 = tpu.vector_load %arg9[%get3A_622, %get3A_623] {strides = array<i32>} : memref<80x32xf32, #tpu.memory_space<vmem>>, vector<16xf32>,
      %get3A_625 = arith.index_cast %add3A_613 : i32 to index
      %get3A_626 = arith.constant 0 : index
      %get3A_627 = tpu.vector_load %arg10[%get3A_625, %get3A_626] {strides = array<i32>} : memref<80x32xf32, #tpu.memory_space<vmem>>, vector<16xf32>,
      %add3A_628 = arith.addf %get3A_624, %get3A_627 : vector<16xf32>
      %max3A_629 = arith.constant 0.000000e+00 : f32
      %max3A_630 = vector.broadcast %max3A_629 : f32 to vector<16xf32>
      %max3A_631 = arith.maximumf %add3A_628, %max3A_630 : vector<16xf32>
      %max3A_632 = arith.maximumf %gather3A_621, %max3A_631 : vector<16xf32>
      tpu.vector_store_idx %arg11[%add3A_620], %max3A_632 : memref<448xf32, #tpu.memory_space<vmem>>[vector<16xi32>], vector<16xf32>,
      %mul3A_633 = arith.constant 32 : i32
      %mul3A_634 = vector.broadcast %mul3A_633 : i32 to vector<16xi32>
      %mul3A_635 = arith.muli %gather3A_609, %mul3A_634 : vector<16xi32>
      %add3A_636 = arith.constant 16 : i32
      %add3A_637 = vector.broadcast %add3A_636 : i32 to vector<16xi32>
      %add3A_638 = arith.addi %mul3A_635, %add3A_637 : vector<16xi32>
      %add3A_639 = arith.addi %add3A_638, %iota3A : vector<16xi32>
      %gather3A_640 = tpu.vector_load_idx %arg11[%add3A_639] : memref<448xf32, #tpu.memory_space<vmem>>[vector<16xi32>], vector<16xf32>,
      %get3A_641 = arith.index_cast %add3A_613 : i32 to index
      %get3A_642 = arith.constant 16 : index
      %get3A_643 = tpu.vector_load %arg9[%get3A_641, %get3A_642] {strides = array<i32>} : memref<80x32xf32, #tpu.memory_space<vmem>>, vector<16xf32>,
      %get3A_644 = arith.index_cast %add3A_613 : i32 to index
      %get3A_645 = arith.constant 16 : index
      %get3A_646 = tpu.vector_load %arg10[%get3A_644, %get3A_645] {strides = array<i32>} : memref<80x32xf32, #tpu.memory_space<vmem>>, vector<16xf32>,
      %add3A_647 = arith.addf %get3A_643, %get3A_646 : vector<16xf32>
      %max3A_648 = arith.constant 0.000000e+00 : f32
      %max3A_649 = vector.broadcast %max3A_648 : f32 to vector<16xf32>
      %max3A_650 = arith.maximumf %add3A_647, %max3A_649 : vector<16xf32>
      %max3A_651 = arith.maximumf %gather3A_640, %max3A_650 : vector<16xf32>
      tpu.vector_store_idx %arg11[%add3A_639], %max3A_651 : memref<448xf32, #tpu.memory_space<vmem>>[vector<16xi32>], vector<16xf32>,
      %broadcast_in_dim3A_652 = arith.constant 11 : i32
      %broadcast_in_dim3A_653 = vector.broadcast %broadcast_in_dim3A_652 : i32 to vector<16xi32>
      %lt3A_654 = arith.constant 0 : i32
      %lt3A_655 = vector.broadcast %lt3A_654 : i32 to vector<16xi32>
      %lt3A_656 = arith.cmpi slt, %broadcast_in_dim3A_653, %lt3A_655 : vector<16xi32>
      %add3A_657 = arith.constant 16 : i32
      %add3A_658 = vector.broadcast %add3A_657 : i32 to vector<16xi32>
      %add3A_659 = arith.addi %broadcast_in_dim3A_653, %add3A_658 : vector<16xi32>
      %select_n3A_660 = arith.select %lt3A_656, %add3A_659, %broadcast_in_dim3A_653 : vector<16xi1>, vector<16xi32>
      %broadcast_in_dim3A_661 = vector.shape_cast %select_n3A_660 : vector<16xi32> to vector<16x1xi32>
      %gather3A_662 = vector.shape_cast %broadcast_in_dim3A_661 : vector<16x1xi32> to vector<16xi32>
      %gather3A_663 = tpu.dynamic_gather %get3A_61[%gather3A_662] in [0] : vector<16xi32>, vector<16xi32> -> vector<16xi32>
      %mul3A_664 = arith.constant 16 : i32
      %mul3A_665 = arith.muli %scan3A_58, %mul3A_664 : i32
      %add3A_666 = arith.constant 11 : i32
      %add3A_667 = arith.addi %mul3A_665, %add3A_666 : i32
      %mul3A_668 = arith.constant 32 : i32
      %mul3A_669 = vector.broadcast %mul3A_668 : i32 to vector<16xi32>
      %mul3A_670 = arith.muli %gather3A_663, %mul3A_669 : vector<16xi32>
      %add3A_671 = arith.constant 0 : i32
      %add3A_672 = vector.broadcast %add3A_671 : i32 to vector<16xi32>
      %add3A_673 = arith.addi %mul3A_670, %add3A_672 : vector<16xi32>
      %add3A_674 = arith.addi %add3A_673, %iota3A : vector<16xi32>
      %gather3A_675 = tpu.vector_load_idx %arg11[%add3A_674] : memref<448xf32, #tpu.memory_space<vmem>>[vector<16xi32>], vector<16xf32>,
      %get3A_676 = arith.index_cast %add3A_667 : i32 to index
      %get3A_677 = arith.constant 0 : index
      %get3A_678 = tpu.vector_load %arg9[%get3A_676, %get3A_677] {strides = array<i32>} : memref<80x32xf32, #tpu.memory_space<vmem>>, vector<16xf32>,
      %get3A_679 = arith.index_cast %add3A_667 : i32 to index
      %get3A_680 = arith.constant 0 : index
      %get3A_681 = tpu.vector_load %arg10[%get3A_679, %get3A_680] {strides = array<i32>} : memref<80x32xf32, #tpu.memory_space<vmem>>, vector<16xf32>,
      %add3A_682 = arith.addf %get3A_678, %get3A_681 : vector<16xf32>
      %max3A_683 = arith.constant 0.000000e+00 : f32
      %max3A_684 = vector.broadcast %max3A_683 : f32 to vector<16xf32>
      %max3A_685 = arith.maximumf %add3A_682, %max3A_684 : vector<16xf32>
      %max3A_686 = arith.maximumf %gather3A_675, %max3A_685 : vector<16xf32>
      tpu.vector_store_idx %arg11[%add3A_674], %max3A_686 : memref<448xf32, #tpu.memory_space<vmem>>[vector<16xi32>], vector<16xf32>,
      %mul3A_687 = arith.constant 32 : i32
      %mul3A_688 = vector.broadcast %mul3A_687 : i32 to vector<16xi32>
      %mul3A_689 = arith.muli %gather3A_663, %mul3A_688 : vector<16xi32>
      %add3A_690 = arith.constant 16 : i32
      %add3A_691 = vector.broadcast %add3A_690 : i32 to vector<16xi32>
      %add3A_692 = arith.addi %mul3A_689, %add3A_691 : vector<16xi32>
      %add3A_693 = arith.addi %add3A_692, %iota3A : vector<16xi32>
      %gather3A_694 = tpu.vector_load_idx %arg11[%add3A_693] : memref<448xf32, #tpu.memory_space<vmem>>[vector<16xi32>], vector<16xf32>,
      %get3A_695 = arith.index_cast %add3A_667 : i32 to index
      %get3A_696 = arith.constant 16 : index
      %get3A_697 = tpu.vector_load %arg9[%get3A_695, %get3A_696] {strides = array<i32>} : memref<80x32xf32, #tpu.memory_space<vmem>>, vector<16xf32>,
      %get3A_698 = arith.index_cast %add3A_667 : i32 to index
      %get3A_699 = arith.constant 16 : index
      %get3A_700 = tpu.vector_load %arg10[%get3A_698, %get3A_699] {strides = array<i32>} : memref<80x32xf32, #tpu.memory_space<vmem>>, vector<16xf32>,
      %add3A_701 = arith.addf %get3A_697, %get3A_700 : vector<16xf32>
      %max3A_702 = arith.constant 0.000000e+00 : f32
      %max3A_703 = vector.broadcast %max3A_702 : f32 to vector<16xf32>
      %max3A_704 = arith.maximumf %add3A_701, %max3A_703 : vector<16xf32>
      %max3A_705 = arith.maximumf %gather3A_694, %max3A_704 : vector<16xf32>
      tpu.vector_store_idx %arg11[%add3A_693], %max3A_705 : memref<448xf32, #tpu.memory_space<vmem>>[vector<16xi32>], vector<16xf32>,
      %broadcast_in_dim3A_706 = arith.constant 12 : i32
      %broadcast_in_dim3A_707 = vector.broadcast %broadcast_in_dim3A_706 : i32 to vector<16xi32>
      %lt3A_708 = arith.constant 0 : i32
      %lt3A_709 = vector.broadcast %lt3A_708 : i32 to vector<16xi32>
      %lt3A_710 = arith.cmpi slt, %broadcast_in_dim3A_707, %lt3A_709 : vector<16xi32>
      %add3A_711 = arith.constant 16 : i32
      %add3A_712 = vector.broadcast %add3A_711 : i32 to vector<16xi32>
      %add3A_713 = arith.addi %broadcast_in_dim3A_707, %add3A_712 : vector<16xi32>
      %select_n3A_714 = arith.select %lt3A_710, %add3A_713, %broadcast_in_dim3A_707 : vector<16xi1>, vector<16xi32>
      %broadcast_in_dim3A_715 = vector.shape_cast %select_n3A_714 : vector<16xi32> to vector<16x1xi32>
      %gather3A_716 = vector.shape_cast %broadcast_in_dim3A_715 : vector<16x1xi32> to vector<16xi32>
      %gather3A_717 = tpu.dynamic_gather %get3A_61[%gather3A_716] in [0] : vector<16xi32>, vector<16xi32> -> vector<16xi32>
      %mul3A_718 = arith.constant 16 : i32
      %mul3A_719 = arith.muli %scan3A_58, %mul3A_718 : i32
      %add3A_720 = arith.constant 12 : i32
      %add3A_721 = arith.addi %mul3A_719, %add3A_720 : i32
      %mul3A_722 = arith.constant 32 : i32
      %mul3A_723 = vector.broadcast %mul3A_722 : i32 to vector<16xi32>
      %mul3A_724 = arith.muli %gather3A_717, %mul3A_723 : vector<16xi32>
      %add3A_725 = arith.constant 0 : i32
      %add3A_726 = vector.broadcast %add3A_725 : i32 to vector<16xi32>
      %add3A_727 = arith.addi %mul3A_724, %add3A_726 : vector<16xi32>
      %add3A_728 = arith.addi %add3A_727, %iota3A : vector<16xi32>
      %gather3A_729 = tpu.vector_load_idx %arg11[%add3A_728] : memref<448xf32, #tpu.memory_space<vmem>>[vector<16xi32>], vector<16xf32>,
      %get3A_730 = arith.index_cast %add3A_721 : i32 to index
      %get3A_731 = arith.constant 0 : index
      %get3A_732 = tpu.vector_load %arg9[%get3A_730, %get3A_731] {strides = array<i32>} : memref<80x32xf32, #tpu.memory_space<vmem>>, vector<16xf32>,
      %get3A_733 = arith.index_cast %add3A_721 : i32 to index
      %get3A_734 = arith.constant 0 : index
      %get3A_735 = tpu.vector_load %arg10[%get3A_733, %get3A_734] {strides = array<i32>} : memref<80x32xf32, #tpu.memory_space<vmem>>, vector<16xf32>,
      %add3A_736 = arith.addf %get3A_732, %get3A_735 : vector<16xf32>
      %max3A_737 = arith.constant 0.000000e+00 : f32
      %max3A_738 = vector.broadcast %max3A_737 : f32 to vector<16xf32>
      %max3A_739 = arith.maximumf %add3A_736, %max3A_738 : vector<16xf32>
      %max3A_740 = arith.maximumf %gather3A_729, %max3A_739 : vector<16xf32>
      tpu.vector_store_idx %arg11[%add3A_728], %max3A_740 : memref<448xf32, #tpu.memory_space<vmem>>[vector<16xi32>], vector<16xf32>,
      %mul3A_741 = arith.constant 32 : i32
      %mul3A_742 = vector.broadcast %mul3A_741 : i32 to vector<16xi32>
      %mul3A_743 = arith.muli %gather3A_717, %mul3A_742 : vector<16xi32>
      %add3A_744 = arith.constant 16 : i32
      %add3A_745 = vector.broadcast %add3A_744 : i32 to vector<16xi32>
      %add3A_746 = arith.addi %mul3A_743, %add3A_745 : vector<16xi32>
      %add3A_747 = arith.addi %add3A_746, %iota3A : vector<16xi32>
      %gather3A_748 = tpu.vector_load_idx %arg11[%add3A_747] : memref<448xf32, #tpu.memory_space<vmem>>[vector<16xi32>], vector<16xf32>,
      %get3A_749 = arith.index_cast %add3A_721 : i32 to index
      %get3A_750 = arith.constant 16 : index
      %get3A_751 = tpu.vector_load %arg9[%get3A_749, %get3A_750] {strides = array<i32>} : memref<80x32xf32, #tpu.memory_space<vmem>>, vector<16xf32>,
      %get3A_752 = arith.index_cast %add3A_721 : i32 to index
      %get3A_753 = arith.constant 16 : index
      %get3A_754 = tpu.vector_load %arg10[%get3A_752, %get3A_753] {strides = array<i32>} : memref<80x32xf32, #tpu.memory_space<vmem>>, vector<16xf32>,
      %add3A_755 = arith.addf %get3A_751, %get3A_754 : vector<16xf32>
      %max3A_756 = arith.constant 0.000000e+00 : f32
      %max3A_757 = vector.broadcast %max3A_756 : f32 to vector<16xf32>
      %max3A_758 = arith.maximumf %add3A_755, %max3A_757 : vector<16xf32>
      %max3A_759 = arith.maximumf %gather3A_748, %max3A_758 : vector<16xf32>
      tpu.vector_store_idx %arg11[%add3A_747], %max3A_759 : memref<448xf32, #tpu.memory_space<vmem>>[vector<16xi32>], vector<16xf32>,
      %broadcast_in_dim3A_760 = arith.constant 13 : i32
      %broadcast_in_dim3A_761 = vector.broadcast %broadcast_in_dim3A_760 : i32 to vector<16xi32>
      %lt3A_762 = arith.constant 0 : i32
      %lt3A_763 = vector.broadcast %lt3A_762 : i32 to vector<16xi32>
      %lt3A_764 = arith.cmpi slt, %broadcast_in_dim3A_761, %lt3A_763 : vector<16xi32>
      %add3A_765 = arith.constant 16 : i32
      %add3A_766 = vector.broadcast %add3A_765 : i32 to vector<16xi32>
      %add3A_767 = arith.addi %broadcast_in_dim3A_761, %add3A_766 : vector<16xi32>
      %select_n3A_768 = arith.select %lt3A_764, %add3A_767, %broadcast_in_dim3A_761 : vector<16xi1>, vector<16xi32>
      %broadcast_in_dim3A_769 = vector.shape_cast %select_n3A_768 : vector<16xi32> to vector<16x1xi32>
      %gather3A_770 = vector.shape_cast %broadcast_in_dim3A_769 : vector<16x1xi32> to vector<16xi32>
      %gather3A_771 = tpu.dynamic_gather %get3A_61[%gather3A_770] in [0] : vector<16xi32>, vector<16xi32> -> vector<16xi32>
      %mul3A_772 = arith.constant 16 : i32
      %mul3A_773 = arith.muli %scan3A_58, %mul3A_772 : i32
      %add3A_774 = arith.constant 13 : i32
      %add3A_775 = arith.addi %mul3A_773, %add3A_774 : i32
      %mul3A_776 = arith.constant 32 : i32
      %mul3A_777 = vector.broadcast %mul3A_776 : i32 to vector<16xi32>
      %mul3A_778 = arith.muli %gather3A_771, %mul3A_777 : vector<16xi32>
      %add3A_779 = arith.constant 0 : i32
      %add3A_780 = vector.broadcast %add3A_779 : i32 to vector<16xi32>
      %add3A_781 = arith.addi %mul3A_778, %add3A_780 : vector<16xi32>
      %add3A_782 = arith.addi %add3A_781, %iota3A : vector<16xi32>
      %gather3A_783 = tpu.vector_load_idx %arg11[%add3A_782] : memref<448xf32, #tpu.memory_space<vmem>>[vector<16xi32>], vector<16xf32>,
      %get3A_784 = arith.index_cast %add3A_775 : i32 to index
      %get3A_785 = arith.constant 0 : index
      %get3A_786 = tpu.vector_load %arg9[%get3A_784, %get3A_785] {strides = array<i32>} : memref<80x32xf32, #tpu.memory_space<vmem>>, vector<16xf32>,
      %get3A_787 = arith.index_cast %add3A_775 : i32 to index
      %get3A_788 = arith.constant 0 : index
      %get3A_789 = tpu.vector_load %arg10[%get3A_787, %get3A_788] {strides = array<i32>} : memref<80x32xf32, #tpu.memory_space<vmem>>, vector<16xf32>,
      %add3A_790 = arith.addf %get3A_786, %get3A_789 : vector<16xf32>
      %max3A_791 = arith.constant 0.000000e+00 : f32
      %max3A_792 = vector.broadcast %max3A_791 : f32 to vector<16xf32>
      %max3A_793 = arith.maximumf %add3A_790, %max3A_792 : vector<16xf32>
      %max3A_794 = arith.maximumf %gather3A_783, %max3A_793 : vector<16xf32>
      tpu.vector_store_idx %arg11[%add3A_782], %max3A_794 : memref<448xf32, #tpu.memory_space<vmem>>[vector<16xi32>], vector<16xf32>,
      %mul3A_795 = arith.constant 32 : i32
      %mul3A_796 = vector.broadcast %mul3A_795 : i32 to vector<16xi32>
      %mul3A_797 = arith.muli %gather3A_771, %mul3A_796 : vector<16xi32>
      %add3A_798 = arith.constant 16 : i32
      %add3A_799 = vector.broadcast %add3A_798 : i32 to vector<16xi32>
      %add3A_800 = arith.addi %mul3A_797, %add3A_799 : vector<16xi32>
      %add3A_801 = arith.addi %add3A_800, %iota3A : vector<16xi32>
      %gather3A_802 = tpu.vector_load_idx %arg11[%add3A_801] : memref<448xf32, #tpu.memory_space<vmem>>[vector<16xi32>], vector<16xf32>,
      %get3A_803 = arith.index_cast %add3A_775 : i32 to index
      %get3A_804 = arith.constant 16 : index
      %get3A_805 = tpu.vector_load %arg9[%get3A_803, %get3A_804] {strides = array<i32>} : memref<80x32xf32, #tpu.memory_space<vmem>>, vector<16xf32>,
      %get3A_806 = arith.index_cast %add3A_775 : i32 to index
      %get3A_807 = arith.constant 16 : index
      %get3A_808 = tpu.vector_load %arg10[%get3A_806, %get3A_807] {strides = array<i32>} : memref<80x32xf32, #tpu.memory_space<vmem>>, vector<16xf32>,
      %add3A_809 = arith.addf %get3A_805, %get3A_808 : vector<16xf32>
      %max3A_810 = arith.constant 0.000000e+00 : f32
      %max3A_811 = vector.broadcast %max3A_810 : f32 to vector<16xf32>
      %max3A_812 = arith.maximumf %add3A_809, %max3A_811 : vector<16xf32>
      %max3A_813 = arith.maximumf %gather3A_802, %max3A_812 : vector<16xf32>
      tpu.vector_store_idx %arg11[%add3A_801], %max3A_813 : memref<448xf32, #tpu.memory_space<vmem>>[vector<16xi32>], vector<16xf32>,
      %broadcast_in_dim3A_814 = arith.constant 14 : i32
      %broadcast_in_dim3A_815 = vector.broadcast %broadcast_in_dim3A_814 : i32 to vector<16xi32>
      %lt3A_816 = arith.constant 0 : i32
      %lt3A_817 = vector.broadcast %lt3A_816 : i32 to vector<16xi32>
      %lt3A_818 = arith.cmpi slt, %broadcast_in_dim3A_815, %lt3A_817 : vector<16xi32>
      %add3A_819 = arith.constant 16 : i32
      %add3A_820 = vector.broadcast %add3A_819 : i32 to vector<16xi32>
      %add3A_821 = arith.addi %broadcast_in_dim3A_815, %add3A_820 : vector<16xi32>
      %select_n3A_822 = arith.select %lt3A_818, %add3A_821, %broadcast_in_dim3A_815 : vector<16xi1>, vector<16xi32>
      %broadcast_in_dim3A_823 = vector.shape_cast %select_n3A_822 : vector<16xi32> to vector<16x1xi32>
      %gather3A_824 = vector.shape_cast %broadcast_in_dim3A_823 : vector<16x1xi32> to vector<16xi32>
      %gather3A_825 = tpu.dynamic_gather %get3A_61[%gather3A_824] in [0] : vector<16xi32>, vector<16xi32> -> vector<16xi32>
      %mul3A_826 = arith.constant 16 : i32
      %mul3A_827 = arith.muli %scan3A_58, %mul3A_826 : i32
      %add3A_828 = arith.constant 14 : i32
      %add3A_829 = arith.addi %mul3A_827, %add3A_828 : i32
      %mul3A_830 = arith.constant 32 : i32
      %mul3A_831 = vector.broadcast %mul3A_830 : i32 to vector<16xi32>
      %mul3A_832 = arith.muli %gather3A_825, %mul3A_831 : vector<16xi32>
      %add3A_833 = arith.constant 0 : i32
      %add3A_834 = vector.broadcast %add3A_833 : i32 to vector<16xi32>
      %add3A_835 = arith.addi %mul3A_832, %add3A_834 : vector<16xi32>
      %add3A_836 = arith.addi %add3A_835, %iota3A : vector<16xi32>
      %gather3A_837 = tpu.vector_load_idx %arg11[%add3A_836] : memref<448xf32, #tpu.memory_space<vmem>>[vector<16xi32>], vector<16xf32>,
      %get3A_838 = arith.index_cast %add3A_829 : i32 to index
      %get3A_839 = arith.constant 0 : index
      %get3A_840 = tpu.vector_load %arg9[%get3A_838, %get3A_839] {strides = array<i32>} : memref<80x32xf32, #tpu.memory_space<vmem>>, vector<16xf32>,
      %get3A_841 = arith.index_cast %add3A_829 : i32 to index
      %get3A_842 = arith.constant 0 : index
      %get3A_843 = tpu.vector_load %arg10[%get3A_841, %get3A_842] {strides = array<i32>} : memref<80x32xf32, #tpu.memory_space<vmem>>, vector<16xf32>,
      %add3A_844 = arith.addf %get3A_840, %get3A_843 : vector<16xf32>
      %max3A_845 = arith.constant 0.000000e+00 : f32
      %max3A_846 = vector.broadcast %max3A_845 : f32 to vector<16xf32>
      %max3A_847 = arith.maximumf %add3A_844, %max3A_846 : vector<16xf32>
      %max3A_848 = arith.maximumf %gather3A_837, %max3A_847 : vector<16xf32>
      tpu.vector_store_idx %arg11[%add3A_836], %max3A_848 : memref<448xf32, #tpu.memory_space<vmem>>[vector<16xi32>], vector<16xf32>,
      %mul3A_849 = arith.constant 32 : i32
      %mul3A_850 = vector.broadcast %mul3A_849 : i32 to vector<16xi32>
      %mul3A_851 = arith.muli %gather3A_825, %mul3A_850 : vector<16xi32>
      %add3A_852 = arith.constant 16 : i32
      %add3A_853 = vector.broadcast %add3A_852 : i32 to vector<16xi32>
      %add3A_854 = arith.addi %mul3A_851, %add3A_853 : vector<16xi32>
      %add3A_855 = arith.addi %add3A_854, %iota3A : vector<16xi32>
      %gather3A_856 = tpu.vector_load_idx %arg11[%add3A_855] : memref<448xf32, #tpu.memory_space<vmem>>[vector<16xi32>], vector<16xf32>,
      %get3A_857 = arith.index_cast %add3A_829 : i32 to index
      %get3A_858 = arith.constant 16 : index
      %get3A_859 = tpu.vector_load %arg9[%get3A_857, %get3A_858] {strides = array<i32>} : memref<80x32xf32, #tpu.memory_space<vmem>>, vector<16xf32>,
      %get3A_860 = arith.index_cast %add3A_829 : i32 to index
      %get3A_861 = arith.constant 16 : index
      %get3A_862 = tpu.vector_load %arg10[%get3A_860, %get3A_861] {strides = array<i32>} : memref<80x32xf32, #tpu.memory_space<vmem>>, vector<16xf32>,
      %add3A_863 = arith.addf %get3A_859, %get3A_862 : vector<16xf32>
      %max3A_864 = arith.constant 0.000000e+00 : f32
      %max3A_865 = vector.broadcast %max3A_864 : f32 to vector<16xf32>
      %max3A_866 = arith.maximumf %add3A_863, %max3A_865 : vector<16xf32>
      %max3A_867 = arith.maximumf %gather3A_856, %max3A_866 : vector<16xf32>
      tpu.vector_store_idx %arg11[%add3A_855], %max3A_867 : memref<448xf32, #tpu.memory_space<vmem>>[vector<16xi32>], vector<16xf32>,
      %broadcast_in_dim3A_868 = arith.constant 15 : i32
      %broadcast_in_dim3A_869 = vector.broadcast %broadcast_in_dim3A_868 : i32 to vector<16xi32>
      %lt3A_870 = arith.constant 0 : i32
      %lt3A_871 = vector.broadcast %lt3A_870 : i32 to vector<16xi32>
      %lt3A_872 = arith.cmpi slt, %broadcast_in_dim3A_869, %lt3A_871 : vector<16xi32>
      %add3A_873 = arith.constant 16 : i32
      %add3A_874 = vector.broadcast %add3A_873 : i32 to vector<16xi32>
      %add3A_875 = arith.addi %broadcast_in_dim3A_869, %add3A_874 : vector<16xi32>
      %select_n3A_876 = arith.select %lt3A_872, %add3A_875, %broadcast_in_dim3A_869 : vector<16xi1>, vector<16xi32>
      %broadcast_in_dim3A_877 = vector.shape_cast %select_n3A_876 : vector<16xi32> to vector<16x1xi32>
      %gather3A_878 = vector.shape_cast %broadcast_in_dim3A_877 : vector<16x1xi32> to vector<16xi32>
      %gather3A_879 = tpu.dynamic_gather %get3A_61[%gather3A_878] in [0] : vector<16xi32>, vector<16xi32> -> vector<16xi32>
      %mul3A_880 = arith.constant 16 : i32
      %mul3A_881 = arith.muli %scan3A_58, %mul3A_880 : i32
      %add3A_882 = arith.constant 15 : i32
      %add3A_883 = arith.addi %mul3A_881, %add3A_882 : i32
      %mul3A_884 = arith.constant 32 : i32
      %mul3A_885 = vector.broadcast %mul3A_884 : i32 to vector<16xi32>
      %mul3A_886 = arith.muli %gather3A_879, %mul3A_885 : vector<16xi32>
      %add3A_887 = arith.constant 0 : i32
      %add3A_888 = vector.broadcast %add3A_887 : i32 to vector<16xi32>
      %add3A_889 = arith.addi %mul3A_886, %add3A_888 : vector<16xi32>
      %add3A_890 = arith.addi %add3A_889, %iota3A : vector<16xi32>
      %gather3A_891 = tpu.vector_load_idx %arg11[%add3A_890] : memref<448xf32, #tpu.memory_space<vmem>>[vector<16xi32>], vector<16xf32>,
      %get3A_892 = arith.index_cast %add3A_883 : i32 to index
      %get3A_893 = arith.constant 0 : index
      %get3A_894 = tpu.vector_load %arg9[%get3A_892, %get3A_893] {strides = array<i32>} : memref<80x32xf32, #tpu.memory_space<vmem>>, vector<16xf32>,
      %get3A_895 = arith.index_cast %add3A_883 : i32 to index
      %get3A_896 = arith.constant 0 : index
      %get3A_897 = tpu.vector_load %arg10[%get3A_895, %get3A_896] {strides = array<i32>} : memref<80x32xf32, #tpu.memory_space<vmem>>, vector<16xf32>,
      %add3A_898 = arith.addf %get3A_894, %get3A_897 : vector<16xf32>
      %max3A_899 = arith.constant 0.000000e+00 : f32
      %max3A_900 = vector.broadcast %max3A_899 : f32 to vector<16xf32>
      %max3A_901 = arith.maximumf %add3A_898, %max3A_900 : vector<16xf32>
      %max3A_902 = arith.maximumf %gather3A_891, %max3A_901 : vector<16xf32>
      tpu.vector_store_idx %arg11[%add3A_890], %max3A_902 : memref<448xf32, #tpu.memory_space<vmem>>[vector<16xi32>], vector<16xf32>,
      %mul3A_903 = arith.constant 32 : i32
      %mul3A_904 = vector.broadcast %mul3A_903 : i32 to vector<16xi32>
      %mul3A_905 = arith.muli %gather3A_879, %mul3A_904 : vector<16xi32>
      %add3A_906 = arith.constant 16 : i32
      %add3A_907 = vector.broadcast %add3A_906 : i32 to vector<16xi32>
      %add3A_908 = arith.addi %mul3A_905, %add3A_907 : vector<16xi32>
      %add3A_909 = arith.addi %add3A_908, %iota3A : vector<16xi32>
      %gather3A_910 = tpu.vector_load_idx %arg11[%add3A_909] : memref<448xf32, #tpu.memory_space<vmem>>[vector<16xi32>], vector<16xf32>,
      %get3A_911 = arith.index_cast %add3A_883 : i32 to index
      %get3A_912 = arith.constant 16 : index
      %get3A_913 = tpu.vector_load %arg9[%get3A_911, %get3A_912] {strides = array<i32>} : memref<80x32xf32, #tpu.memory_space<vmem>>, vector<16xf32>,
      %get3A_914 = arith.index_cast %add3A_883 : i32 to index
      %get3A_915 = arith.constant 16 : index
      %get3A_916 = tpu.vector_load %arg10[%get3A_914, %get3A_915] {strides = array<i32>} : memref<80x32xf32, #tpu.memory_space<vmem>>, vector<16xf32>,
      %add3A_917 = arith.addf %get3A_913, %get3A_916 : vector<16xf32>
      %max3A_918 = arith.constant 0.000000e+00 : f32
      %max3A_919 = vector.broadcast %max3A_918 : f32 to vector<16xf32>
      %max3A_920 = arith.maximumf %add3A_917, %max3A_919 : vector<16xf32>
      %max3A_921 = arith.maximumf %gather3A_910, %max3A_920 : vector<16xf32>
      tpu.vector_store_idx %arg11[%add3A_909], %max3A_921 : memref<448xf32, #tpu.memory_space<vmem>>[vector<16xi32>], vector<16xf32>,
    }
    %scan3A_53 = arith.constant 5 : i32
    %mul3A_54 = arith.constant 13 : i32
    %mul3A_55 = arith.muli %add3A, %mul3A_54 : i32
    %mul3A_56 = arith.constant 32 : i32
    %mul3A_57 = arith.muli %mul3A_55, %mul3A_56 : i32
    "tpu.region"() ({
      %run_scoped3A = tpu.sem_alloc : memref<!tpu.dma_semaphore, #tpu.memory_space<semaphore_mem>>
      %dma_start3A_58 = arith.constant 0 : i32
      %dma_start3A_59 = tpu.memref_slice %arg11[%dma_start3A_58] : memref<448xf32, #tpu.memory_space<vmem>> -> memref<416xf32, #tpu.memory_space<vmem>>
      %dma_start3A_60 = tpu.memref_slice %arg4[%mul3A_57] : memref<13312xf32, #tpu.memory_space<hbm>> -> memref<416xf32, #tpu.memory_space<hbm>>
      %dma_start3A_61 = tpu.memref_slice %arg4[%mul3A_57] : memref<13312xf32, #tpu.memory_space<hbm>> -> memref<416xf32, #tpu.memory_space<hbm>>
      %dma_start3A_62 = arith.constant 0 : i32
      %dma_start3A_63 = tpu.memref_slice %arg11[%dma_start3A_62] : memref<448xf32, #tpu.memory_space<vmem>> -> memref<416xf32, #tpu.memory_space<vmem>>
      tpu.enqueue_dma source(%dma_start3A_63 : memref<416xf32, #tpu.memory_space<vmem>>) target(%dma_start3A_61 : memref<416xf32, #tpu.memory_space<hbm>>) target_semaphore(%run_scoped3A : memref<!tpu.dma_semaphore, #tpu.memory_space<semaphore_mem>>)
      %dma_wait3A_64 = arith.constant 0 : i32
      %dma_wait3A_65 = tpu.memref_slice %arg11[%dma_wait3A_64] : memref<448xf32, #tpu.memory_space<vmem>> -> memref<416xf32, #tpu.memory_space<vmem>>
      %dma_wait3A_66 = tpu.memref_slice %arg4[%mul3A_57] : memref<13312xf32, #tpu.memory_space<hbm>> -> memref<416xf32, #tpu.memory_space<hbm>>
      %dma_wait3A_67 = tpu.memref_slice %arg4[%mul3A_57] : memref<13312xf32, #tpu.memory_space<hbm>> -> memref<416xf32, #tpu.memory_space<hbm>>
      %dma_wait3A_68 = arith.constant 0 : i32
      %dma_wait3A_69 = tpu.memref_slice %arg11[%dma_wait3A_68] : memref<448xf32, #tpu.memory_space<vmem>> -> memref<416xf32, #tpu.memory_space<vmem>>
      tpu.wait_dma2 semaphore(%run_scoped3A : memref<!tpu.dma_semaphore, #tpu.memory_space<semaphore_mem>>) src(%dma_wait3A_69 : memref<416xf32, #tpu.memory_space<vmem>>) dst(%dma_wait3A_67 : memref<416xf32, #tpu.memory_space<hbm>>)
      tpu.yield
    }) : () -> ()
    return
  }
}

module attributes {stable_mosaic.version = 14 : i64} {
  func.func @mm(%arg0: memref<10000x128xf32, #tpu.memory_space<vmem>>, %arg1: memref<128x16xf32, #tpu.memory_space<vmem>>, %arg2: memref<10000x16xf32, #tpu.memory_space<vmem>>) attributes {dimension_semantics = [], scalar_prefetch = 0 : i64, scratch_operands = 0 : i64, tpu.core_type = #tpu.core_type<tc>} {
    %get3A = arith.constant 0 : index
    %get3A_0 = arith.constant 0 : index
    %get3A_1 = vector.load %arg0[%get3A, %get3A_0] : memref<10000x128xf32, #tpu.memory_space<vmem>>, vector<10000x128xf32>
    %get3A_2 = arith.constant 0 : index
    %get3A_3 = arith.constant 0 : index
    %get3A_4 = vector.load %arg1[%get3A_2, %get3A_3] : memref<128x16xf32, #tpu.memory_space<vmem>>, vector<128x16xf32>
    %dot_general3A = arith.constant dense<0.000000e+00> : vector<10000x16xf32>
    %dot_general3A_5 = tpu.matmul %get3A_1, %get3A_4, %dot_general3A {dimension_numbers = #tpu.dot_dimension_numbers<[1], [0], [0], [1], [0, 0, 1, 1], [], []>, transpose_lhs_hint = false} : vector<10000x128xf32>, vector<128x16xf32>, vector<10000x16xf32> -> vector<10000x16xf32>
    %swap3A = arith.constant 0 : index
    %swap3A_6 = arith.constant 0 : index
    %swap3A_7 = vector.load %arg2[%swap3A, %swap3A_6] : memref<10000x16xf32, #tpu.memory_space<vmem>>, vector<10000x16xf32>
    tpu.vector_store %arg2[%swap3A, %swap3A_6], %dot_general3A_5 {strides = array<i32>} : memref<10000x16xf32, #tpu.memory_space<vmem>>, vector<10000x16xf32>,
    return
  }
}

module attributes {stable_mosaic.version = 14 : i64} {
  func.func @head(%arg0: memref<416x32xf32, #tpu.memory_space<vmem>>, %arg1: memref<32x64xf32, #tpu.memory_space<vmem>>, %arg2: memref<1x64xf32, #tpu.memory_space<vmem>>, %arg3: memref<1x64xf32, #tpu.memory_space<vmem>>, %arg4: memref<1x1xf32, #tpu.memory_space<vmem>>, %arg5: memref<1x1xf32, #tpu.memory_space<vmem>>) attributes {dimension_semantics = [], scalar_prefetch = 0 : i64, scratch_operands = 0 : i64, tpu.core_type = #tpu.core_type<tc>} {
    %get3A = arith.constant 0 : index
    %get3A_0 = arith.constant 0 : index
    %get3A_1 = vector.load %arg0[%get3A, %get3A_0] : memref<416x32xf32, #tpu.memory_space<vmem>>, vector<416x32xf32>
    %reduce_sum3A = arith.constant dense<0.000000e+00> : vector<32xf32>
    %reduce_sum3A_2 = vector.multi_reduction <add>, %get3A_1, %reduce_sum3A [0] : vector<416x32xf32> to vector<32xf32>
    %broadcast_in_dim3A = vector.shape_cast %reduce_sum3A_2 : vector<32xf32> to vector<1x32xf32>
    %div3A = arith.constant 4.000000e+02 : f32
    %div3A_3 = vector.broadcast %div3A : f32 to vector<1x32xf32>
    %div3A_4 = arith.divf %broadcast_in_dim3A, %div3A_3 : vector<1x32xf32>
    %get3A_5 = arith.constant 0 : index
    %get3A_6 = arith.constant 0 : index
    %get3A_7 = vector.load %arg1[%get3A_5, %get3A_6] : memref<32x64xf32, #tpu.memory_space<vmem>>, vector<32x64xf32>
    %dot_general3A = arith.constant dense<0.000000e+00> : vector<1x64xf32>
    %dot_general3A_8 = tpu.matmul %div3A_4, %get3A_7, %dot_general3A {dimension_numbers = #tpu.dot_dimension_numbers<[1], [0], [0], [1], [0, 0, 1, 1], [], []>, transpose_lhs_hint = false} : vector<1x32xf32>, vector<32x64xf32>, vector<1x64xf32> -> vector<1x64xf32>
    %get3A_9 = arith.constant 0 : index
    %get3A_10 = arith.constant 0 : index
    %get3A_11 = vector.load %arg2[%get3A_9, %get3A_10] : memref<1x64xf32, #tpu.memory_space<vmem>>, vector<1x64xf32>
    %add3A = arith.addf %dot_general3A_8, %get3A_11 : vector<1x64xf32>
    %max3A = arith.constant 0.000000e+00 : f32
    %max3A_12 = vector.broadcast %max3A : f32 to vector<1x64xf32>
    %max3A_13 = arith.maximumf %add3A, %max3A_12 : vector<1x64xf32>
    %get3A_14 = arith.constant 0 : index
    %get3A_15 = arith.constant 0 : index
    %get3A_16 = vector.load %arg3[%get3A_14, %get3A_15] : memref<1x64xf32, #tpu.memory_space<vmem>>, vector<1x64xf32>
    %mul3A = arith.mulf %max3A_13, %get3A_16 : vector<1x64xf32>
    %reduce_sum3A_17 = arith.constant dense<0.000000e+00> : vector<1xf32>
    %reduce_sum3A_18 = vector.multi_reduction <add>, %mul3A, %reduce_sum3A_17 [1] : vector<1x64xf32> to vector<1xf32>
    %broadcast_in_dim3A_19 = vector.shape_cast %reduce_sum3A_18 : vector<1xf32> to vector<1x1xf32>
    %get3A_20 = arith.constant 0 : index
    %get3A_21 = arith.constant 0 : index
    %get3A_22 = vector.load %arg4[%get3A_20, %get3A_21] : memref<1x1xf32, #tpu.memory_space<vmem>>, vector<1x1xf32>
    %add3A_23 = arith.addf %broadcast_in_dim3A_19, %get3A_22 : vector<1x1xf32>
    %swap3A = arith.constant 0 : index
    %swap3A_24 = arith.constant 0 : index
    %swap3A_25 = vector.load %arg5[%swap3A, %swap3A_24] : memref<1x1xf32, #tpu.memory_space<vmem>>, vector<1x1xf32>
    tpu.vector_store %arg5[%swap3A, %swap3A_24], %add3A_23 {strides = array<i32>} : memref<1x1xf32, #tpu.memory_space<vmem>>, vector<1x1xf32>,
    return
  }
}

</mosaic_0001>

<sc_bundles>
// kernel: kernel.11.cloned.1.call-start
scs
__scs_entry_jumppad:
0x0: {  	(pc) =	sbr.rel $0x88, $3  }
0x1: {  	(tag) =	ssettag $0x0;
	lr =	simm.s32 $0x1  }
0x2: {  	[smem:$0x3F97] =	sst lr;
	_ =	strace $0xD0000000  }
0x3: {  	_ = 	snop  }
0x4: {  	_ = 	snop  }
0x5: {  	_ = 	snop  }
0x6: {  	_ = 	snop  }
0x7: {  	_ = 	snop  }
__scs_overlays_trampoline_lowered:
0x8: {  	[smem:$0x3FA6] =	sst s0  }
0x9: {  	[smem:$0x3FA7] =	sst s1  }
0xa: {  	[smem:$0x3FA8] =	sst s2  }
0xb: {  	[smem:$0x3FA9] =	sst s3  }
0xc: {  	[smem:$0x3FAA] =	sst s4  }
0xd: {  	[smem:$0x3FAB] =	sst s5  }
0xe: {  	[smem:$0x3FAC] =	sst s6  }
0xf: {  	[smem:$0x3FAD] =	sst s7  }
0x10: {  	[smem:$0x3FAE] =	sst s8  }
0x11: {  	[smem:$0x3FAF] =	sst s9;
	s0 =	simm.s32 @!p0 $0x0  }
0x12: {  	s1 =	sld [smem:$0x3F95];
	s0 =	simm.s32 @p0 $0x1  }
0x13: {  	[smem:$0x3FB0] =	sst s0;
	s0 =	simm.s32 @!p1 $0x0  }
0x14: {  	s2 =	sld [smem:$0x3F94];
	s0 =	simm.s32 @p1 $0x1  }
0x15: {  	[smem:$0x3FB1] =	sst s0;
	s0 =	simm.s32 @!p2 $0x0  }
0x16: {  	s3 =	sld [smem:$0x3FDB];
	s0 =	simm.s32 @p2 $0x1  }
0x17: {  	s4 =	simm.s32 $0x1BF5;
	[smem:$0x3FB3] =	sst s0  }
0x18: {  	s0 =	sld [smem:$0x3F96];
	_ =	swait.ge [sflag:s4], $0x0  }
0x19: {  	s7 =	sld [smem:$0x3F97]  }
0x1a: {  	s8 =	sadd.s32 $0xFFFFE003, lr  }
0x1b: {  	s9 =	sadd.s32 $0xFFFFFEF7, lr;
	s5 =	simm.s32 $0xFFFFFFFF;
	p2 =	slt.u32 s8, $0xFFFFF086  }
0x1c: {  	p1 =	slt.u32 s9, $0xF7A;
	s5 =	simm.s32 @!p2 $0x0  }
0x1d: {  	s5 =	simm.s32 @p1 $0x1;
	p0 =	seq.s32 s7, s2  }
0x1e: {  	s7 =	smul.u32 @!p0 $0xF7A, s2;
	p2 =	seq.s32 @!p0 s5, $0x0  }
0x1f: {  	s9 =	smul.u32 $0xF7A, s1;
	s8 =	simm.s32 @!p0 $0x1BF5;
	p2 =	por !p2, p0  }
0x20: {  	[sflag:s8] =	ssyncset.s32 @!p0 $0xFFFFF086;
	s6 =	sadd.s32 @!p0 s3, s7;
	s7 =	simm.s32 @!p0 $0x108  }
0x21: {  	s3 =	sadd.s32 s3, s9;
	s6 =	sadd.s32 @!p0 $0x88, s6;
	s7 =	simm.s32 @p2 $0x1082  }
0x22: {  	[simem:s7], [sflag:s8] =	dma.local @!p0 [hbm:s6], $0xF7A  }
0x23: {  	s9 =	sor.u32 $0xD0000000, s2;
	s6 =	simm.s32 $0x108;
	_ =	swait.ge @!p0 [sflag:s8], $0x0  }
0x24: {  	s3 =	sadd.s32 $0x88, s3;
	s6 =	simm.s32 @!p1 $0x1082;
	[sflag:s4] =	ssyncset.s32 $0xFFFFF086  }
0x25: {  	[simem:s6], [sflag:s4] =	dma.local [hbm:s3], $0xF7A  }
0x26: {  	[smem:$0x3F97] =	sst s1;
	(tag) =	ssettag s2;
	_ =	strace s9  }
0x27: {  	s1 =	sld [smem:$0x3FA7]  }
0x28: {  	s2 =	sld [smem:$0x3FA8]  }
0x29: {  	s4 =	sld [smem:$0x3FAA]  }
0x2a: {  	p0 =	seq.s32 s5, $0x0;
	s5 =	sld [smem:$0x3FAB]  }
0x2b: {  	s6 =	sld [smem:$0x3FAC]  }
0x2c: {  	s7 =	sld [smem:$0x3FAD]  }
0x2d: {  	s3 =	simm.s32 $0x108;
	s8 =	sld [smem:$0x3FAE]  }
0x2e: {  	s3 =	simm.s32 @!p0 $0x1082;
	s9 =	sld [smem:$0x3FAF]  }
0x2f: {  	lr =	sadd.s32 s0, s3;
	s0 =	sld [smem:$0x3FA6]  }
0x30: {  	s3 =	sld [smem:$0x3FA9]  }
0x31: {  	[smem:$0x3FB2] =	sst s10  }
0x32: {  	s10 =	sld [smem:$0x3FB0];
	_ =	sdelay $0x3  }
0x33: {  	p0 =	seq.s32 s10, $0x1;
	s10 =	sld [smem:$0x3FB2];
	_ =	sdelay $0x3  }
0x34: {  	[smem:$0x3FB2] =	sst s10  }
0x35: {  	s10 =	sld [smem:$0x3FB1];
	_ =	sdelay $0x3  }
0x36: {  	p1 =	seq.s32 s10, $0x1;
	s10 =	sld [smem:$0x3FB2];
	_ =	sdelay $0x3  }
0x37: {  	[smem:$0x3FB2] =	sst s10  }
0x38: {  	s10 =	sld [smem:$0x3FB3]  }
0x39: {  	_ = 	snop;
	(pc) =	sbr.ind lr, $3  }
0x3a: {  	_ = 	snop  }
0x3b: {  	_ = 	snop  }
0x3c: {  	p2 =	seq.s32 s10, $0x1;
	s10 =	sld [smem:$0x3FB2]  }
0x3d: {  	_ =	shalt  }
0x3e: {  	_ =	shalt  }
0x3f: {  	_ =	shalt  }
0x40: {  	_ =	shalt  }
0x41: {  	_ =	shalt  }
0x42: {  	_ =	shalt  }
0x43: {  	_ =	shalt  }
0x44: {  	_ =	shalt  }
0x45: {  	_ =	shalt  }
0x46: {  	_ =	shalt  }
0x47: {  	_ =	shalt  }
0x48: {  	_ =	shalt  }
0x49: {  	_ =	shalt  }
0x4a: {  	_ =	shalt  }
0x4b: {  	_ =	shalt  }
0x4c: {  	_ =	shalt  }
0x4d: {  	_ =	shalt  }
0x4e: {  	_ =	shalt  }
0x4f: {  	_ =	shalt  }
0x50: {  	_ =	shalt  }
0x51: {  	_ =	shalt  }
0x52: {  	_ =	shalt  }
0x53: {  	_ =	shalt  }
0x54: {  	_ =	shalt  }
0x55: {  	_ =	shalt  }
0x56: {  	_ =	shalt  }
0x57: {  	_ =	shalt  }
0x58: {  	_ =	shalt  }
0x59: {  	_ =	shalt  }
0x5a: {  	_ =	shalt  }
0x5b: {  	_ =	shalt  }
0x5c: {  	_ =	shalt  }
0x5d: {  	_ =	shalt  }
0x5e: {  	_ =	shalt  }
0x5f: {  	_ =	shalt  }
0x60: {  	_ =	shalt  }
0x61: {  	_ =	shalt  }
0x62: {  	_ =	shalt  }
0x63: {  	_ =	shalt  }
0x64: {  	_ =	shalt  }
0x65: {  	_ =	shalt  }
0x66: {  	_ =	shalt  }
0x67: {  	_ =	shalt  }
0x68: {  	_ =	shalt  }
0x69: {  	_ =	shalt  }
0x6a: {  	_ =	shalt  }
0x6b: {  	_ =	shalt  }
0x6c: {  	_ =	shalt  }
0x6d: {  	_ =	shalt  }
0x6e: {  	_ =	shalt  }
0x6f: {  	_ =	shalt  }
0x70: {  	_ =	shalt  }
0x71: {  	_ =	shalt  }
0x72: {  	_ =	shalt  }
0x73: {  	_ =	shalt  }
0x74: {  	_ =	shalt  }
0x75: {  	_ =	shalt  }
0x76: {  	_ =	shalt  }
0x77: {  	_ =	shalt  }
0x78: {  	_ =	shalt  }
0x79: {  	_ =	shalt  }
0x7a: {  	_ =	shalt  }
0x7b: {  	_ =	shalt  }
0x7c: {  	_ =	shalt  }
0x7d: {  	_ =	shalt  }
0x7e: {  	_ =	shalt  }
0x7f: {  	_ =	shalt  }
0x80: {  	_ =	shalt  }
0x81: {  	_ =	shalt  }
0x82: {  	_ =	shalt  }
0x83: {  	_ =	shalt  }
0x84: {  	_ =	shalt  }
0x85: {  	_ =	shalt  }
0x86: {  	_ =	shalt  }
0x87: {  	_ =	shalt  }
.Lfunc_end0:
.L_simem_size_0:
called_computation.1_lowered:
.L_overlay_start_0:
0x88: {  	s2 =	sld [smem:$0x3FD9]  }
0x89: {  	s3 =	sld [smem:$0x3FFE];
	_ =	sdelay $0x1  }
0x8a: {  	s1 =	srdreg.scid  }
0x8b: {  	s0 =	sand.u32 $0x1, s1  }
0x8c: {  	s17 =	sshll.u32 s0, $0xA;
	s2 =	sadd.s32 s3, s2  }
0x8d: {  	s2 =	sadd.s32 s2, s17  }
0x8e: {  	[smem:$0x3FBE] =	sst s2  }
0x8f: {  	_ = 	snop  }
0x90: {  	s2 =	sld [smem:$0x3FC7];
	(tm) =	ssettm $0x1  }
0x91: {  	s18 =	sld [smem:$0x3FFB];
	_ =	sdelay $0x3  }
0x92: {  	_ =	strace s18  }
0x93: {  	s3 =	sld [smem:$0x3FFC];
	_ =	sdelay $0x3  }
0x94: {  	_ =	strace s3  }
0x95: {  	s3 =	sld [smem:$0x3FFD];
	_ =	sdelay $0x3  }
0x96: {  	_ =	strace s3  }
0x97: {  	_ =	strace $0x8FFFFFFF  }
0x98: {  	s19 =	sld [smem:$0x3FDB];
	_ =	sdelay $0x1  }
0x99: {  	s4 =	simm.s32 $_scs_section_size  }
0x9a: {  	s5 =	simm.s32 $_size__tile_overlayer_lowered;
	s6 =	simm.s32 $_tile_overlayer_lowered  }
0x9b: {  	s22 =	simm.s32 $0x1BFF;
	s21 =	sshll.u32 s6, $0x1;
	s3 =	sadd.s32 s4, s19  }
0x9c: {  	s7 =	simm.s32 $0x0;
	s20 =	sshll.u32 s5, $0x1;
	s5 =	sadd.s32 s21, s3  }
0x9d: {  	[timem:s7], [sflag:s22] =	dma.local [hbm:s5], s20  }
0x9e: {  	_ =	swait.ge [sflag:s22], s20  }
0x9f: {  	s4 =	ssub.s32 $0x0, s20;
	[sflag:s22] =	ssyncset.done $0x0  }
0xa0: {  	[sflag:s22] =	ssyncadd.s32 s4;
	_ =	sdelay $0x1  }
0xa1: {  	s23 =	simm.s32 $0x1B8B  }
0xa2: {  	_ =	swait.ge [sflag:s23], $0x1  }
0xa3: {  	[sflag:s23] =	ssyncset.done $0x0  }
0xa4: {  	s25 =	simm.s32 $0x1B8E;
	s24 =	sld [smem:$0x3FFE];
	[sflag:s23] =	ssyncadd.s32 $0xFFFFFFFF  }
0xa5: {  	s26 =	simm.s32 $execute0_lowered;
	[smem:$0x3FD2] =	sst s25  }
0xa6: {  	s5 =	sshll.u32 s26, $0x1;
	_ =	strace $0x80000049;
	[dreg:$0x1] =	wrdreg $0xFFFFFFFF  }
0xa7: {  	s28 =	simm.s32 $_size_execute0_lowered;
	s3 =	sadd.s32 s3, s5;
	[dreg:$0x0] =	wrdreg $0x0  }
0xa8: {  	s5 =	sshll.u32 s28, $0x1;
	[dreg:$0x2] =	wrdreg s3  }
0xa9: {  	[dreg:$0x3] =	wrdreg s5  }
0xaa: {  	[dreg:$0x4] =	wrdreg $0xC0  }
0xab: {  	_ =	task [dreg:s7], $0x5FFFF  }
0xac: {  	[dreg:$0x1] =	wrdreg $0xFFFFFFFF  }
0xad: {  	[dreg:$0x0] =	wrdreg $0x60  }
0xae: {  	[dreg:$0x2] =	wrdreg s24  }
0xaf: {  	[dreg:$0x3] =	wrdreg s2  }
0xb0: {  	[dreg:$0x4] =	wrdreg $0x9  }
0xb1: {  	_ =	task.clear_ibuf [dreg:s7], $0x5FFFF;
	_ =	strace $0x90000049  }
0xb2: {  	s29 =	simm.s32 $0x9;
	_ =	strace $0x8000004B  }
0xb3: {  	_ =	swait.ge [sflag:s29], $0x1  }
0xb4: {  	[sflag:s29] =	ssyncadd.s32 $0xFFFFFFFF  }
0xb5: {  	_ =	strace $0x9000004B  }
0xb6: {  	_ =	sfence  }
0xb7: {  	s30 =	sld [smem:$0x0];
	_ =	sdelay $0x2  }
0xb8: {  	s31 =	sshll.u32 s1, $0xD;
	s1 =	sshrl.u32 s1, $0x2  }
0xb9: {  	s3 =	sand.u32 $0x4000, s31;
	s1 =	sadd.s32 s1, s30  }
0xba: {  	s0 =	sor.u32 s3, s0;
	s1 =	sshll.u32 s1, $0x11  }
0xbb: {  	s0 =	sor.u32 s1, s0  }
0xbc: {  	s0 =	sadd.s32 $0x8F2B, s0  }
0xbd: {  	[sflag:s0] =	ssyncadd.remote.s32 $0x1  }
0xbe: {  	_ =	sfence.sel $0xFFFF  }
0xbf: {  	[dreg:$0x0] =	wrdreg $0xFFFFFFFF;
	(pc) =	sbr.abs _section_cstart, $3  }
0xc0: {  	[dreg:$0x1] =	wrdreg $0xFFFFFFFF  }
0xc1: {  	_ =	task.clear_ibuf [dreg:s7], $0x2FFFF;
	_ =	strace $0x9FFFFFFF  }
0xc2: {  	(tm) =	ssettm $0x7FFFFFFF  }
0xc3: {  	_ =	shalt  }
tec
execute0_lowered:
.L_overlay_start_1:
0x0: {  	(tag) =	ssettag $0x1  }
0x1: {  	v0 =	vimm.s32 $0xEDCBA987;
	v2 =	vimm.s32 $0x65432100;
	v1 =	vimm.f32 $0.0e+00  }
0x2: {  	v3 =	vimm.s32 $0x0;
	v7 =	vimm.s32 $0xDCBA9876;
	v8 =	vimm.s32 $0x54321000  }
0x3: {  	v9 =	vimm.s32 $0xBA987654;
	vm0 =	vmmov $0x3;
	vm2 =	vcmask $0x3F30  }
0x4: {  	vm1 =	vmmov $0xf;
	v13 =	vimm.s32 $0x2;
	v14 =	vimm.s32 $0x3  }
0x5: {  	v15 =	vimm.s32 $0x5;
	v16 =	vimm.s32 $0x6;
	v17 =	vimm.s32 $0x7  }
0x6: {  	v18 =	vimm.s32 $0x8;
	v19 =	vimm.s32 $0x9;
	v20 =	vimm.s32 $0xA  }
0x7: {  	s0 =	srdreg.scid;
	v21 =	vimm.s32 $0xB;
	v22 =	vimm.s32 $0xC;
	v4 =	vunpack.c.l.s4.s8 v0  }
0x8: {  	s2 =	stileid.u32;
	s26 =	rddreg [dreg:$0x0];
	s3 =	simm.s32 $0x0;
	v23 =	vimm.s32 $0xD;
	vm3 =	vcmask $0x300;
	v5 =	vunpack.c.l.s4.s8 v2  }
0x9: {  	s8 =	simm.s32 $0x2;
	s9 =	simm.s32 $0x2710;
	s10 =	simm.s32 $0x2860;
	v24 =	vimm.s32 $0xE;
	v25 =	vimm.s32 $0xF;
	v6 =	vunpack.c.0.s8.s32 v4  }
0xa: {  	s11 =	simm.s32 $0x29B0;
	s12 =	simm.s32 $0x50;
	s14 =	simm.s32 $0x1;
	v2 =	vimm.s32 $0x3F;
	v7 =	vunpack.c.l.s4.s8 v7;
	v5 =	vunpack.c.0.s8.s32 v5  }
0xb: {  	s17 =	simm.s32 $0x3000;
	s18 =	simm.s32 $0x2A00;
	s0 =	sand.u32 $0x1, s0;
	v9 =	vunpack.c.l.s4.s8 v9;
	v26 =	vsel vm3, $0x3, v3;
	v6 =	vand.u32 $0xF, v6  }
0xc: {  	s19 =	simm.s32 $0x4400;
	s20 =	simm.s32 $0x2900;
	s1 =	sshll.u32 s0, $0x4;
	v5 =	vcombine.low v5, v6;
	v6 =	vunpack.c.l.s4.s8 v8;
	v8 =	vimm.s32 $0xE40000  }
0xd: {  	s21 =	simm.s32 $0x3500;
	s22 =	simm.s32 $0x2A50;
	s1 =	sor.u32 s2, s1;
	v4 =	vimm.s32 $0x2800;
	v7 =	vunpack.c.0.s8.s32 v7;
	v8 =	vunpack.c.l.s2.s4 v8  }
0xe: {  	s23 =	simm.s32 $0x4900;
	s24 =	simm.s32 $0x2950;
	v9 =	vunpack.c.0.s8.s32 v9;
	s2 =	smul.u32 $0xFFFFFFC1, s1;
	v10 =	vunpack.c.0.s8.s32 v6;
	v6 =	vimm.s32 $0x32100000  }
0xf: {  	s25 =	simm.s32 $0x3A00;
	s28 =	simm.s32 $0x4E00;
	s29 =	simm.s32 $0x5300;
	v7 =	vand.u32 $0xF, v7;
	v11 =	vunpack.c.l.s4.s8 v6;
	v8 =	vunpack.c.l.s4.s8 v8  }
0x10: {  	s30 =	simm.s32 $0x5700;
	s31 =	simm.s32 $0x5900;
	s0 =	ssub.s32 $0x2, s0;
	v0 =	vmov s2;
	v6 =	vlaneseq.u32;
	v7 =	vcombine.low v10, v7  }
0x11: {  	[smem:$0x7FF] =	sst s3;
	s5 =	sshrl.u32 s0, $0x1;
	s1 =	smul.u32 $0xFC, s1;
	v10 =	vunpack.c.0.s8.s32 v11;
	v11 =	vimm.s32 $0x7060504;
	v12 =	vunpack.c.0.s8.s32 v8  }
0x12: {  	s4 =	sadd.s32 $0x1A200, s26;
	_ =	strace $0x8000004A;
	s0 =	ssub.s32 s0, s5;
	v8 =	vand.u32 $0xF, v9;
	v9 =	vunpack.c.0.s8.s32 v11;
	v11 =	vimm.s32 $0x4  }
0x13: {  	s5 =	sadd.s32 $0x24200, s26;
	s7 =	smax.u32 s0, $0x1;
	s1 =	sadd.s32 s1, s26;
	v8 =	vcombine.low v10, v8;
	v10 =	vand.u32 $0x3, v12;
	v12 =	vimm.s32 $0x1  }
0x14: {  	s26 =	simm.s32 $0x2AA0;
	s6 =	sadd.s32 $0x1600, s1;
	s1 =	simm.s32 $0x0;
	v9 =	vsel vm2, v9, v10;
	vm2 =	vmmov $0xff;
	v10 =	vor.u32 $0x2800, v6  }
.LBB2_1:
0x15: {  	s0 =	simm.s32 $0x0  }
.LBB2_2:
0x16: {  	p0 =	sne.s32 s0, $0xFC0  }
.Ltmp0:
0x17: {  	_ = 	snop;
	(pc) =	sbr.rel @p0 .LBB2_2-.Ltmp0, $3  }
0x18: {  	_ =	sdelay $0x1  }
0x19: {  	s2 =	sshra.s32 s0, $0x2  }
0x1a: {  	s0 =	sadd.s32 $0x40, s0;
	[tilespmem:s2+$0x5300] =	vst v1  }
0x1b: {  	s0 =	simm.s32 $0x40;
	s2 =	simm.s32 $0x0  }
.LBB2_4:
0x1c: {  	p0 =	sne.s32 s0, $0x500;
	[tilespmem:s2+$0x29B0] =	vst v4;
	s13 =	smov.u32 s0;
	s0 =	sadd.s32 $0x40, s0  }
.Ltmp1:
0x1d: {  	[tilespmem:s2+$0x2710] =	vst v2;
	(pc) =	sbr.rel @p0 .LBB2_4-.Ltmp1, $2  }
0x1e: {  	[tilespmem:s2+$0x2860] =	vst v3;
	_ =	sdelay $0x2  }
0x1f: {  	s2 =	sshra.s32 s13, $0x2  }
0x20: {  	[tilespmem:s2+$0x29B0] =	vst v4  }
0x21: {  	[tilespmem:s2+$0x2710] =	vst v2  }
0x22: {  	[tilespmem:s2+$0x2860] =	vst v3;
	s0 =	simm.s32 $0x0;
	s16 =	rddreg [dreg:$0x1]  }
0x23: {  	[tilespmem:s0], [sflag:$0x2] =	stream.linear.gather [hbm4b:s16+s0], $0x2710, $0x38;
	[tilespmem:$0x60E0] =	vst v63  }
0x24: {  	_ =	swait.ge [sflag:s8], $0x2710  }
0x25: {  	[sflag:s8] =	ssyncset.done $0x0  }
0x26: {  	[sflag:s8] =	ssyncadd.s32 $0xFFFFD8F0  }
0x27: {  	v29 =	vld [tilespmem:s0+$0x0];
	_ =	sdelay $0x1  }
0x28: {  	v28 =	vimm.s32 $0x0;
	s2 =	simm.s32 $0x10;
	v27 =	vimm.s32 $0x0;
	s13 =	simm.s32 $0x0  }
.LBB2_6:
0x29: {  	p0 =	sne.s32 s2, $0x2700;
	_ =	sdelay $0x1  }
0x2a: {  	v29 =	vadd.s32 v0, v29  }
0x2b: {  	vm4 =	vlt.u32 v29, $0x3F  }
0x2c: {  	v30 =	vsel vm4, $0x1, v3;
	v31 =	vmpcnt.ones.xlane vm4  }
0x2d: {  	v32 =	vperm.xlane v30, v5  }
0x2e: {  	vm3 =	veq.s32 v6, $0x0;
	v28 =	vadd.s32 v28, v31  }
0x2f: {  	v31 =	vsel vm3, $0x0, v32  }
0x30: {  	v30 =	vadd.s32 v30, v31  }
0x31: {  	v31 =	vperm.xlane v30, v7;
	_ =	sdelay $0x1  }
0x32: {  	v31 =	vsel vm0, $0x0, v31  }
0x33: {  	v30 =	vadd.s32 v31, v30  }
0x34: {  	v31 =	vperm.xlane v30, v8;
	_ =	sdelay $0x1  }
0x35: {  	v31 =	vsel vm1, $0x0, v31  }
0x36: {  	v30 =	vadd.s32 v31, v30  }
0x37: {  	v31 =	vperm.xlane v30, v9;
	_ =	sdelay $0x1  }
0x38: {  	v31 =	vsel vm2, $0x0, v31  }
0x39: {  	v31 =	vadd.s32 v31, v27;
	v27 =	vmov v28  }
0x3a: {  	v30 =	vadd.s32 v30, v31  }
0x3b: {  	v30 =	vadd.s32 $0xFFFFFFFF, v30;
	_ =	sdelay $0x4  }
0x3c: {  	v31 =	vor.u32 s0, v6;
	[tilespmem:v30+s9+$0x0] =	vst.idx.msk vm4, v29  }
.Ltmp2:
0x3d: {  	v29 =	vadd.s32 s0, v10;
	s0 =	smov.u32 s2;
	[tilespmem:v30+s10+$0x0] =	vst.idx.msk vm4, v31;
	(pc) =	sbr.rel @p0 .LBB2_6-.Ltmp2, $3  }
0x3e: {  	s13 =	sadd.s32 $0x10, s13;
	[tilespmem:v30+s11+$0x0] =	vst.idx.msk vm4, v29  }
0x3f: {  	v29 =	vld [tilespmem:s13+$0x0];
	_ =	sdelay $0x1  }
0x40: {  	s2 =	sadd.s32 $0x10, s2  }
0x41: {  	_ =	sdelay $0x1  }
0x42: {  	v28 =	vadd.s32 v0, v29  }
0x43: {  	vm4 =	vlt.u32 v28, $0x3F  }
0x44: {  	v29 =	vsel vm4, $0x1, v3  }
0x45: {  	v30 =	vperm.xlane v29, v5;
	_ =	sdelay $0x1  }
0x46: {  	v30 =	vsel vm3, $0x0, v30  }
0x47: {  	v29 =	vadd.s32 v29, v30  }
0x48: {  	v30 =	vperm.xlane v29, v7;
	_ =	sdelay $0x1  }
0x49: {  	v30 =	vsel vm0, $0x0, v30  }
0x4a: {  	v29 =	vadd.s32 v30, v29  }
0x4b: {  	v30 =	vperm.xlane v29, v8;
	_ =	sdelay $0x1  }
0x4c: {  	v30 =	vsel vm1, $0x0, v30  }
0x4d: {  	v29 =	vadd.s32 v30, v29  }
0x4e: {  	v30 =	vperm.xlane v29, v9;
	_ =	sdelay $0x1  }
0x4f: {  	v30 =	vsel vm2, $0x0, v30  }
0x50: {  	v27 =	vadd.s32 v30, v27  }
0x51: {  	v27 =	vadd.s32 v29, v27  }
0x52: {  	v27 =	vadd.s32 $0xFFFFFFFF, v27;
	_ =	sdelay $0x4  }
0x53: {  	v29 =	vor.u32 s0, v6;
	[tilespmem:v27+s9+$0x0] =	vst.idx.msk vm4, v28  }
0x54: {  	v28 =	vadd.s32 s0, v10;
	[tilespmem:v27+s10+$0x0] =	vst.idx.msk vm4, v29  }
0x55: {  	s13 =	simm.s32 $0x2B00;
	[tilespmem:v27+s11+$0x0] =	vst.idx.msk vm4, v28  }
0x56: {  	[tilespmem:s13], [sflag:$0x1] =	stream.indirect.gather [hbm4b:s4+s12], $0x10, s10, s12, $0xb8;
	[tilespmem:$0x60E0] =	vst v63  }
0x57: {  	_ =	swait.ge [sflag:s14], $0x500  }
0x58: {  	[sflag:s14] =	ssyncset.done $0x0  }
0x59: {  	s15 =	simm.s32 $0x3F00;
	[sflag:s14] =	ssyncadd.s32 $0xFFFFFB00  }
0x5a: {  	[tilespmem:s15], [sflag:$0x1] =	stream.indirect.gather [hbm4b:s4+s12], $0x10, s11, s12, $0xb8;
	[tilespmem:$0x60E0] =	vst v63  }
0x5b: {  	_ =	swait.ge [sflag:s14], $0x500  }
0x5c: {  	[sflag:s14] =	ssyncset.done $0x0  }
0x5d: {  	s16 =	simm.s32 $0x28B0;
	[sflag:s14] =	ssyncadd.s32 $0xFFFFFB00  }
0x5e: {  	[tilespmem:s17], [sflag:$0x1] =	stream.indirect.gather [hbm4b:s4+s12], $0x10, s16, s12, $0xb8;
	[tilespmem:$0x60E0] =	vst v63  }
0x5f: {  	_ =	swait.ge [sflag:s14], $0x500  }
0x60: {  	[sflag:s14] =	ssyncset.done $0x0  }
0x61: {  	[sflag:s14] =	ssyncadd.s32 $0xFFFFFB00  }
0x62: {  	[tilespmem:s19], [sflag:$0x1] =	stream.indirect.gather [hbm4b:s4+s12], $0x10, s18, s12, $0xb8;
	[tilespmem:$0x60E0] =	vst v63  }
0x63: {  	_ =	swait.ge [sflag:s14], $0x500  }
0x64: {  	[sflag:s14] =	ssyncset.done $0x0  }
0x65: {  	[sflag:s14] =	ssyncadd.s32 $0xFFFFFB00  }
0x66: {  	[tilespmem:s21], [sflag:$0x1] =	stream.indirect.gather [hbm4b:s4+s12], $0x10, s20, s12, $0xb8;
	[tilespmem:$0x60E0] =	vst v63  }
0x67: {  	_ =	swait.ge [sflag:s14], $0x500  }
0x68: {  	[sflag:s14] =	ssyncset.done $0x0  }
0x69: {  	[sflag:s14] =	ssyncadd.s32 $0xFFFFFB00  }
0x6a: {  	[tilespmem:s23], [sflag:$0x1] =	stream.indirect.gather [hbm4b:s4+s12], $0x10, s22, s12, $0xb8;
	[tilespmem:$0x60E0] =	vst v63  }
0x6b: {  	_ =	swait.ge [sflag:s14], $0x500  }
0x6c: {  	[sflag:s14] =	ssyncset.done $0x0  }
0x6d: {  	[sflag:s14] =	ssyncadd.s32 $0xFFFFFB00  }
0x6e: {  	[tilespmem:s25], [sflag:$0x1] =	stream.indirect.gather [hbm4b:s4+s12], $0x10, s24, s12, $0xb8;
	[tilespmem:$0x60E0] =	vst v63  }
0x6f: {  	_ =	swait.ge [sflag:s14], $0x500  }
0x70: {  	[sflag:s14] =	ssyncset.done $0x0  }
0x71: {  	[sflag:s14] =	ssyncadd.s32 $0xFFFFFB00  }
0x72: {  	[tilespmem:s28], [sflag:$0x1] =	stream.indirect.gather [hbm4b:s4+s12], $0x10, s26, s12, $0xb8;
	[tilespmem:$0x60E0] =	vst v63  }
0x73: {  	_ =	swait.ge [sflag:s14], $0x500  }
0x74: {  	[sflag:s14] =	ssyncset.done $0x0  }
0x75: {  	s0 =	simm.s32 $0x2710;
	[sflag:s14] =	ssyncadd.s32 $0xFFFFFB00  }
0x76: {  	v27 =	vld [tilespmem:s0+$0x0];
	_ =	sdelay $0x4  }
0x77: {  	v28 =	vperm.xlane v27, v3;
	_ =	sdelay $0x1  }
0x78: {  	v28 =	vshll.u32 v28, $0x4  }
0x79: {  	s2 =	simm.s32 $0x0;
	v28 =	vor.u32 v6, v28  }
0x7a: {  	v29 =	vld [tilespmem:s2+$0x3F00]  }
0x7b: {  	v30 =	vld [tilespmem:s2+$0x2B00];
	_ =	sdelay $0x2  }
0x7c: {  	v31 =	vld.idx.msk [tilespmem:v28+s29+$0x0], $0xffff;
	_ =	sdelay $0x1  }
0x7d: {  	v29 =	vadd.f32 v29, v30  }
0x7e: {  	v30 =	vperm.xlane v27, v12  }
0x7f: {  	v29 =	vmax.f32 v29, $0.0e+00  }
0x80: {  	v30 =	vshll.u32 v30, $0x4;
	v29 =	vmax.f32 v31, v29  }
0x81: {  	v30 =	vor.u32 v6, v30;
	[tilespmem:v28+s29+$0x0] =	vst.idx.msk $0xffff, v29  }
0x82: {  	v28 =	vld [tilespmem:s2+$0x2B10]  }
0x83: {  	v29 =	vld [tilespmem:s2+$0x3F10];
	_ =	sdelay $0x2  }
0x84: {  	v31 =	vld.idx.msk [tilespmem:v30+s29+$0x0], $0xffff;
	_ =	sdelay $0x1  }
0x85: {  	v28 =	vadd.f32 v29, v28  }
0x86: {  	v29 =	vperm.xlane v27, v13  }
0x87: {  	v28 =	vmax.f32 v28, $0.0e+00  }
0x88: {  	v29 =	vshll.u32 v29, $0x4;
	v28 =	vmax.f32 v31, v28  }
0x89: {  	v29 =	vor.u32 v6, v29;
	[tilespmem:v30+s29+$0x0] =	vst.idx.msk $0xffff, v28  }
0x8a: {  	v28 =	vld [tilespmem:s2+$0x2B20]  }
0x8b: {  	v30 =	vld [tilespmem:s2+$0x3F20];
	_ =	sdelay $0x2  }
0x8c: {  	v31 =	vld.idx.msk [tilespmem:v29+s29+$0x0], $0xffff;
	_ =	sdelay $0x1  }
0x8d: {  	v28 =	vadd.f32 v30, v28  }
0x8e: {  	v30 =	vperm.xlane v27, v14  }
0x8f: {  	v28 =	vmax.f32 v28, $0.0e+00  }
0x90: {  	v30 =	vshll.u32 v30, $0x4;
	v28 =	vmax.f32 v31, v28  }
0x91: {  	v30 =	vor.u32 v6, v30;
	[tilespmem:v29+s29+$0x0] =	vst.idx.msk $0xffff, v28  }
0x92: {  	v28 =	vld [tilespmem:s2+$0x2B30]  }
0x93: {  	v29 =	vld [tilespmem:s2+$0x3F30];
	_ =	sdelay $0x2  }
0x94: {  	v31 =	vld.idx.msk [tilespmem:v30+s29+$0x0], $0xffff;
	_ =	sdelay $0x1  }
0x95: {  	v28 =	vadd.f32 v29, v28  }
0x96: {  	v29 =	vperm.xlane v27, v11  }
0x97: {  	v28 =	vmax.f32 v28, $0.0e+00  }
0x98: {  	v29 =	vshll.u32 v29, $0x4;
	v28 =	vmax.f32 v31, v28  }
0x99: {  	v29 =	vor.u32 v6, v29;
	[tilespmem:v30+s29+$0x0] =	vst.idx.msk $0xffff, v28  }
0x9a: {  	v28 =	vld [tilespmem:s2+$0x2B40]  }
0x9b: {  	v30 =	vld [tilespmem:s2+$0x3F40];
	_ =	sdelay $0x2  }
0x9c: {  	v31 =	vld.idx.msk [tilespmem:v29+s29+$0x0], $0xffff;
	_ =	sdelay $0x1  }
0x9d: {  	v28 =	vadd.f32 v30, v28  }
0x9e: {  	v30 =	vperm.xlane v27, v15  }
0x9f: {  	v28 =	vmax.f32 v28, $0.0e+00  }
0xa0: {  	v30 =	vshll.u32 v30, $0x4;
	v28 =	vmax.f32 v31, v28  }
0xa1: {  	v30 =	vor.u32 v6, v30;
	[tilespmem:v29+s29+$0x0] =	vst.idx.msk $0xffff, v28  }
0xa2: {  	v28 =	vld [tilespmem:s2+$0x2B50]  }
0xa3: {  	v29 =	vld [tilespmem:s2+$0x3F50];
	_ =	sdelay $0x2  }
0xa4: {  	v31 =	vld.idx.msk [tilespmem:v30+s29+$0x0], $0xffff;
	_ =	sdelay $0x1  }
0xa5: {  	v28 =	vadd.f32 v29, v28  }
0xa6: {  	v29 =	vperm.xlane v27, v16  }
0xa7: {  	v28 =	vmax.f32 v28, $0.0e+00  }
0xa8: {  	v29 =	vshll.u32 v29, $0x4;
	v28 =	vmax.f32 v31, v28  }
0xa9: {  	v29 =	vor.u32 v6, v29;
	[tilespmem:v30+s29+$0x0] =	vst.idx.msk $0xffff, v28  }
0xaa: {  	v28 =	vld [tilespmem:s2+$0x2B60]  }
0xab: {  	v30 =	vld [tilespmem:s2+$0x3F60];
	_ =	sdelay $0x2  }
0xac: {  	v31 =	vld.idx.msk [tilespmem:v29+s29+$0x0], $0xffff;
	_ =	sdelay $0x1  }
0xad: {  	v28 =	vadd.f32 v30, v28  }
0xae: {  	v30 =	vperm.xlane v27, v17  }
0xaf: {  	v28 =	vmax.f32 v28, $0.0e+00  }
0xb0: {  	v30 =	vshll.u32 v30, $0x4;
	v28 =	vmax.f32 v31, v28  }
0xb1: {  	v30 =	vor.u32 v6, v30;
	[tilespmem:v29+s29+$0x0] =	vst.idx.msk $0xffff, v28  }
0xb2: {  	v28 =	vld [tilespmem:s2+$0x2B70]  }
0xb3: {  	v29 =	vld [tilespmem:s2+$0x3F70];
	_ =	sdelay $0x2  }
0xb4: {  	v31 =	vld.idx.msk [tilespmem:v30+s29+$0x0], $0xffff;
	_ =	sdelay $0x1  }
0xb5: {  	v28 =	vadd.f32 v29, v28  }
0xb6: {  	v29 =	vperm.xlane v27, v18  }
0xb7: {  	v28 =	vmax.f32 v28, $0.0e+00  }
0xb8: {  	v29 =	vshll.u32 v29, $0x4;
	v28 =	vmax.f32 v31, v28  }
0xb9: {  	v29 =	vor.u32 v6, v29;
	[tilespmem:v30+s29+$0x0] =	vst.idx.msk $0xffff, v28  }
0xba: {  	v28 =	vld [tilespmem:s2+$0x2B80]  }
0xbb: {  	v30 =	vld [tilespmem:s2+$0x3F80];
	_ =	sdelay $0x2  }
0xbc: {  	v31 =	vld.idx.msk [tilespmem:v29+s29+$0x0], $0xffff;
	_ =	sdelay $0x1  }
0xbd: {  	v28 =	vadd.f32 v30, v28  }
0xbe: {  	v30 =	vperm.xlane v27, v19  }
0xbf: {  	v28 =	vmax.f32 v28, $0.0e+00  }
0xc0: {  	v30 =	vshll.u32 v30, $0x4;
	v28 =	vmax.f32 v31, v28  }
0xc1: {  	v30 =	vor.u32 v6, v30;
	[tilespmem:v29+s29+$0x0] =	vst.idx.msk $0xffff, v28  }
0xc2: {  	v28 =	vld [tilespmem:s2+$0x2B90]  }
0xc3: {  	v29 =	vld [tilespmem:s2+$0x3F90];
	_ =	sdelay $0x2  }
0xc4: {  	v31 =	vld.idx.msk [tilespmem:v30+s29+$0x0], $0xffff;
	_ =	sdelay $0x1  }
0xc5: {  	v28 =	vadd.f32 v29, v28  }
0xc6: {  	v29 =	vperm.xlane v27, v20  }
0xc7: {  	v28 =	vmax.f32 v28, $0.0e+00  }
0xc8: {  	v29 =	vshll.u32 v29, $0x4;
	v28 =	vmax.f32 v31, v28  }
0xc9: {  	v29 =	vor.u32 v6, v29;
	[tilespmem:v30+s29+$0x0] =	vst.idx.msk $0xffff, v28  }
0xca: {  	v28 =	vld [tilespmem:s2+$0x2BA0]  }
0xcb: {  	v30 =	vld [tilespmem:s2+$0x3FA0];
	_ =	sdelay $0x2  }
0xcc: {  	v31 =	vld.idx.msk [tilespmem:v29+s29+$0x0], $0xffff;
	_ =	sdelay $0x1  }
0xcd: {  	v28 =	vadd.f32 v30, v28  }
0xce: {  	v30 =	vperm.xlane v27, v21  }
0xcf: {  	v28 =	vmax.f32 v28, $0.0e+00  }
0xd0: {  	v30 =	vshll.u32 v30, $0x4;
	v28 =	vmax.f32 v31, v28  }
0xd1: {  	v30 =	vor.u32 v6, v30;
	[tilespmem:v29+s29+$0x0] =	vst.idx.msk $0xffff, v28  }
0xd2: {  	v28 =	vld [tilespmem:s2+$0x2BB0]  }
0xd3: {  	v29 =	vld [tilespmem:s2+$0x3FB0];
	_ =	sdelay $0x2  }
0xd4: {  	v31 =	vld.idx.msk [tilespmem:v30+s29+$0x0], $0xffff;
	_ =	sdelay $0x1  }
0xd5: {  	v28 =	vadd.f32 v29, v28  }
0xd6: {  	v29 =	vperm.xlane v27, v22  }
0xd7: {  	v28 =	vmax.f32 v28, $0.0e+00  }
0xd8: {  	v29 =	vshll.u32 v29, $0x4;
	v28 =	vmax.f32 v31, v28  }
0xd9: {  	v29 =	vor.u32 v6, v29;
	[tilespmem:v30+s29+$0x0] =	vst.idx.msk $0xffff, v28  }
0xda: {  	v28 =	vld [tilespmem:s2+$0x2BC0]  }
0xdb: {  	v30 =	vld [tilespmem:s2+$0x3FC0];
	_ =	sdelay $0x2  }
0xdc: {  	v31 =	vld.idx.msk [tilespmem:v29+s29+$0x0], $0xffff;
	_ =	sdelay $0x1  }
0xdd: {  	v28 =	vadd.f32 v30, v28  }
0xde: {  	v30 =	vperm.xlane v27, v23  }
0xdf: {  	v28 =	vmax.f32 v28, $0.0e+00  }
0xe0: {  	v30 =	vshll.u32 v30, $0x4;
	v28 =	vmax.f32 v31, v28  }
0xe1: {  	v30 =	vor.u32 v6, v30;
	[tilespmem:v29+s29+$0x0] =	vst.idx.msk $0xffff, v28  }
0xe2: {  	v28 =	vld [tilespmem:s2+$0x2BD0]  }
0xe3: {  	v29 =	vld [tilespmem:s2+$0x3FD0];
	_ =	sdelay $0x2  }
0xe4: {  	v31 =	vld.idx.msk [tilespmem:v30+s29+$0x0], $0xffff  }
0xe5: {  	v32 =	vperm.xlane v27, v24  }
0xe6: {  	v28 =	vadd.f32 v29, v28  }
0xe7: {  	v29 =	vshll.u32 v32, $0x4  }
0xe8: {  	v63 =	vmax.f32 v28, $0.0e+00;
	v28 =	vor.u32 v6, v29  }
0xe9: {  	v29 =	vmax.f32 v31, v63  }
0xea: {  	[tilespmem:v30+s29+$0x0] =	vst.idx.msk $0xffff, v29  }
0xeb: {  	v27 =	vperm.xlane v27, v25;
	v29 =	vld [tilespmem:s2+$0x2BE0]  }
0xec: {  	v31 =	vld [tilespmem:s2+$0x3FE0]  }
0xed: {  	s13 =	simm.s32 $0x400;
	v27 =	vshll.u32 v27, $0x4;
	v30 =	vld.idx.msk [tilespmem:v28+s29+$0x0], $0xffff  }
.LBB2_8:
0xee: {  	_ = 	snop  }
0xef: {  	p0 =	sne.s32 s13, $0x4C00  }
0xf0: {  	s0 =	sadd.s32 $0x10, s0;
	s15 =	smov.u32 s13;
	s13 =	sadd.s32 $0x400, s13  }
0xf1: {  	v29 =	vadd.f32 v31, v29;
	_ =	sdelay $0x1  }
0xf2: {  	v27 =	vor.u32 v6, v27;
	v29 =	vmax.f32 v29, $0.0e+00  }
0xf3: {  	v29 =	vmax.f32 v30, v29  }
0xf4: {  	[tilespmem:v28+s29+$0x0] =	vst.idx.msk $0xffff, v29  }
0xf5: {  	v28 =	vld [tilespmem:s2+$0x2BF0]  }
0xf6: {  	v29 =	vld [tilespmem:s2+$0x3FF0]  }
0xf7: {  	v30 =	vld.idx.msk [tilespmem:v27+s29+$0x0], $0xffff;
	_ =	sdelay $0x3  }
0xf8: {  	v28 =	vadd.f32 v29, v28;
	_ =	sdelay $0x1  }
0xf9: {  	v28 =	vmax.f32 v28, $0.0e+00  }
0xfa: {  	v28 =	vmax.f32 v30, v28  }
0xfb: {  	[tilespmem:v27+s29+$0x0] =	vst.idx.msk $0xffff, v28  }
0xfc: {  	v27 =	vld [tilespmem:s0+$0x0];
	_ =	sdelay $0x4  }
0xfd: {  	v28 =	vperm.xlane v27, v3;
	v36 =	vperm.xlane v27, v12  }
0xfe: {  	v29 =	vperm.xlane v27, v13;
	v30 =	vperm.xlane v27, v14  }
0xff: {  	v31 =	vperm.xlane v27, v11;
	v32 =	vperm.xlane v27, v15;
	v28 =	vshll.u32 v28, $0x4  }
0x100: {  	s2 =	sshra.s32 s15, $0x2;
	v38 =	vshll.u32 v29, $0x4;
	v39 =	vshll.u32 v30, $0x4;
	v37 =	vor.u32 v6, v28  }
0x101: {  	v40 =	vshll.u32 v31, $0x4;
	v41 =	vshll.u32 v32, $0x4;
	v29 =	vperm.xlane v27, v16;
	v28 =	vld [tilespmem:s2+$0x3F00]  }
0x102: {  	v31 =	vperm.xlane v27, v17;
	v32 =	vperm.xlane v27, v18;
	v30 =	vld [tilespmem:s2+$0x2B00]  }
0x103: {  	v43 =	vperm.xlane v27, v20;
	v42 =	vshll.u32 v29, $0x4;
	v29 =	vperm.xlane v27, v19  }
0x104: {  	v35 =	vshll.u32 v31, $0x4;
	v34 =	vshll.u32 v32, $0x4;
	v31 =	vperm.xlane v27, v21  }
0x105: {  	v32 =	vshll.u32 v43, $0x4;
	v33 =	vshll.u32 v29, $0x4;
	v29 =	vperm.xlane v27, v22;
	v44 =	vld.idx.msk [tilespmem:v37+s29+$0x0], $0xffff  }
0x106: {  	v45 =	vperm.xlane v27, v24;
	v43 =	vperm.xlane v27, v23;
	v31 =	vshll.u32 v31, $0x4  }
0x107: {  	v27 =	vperm.xlane v27, v25;
	v46 =	vadd.f32 v28, v30;
	v30 =	vshll.u32 v29, $0x4  }
0x108: {  	v29 =	vshll.u32 v43, $0x4;
	v28 =	vshll.u32 v45, $0x4  }
0x109: {  	v36 =	vshll.u32 v36, $0x4;
	v27 =	vshll.u32 v27, $0x4;
	v43 =	vmax.f32 v46, $0.0e+00  }
0x10a: {  	v36 =	vor.u32 v6, v36  }
0x10b: {  	v43 =	vmax.f32 v44, v43  }
0x10c: {  	[tilespmem:v37+s29+$0x0] =	vst.idx.msk $0xffff, v43  }
0x10d: {  	v37 =	vld [tilespmem:s2+$0x2B10]  }
0x10e: {  	v43 =	vld [tilespmem:s2+$0x3F10]  }
0x10f: {  	v44 =	vld.idx.msk [tilespmem:v36+s29+$0x0], $0xffff;
	_ =	sdelay $0x3  }
0x110: {  	v37 =	vadd.f32 v43, v37;
	_ =	sdelay $0x1  }
0x111: {  	v37 =	vmax.f32 v37, $0.0e+00  }
0x112: {  	v38 =	vor.u32 v6, v38;
	v37 =	vmax.f32 v44, v37  }
0x113: {  	[tilespmem:v36+s29+$0x0] =	vst.idx.msk $0xffff, v37  }
0x114: {  	v36 =	vld [tilespmem:s2+$0x2B20]  }
0x115: {  	v37 =	vld [tilespmem:s2+$0x3F20];
	_ =	sdelay $0x1  }
0x116: {  	v43 =	vld.idx.msk [tilespmem:v38+s29+$0x0], $0xffff;
	_ =	sdelay $0x2  }
0x117: {  	v36 =	vadd.f32 v37, v36;
	_ =	sdelay $0x1  }
0x118: {  	v36 =	vmax.f32 v36, $0.0e+00  }
0x119: {  	v37 =	vor.u32 v6, v39;
	v36 =	vmax.f32 v43, v36  }
0x11a: {  	[tilespmem:v38+s29+$0x0] =	vst.idx.msk $0xffff, v36  }
0x11b: {  	v36 =	vld [tilespmem:s2+$0x2B30]  }
0x11c: {  	v38 =	vld [tilespmem:s2+$0x3F30];
	_ =	sdelay $0x1  }
0x11d: {  	v39 =	vld.idx.msk [tilespmem:v37+s29+$0x0], $0xffff;
	_ =	sdelay $0x2  }
0x11e: {  	v36 =	vadd.f32 v38, v36;
	_ =	sdelay $0x1  }
0x11f: {  	v38 =	vor.u32 v6, v40;
	v36 =	vmax.f32 v36, $0.0e+00  }
0x120: {  	v36 =	vmax.f32 v39, v36  }
0x121: {  	[tilespmem:v37+s29+$0x0] =	vst.idx.msk $0xffff, v36  }
0x122: {  	v36 =	vld [tilespmem:s2+$0x2B40]  }
0x123: {  	v37 =	vld [tilespmem:s2+$0x3F40]  }
0x124: {  	v39 =	vld.idx.msk [tilespmem:v38+s29+$0x0], $0xffff;
	_ =	sdelay $0x3  }
0x125: {  	v36 =	vadd.f32 v37, v36;
	_ =	sdelay $0x1  }
0x126: {  	v36 =	vmax.f32 v36, $0.0e+00  }
0x127: {  	v37 =	vor.u32 v6, v41;
	v36 =	vmax.f32 v39, v36  }
0x128: {  	[tilespmem:v38+s29+$0x0] =	vst.idx.msk $0xffff, v36  }
0x129: {  	v36 =	vld [tilespmem:s2+$0x2B50]  }
0x12a: {  	v38 =	vld [tilespmem:s2+$0x3F50];
	_ =	sdelay $0x1  }
0x12b: {  	v39 =	vld.idx.msk [tilespmem:v37+s29+$0x0], $0xffff;
	_ =	sdelay $0x2  }
0x12c: {  	v36 =	vadd.f32 v38, v36;
	_ =	sdelay $0x1  }
0x12d: {  	v36 =	vmax.f32 v36, $0.0e+00  }
0x12e: {  	v38 =	vor.u32 v6, v42;
	v36 =	vmax.f32 v39, v36  }
0x12f: {  	[tilespmem:v37+s29+$0x0] =	vst.idx.msk $0xffff, v36  }
0x130: {  	v36 =	vld [tilespmem:s2+$0x2B60]  }
0x131: {  	v37 =	vld [tilespmem:s2+$0x3F60];
	_ =	sdelay $0x1  }
0x132: {  	v39 =	vld.idx.msk [tilespmem:v38+s29+$0x0], $0xffff;
	_ =	sdelay $0x2  }
0x133: {  	v36 =	vadd.f32 v37, v36;
	_ =	sdelay $0x1  }
0x134: {  	v35 =	vor.u32 v6, v35;
	v36 =	vmax.f32 v36, $0.0e+00  }
0x135: {  	v36 =	vmax.f32 v39, v36  }
0x136: {  	[tilespmem:v38+s29+$0x0] =	vst.idx.msk $0xffff, v36  }
0x137: {  	v36 =	vld [tilespmem:s2+$0x2B70]  }
0x138: {  	v37 =	vld [tilespmem:s2+$0x3F70]  }
0x139: {  	v38 =	vld.idx.msk [tilespmem:v35+s29+$0x0], $0xffff;
	_ =	sdelay $0x3  }
0x13a: {  	v36 =	vadd.f32 v37, v36;
	_ =	sdelay $0x1  }
0x13b: {  	v34 =	vor.u32 v6, v34;
	v36 =	vmax.f32 v36, $0.0e+00  }
0x13c: {  	v36 =	vmax.f32 v38, v36  }
0x13d: {  	[tilespmem:v35+s29+$0x0] =	vst.idx.msk $0xffff, v36  }
0x13e: {  	v35 =	vld [tilespmem:s2+$0x2B80]  }
0x13f: {  	v36 =	vld [tilespmem:s2+$0x3F80]  }
0x140: {  	v37 =	vld.idx.msk [tilespmem:v34+s29+$0x0], $0xffff;
	_ =	sdelay $0x3  }
0x141: {  	v35 =	vadd.f32 v36, v35;
	_ =	sdelay $0x1  }
0x142: {  	v33 =	vor.u32 v6, v33;
	v35 =	vmax.f32 v35, $0.0e+00  }
0x143: {  	v35 =	vmax.f32 v37, v35  }
0x144: {  	[tilespmem:v34+s29+$0x0] =	vst.idx.msk $0xffff, v35  }
0x145: {  	v34 =	vld [tilespmem:s2+$0x2B90]  }
0x146: {  	v35 =	vld [tilespmem:s2+$0x3F90]  }
0x147: {  	v36 =	vld.idx.msk [tilespmem:v33+s29+$0x0], $0xffff;
	_ =	sdelay $0x3  }
0x148: {  	v34 =	vadd.f32 v35, v34;
	_ =	sdelay $0x1  }
0x149: {  	v32 =	vor.u32 v6, v32;
	v34 =	vmax.f32 v34, $0.0e+00  }
0x14a: {  	v34 =	vmax.f32 v36, v34  }
0x14b: {  	[tilespmem:v33+s29+$0x0] =	vst.idx.msk $0xffff, v34  }
0x14c: {  	v33 =	vld [tilespmem:s2+$0x2BA0]  }
0x14d: {  	v34 =	vld [tilespmem:s2+$0x3FA0]  }
0x14e: {  	v35 =	vld.idx.msk [tilespmem:v32+s29+$0x0], $0xffff;
	_ =	sdelay $0x3  }
0x14f: {  	v33 =	vadd.f32 v34, v33;
	_ =	sdelay $0x1  }
0x150: {  	v31 =	vor.u32 v6, v31;
	v33 =	vmax.f32 v33, $0.0e+00  }
0x151: {  	v33 =	vmax.f32 v35, v33  }
0x152: {  	[tilespmem:v32+s29+$0x0] =	vst.idx.msk $0xffff, v33  }
0x153: {  	v32 =	vld [tilespmem:s2+$0x2BB0]  }
0x154: {  	v33 =	vld [tilespmem:s2+$0x3FB0]  }
0x155: {  	v34 =	vld.idx.msk [tilespmem:v31+s29+$0x0], $0xffff;
	_ =	sdelay $0x3  }
0x156: {  	v32 =	vadd.f32 v33, v32;
	_ =	sdelay $0x1  }
0x157: {  	v30 =	vor.u32 v6, v30;
	v32 =	vmax.f32 v32, $0.0e+00  }
0x158: {  	v32 =	vmax.f32 v34, v32  }
0x159: {  	[tilespmem:v31+s29+$0x0] =	vst.idx.msk $0xffff, v32  }
0x15a: {  	v31 =	vld [tilespmem:s2+$0x2BC0]  }
0x15b: {  	v32 =	vld [tilespmem:s2+$0x3FC0]  }
0x15c: {  	v33 =	vld.idx.msk [tilespmem:v30+s29+$0x0], $0xffff;
	_ =	sdelay $0x3  }
0x15d: {  	v31 =	vadd.f32 v32, v31;
	_ =	sdelay $0x1  }
0x15e: {  	v29 =	vor.u32 v6, v29;
	v31 =	vmax.f32 v31, $0.0e+00  }
0x15f: {  	v31 =	vmax.f32 v33, v31  }
0x160: {  	[tilespmem:v30+s29+$0x0] =	vst.idx.msk $0xffff, v31  }
0x161: {  	v30 =	vld [tilespmem:s2+$0x2BD0]  }
0x162: {  	v31 =	vld [tilespmem:s2+$0x3FD0]  }
0x163: {  	v32 =	vld.idx.msk [tilespmem:v29+s29+$0x0], $0xffff;
	_ =	sdelay $0x3  }
0x164: {  	v30 =	vadd.f32 v31, v30;
	_ =	sdelay $0x1  }
0x165: {  	v28 =	vor.u32 v6, v28;
	v30 =	vmax.f32 v30, $0.0e+00  }
.Ltmp3:
0x166: {  	v30 =	vmax.f32 v32, v30;
	(pc) =	sbr.rel @p0 .LBB2_8-.Ltmp3, $4  }
0x167: {  	[tilespmem:v29+s29+$0x0] =	vst.idx.msk $0xffff, v30  }
0x168: {  	v29 =	vld [tilespmem:s2+$0x2BE0]  }
0x169: {  	v31 =	vld [tilespmem:s2+$0x3FE0]  }
0x16a: {  	v30 =	vld.idx.msk [tilespmem:v28+s29+$0x0], $0xffff  }
0x16b: {  	_ =	sdelay $0x2  }
0x16c: {  	v29 =	vadd.f32 v31, v29;
	_ =	sdelay $0x1  }
0x16d: {  	v29 =	vmax.f32 v29, $0.0e+00  }
0x16e: {  	v29 =	vmax.f32 v30, v29  }
0x16f: {  	v27 =	vor.u32 v6, v27;
	[tilespmem:v28+s29+$0x0] =	vst.idx.msk $0xffff, v29  }
0x170: {  	v28 =	vld [tilespmem:s2+$0x2BF0]  }
0x171: {  	v29 =	vld [tilespmem:s2+$0x3FF0];
	_ =	sdelay $0x2  }
0x172: {  	v30 =	vld.idx.msk [tilespmem:v27+s29+$0x0], $0xffff;
	_ =	sdelay $0x1  }
0x173: {  	v28 =	vadd.f32 v29, v28;
	_ =	sdelay $0x1  }
0x174: {  	v28 =	vmax.f32 v28, $0.0e+00  }
0x175: {  	v28 =	vmax.f32 v30, v28  }
0x176: {  	[tilespmem:v27+s29+$0x0] =	vst.idx.msk $0xffff, v28  }
0x177: {  	[tilespmem:s30], [sflag:$0x2] =	stream.linear.gather [hbm4b:s5+s3], $0x200, $0x38;
	[tilespmem:$0x60E0] =	vst v63  }
0x178: {  	_ =	swait.ge [sflag:s8], $0x200  }
0x179: {  	[sflag:s8] =	ssyncset.done $0x0  }
0x17a: {  	[sflag:s8] =	ssyncadd.s32 $0xFFFFFE00  }
0x17b: {  	v32 =	vld [tilespmem:$0x5790]  }
0x17c: {  	s0 =	simm.s32 $0x0;
	v33 =	vld [tilespmem:$0x5770]  }
0x17d: {  	v27 =	vmov s0;
	v35 =	vld [tilespmem:$0x5750]  }
0x17e: {  	v27 =	vshrl.u32 v27, $0x3;
	v36 =	vld [tilespmem:$0x5730]  }
0x17f: {  	v27 =	vshll.u32 v27, v26;
	v38 =	vld [tilespmem:$0x5710]  }
0x180: {  	v28 =	vbroadcast v27, $0x0;
	v31 =	vadd.s32 $0x1, v27;
	v40 =	vld [tilespmem:$0x5700]  }
0x181: {  	v34 =	vadd.s32 $0x2, v27;
	v31 =	vbroadcast v31, $0x0;
	v42 =	vld [tilespmem:$0x5720]  }
0x182: {  	v37 =	vadd.s32 $0x3, v27;
	v34 =	vbroadcast v34, $0x0;
	v44 =	vld [tilespmem:$0x5740]  }
0x183: {  	v39 =	vadd.s32 $0x4, v27;
	v37 =	vbroadcast v37, $0x0;
	v63 =	vld [tilespmem:$0x5760]  }
0x184: {  	v41 =	vadd.s32 $0x5, v27;
	v39 =	vbroadcast v39, $0x0;
	v46 =	vld [tilespmem:$0x5780]  }
0x185: {  	v41 =	vbroadcast v41, $0x0;
	v49 =	vld [tilespmem:$0x57A0]  }
0x186: {  	s16 =	simm.s32 $0xB;
	v28 =	vld.idx.msk [tilespmem:v28+s29+$0x0], $0xffff  }
0x187: {  	s13 =	simm.s32 $0x9;
	s15 =	simm.s32 $0xA;
	v52 =	vmov s16;
	v31 =	vld.idx.msk [tilespmem:v31+s29+$0x0], $0xffff  }
0x188: {  	v50 =	vmov s13;
	v51 =	vmov s15;
	s13 =	simm.s32 $0xE;
	v54 =	vshrl.u32 v52, $0x3;
	v34 =	vld.idx.msk [tilespmem:v34+s29+$0x0], $0xffff  }
0x189: {  	v62 =	vmov s13;
	s2 =	simm.s32 $0x8;
	v43 =	vadd.s32 $0x6, v27;
	v27 =	vadd.s32 $0x7, v27;
	v37 =	vld.idx.msk [tilespmem:v37+s29+$0x0], $0xffff  }
0x18a: {  	v45 =	vmov s2;
	v43 =	vbroadcast v43, $0x0;
	v27 =	vbroadcast v27, $0x0;
	v39 =	vld.idx.msk [tilespmem:v39+s29+$0x0], $0xffff  }
0x18b: {  	v45 =	vshrl.u32 v45, $0x3;
	v41 =	vld.idx.msk [tilespmem:v41+s29+$0x0], $0xffff;
	v40 =	vmul.f32 v40, v28;
	v28 =	vmul.f32 v38, v28  }
0x18c: {  	s2 =	simm.s32 $0xC;
	v48 =	vshll.u32 v45, v26;
	v30 =	vld [tilespmem:$0x57B0];
	v36 =	vmul.f32 v36, v31;
	v31 =	vmul.f32 v42, v31  }
0x18d: {  	v47 =	vmov s2;
	v29 =	vld [tilespmem:$0x57D0];
	v44 =	vmul.f32 v44, v34;
	v42 =	vbroadcast v48, $0x0  }
0x18e: {  	v47 =	vshrl.u32 v47, $0x3;
	v55 =	vld [tilespmem:$0x57E0];
	v34 =	vmul.f32 v35, v34;
	v38 =	vmul.f32 v63, v37  }
0x18f: {  	v56 =	vld [tilespmem:$0x57F0];
	v33 =	vmul.f32 v33, v37;
	v53 =	vmul.f32 v46, v39;
	v28 =	vadd.f32 $0.0e+00, v28  }
0x190: {  	s15 =	simm.s32 $0xD;
	v58 =	vld [tilespmem:$0x5800];
	v32 =	vmul.f32 v32, v39;
	v35 =	vmul.f32 v49, v41;
	v40 =	vadd.f32 $0.0e+00, v40  }
0x191: {  	v46 =	vld.idx.msk [tilespmem:v27+s29+$0x0], $0xffff;
	v30 =	vmul.f32 v30, v41;
	v49 =	vmov s15;
	v28 =	vadd.f32 v36, v28  }
0x192: {  	v31 =	vadd.f32 v31, v40;
	v40 =	vld.idx.msk [tilespmem:v43+s29+$0x0], $0xffff;
	v36 =	vshrl.u32 v50, $0x3;
	v43 =	vshrl.u32 v51, $0x3  }
0x193: {  	v59 =	vld [tilespmem:$0x5810];
	v27 =	vshll.u32 v36, v26;
	v43 =	vshll.u32 v43, v26;
	v36 =	vshll.u32 v54, v26  }
0x194: {  	v41 =	vld [tilespmem:$0x5830];
	v28 =	vadd.f32 v34, v28;
	v27 =	vadd.s32 $0x1, v27;
	v31 =	vadd.f32 v44, v31  }
0x195: {  	v63 =	vld [tilespmem:$0x5820];
	v60 =	vadd.s32 $0x2, v43;
	v36 =	vadd.s32 $0x3, v36;
	v57 =	vbroadcast v27, $0x0  }
0x196: {  	v34 =	vld [tilespmem:$0x57C0];
	v43 =	vshrl.u32 v49, $0x3;
	v52 =	vmul.f32 v55, v46;
	v28 =	vadd.f32 v33, v28  }
0x197: {  	v51 =	vld [tilespmem:$0x5850];
	v27 =	vshll.u32 v47, v26;
	v61 =	vbroadcast v60, $0x0;
	v31 =	vadd.f32 v38, v31  }
0x198: {  	v55 =	vld [tilespmem:$0x5840];
	v36 =	vbroadcast v36, $0x0;
	v43 =	vshll.u32 v43, v26;
	v28 =	vadd.f32 v32, v28  }
0x199: {  	v39 =	vld.idx.msk [tilespmem:v42+s29+$0x0], $0xffff;
	v27 =	vadd.s32 $0x4, v27;
	v54 =	vadd.s32 $0x5, v43;
	v31 =	vadd.f32 v53, v31  }
0x19a: {  	v60 =	vld [tilespmem:$0x5870];
	v48 =	vbroadcast v27, $0x0;
	v29 =	vmul.f32 v29, v40;
	v30 =	vadd.f32 v30, v28  }
0x19b: {  	v34 =	vmul.f32 v34, v40;
	v28 =	vshrl.u32 v62, $0x3;
	v31 =	vadd.f32 v35, v31;
	v42 =	vld.idx.msk [tilespmem:v57+s29+$0x0], $0xffff  }
0x19c: {  	v38 =	vld [tilespmem:$0x5880];
	v50 =	vshll.u32 v28, v26;
	v29 =	vadd.f32 v29, v30;
	v30 =	vmul.f32 v56, v46  }
0x19d: {  	s16 =	simm.s32 $0xF;
	v27 =	vld [tilespmem:$0x58D0];
	v43 =	vbroadcast v54, $0x0;
	v45 =	vadd.s32 $0x6, v50;
	v31 =	vadd.f32 v34, v31  }
0x19e: {  	v53 =	vld.idx.msk [tilespmem:v61+s29+$0x0], $0xffff;
	v29 =	vadd.f32 v30, v29;
	v30 =	vmul.f32 v59, v39;
	v59 =	vmov s16  }
0x19f: {  	v57 =	vld.idx.msk [tilespmem:v36+s29+$0x0], $0xffff;
	v56 =	vmul.f32 v58, v39;
	v45 =	vbroadcast v45, $0x0;
	v61 =	vshrl.u32 v59, $0x3  }
0x1a0: {  	v28 =	vld.idx.msk [tilespmem:v48+s29+$0x0], $0xffff;
	v31 =	vadd.f32 v52, v31;
	v35 =	vmul.f32 v63, v42;
	v63 =	vshll.u32 v61, v26  }
0x1a1: {  	v58 =	vld [tilespmem:$0x5860];
	v62 =	vmul.f32 v41, v42;
	v41 =	vadd.s32 $0x7, v63  }
0x1a2: {  	v32 =	vld [tilespmem:$0x5890];
	v31 =	vadd.f32 v56, v31;
	v30 =	vadd.f32 v30, v29;
	v36 =	vbroadcast v41, $0x0  }
0x1a3: {  	v34 =	vld [tilespmem:$0x58A0];
	v33 =	vmul.f32 v55, v53  }
0x1a4: {  	v37 =	vmul.f32 v51, v53;
	v35 =	vadd.f32 v35, v31;
	v42 =	vadd.f32 v62, v30;
	v31 =	vld.idx.msk [tilespmem:v43+s29+$0x0], $0xffff  }
0x1a5: {  	v39 =	vmul.f32 v60, v57;
	v30 =	vmul.f32 v38, v28;
	v29 =	vld.idx.msk [tilespmem:v45+s29+$0x0], $0xffff  }
0x1a6: {  	s13 =	simm.s32 $0x1F;
	s2 =	simm.s32 $0x5910;
	s0 =	simm.s32 $0x5910;
	v35 =	vadd.f32 v33, v35;
	v33 =	vld [tilespmem:$0x58B0];
	v38 =	vadd.f32 v37, v42;
	v37 =	vmul.f32 v58, v57  }
.LBB2_10:
0x1a7: {  	p0 =	sne.s32 s13, $0x3EF  }
0x1a8: {  	v36 =	vld.idx.msk [tilespmem:v36+s29+$0x0], $0xffff;
	s2 =	sadd.s32 $0x20, s2;
	s15 =	smov.u32 s13;
	s13 =	sadd.s32 $0x10, s13  }
0x1a9: {  	v38 =	vadd.f32 v39, v38;
	v28 =	vmul.f32 v32, v28;
	v32 =	vld [tilespmem:$0x58C0]  }
0x1aa: {  	v35 =	vadd.f32 v37, v35;
	v37 =	vld [tilespmem:$0x58F0]  }
0x1ab: {  	v28 =	vadd.f32 v28, v38;
	v33 =	vmul.f32 v33, v31;
	v38 =	vld [tilespmem:$0x58E0]  }
0x1ac: {  	v30 =	vadd.f32 v30, v35;
	v31 =	vmul.f32 v34, v31  }
0x1ad: {  	v27 =	vmul.f32 v27, v29;
	v28 =	vadd.f32 v33, v28  }
0x1ae: {  	v30 =	vadd.f32 v31, v30;
	v29 =	vmul.f32 v32, v29  }
0x1af: {  	v27 =	vadd.f32 v27, v28;
	v28 =	vmul.f32 v37, v36  }
0x1b0: {  	v29 =	vadd.f32 v29, v30;
	v30 =	vmul.f32 v38, v36  }
0x1b1: {  	v27 =	vadd.f32 v28, v27  }
0x1b2: {  	s16 =	sadd.s32 $0xFFFFFFF1, s15;
	v28 =	vadd.f32 v30, v29  }
0x1b3: {  	v29 =	vmov s16;
	[tilespmem:s0+$0x0] =	vst v27  }
0x1b4: {  	v27 =	vshrl.u32 v29, $0x3;
	[tilespmem:s0+$0xFFFFFFF0] =	vst v28;
	s0 =	smov.u32 s2  }
0x1b5: {  	v27 =	vshll.u32 v27, v26;
	v28 =	vld [tilespmem:$0x57D0]  }
0x1b6: {  	v29 =	vbroadcast v27, $0x0;
	v30 =	vadd.s32 $0x1, v27;
	v31 =	vadd.s32 $0x2, v27;
	v32 =	vld [tilespmem:$0x57B0]  }
0x1b7: {  	v33 =	vadd.s32 $0x3, v27;
	v30 =	vbroadcast v30, $0x0;
	v31 =	vbroadcast v31, $0x0;
	v34 =	vld [tilespmem:$0x5790]  }
0x1b8: {  	v36 =	vadd.s32 $0x4, v27;
	v37 =	vadd.s32 $0x5, v27;
	v33 =	vbroadcast v33, $0x0;
	v35 =	vld [tilespmem:$0x5770]  }
0x1b9: {  	v39 =	vadd.s32 $0x6, v27;
	v36 =	vbroadcast v36, $0x0;
	v37 =	vbroadcast v37, $0x0;
	v38 =	vld [tilespmem:$0x5750]  }
0x1ba: {  	v27 =	vadd.s32 $0x7, v27;
	v39 =	vbroadcast v39, $0x0;
	v40 =	vld [tilespmem:$0x5730]  }
0x1bb: {  	v27 =	vbroadcast v27, $0x0;
	v41 =	vld [tilespmem:$0x5710]  }
0x1bc: {  	v29 =	vld.idx.msk [tilespmem:v29+s29+$0x0], $0xffff  }
0x1bd: {  	v42 =	vld [tilespmem:$0x5700]  }
0x1be: {  	v30 =	vld.idx.msk [tilespmem:v30+s29+$0x0], $0xffff  }
0x1bf: {  	v43 =	vld [tilespmem:$0x5720]  }
0x1c0: {  	v31 =	vld.idx.msk [tilespmem:v31+s29+$0x0], $0xffff  }
0x1c1: {  	v44 =	vld [tilespmem:$0x5740]  }
0x1c2: {  	s16 =	sadd.s32 $0xFFFFFFF9, s15;
	v42 =	vmul.f32 v42, v29;
	v29 =	vmul.f32 v41, v29;
	v33 =	vld.idx.msk [tilespmem:v33+s29+$0x0], $0xffff  }
0x1c3: {  	v45 =	vmov s16;
	v41 =	vld [tilespmem:$0x5760]  }
0x1c4: {  	s16 =	sadd.s32 $0xFFFFFFFA, s15;
	v45 =	vshrl.u32 v45, $0x3;
	v42 =	vadd.f32 $0.0e+00, v42;
	v29 =	vadd.f32 $0.0e+00, v29;
	v36 =	vld.idx.msk [tilespmem:v36+s29+$0x0], $0xffff  }
0x1c5: {  	v45 =	vshll.u32 v45, v26;
	v43 =	vmul.f32 v43, v30;
	v30 =	vmul.f32 v40, v30;
	v40 =	vld [tilespmem:$0x5780]  }
0x1c6: {  	v46 =	vmov s16;
	v45 =	vbroadcast v45, $0x0;
	v44 =	vmul.f32 v44, v31;
	v37 =	vld.idx.msk [tilespmem:v37+s29+$0x0], $0xffff  }
0x1c7: {  	s16 =	sadd.s32 $0xFFFFFFFB, s15;
	v42 =	vadd.f32 v43, v42;
	v29 =	vadd.f32 v30, v29;
	v30 =	vmul.f32 v38, v31;
	v31 =	vld [tilespmem:$0x57A0]  }
0x1c8: {  	v43 =	vmov s16;
	s16 =	sadd.s32 $0xFFFFFFFC, s15;
	v38 =	vmul.f32 v41, v33;
	v39 =	vld.idx.msk [tilespmem:v39+s29+$0x0], $0xffff;
	v41 =	vshrl.u32 v46, $0x3  }
0x1c9: {  	v29 =	vadd.f32 v30, v29;
	v30 =	vmul.f32 v35, v33;
	v35 =	vmov s16;
	v33 =	vld [tilespmem:$0x57C0]  }
0x1ca: {  	v35 =	vshrl.u32 v35, $0x3;
	v40 =	vmul.f32 v40, v36;
	v46 =	vld.idx.msk [tilespmem:v27+s29+$0x0], $0xffff;
	v27 =	vshll.u32 v41, v26  }
0x1cb: {  	v29 =	vadd.f32 v30, v29;
	v30 =	vmul.f32 v34, v36;
	v36 =	vshrl.u32 v43, $0x3;
	v34 =	vld [tilespmem:$0x57E0]  }
0x1cc: {  	v35 =	vshll.u32 v35, v26;
	v27 =	vadd.s32 $0x1, v27;
	v31 =	vmul.f32 v31, v37;
	v41 =	vld [tilespmem:$0x57F0]  }
0x1cd: {  	v42 =	vadd.f32 v44, v42;
	s16 =	sadd.s32 $0xFFFFFFFD, s15;
	v29 =	vadd.f32 v30, v29;
	v30 =	vmul.f32 v32, v37;
	v32 =	vld.idx.msk [tilespmem:v45+s29+$0x0], $0xffff  }
0x1ce: {  	v43 =	vmov s16;
	v36 =	vshll.u32 v36, v26;
	v33 =	vmul.f32 v33, v39;
	v37 =	vld [tilespmem:$0x5800]  }
0x1cf: {  	v28 =	vmul.f32 v28, v39;
	v29 =	vadd.f32 v30, v29;
	v39 =	vshrl.u32 v43, $0x3;
	v30 =	vld [tilespmem:$0x5810]  }
0x1d0: {  	v43 =	vbroadcast v27, $0x0;
	v39 =	vshll.u32 v39, v26;
	v34 =	vmul.f32 v34, v46;
	v27 =	vld [tilespmem:$0x58D0]  }
0x1d1: {  	v28 =	vadd.f32 v28, v29;
	v39 =	vadd.s32 $0x4, v39;
	v29 =	vmul.f32 v41, v46  }
0x1d2: {  	v38 =	vadd.f32 v38, v42;
	v36 =	vadd.s32 $0x2, v36;
	v39 =	vbroadcast v39, $0x0  }
0x1d3: {  	v35 =	vadd.s32 $0x3, v35;
	v28 =	vadd.f32 v29, v28;
	v29 =	vmul.f32 v37, v32  }
0x1d4: {  	s16 =	sadd.s32 $0xFFFFFFFF, s15;
	v37 =	vadd.f32 v40, v38;
	v30 =	vmul.f32 v30, v32;
	v32 =	vbroadcast v36, $0x0;
	v36 =	vld [tilespmem:$0x5880]  }
0x1d5: {  	v35 =	vbroadcast v35, $0x0;
	v40 =	vmov s16;
	v38 =	vld [tilespmem:$0x5830]  }
0x1d6: {  	s16 =	sadd.s32 $0xFFFFFFFE, s15;
	v31 =	vadd.f32 v31, v37;
	v30 =	vadd.f32 v30, v28;
	v37 =	vld.idx.msk [tilespmem:v43+s29+$0x0], $0xffff;
	v28 =	vshrl.u32 v40, $0x3  }
0x1d7: {  	v41 =	vmov s16;
	v40 =	vld [tilespmem:$0x5820];
	v42 =	vshll.u32 v28, v26  }
0x1d8: {  	v31 =	vadd.f32 v33, v31;
	v33 =	vshrl.u32 v41, $0x3;
	v28 =	vld.idx.msk [tilespmem:v39+s29+$0x0], $0xffff;
	v39 =	vadd.s32 $0x6, v42  }
0x1d9: {  	v33 =	vshll.u32 v33, v26;
	v41 =	vld [tilespmem:$0x5850];
	v39 =	vbroadcast v39, $0x0  }
0x1da: {  	v31 =	vadd.f32 v34, v31;
	v33 =	vadd.s32 $0x5, v33;
	v34 =	vmov s15;
	v32 =	vld.idx.msk [tilespmem:v32+s29+$0x0], $0xffff  }
0x1db: {  	v33 =	vbroadcast v33, $0x0;
	v34 =	vshrl.u32 v34, $0x3;
	v42 =	vld [tilespmem:$0x5840]  }
0x1dc: {  	v34 =	vshll.u32 v34, v26;
	v40 =	vmul.f32 v40, v37;
	v37 =	vmul.f32 v38, v37;
	v43 =	vld.idx.msk [tilespmem:v35+s29+$0x0], $0xffff  }
0x1dd: {  	v31 =	vadd.f32 v29, v31;
	v29 =	vadd.s32 $0x7, v34;
	v44 =	vld [tilespmem:$0x5860]  }
0x1de: {  	v34 =	vadd.f32 v37, v30;
	v45 =	vld [tilespmem:$0x5870];
	v30 =	vmul.f32 v36, v28;
	v36 =	vbroadcast v29, $0x0  }
.Ltmp4:
0x1df: {  	v29 =	vld.idx.msk [tilespmem:v39+s29+$0x0], $0xffff;
	(pc) =	sbr.rel @p0 .LBB2_10-.Ltmp4, $4  }
0x1e0: {  	v35 =	vadd.f32 v40, v31;
	v38 =	vmul.f32 v41, v32;
	v37 =	vmul.f32 v42, v32;
	v32 =	vld [tilespmem:$0x5890]  }
0x1e1: {  	v31 =	vld.idx.msk [tilespmem:v33+s29+$0x0], $0xffff  }
0x1e2: {  	v38 =	vadd.f32 v38, v34;
	v35 =	vadd.f32 v37, v35;
	v37 =	vmul.f32 v44, v43;
	v33 =	vld [tilespmem:$0x58B0]  }
0x1e3: {  	v39 =	vmul.f32 v45, v43;
	v34 =	vld [tilespmem:$0x58A0]  }
0x1e4: {  	_ =	sdelay $0x3  }
0x1e5: {  	v36 =	vld.idx.msk [tilespmem:v36+s29+$0x0], $0xffff  }
0x1e6: {  	v56 =	vld [tilespmem:$0x58C0];
	v38 =	vadd.f32 v39, v38;
	v28 =	vmul.f32 v32, v28  }
0x1e7: {  	v35 =	vadd.f32 v37, v35;
	v57 =	vld [tilespmem:$0x58F0]  }
0x1e8: {  	v58 =	vld [tilespmem:$0x58E0];
	v28 =	vadd.f32 v28, v38;
	v33 =	vmul.f32 v33, v31  }
0x1e9: {  	v30 =	vadd.f32 v30, v35;
	v59 =	vmul.f32 v34, v31  }
0x1ea: {  	v27 =	vmul.f32 v27, v29;
	v28 =	vadd.f32 v33, v28  }
0x1eb: {  	v60 =	vmul.f32 v56, v29;
	v30 =	vadd.f32 v59, v30  }
0x1ec: {  	v61 =	vmul.f32 v57, v36;
	v27 =	vadd.f32 v27, v28  }
0x1ed: {  	v62 =	vmul.f32 v58, v36;
	v29 =	vadd.f32 v60, v30  }
0x1ee: {  	v27 =	vadd.f32 v61, v27  }
0x1ef: {  	s1 =	sadd.s32 $0x1, s1;
	v63 =	vadd.f32 v62, v29  }
0x1f0: {  	p0 =	sne.s32 s1, s7;
	[tilespmem:s0+$0x0] =	vst v27  }
.Ltmp5:
0x1f1: {  	[tilespmem:s0+$0xFFFFFFF0] =	vst v63;
	(pc) =	sbr.rel @p0 .LBB2_1-.Ltmp5, $4  }
0x1f2: {  	[hbm4b:s6+s3] =	stream.linear.scatter [tilespmem:s31], [sflag:$0x2], $0x7E0, $0x38;
	[tilespmem:$0x60E0] =	vst v63  }
0x1f3: {  	_ =	swait.ge [sflag:s8], $0x7E0  }
0x1f4: {  	[sflag:s8] =	ssyncset.done $0x0  }
0x1f5: {  	[sflag:s8] =	ssyncadd.s32 $0xFFFFF820  }
0x1f6: {  	_ =	sfence.sel $0x180000  }
0x1f7: {  	[bflag:$0x0] =	sbarrier.arrive $0xFFFF  }
0x1f8: {  	_ =	strace $0x9000004A  }
0x1f9: {  	s0 =	stileid.u32;
	[bflag:$0x2] =	sbarrier.arrive $0xFFFF  }
0x1fa: {  	p0 =	sne.s32 s0, $0x0;
	s0 =	rddreg [dreg:$0x2]  }
0x1fb: {  	s0 =	sadd.s32 @!p0 $0x100000, s0  }
0x1fc: {  	[sflag:s0] =	ssyncadd.tile.s32 @!p0 $0x1;
	_ =	shalt  }
.Lfunc_end2:
_tile_overlayer_lowered:
.L_overlay_start_2:
0x1fd: {  	(tag) =	ssettag $0x2  }
0x1fe: {  	s0 =	rddreg [dreg:$0x0];
	s2 =	stileid.u32  }
0x1ff: {  	s1 =	rddreg [dreg:$0x1];
	p0 =	sne.s32 s2, $0x0  }
0x200: {  	s3 =	rddreg [dreg:$0x2];
	[bflag:$0x3] =	sbarrier.arrive $0xFFFF;
	s2 =	simm.s32 @!p0 $0x1C02  }
0x201: {  	[timem:s3], [sflag:s2] =	dma.local @!p0 [hbm:s0], s1  }
0x202: {  	s0 =	simm.s32 @!p0 $0x2  }
0x203: {  	_ =	swait.ge @!p0 [sflag:s0], s1  }
0x204: {  	s1 =	ssub.s32 @!p0 $0x0, s1;
	[sflag:s0] =	ssyncset.done @!p0 $0x0  }
0x205: {  	[sflag:s0] =	ssyncadd.s32 @!p0 s1  }
0x206: {  	[bflag:$0x3] =	sbarrier.arrive $0xFFFF  }
0x207: {  	_ =	shalt  }

// kernel: kernel.14.cloned.1.call-start
scs
__scs_entry_jumppad:
0x0: {  	(pc) =	sbr.rel $0x88, $3  }
0x1: {  	(tag) =	ssettag $0x0;
	lr =	simm.s32 $0x1  }
0x2: {  	[smem:$0x3F97] =	sst lr;
	_ =	strace $0xD0000000  }
0x3: {  	_ = 	snop  }
0x4: {  	_ = 	snop  }
0x5: {  	_ = 	snop  }
0x6: {  	_ = 	snop  }
0x7: {  	_ = 	snop  }
__scs_overlays_trampoline_lowered:
0x8: {  	[smem:$0x3FA6] =	sst s0  }
0x9: {  	[smem:$0x3FA7] =	sst s1  }
0xa: {  	[smem:$0x3FA8] =	sst s2  }
0xb: {  	[smem:$0x3FA9] =	sst s3  }
0xc: {  	[smem:$0x3FAA] =	sst s4  }
0xd: {  	[smem:$0x3FAB] =	sst s5  }
0xe: {  	[smem:$0x3FAC] =	sst s6  }
0xf: {  	[smem:$0x3FAD] =	sst s7  }
0x10: {  	[smem:$0x3FAE] =	sst s8  }
0x11: {  	[smem:$0x3FAF] =	sst s9;
	s0 =	simm.s32 @!p0 $0x0  }
0x12: {  	s1 =	sld [smem:$0x3F95];
	s0 =	simm.s32 @p0 $0x1  }
0x13: {  	[smem:$0x3FB0] =	sst s0;
	s0 =	simm.s32 @!p1 $0x0  }
0x14: {  	s2 =	sld [smem:$0x3F94];
	s0 =	simm.s32 @p1 $0x1  }
0x15: {  	[smem:$0x3FB1] =	sst s0;
	s0 =	simm.s32 @!p2 $0x0  }
0x16: {  	s3 =	sld [smem:$0x3FDB];
	s0 =	simm.s32 @p2 $0x1  }
0x17: {  	s4 =	simm.s32 $0x1BF5;
	[smem:$0x3FB3] =	sst s0  }
0x18: {  	s0 =	sld [smem:$0x3F96];
	_ =	swait.ge [sflag:s4], $0x0  }
0x19: {  	s7 =	sld [smem:$0x3F97]  }
0x1a: {  	s8 =	sadd.s32 $0xFFFFE003, lr  }
0x1b: {  	s9 =	sadd.s32 $0xFFFFFEF7, lr;
	s5 =	simm.s32 $0xFFFFFFFF;
	p2 =	slt.u32 s8, $0xFFFFF086  }
0x1c: {  	p1 =	slt.u32 s9, $0xF7A;
	s5 =	simm.s32 @!p2 $0x0  }
0x1d: {  	s5 =	simm.s32 @p1 $0x1;
	p0 =	seq.s32 s7, s2  }
0x1e: {  	s7 =	smul.u32 @!p0 $0xF7A, s2;
	p2 =	seq.s32 @!p0 s5, $0x0  }
0x1f: {  	s9 =	smul.u32 $0xF7A, s1;
	s8 =	simm.s32 @!p0 $0x1BF5;
	p2 =	por !p2, p0  }
0x20: {  	[sflag:s8] =	ssyncset.s32 @!p0 $0xFFFFF086;
	s6 =	sadd.s32 @!p0 s3, s7;
	s7 =	simm.s32 @!p0 $0x108  }
0x21: {  	s3 =	sadd.s32 s3, s9;
	s6 =	sadd.s32 @!p0 $0x88, s6;
	s7 =	simm.s32 @p2 $0x1082  }
0x22: {  	[simem:s7], [sflag:s8] =	dma.local @!p0 [hbm:s6], $0xF7A  }
0x23: {  	s9 =	sor.u32 $0xD0000000, s2;
	s6 =	simm.s32 $0x108;
	_ =	swait.ge @!p0 [sflag:s8], $0x0  }
0x24: {  	s3 =	sadd.s32 $0x88, s3;
	s6 =	simm.s32 @!p1 $0x1082;
	[sflag:s4] =	ssyncset.s32 $0xFFFFF086  }
0x25: {  	[simem:s6], [sflag:s4] =	dma.local [hbm:s3], $0xF7A  }
0x26: {  	[smem:$0x3F97] =	sst s1;
	(tag) =	ssettag s2;
	_ =	strace s9  }
0x27: {  	s1 =	sld [smem:$0x3FA7]  }
0x28: {  	s2 =	sld [smem:$0x3FA8]  }
0x29: {  	s4 =	sld [smem:$0x3FAA]  }
0x2a: {  	p0 =	seq.s32 s5, $0x0;
	s5 =	sld [smem:$0x3FAB]  }
0x2b: {  	s6 =	sld [smem:$0x3FAC]  }
0x2c: {  	s7 =	sld [smem:$0x3FAD]  }
0x2d: {  	s3 =	simm.s32 $0x108;
	s8 =	sld [smem:$0x3FAE]  }
0x2e: {  	s3 =	simm.s32 @!p0 $0x1082;
	s9 =	sld [smem:$0x3FAF]  }
0x2f: {  	lr =	sadd.s32 s0, s3;
	s0 =	sld [smem:$0x3FA6]  }
0x30: {  	s3 =	sld [smem:$0x3FA9]  }
0x31: {  	[smem:$0x3FB2] =	sst s10  }
0x32: {  	s10 =	sld [smem:$0x3FB0];
	_ =	sdelay $0x3  }
0x33: {  	p0 =	seq.s32 s10, $0x1;
	s10 =	sld [smem:$0x3FB2];
	_ =	sdelay $0x3  }
0x34: {  	[smem:$0x3FB2] =	sst s10  }
0x35: {  	s10 =	sld [smem:$0x3FB1];
	_ =	sdelay $0x3  }
0x36: {  	p1 =	seq.s32 s10, $0x1;
	s10 =	sld [smem:$0x3FB2];
	_ =	sdelay $0x3  }
0x37: {  	[smem:$0x3FB2] =	sst s10  }
0x38: {  	s10 =	sld [smem:$0x3FB3]  }
0x39: {  	_ = 	snop;
	(pc) =	sbr.ind lr, $3  }
0x3a: {  	_ = 	snop  }
0x3b: {  	_ = 	snop  }
0x3c: {  	p2 =	seq.s32 s10, $0x1;
	s10 =	sld [smem:$0x3FB2]  }
0x3d: {  	_ =	shalt  }
0x3e: {  	_ =	shalt  }
0x3f: {  	_ =	shalt  }
0x40: {  	_ =	shalt  }
0x41: {  	_ =	shalt  }
0x42: {  	_ =	shalt  }
0x43: {  	_ =	shalt  }
0x44: {  	_ =	shalt  }
0x45: {  	_ =	shalt  }
0x46: {  	_ =	shalt  }
0x47: {  	_ =	shalt  }
0x48: {  	_ =	shalt  }
0x49: {  	_ =	shalt  }
0x4a: {  	_ =	shalt  }
0x4b: {  	_ =	shalt  }
0x4c: {  	_ =	shalt  }
0x4d: {  	_ =	shalt  }
0x4e: {  	_ =	shalt  }
0x4f: {  	_ =	shalt  }
0x50: {  	_ =	shalt  }
0x51: {  	_ =	shalt  }
0x52: {  	_ =	shalt  }
0x53: {  	_ =	shalt  }
0x54: {  	_ =	shalt  }
0x55: {  	_ =	shalt  }
0x56: {  	_ =	shalt  }
0x57: {  	_ =	shalt  }
0x58: {  	_ =	shalt  }
0x59: {  	_ =	shalt  }
0x5a: {  	_ =	shalt  }
0x5b: {  	_ =	shalt  }
0x5c: {  	_ =	shalt  }
0x5d: {  	_ =	shalt  }
0x5e: {  	_ =	shalt  }
0x5f: {  	_ =	shalt  }
0x60: {  	_ =	shalt  }
0x61: {  	_ =	shalt  }
0x62: {  	_ =	shalt  }
0x63: {  	_ =	shalt  }
0x64: {  	_ =	shalt  }
0x65: {  	_ =	shalt  }
0x66: {  	_ =	shalt  }
0x67: {  	_ =	shalt  }
0x68: {  	_ =	shalt  }
0x69: {  	_ =	shalt  }
0x6a: {  	_ =	shalt  }
0x6b: {  	_ =	shalt  }
0x6c: {  	_ =	shalt  }
0x6d: {  	_ =	shalt  }
0x6e: {  	_ =	shalt  }
0x6f: {  	_ =	shalt  }
0x70: {  	_ =	shalt  }
0x71: {  	_ =	shalt  }
0x72: {  	_ =	shalt  }
0x73: {  	_ =	shalt  }
0x74: {  	_ =	shalt  }
0x75: {  	_ =	shalt  }
0x76: {  	_ =	shalt  }
0x77: {  	_ =	shalt  }
0x78: {  	_ =	shalt  }
0x79: {  	_ =	shalt  }
0x7a: {  	_ =	shalt  }
0x7b: {  	_ =	shalt  }
0x7c: {  	_ =	shalt  }
0x7d: {  	_ =	shalt  }
0x7e: {  	_ =	shalt  }
0x7f: {  	_ =	shalt  }
0x80: {  	_ =	shalt  }
0x81: {  	_ =	shalt  }
0x82: {  	_ =	shalt  }
0x83: {  	_ =	shalt  }
0x84: {  	_ =	shalt  }
0x85: {  	_ =	shalt  }
0x86: {  	_ =	shalt  }
0x87: {  	_ =	shalt  }
.Lfunc_end0:
.L_simem_size_0:
called_computation.2_lowered:
.L_overlay_start_0:
0x88: {  	s2 =	sld [smem:$0x3FD9]  }
0x89: {  	s3 =	sld [smem:$0x3FFE];
	_ =	sdelay $0x1  }
0x8a: {  	s1 =	srdreg.scid  }
0x8b: {  	s0 =	sand.u32 $0x1, s1  }
0x8c: {  	s16 =	sshll.u32 s0, $0xA;
	s2 =	sadd.s32 s3, s2  }
0x8d: {  	s2 =	sadd.s32 s2, s16  }
0x8e: {  	[smem:$0x3FBE] =	sst s2  }
0x8f: {  	_ = 	snop  }
0x90: {  	(tm) =	ssettm $0x1  }
0x91: {  	s17 =	sld [smem:$0x3FFB];
	_ =	sdelay $0x3  }
0x92: {  	_ =	strace s17  }
0x93: {  	s2 =	sld [smem:$0x3FFC];
	_ =	sdelay $0x3  }
0x94: {  	_ =	strace s2  }
0x95: {  	s2 =	sld [smem:$0x3FFD];
	_ =	sdelay $0x3  }
0x96: {  	_ =	strace s2  }
0x97: {  	_ =	strace $0x8FFFFFFF  }
0x98: {  	s18 =	sld [smem:$0x3FDB];
	_ =	sdelay $0x1  }
0x99: {  	s19 =	simm.s32 $_scs_section_size  }
0x9a: {  	s4 =	simm.s32 $_size__tile_overlayer_lowered;
	s5 =	simm.s32 $_tile_overlayer_lowered  }
0x9b: {  	s22 =	simm.s32 $0x1BFF;
	s21 =	sshll.u32 s5, $0x1;
	s2 =	sadd.s32 s19, s18  }
0x9c: {  	s6 =	simm.s32 $0x0;
	s20 =	sshll.u32 s4, $0x1;
	s4 =	sadd.s32 s21, s2  }
0x9d: {  	[timem:s6], [sflag:s22] =	dma.local [hbm:s4], s20  }
0x9e: {  	_ =	swait.ge [sflag:s22], s20  }
0x9f: {  	s3 =	ssub.s32 $0x0, s20;
	[sflag:s22] =	ssyncset.done $0x0  }
0xa0: {  	[sflag:s22] =	ssyncadd.s32 s3;
	_ =	sdelay $0x1  }
0xa1: {  	s23 =	simm.s32 $0x1B8B  }
0xa2: {  	_ =	swait.ge [sflag:s23], $0x1  }
0xa3: {  	[sflag:s23] =	ssyncset.done $0x0  }
0xa4: {  	s25 =	simm.s32 $0x1B8E;
	s24 =	sld [smem:$0x3FFE];
	[sflag:s23] =	ssyncadd.s32 $0xFFFFFFFF  }
0xa5: {  	s26 =	simm.s32 $execute0_lowered;
	[smem:$0x3FD2] =	sst s25  }
0xa6: {  	s4 =	sshll.u32 s26, $0x1;
	_ =	strace $0x8000004C;
	[dreg:$0x1] =	wrdreg $0xFFFFFFFF  }
0xa7: {  	s28 =	simm.s32 $_size_execute0_lowered;
	s2 =	sadd.s32 s2, s4;
	[dreg:$0x0] =	wrdreg $0x0  }
0xa8: {  	s4 =	sshll.u32 s28, $0x1;
	[dreg:$0x2] =	wrdreg s2  }
0xa9: {  	[dreg:$0x3] =	wrdreg s4  }
0xaa: {  	[dreg:$0x4] =	wrdreg $0xC0  }
0xab: {  	_ =	task [dreg:s6], $0x5FFFF  }
0xac: {  	[dreg:$0x1] =	wrdreg $0xFFFFFFFF  }
0xad: {  	[dreg:$0x0] =	wrdreg $0x60  }
0xae: {  	[dreg:$0x2] =	wrdreg s24  }
0xaf: {  	[dreg:$0x3] =	wrdreg $0xF6000  }
0xb0: {  	[dreg:$0x4] =	wrdreg $0x106000  }
0xb1: {  	[dreg:$0x5] =	wrdreg $0x9  }
0xb2: {  	_ =	task.clear_ibuf [dreg:s6], $0x6FFFF;
	_ =	strace $0x9000004C  }
0xb3: {  	s29 =	simm.s32 $0x9;
	_ =	strace $0x8000004E  }
0xb4: {  	_ =	swait.ge [sflag:s29], $0x1  }
0xb5: {  	[sflag:s29] =	ssyncadd.s32 $0xFFFFFFFF  }
0xb6: {  	_ =	strace $0x9000004E  }
0xb7: {  	_ =	sfence  }
0xb8: {  	s30 =	sld [smem:$0x0];
	_ =	sdelay $0x2  }
0xb9: {  	s31 =	sshll.u32 s1, $0xD;
	s1 =	sshrl.u32 s1, $0x2  }
0xba: {  	s3 =	sand.u32 $0x4000, s31;
	s1 =	sadd.s32 s1, s30  }
0xbb: {  	s0 =	sor.u32 s3, s0;
	s1 =	sshll.u32 s1, $0x11  }
0xbc: {  	s0 =	sor.u32 s1, s0  }
0xbd: {  	s0 =	sadd.s32 $0x8F2B, s0  }
0xbe: {  	[sflag:s0] =	ssyncadd.remote.s32 $0x1  }
0xbf: {  	_ =	sfence.sel $0xFFFF  }
0xc0: {  	[dreg:$0x0] =	wrdreg $0xFFFFFFFF;
	(pc) =	sbr.abs _section_cstart, $3  }
0xc1: {  	[dreg:$0x1] =	wrdreg $0xFFFFFFFF  }
0xc2: {  	_ =	task.clear_ibuf [dreg:s6], $0x2FFFF;
	_ =	strace $0x9FFFFFFF  }
0xc3: {  	(tm) =	ssettm $0x7FFFFFFF  }
tec
execute0_lowered:
.L_overlay_start_1:
0x0: {  	(tag) =	ssettag $0x1  }
0x1: {  	s0 =	rddreg [dreg:$0x0]  }
0x2: {  	s2 =	rddreg [dreg:$0x1]  }
0x3: {  	s3 =	rddreg [dreg:$0x2];
	s1 =	srdreg.scid  }
0x4: {  	s13 =	stileid.u32;
	s4 =	simm.s32 $0x0;
	s14 =	simm.s32 $0x5  }
0x5: {  	s16 =	simm.s32 $0x4F80;
	s17 =	simm.s32 $0x80;
	s18 =	simm.s32 $0x7700  }
0x6: {  	s19 =	simm.s32 $0xC600;
	s20 =	simm.s32 $0x1;
	s21 =	simm.s32 $0x7780  }
0x7: {  	s22 =	simm.s32 $0xD600;
	s23 =	simm.s32 $0x9E80;
	s28 =	simm.s32 $0x9E00  }
0x8: {  	s29 =	simm.s32 $0xC500;
	s30 =	simm.s32 $0xC580;
	s31 =	simm.s32 $0x0  }
0x9: {  	s1 =	sand.u32 $0x1, s1;
	s8 =	smul.u32 $0xFC0, s13;
	[smem:$0x7FF] =	sst s4  }
0xa: {  	s25 =	sshll.u32 s13, $0x9;
	s26 =	sshll.u32 s13, $0xC;
	s5 =	sshll.u32 s1, $0x4  }
0xb: {  	_ =	strace $0x8000004D;
	s24 =	ssub.s32 $0x2, s1;
	s1 =	sshll.u32 s1, $0xD  }
0xc: {  	s5 =	sor.u32 s13, s5;
	s6 =	sshrl.u32 s8, $0x3;
	s11 =	sshrl.u32 s24, $0x1  }
0xd: {  	s8 =	sadd.s32 s8, s3;
	s13 =	simm.s32 $0xE600;
	s7 =	smul.u32 $0x4F0, s5  }
0xe: {  	s9 =	sadd.s32 s6, s0;
	s5 =	sadd.s32 $0x3600, s0;
	s12 =	ssub.s32 s24, s11  }
0xf: {  	s6 =	sadd.s32 s26, s2;
	s24 =	simm.s32 $0x2;
	s26 =	simm.s32 $0x4  }
0x10: {  	s12 =	smax.u32 s12, $0x1;
	s10 =	sadd.s32 s7, s0;
	s0 =	sadd.s32 s25, s0  }
0x11: {  	s7 =	sadd.s32 $0x1600, s9;
	s25 =	simm.s32 $0x3;
	s0 =	sadd.s32 s1, s0  }
0x12: {  	v0 =	vimm.f32 $0.0e+00;
	s9 =	sadd.s32 $0x6600, s10;
	s10 =	sadd.s32 $0x10400, s10;
	s11 =	sadd.s32 $0x1A200, s0  }
.LBB2_1:
0x13: {  	s0 =	simm.s32 $0x80;
	s1 =	simm.s32 $0x0  }
.LBB2_2:
0x14: {  	p0 =	sne.s32 s0, $0x3F80;
	[tilespmem:s1+$0xE600] =	vst v0;
	s15 =	smov.u32 s0;
	s0 =	sadd.s32 $0x80, s0  }
.Ltmp0:
0x15: {  	[tilespmem:s1+$0xE610] =	vst v0;
	(pc) =	sbr.rel @p0 .LBB2_2-.Ltmp0, $2  }
0x16: {  	_ =	sdelay $0x2  }
0x17: {  	s1 =	sshra.s32 s15, $0x2  }
0x18: {  	[tilespmem:s1+$0xE600] =	vst v0  }
0x19: {  	[tilespmem:s1+$0xE610] =	vst v0  }
0x1a: {  	[spmem:s6] =	stream.linear.scatter [tilespmem:s13], [sflag:$0x5], $0x1000, $0x38;
	[tilespmem:$0x115C0] =	vst v63  }
0x1b: {  	_ =	swait.ge [sflag:s14], $0x1000  }
0x1c: {  	[sflag:s14] =	ssyncset.done $0x0  }
0x1d: {  	s0 =	simm.s32 $0x0;
	[sflag:s14] =	ssyncadd.s32 $0xFFFFF000  }
0x1e: {  	[tilespmem:s13], [sflag:$0x5] =	stream.linear.gather [hbm4b:s7+s0], $0xFC0, $0x38;
	[tilespmem:$0x115C0] =	vst v63  }
0x1f: {  	_ =	swait.ge [sflag:s14], $0xFC0  }
0x20: {  	[sflag:s14] =	ssyncset.done $0x0  }
0x21: {  	[sflag:s14] =	ssyncadd.s32 $0xFFFFF040  }
0x22: {  	[spmem:s8] =	stream.linear.scatter [tilespmem:s13], [sflag:$0x5], $0xFC0, $0x38;
	[tilespmem:$0x115C0] =	vst v63  }
0x23: {  	_ =	swait.ge [sflag:s14], $0xFC0  }
0x24: {  	[sflag:s14] =	ssyncset.done $0x0  }
0x25: {  	[sflag:s14] =	ssyncadd.s32 $0xFFFFF040  }
0x26: {  	[tilespmem:s0], [sflag:$0x5] =	stream.linear.gather [hbm4b:s5+s0], $0x2800, $0x38;
	[tilespmem:$0x115C0] =	vst v63  }
0x27: {  	_ =	swait.ge [sflag:s14], $0x2800  }
0x28: {  	[sflag:s14] =	ssyncset.done $0x0  }
0x29: {  	s15 =	simm.s32 $0x2800;
	[sflag:s14] =	ssyncadd.s32 $0xFFFFD800  }
0x2a: {  	[tilespmem:s15], [sflag:$0x5] =	stream.linear.gather [hbm4b:s9+s0], $0x2780, $0x38;
	[tilespmem:$0x115C0] =	vst v63  }
0x2b: {  	_ =	swait.ge [sflag:s14], $0x2780  }
0x2c: {  	[sflag:s14] =	ssyncset.done $0x0  }
0x2d: {  	[sflag:s14] =	ssyncadd.s32 $0xFFFFD880  }
0x2e: {  	[tilespmem:s16], [sflag:$0x5] =	stream.linear.gather [hbm4b:s10+s0], $0x2780, $0x38;
	[tilespmem:$0x115C0] =	vst v63  }
0x2f: {  	_ =	swait.ge [sflag:s14], $0x2780  }
0x30: {  	[sflag:s14] =	ssyncset.done $0x0  }
0x31: {  	s0 =	simm.s32 $0x0;
	[sflag:s14] =	ssyncadd.s32 $0xFFFFD880  }
0x32: {  	v2 =	vld [tilespmem:s0+$0x2800];
	_ =	sdelay $0x5  }
0x33: {  	v1 =	vld [tilespmem:s0+$0x4F80];
	_ =	sdelay $0x1  }
0x34: {  	v2 =	vld.idx.msk [tilespmem:v2+s4+$0x0], $0xffff;
	_ =	sdelay $0x3  }
0x35: {  	s1 =	simm.s32 $0x10;
	s15 =	simm.s32 $0x80  }
.LBB2_4:
0x36: {  	p0 =	sne.s32 s15, $0x9DC0;
	v3 =	vld [tilespmem:s1+$0x2800];
	[tilespmem:s0+$0x7700] =	vst v2  }
0x37: {  	v2 =	vld.idx.msk [tilespmem:v1+s4+$0x0], $0xffff;
	_ =	sdelay $0x5  }
0x38: {  	v1 =	vld [tilespmem:s1+$0x4F80];
	[tilespmem:s0+$0x9E80] =	vst v2;
	s0 =	smov.u32 s1  }
0x39: {  	v2 =	vld.idx.msk [tilespmem:v3+s4+$0x0], $0xffff  }
.Ltmp1:
0x3a: {  	(pc) =	sbr.rel @p0 .LBB2_4-.Ltmp1, $2  }
0x3b: {  	_ =	sdelay $0x2  }
0x3c: {  	s1 =	sshra.s32 s15, $0x2;
	s15 =	sadd.s32 $0x40, s15  }
0x3d: {  	_ =	sdelay $0x1  }
0x3e: {  	v3 =	vld [tilespmem:s1+$0x2800]  }
0x3f: {  	[tilespmem:s0+$0x7700] =	vst v2  }
0x40: {  	v1 =	vld.idx.msk [tilespmem:v1+s4+$0x0], $0xffff;
	_ =	sdelay $0x3  }
0x41: {  	v2 =	vld [tilespmem:s1+$0x4F80]  }
0x42: {  	[tilespmem:s0+$0x9E80] =	vst v1  }
0x43: {  	v1 =	vld.idx.msk [tilespmem:v3+s4+$0x0], $0xffff;
	_ =	sdelay $0x4  }
0x44: {  	[tilespmem:s1+$0x7700] =	vst v1  }
0x45: {  	v1 =	vld.idx.msk [tilespmem:v2+s4+$0x0], $0xffff;
	_ =	sdelay $0x4  }
0x46: {  	[tilespmem:s1+$0x9E80] =	vst v1  }
0x47: {  	[bflag:$0x0] =	sbarrier.arrive $0xFFFF  }
0x48: {  	[tilespmem:s19], [sflag:$0x1] =	stream.indirect.gather [spmem:s3], $0x20, s18, s17, $0xb8;
	[tilespmem:$0x115C0] =	vst v63  }
0x49: {  	_ =	swait.ge [sflag:s20], $0x1000  }
0x4a: {  	[sflag:s20] =	ssyncset.done $0x0  }
0x4b: {  	[sflag:s20] =	ssyncadd.s32 $0xFFFFF000  }
0x4c: {  	[tilespmem:s22], [sflag:$0x2] =	stream.indirect.gather [spmem:s3], $0x20, s21, s17, $0xb8;
	[tilespmem:$0x115C0] =	vst v63  }
0x4d: {  	_ = 	snop  }
0x4e: {  	[spmem:s2] =	stream.indirect.scatter.add.f32 [tilespmem:s19], [sflag:$0x3], $0x20, s23, s17, $0xb8;
	[tilespmem:$0x115C0] =	vst v63  }
0x4f: {  	_ =	swait.ge [sflag:s24], $0x1000  }
0x50: {  	[sflag:s24] =	ssyncset.done $0x0  }
0x51: {  	[sflag:s24] =	ssyncadd.s32 $0xFFFFF000  }
0x52: {  	_ =	swait.ge [sflag:s25], $0x1000  }
0x53: {  	[sflag:s25] =	ssyncset.done $0x0  }
0x54: {  	s15 =	simm.s32 $0x7800;
	[sflag:s25] =	ssyncadd.s32 $0xFFFFF000  }
0x55: {  	[tilespmem:s19], [sflag:$0x1] =	stream.indirect.gather [spmem:s3], $0x20, s15, s17, $0xb8;
	[tilespmem:$0x115C0] =	vst v63  }
0x56: {  	s1 =	simm.s32 $0x9F00  }
0x57: {  	[spmem:s2] =	stream.indirect.scatter.add.f32 [tilespmem:s22], [sflag:$0x4], $0x20, s1, s17, $0xb8;
	[tilespmem:$0x115C0] =	vst v63  }
0x58: {  	_ =	swait.ge [sflag:s20], $0x1000  }
0x59: {  	[sflag:s20] =	ssyncset.done $0x0  }
0x5a: {  	[sflag:s20] =	ssyncadd.s32 $0xFFFFF000  }
0x5b: {  	_ =	swait.ge [sflag:s26], $0x1000  }
0x5c: {  	s0 =	simm.s32 $0xFFFF6C00;
	[sflag:s26] =	ssyncset.done $0x0  }
0x5d: {  	s15 =	simm.s32 $0x7880;
	s1 =	simm.s32 $0x9F80;
	[sflag:s26] =	ssyncadd.s32 $0xFFFFF000  }
0x5e: {  	[tilespmem:s22], [sflag:$0x2] =	stream.indirect.gather [spmem:s3], $0x20, s15, s17, $0xb8;
	[tilespmem:$0x115C0] =	vst v63  }
.LBB2_6:
0x5f: {  	[spmem:s2] =	stream.indirect.scatter.add.f32 [tilespmem:s19], [sflag:$0x3], $0x20, s1, s17, $0xb8;
	[tilespmem:$0x115C0] =	vst v63  }
0x60: {  	s1 =	smov.u32 s0  }
0x61: {  	p0 =	sne.s32 s0, $0xFFFFFC00;
	s0 =	sadd.s32 $0x400, s0;
	_ =	swait.ge [sflag:s24], $0x1000  }
0x62: {  	[sflag:s24] =	ssyncset.done $0x0  }
0x63: {  	[sflag:s24] =	ssyncadd.s32 $0xFFFFF000  }
0x64: {  	_ =	swait.ge [sflag:s25], $0x1000  }
0x65: {  	s1 =	sshra.s32 s1, $0x2;
	[sflag:s25] =	ssyncset.done $0x0  }
0x66: {  	s15 =	sadd.s32 $0x9E00, s1;
	[sflag:s25] =	ssyncadd.s32 $0xFFFFF000  }
0x67: {  	[tilespmem:s19], [sflag:$0x1] =	stream.indirect.gather [spmem:s3], $0x20, s15, s17, $0xb8;
	[tilespmem:$0x115C0] =	vst v63  }
0x68: {  	s15 =	sadd.s32 $0xC500, s1  }
0x69: {  	[spmem:s2] =	stream.indirect.scatter.add.f32 [tilespmem:s22], [sflag:$0x4], $0x20, s15, s17, $0xb8;
	[tilespmem:$0x115C0] =	vst v63  }
0x6a: {  	_ =	swait.ge [sflag:s20], $0x1000  }
0x6b: {  	[sflag:s20] =	ssyncset.done $0x0  }
0x6c: {  	[sflag:s20] =	ssyncadd.s32 $0xFFFFF000  }
.Ltmp2:
0x6d: {  	_ =	swait.ge [sflag:s26], $0x1000;
	(pc) =	sbr.rel @p0 .LBB2_6-.Ltmp2, $4  }
0x6e: {  	[sflag:s26] =	ssyncset.done $0x0  }
0x6f: {  	s15 =	sadd.s32 $0x9E80, s1;
	[sflag:s26] =	ssyncadd.s32 $0xFFFFF000  }
0x70: {  	[tilespmem:s22], [sflag:$0x2] =	stream.indirect.gather [spmem:s3], $0x20, s15, s17, $0xb8;
	[tilespmem:$0x115C0] =	vst v63  }
0x71: {  	s1 =	sadd.s32 $0xC580, s1  }
0x72: {  	[spmem:s2] =	stream.indirect.scatter.add.f32 [tilespmem:s19], [sflag:$0x3], $0x20, s1, s17, $0xb8;
	[tilespmem:$0x115C0] =	vst v63  }
0x73: {  	_ =	swait.ge [sflag:s24], $0x1000  }
0x74: {  	[sflag:s24] =	ssyncset.done $0x0  }
0x75: {  	[sflag:s24] =	ssyncadd.s32 $0xFFFFF000  }
0x76: {  	_ =	swait.ge [sflag:s25], $0x1000  }
0x77: {  	[sflag:s25] =	ssyncset.done $0x0  }
0x78: {  	[sflag:s25] =	ssyncadd.s32 $0xFFFFF000  }
0x79: {  	[tilespmem:s19], [sflag:$0x1] =	stream.indirect.gather [spmem:s3], $0x20, s28, s17, $0xb8;
	[tilespmem:$0x115C0] =	vst v63  }
0x7a: {  	_ = 	snop  }
0x7b: {  	[spmem:s2] =	stream.indirect.scatter.add.f32 [tilespmem:s22], [sflag:$0x4], $0x20, s29, s17, $0xb8;
	[tilespmem:$0x115C0] =	vst v63  }
0x7c: {  	_ =	swait.ge [sflag:s20], $0x1000  }
0x7d: {  	[sflag:s20] =	ssyncset.done $0x0  }
0x7e: {  	[sflag:s20] =	ssyncadd.s32 $0xFFFFF000  }
0x7f: {  	_ =	swait.ge [sflag:s26], $0x1000  }
0x80: {  	[sflag:s26] =	ssyncset.done $0x0  }
0x81: {  	[sflag:s26] =	ssyncadd.s32 $0xFFFFF000  }
0x82: {  	[spmem:s2] =	stream.indirect.scatter.add.f32 [tilespmem:s19], [sflag:$0x3], $0x20, s30, s17, $0xb8;
	[tilespmem:$0x115C0] =	vst v63  }
0x83: {  	_ =	swait.ge [sflag:s25], $0x1000  }
0x84: {  	[sflag:s25] =	ssyncset.done $0x0  }
0x85: {  	[sflag:s25] =	ssyncadd.s32 $0xFFFFF000  }
0x86: {  	[bflag:$0x0] =	sbarrier.arrive $0xFFFF  }
0x87: {  	[tilespmem:s13], [sflag:$0x5] =	stream.linear.gather [spmem:s6], $0x1000, $0x38;
	[tilespmem:$0x115C0] =	vst v63  }
0x88: {  	s31 =	sadd.s32 $0x1, s31;
	_ =	swait.ge [sflag:s14], $0x1000  }
0x89: {  	p0 =	sne.s32 s31, s12;
	[sflag:s14] =	ssyncset.done $0x0  }
.Ltmp3:
0x8a: {  	[sflag:s14] =	ssyncadd.s32 $0xFFFFF000;
	(pc) =	sbr.rel @p0 .LBB2_1-.Ltmp3, $4  }
0x8b: {  	[hbm4b:s11+s4] =	stream.linear.scatter [tilespmem:s13], [sflag:$0x5], $0x1000, $0x38;
	[tilespmem:$0x115C0] =	vst v63  }
0x8c: {  	_ =	swait.ge [sflag:s14], $0x1000  }
0x8d: {  	[sflag:s14] =	ssyncset.done $0x0  }
0x8e: {  	[sflag:s14] =	ssyncadd.s32 $0xFFFFF000  }
0x8f: {  	_ =	sfence.sel $0x180000  }
0x90: {  	[bflag:$0x0] =	sbarrier.arrive $0xFFFF  }
0x91: {  	_ =	strace $0x9000004D  }
0x92: {  	s0 =	stileid.u32;
	[bflag:$0x2] =	sbarrier.arrive $0xFFFF  }
0x93: {  	p0 =	sne.s32 s0, $0x0;
	s0 =	rddreg [dreg:$0x3]  }
0x94: {  	s0 =	sadd.s32 @!p0 $0x100000, s0  }
0x95: {  	[sflag:s0] =	ssyncadd.tile.s32 @!p0 $0x1;
	_ =	shalt  }
.Lfunc_end2:
_tile_overlayer_lowered:
.L_overlay_start_2:
0x96: {  	(tag) =	ssettag $0x2  }
0x97: {  	s0 =	rddreg [dreg:$0x0];
	s2 =	stileid.u32  }
0x98: {  	s1 =	rddreg [dreg:$0x1];
	p0 =	sne.s32 s2, $0x0  }
0x99: {  	s3 =	rddreg [dreg:$0x2];
	[bflag:$0x3] =	sbarrier.arrive $0xFFFF;
	s2 =	simm.s32 @!p0 $0x1C05  }
0x9a: {  	[timem:s3], [sflag:s2] =	dma.local @!p0 [hbm:s0], s1  }
0x9b: {  	s0 =	simm.s32 @!p0 $0x5  }
0x9c: {  	_ =	swait.ge @!p0 [sflag:s0], s1  }
0x9d: {  	s1 =	ssub.s32 @!p0 $0x0, s1;
	[sflag:s0] =	ssyncset.done @!p0 $0x0  }
0x9e: {  	[sflag:s0] =	ssyncadd.s32 @!p0 s1  }
0x9f: {  	[bflag:$0x3] =	sbarrier.arrive $0xFFFF  }
0xa0: {  	_ =	shalt  }

// kernel: kernel.17.cloned.1.call-start
scs
__scs_entry_jumppad:
0x0: {  	(pc) =	sbr.rel $0x88, $3  }
0x1: {  	(tag) =	ssettag $0x0;
	lr =	simm.s32 $0x1  }
0x2: {  	[smem:$0x3F97] =	sst lr;
	_ =	strace $0xD0000000  }
0x3: {  	_ = 	snop  }
0x4: {  	_ = 	snop  }
0x5: {  	_ = 	snop  }
0x6: {  	_ = 	snop  }
0x7: {  	_ = 	snop  }
__scs_overlays_trampoline_lowered:
0x8: {  	[smem:$0x3FA6] =	sst s0  }
0x9: {  	[smem:$0x3FA7] =	sst s1  }
0xa: {  	[smem:$0x3FA8] =	sst s2  }
0xb: {  	[smem:$0x3FA9] =	sst s3  }
0xc: {  	[smem:$0x3FAA] =	sst s4  }
0xd: {  	[smem:$0x3FAB] =	sst s5  }
0xe: {  	[smem:$0x3FAC] =	sst s6  }
0xf: {  	[smem:$0x3FAD] =	sst s7  }
0x10: {  	[smem:$0x3FAE] =	sst s8  }
0x11: {  	[smem:$0x3FAF] =	sst s9;
	s0 =	simm.s32 @!p0 $0x0  }
0x12: {  	s1 =	sld [smem:$0x3F95];
	s0 =	simm.s32 @p0 $0x1  }
0x13: {  	[smem:$0x3FB0] =	sst s0;
	s0 =	simm.s32 @!p1 $0x0  }
0x14: {  	s2 =	sld [smem:$0x3F94];
	s0 =	simm.s32 @p1 $0x1  }
0x15: {  	[smem:$0x3FB1] =	sst s0;
	s0 =	simm.s32 @!p2 $0x0  }
0x16: {  	s3 =	sld [smem:$0x3FDB];
	s0 =	simm.s32 @p2 $0x1  }
0x17: {  	s4 =	simm.s32 $0x1BF5;
	[smem:$0x3FB3] =	sst s0  }
0x18: {  	s0 =	sld [smem:$0x3F96];
	_ =	swait.ge [sflag:s4], $0x0  }
0x19: {  	s7 =	sld [smem:$0x3F97]  }
0x1a: {  	s8 =	sadd.s32 $0xFFFFE003, lr  }
0x1b: {  	s9 =	sadd.s32 $0xFFFFFEF7, lr;
	s5 =	simm.s32 $0xFFFFFFFF;
	p2 =	slt.u32 s8, $0xFFFFF086  }
0x1c: {  	p1 =	slt.u32 s9, $0xF7A;
	s5 =	simm.s32 @!p2 $0x0  }
0x1d: {  	s5 =	simm.s32 @p1 $0x1;
	p0 =	seq.s32 s7, s2  }
0x1e: {  	s7 =	smul.u32 @!p0 $0xF7A, s2;
	p2 =	seq.s32 @!p0 s5, $0x0  }
0x1f: {  	s9 =	smul.u32 $0xF7A, s1;
	s8 =	simm.s32 @!p0 $0x1BF5;
	p2 =	por !p2, p0  }
0x20: {  	[sflag:s8] =	ssyncset.s32 @!p0 $0xFFFFF086;
	s6 =	sadd.s32 @!p0 s3, s7;
	s7 =	simm.s32 @!p0 $0x108  }
0x21: {  	s3 =	sadd.s32 s3, s9;
	s6 =	sadd.s32 @!p0 $0x88, s6;
	s7 =	simm.s32 @p2 $0x1082  }
0x22: {  	[simem:s7], [sflag:s8] =	dma.local @!p0 [hbm:s6], $0xF7A  }
0x23: {  	s9 =	sor.u32 $0xD0000000, s2;
	s6 =	simm.s32 $0x108;
	_ =	swait.ge @!p0 [sflag:s8], $0x0  }
0x24: {  	s3 =	sadd.s32 $0x88, s3;
	s6 =	simm.s32 @!p1 $0x1082;
	[sflag:s4] =	ssyncset.s32 $0xFFFFF086  }
0x25: {  	[simem:s6], [sflag:s4] =	dma.local [hbm:s3], $0xF7A  }
0x26: {  	[smem:$0x3F97] =	sst s1;
	(tag) =	ssettag s2;
	_ =	strace s9  }
0x27: {  	s1 =	sld [smem:$0x3FA7]  }
0x28: {  	s2 =	sld [smem:$0x3FA8]  }
0x29: {  	s4 =	sld [smem:$0x3FAA]  }
0x2a: {  	p0 =	seq.s32 s5, $0x0;
	s5 =	sld [smem:$0x3FAB]  }
0x2b: {  	s6 =	sld [smem:$0x3FAC]  }
0x2c: {  	s7 =	sld [smem:$0x3FAD]  }
0x2d: {  	s3 =	simm.s32 $0x108;
	s8 =	sld [smem:$0x3FAE]  }
0x2e: {  	s3 =	simm.s32 @!p0 $0x1082;
	s9 =	sld [smem:$0x3FAF]  }
0x2f: {  	lr =	sadd.s32 s0, s3;
	s0 =	sld [smem:$0x3FA6]  }
0x30: {  	s3 =	sld [smem:$0x3FA9]  }
0x31: {  	[smem:$0x3FB2] =	sst s10  }
0x32: {  	s10 =	sld [smem:$0x3FB0];
	_ =	sdelay $0x3  }
0x33: {  	p0 =	seq.s32 s10, $0x1;
	s10 =	sld [smem:$0x3FB2];
	_ =	sdelay $0x3  }
0x34: {  	[smem:$0x3FB2] =	sst s10  }
0x35: {  	s10 =	sld [smem:$0x3FB1];
	_ =	sdelay $0x3  }
0x36: {  	p1 =	seq.s32 s10, $0x1;
	s10 =	sld [smem:$0x3FB2];
	_ =	sdelay $0x3  }
0x37: {  	[smem:$0x3FB2] =	sst s10  }
0x38: {  	s10 =	sld [smem:$0x3FB3]  }
0x39: {  	_ = 	snop;
	(pc) =	sbr.ind lr, $3  }
0x3a: {  	_ = 	snop  }
0x3b: {  	_ = 	snop  }
0x3c: {  	p2 =	seq.s32 s10, $0x1;
	s10 =	sld [smem:$0x3FB2]  }
0x3d: {  	_ =	shalt  }
0x3e: {  	_ =	shalt  }
0x3f: {  	_ =	shalt  }
0x40: {  	_ =	shalt  }
0x41: {  	_ =	shalt  }
0x42: {  	_ =	shalt  }
0x43: {  	_ =	shalt  }
0x44: {  	_ =	shalt  }
0x45: {  	_ =	shalt  }
0x46: {  	_ =	shalt  }
0x47: {  	_ =	shalt  }
0x48: {  	_ =	shalt  }
0x49: {  	_ =	shalt  }
0x4a: {  	_ =	shalt  }
0x4b: {  	_ =	shalt  }
0x4c: {  	_ =	shalt  }
0x4d: {  	_ =	shalt  }
0x4e: {  	_ =	shalt  }
0x4f: {  	_ =	shalt  }
0x50: {  	_ =	shalt  }
0x51: {  	_ =	shalt  }
0x52: {  	_ =	shalt  }
0x53: {  	_ =	shalt  }
0x54: {  	_ =	shalt  }
0x55: {  	_ =	shalt  }
0x56: {  	_ =	shalt  }
0x57: {  	_ =	shalt  }
0x58: {  	_ =	shalt  }
0x59: {  	_ =	shalt  }
0x5a: {  	_ =	shalt  }
0x5b: {  	_ =	shalt  }
0x5c: {  	_ =	shalt  }
0x5d: {  	_ =	shalt  }
0x5e: {  	_ =	shalt  }
0x5f: {  	_ =	shalt  }
0x60: {  	_ =	shalt  }
0x61: {  	_ =	shalt  }
0x62: {  	_ =	shalt  }
0x63: {  	_ =	shalt  }
0x64: {  	_ =	shalt  }
0x65: {  	_ =	shalt  }
0x66: {  	_ =	shalt  }
0x67: {  	_ =	shalt  }
0x68: {  	_ =	shalt  }
0x69: {  	_ =	shalt  }
0x6a: {  	_ =	shalt  }
0x6b: {  	_ =	shalt  }
0x6c: {  	_ =	shalt  }
0x6d: {  	_ =	shalt  }
0x6e: {  	_ =	shalt  }
0x6f: {  	_ =	shalt  }
0x70: {  	_ =	shalt  }
0x71: {  	_ =	shalt  }
0x72: {  	_ =	shalt  }
0x73: {  	_ =	shalt  }
0x74: {  	_ =	shalt  }
0x75: {  	_ =	shalt  }
0x76: {  	_ =	shalt  }
0x77: {  	_ =	shalt  }
0x78: {  	_ =	shalt  }
0x79: {  	_ =	shalt  }
0x7a: {  	_ =	shalt  }
0x7b: {  	_ =	shalt  }
0x7c: {  	_ =	shalt  }
0x7d: {  	_ =	shalt  }
0x7e: {  	_ =	shalt  }
0x7f: {  	_ =	shalt  }
0x80: {  	_ =	shalt  }
0x81: {  	_ =	shalt  }
0x82: {  	_ =	shalt  }
0x83: {  	_ =	shalt  }
0x84: {  	_ =	shalt  }
0x85: {  	_ =	shalt  }
0x86: {  	_ =	shalt  }
0x87: {  	_ =	shalt  }
.Lfunc_end0:
.L_simem_size_0:
called_computation.3_lowered:
.L_overlay_start_0:
0x88: {  	s2 =	sld [smem:$0x3FD9]  }
0x89: {  	s3 =	sld [smem:$0x3FFE];
	_ =	sdelay $0x1  }
0x8a: {  	s1 =	srdreg.scid  }
0x8b: {  	s0 =	sand.u32 $0x1, s1  }
0x8c: {  	s17 =	sshll.u32 s0, $0xA;
	s2 =	sadd.s32 s3, s2  }
0x8d: {  	s2 =	sadd.s32 s2, s17  }
0x8e: {  	[smem:$0x3FBE] =	sst s2  }
0x8f: {  	_ = 	snop  }
0x90: {  	s2 =	sld [smem:$0x3FC6];
	(tm) =	ssettm $0x1  }
0x91: {  	s18 =	sld [smem:$0x3FFB];
	_ =	sdelay $0x3  }
0x92: {  	_ =	strace s18  }
0x93: {  	s3 =	sld [smem:$0x3FFC];
	_ =	sdelay $0x3  }
0x94: {  	_ =	strace s3  }
0x95: {  	s3 =	sld [smem:$0x3FFD];
	_ =	sdelay $0x3  }
0x96: {  	_ =	strace s3  }
0x97: {  	_ =	strace $0x8FFFFFFF  }
0x98: {  	s19 =	sld [smem:$0x3FDB];
	_ =	sdelay $0x1  }
0x99: {  	s4 =	simm.s32 $_scs_section_size  }
0x9a: {  	s5 =	simm.s32 $_size__tile_overlayer_lowered;
	s6 =	simm.s32 $_tile_overlayer_lowered  }
0x9b: {  	s22 =	simm.s32 $0x1BFF;
	s21 =	sshll.u32 s6, $0x1;
	s3 =	sadd.s32 s4, s19  }
0x9c: {  	s7 =	simm.s32 $0x0;
	s20 =	sshll.u32 s5, $0x1;
	s5 =	sadd.s32 s21, s3  }
0x9d: {  	[timem:s7], [sflag:s22] =	dma.local [hbm:s5], s20  }
0x9e: {  	_ =	swait.ge [sflag:s22], s20  }
0x9f: {  	s4 =	ssub.s32 $0x0, s20;
	[sflag:s22] =	ssyncset.done $0x0  }
0xa0: {  	[sflag:s22] =	ssyncadd.s32 s4;
	_ =	sdelay $0x1  }
0xa1: {  	s23 =	simm.s32 $0x1B8B  }
0xa2: {  	_ =	swait.ge [sflag:s23], $0x1  }
0xa3: {  	[sflag:s23] =	ssyncset.done $0x0  }
0xa4: {  	s25 =	simm.s32 $0x1B8E;
	s24 =	sld [smem:$0x3FFE];
	[sflag:s23] =	ssyncadd.s32 $0xFFFFFFFF  }
0xa5: {  	s26 =	simm.s32 $execute0_lowered;
	[smem:$0x3FD2] =	sst s25  }
0xa6: {  	s5 =	sshll.u32 s26, $0x1;
	_ =	strace $0x8000004F;
	[dreg:$0x1] =	wrdreg $0xFFFFFFFF  }
0xa7: {  	s28 =	simm.s32 $_size_execute0_lowered;
	s3 =	sadd.s32 s3, s5;
	[dreg:$0x0] =	wrdreg $0x0  }
0xa8: {  	s5 =	sshll.u32 s28, $0x1;
	[dreg:$0x2] =	wrdreg s3  }
0xa9: {  	[dreg:$0x3] =	wrdreg s5  }
0xaa: {  	[dreg:$0x4] =	wrdreg $0xC0  }
0xab: {  	_ =	task [dreg:s7], $0x5FFFF  }
0xac: {  	[dreg:$0x1] =	wrdreg $0xFFFFFFFF  }
0xad: {  	[dreg:$0x0] =	wrdreg $0x60  }
0xae: {  	[dreg:$0x2] =	wrdreg s24  }
0xaf: {  	[dreg:$0x3] =	wrdreg s2  }
0xb0: {  	[dreg:$0x4] =	wrdreg $0x9  }
0xb1: {  	_ =	task.clear_ibuf [dreg:s7], $0x5FFFF;
	_ =	strace $0x9000004F  }
0xb2: {  	s29 =	simm.s32 $0x9;
	_ =	strace $0x80000051  }
0xb3: {  	_ =	swait.ge [sflag:s29], $0x1  }
0xb4: {  	[sflag:s29] =	ssyncadd.s32 $0xFFFFFFFF  }
0xb5: {  	_ =	strace $0x90000051  }
0xb6: {  	_ =	sfence  }
0xb7: {  	s30 =	sld [smem:$0x0];
	_ =	sdelay $0x2  }
0xb8: {  	s31 =	sshll.u32 s1, $0xD;
	s1 =	sshrl.u32 s1, $0x2  }
0xb9: {  	s3 =	sand.u32 $0x4000, s31;
	s1 =	sadd.s32 s1, s30  }
0xba: {  	s0 =	sor.u32 s3, s0;
	s1 =	sshll.u32 s1, $0x11  }
0xbb: {  	s0 =	sor.u32 s1, s0  }
0xbc: {  	s0 =	sadd.s32 $0x8F2B, s0  }
0xbd: {  	[sflag:s0] =	ssyncadd.remote.s32 $0x1  }
0xbe: {  	_ =	sfence.sel $0xFFFF  }
0xbf: {  	[dreg:$0x0] =	wrdreg $0xFFFFFFFF;
	(pc) =	sbr.abs _section_cstart, $3  }
0xc0: {  	[dreg:$0x1] =	wrdreg $0xFFFFFFFF  }
0xc1: {  	_ =	task.clear_ibuf [dreg:s7], $0x2FFFF;
	_ =	strace $0x9FFFFFFF  }
0xc2: {  	(tm) =	ssettm $0x7FFFFFFF  }
0xc3: {  	_ =	shalt  }
tec
execute0_lowered:
.L_overlay_start_1:
0x0: {  	(tag) =	ssettag $0x1  }
0x1: {  	v2 =	vimm.s32 $0xEDCBA987  }
0x2: {  	v1 =	vimm.f32 $0.0e+00;
	v3 =	vimm.s32 $0x800;
	v5 =	vimm.s32 $0x65432100  }
0x3: {  	v7 =	vimm.s32 $0xDCBA9876;
	v8 =	vimm.s32 $0x54321000;
	v9 =	vimm.s32 $0xBA987654  }
0x4: {  	v10 =	vimm.s32 $0xE40000;
	v11 =	vimm.s32 $0x32100000;
	vm0 =	vmmov $0x3  }
0x5: {  	vm1 =	vmmov $0xf;
	vm2 =	vcmask $0x3F30;
	v13 =	vimm.s32 $0x1  }
0x6: {  	v14 =	vimm.s32 $0x2;
	v15 =	vimm.s32 $0x3;
	v16 =	vimm.s32 $0x4  }
0x7: {  	v17 =	vimm.s32 $0x6;
	v18 =	vimm.s32 $0x7;
	v19 =	vimm.s32 $0x8  }
0x8: {  	v20 =	vimm.s32 $0x9;
	v21 =	vimm.s32 $0xA;
	v22 =	vimm.s32 $0xB  }
0x9: {  	v23 =	vimm.s32 $0xC;
	v24 =	vimm.s32 $0xE;
	v25 =	vimm.s32 $0xF  }
0xa: {  	s6 =	rddreg [dreg:$0x0];
	v4 =	vunpack.c.l.s4.s8 v2;
	v2 =	vimm.s32 $0xD;
	v5 =	vunpack.c.l.s4.s8 v5  }
0xb: {  	s0 =	srdreg.scid;
	s2 =	rddreg [dreg:$0x1];
	v7 =	vunpack.c.l.s4.s8 v7;
	v8 =	vunpack.c.l.s4.s8 v8;
	v9 =	vunpack.c.l.s4.s8 v9  }
0xc: {  	s3 =	simm.s32 $0x0;
	s9 =	simm.s32 $0x830;
	s4 =	sand.u32 $0x1, s0;
	v10 =	vunpack.c.l.s2.s4 v10;
	v11 =	vunpack.c.l.s4.s8 v11;
	v6 =	vunpack.c.0.s8.s32 v4  }
0xd: {  	s10 =	simm.s32 $0x890;
	s0 =	stileid.u32;
	s1 =	sshll.u32 s4, $0x4;
	v4 =	vimm.s32 $0x0;
	v7 =	vunpack.c.0.s8.s32 v7;
	v9 =	vunpack.c.0.s8.s32 v9  }
0xe: {  	s11 =	simm.s32 $0x50;
	s12 =	simm.s32 $0x8F0;
	s5 =	sor.u32 s0, s1;
	v5 =	vunpack.c.0.s8.s32 v5;
	v8 =	vunpack.c.0.s8.s32 v8;
	v10 =	vunpack.c.l.s4.s8 v10  }
0xf: {  	s13 =	simm.s32 $0x1;
	s14 =	simm.s32 $0x12F0;
	s1 =	smul.u32 $0xFFFFFFF3, s5;
	v6 =	vand.u32 $0xF, v6;
	v7 =	vand.u32 $0xF, v7;
	v9 =	vand.u32 $0xF, v9  }
0x10: {  	s15 =	simm.s32 $0x1CF0;
	s16 =	simm.s32 $0x0;
	s7 =	ssub.s32 $0x2, s4;
	v10 =	vunpack.c.0.s8.s32 v10;
	v7 =	vcombine.low v8, v7;
	v8 =	vunpack.c.0.s8.s32 v11  }
0x11: {  	[smem:$0x7FF] =	sst s3;
	s8 =	sshrl.u32 s7, $0x1;
	s5 =	smul.u32 $0x34, s5;
	v0 =	vmov s1;
	v5 =	vcombine.low v5, v6;
	v11 =	vimm.s32 $0x7060504  }
0x12: {  	s4 =	sadd.s32 $0x1A200, s6;
	s31 =	ssub.s32 s7, s8;
	s7 =	simm.s32 $0x2;
	v6 =	vlaneseq.u32;
	v8 =	vcombine.low v8, v9;
	v9 =	vunpack.c.0.s8.s32 v11  }
0x13: {  	s8 =	simm.s32 $0x7D0;
	s1 =	rddreg [dreg:$0x2];
	s5 =	sadd.s32 s5, s6;
	v10 =	vand.u32 $0x3, v10;
	v12 =	vor.u32 $0x10, v6;
	v11 =	vimm.s32 $0x5  }
0x14: {  	_ =	strace $0x80000050;
	s6 =	smax.u32 s31, $0x1;
	s5 =	sadd.s32 $0x1600, s5;
	v9 =	vsel vm2, v9, v10;
	vm2 =	vmmov $0xff;
	v10 =	vor.u32 $0x800, v6  }
.LBB2_1:
0x15: {  	[tilespmem:$0x1CF0] =	vst v1  }
0x16: {  	[tilespmem:$0x1D00] =	vst v1  }
0x17: {  	[tilespmem:$0x1D10] =	vst v1  }
0x18: {  	[tilespmem:$0x1D20] =	vst v1  }
0x19: {  	[tilespmem:$0x1D30] =	vst v1  }
0x1a: {  	[tilespmem:$0x1D40] =	vst v1  }
0x1b: {  	[tilespmem:$0x1D50] =	vst v1  }
0x1c: {  	[tilespmem:$0x1D60] =	vst v1  }
0x1d: {  	[tilespmem:$0x1D70] =	vst v1  }
0x1e: {  	[tilespmem:$0x1D80] =	vst v1  }
0x1f: {  	[tilespmem:$0x1D90] =	vst v1  }
0x20: {  	[tilespmem:$0x1DA0] =	vst v1  }
0x21: {  	[tilespmem:$0x1DB0] =	vst v1  }
0x22: {  	[tilespmem:$0x1DC0] =	vst v1  }
0x23: {  	[tilespmem:$0x1DD0] =	vst v1  }
0x24: {  	[tilespmem:$0x1DE0] =	vst v1  }
0x25: {  	[tilespmem:$0x1DF0] =	vst v1  }
0x26: {  	[tilespmem:$0x1E00] =	vst v1  }
0x27: {  	[tilespmem:$0x1E10] =	vst v1  }
0x28: {  	[tilespmem:$0x1E20] =	vst v1  }
0x29: {  	[tilespmem:$0x1E30] =	vst v1  }
0x2a: {  	[tilespmem:$0x1E40] =	vst v1  }
0x2b: {  	[tilespmem:$0x1E50] =	vst v1  }
0x2c: {  	[tilespmem:$0x1E60] =	vst v1  }
0x2d: {  	[tilespmem:$0x1E70] =	vst v1  }
0x2e: {  	[tilespmem:$0x1E80] =	vst v1  }
0x2f: {  	[tilespmem:$0x1E90] =	vst v1  }
0x30: {  	[tilespmem:$0x1EA0] =	vst v1  }
0x31: {  	[tilespmem:$0x7D0] =	vst v2  }
0x32: {  	[tilespmem:$0x830] =	vst v4  }
0x33: {  	[tilespmem:$0x890] =	vst v3  }
0x34: {  	[tilespmem:$0x7E0] =	vst v2  }
0x35: {  	[tilespmem:$0x840] =	vst v4  }
0x36: {  	[tilespmem:$0x8A0] =	vst v3  }
0x37: {  	[tilespmem:$0x7F0] =	vst v2  }
0x38: {  	[tilespmem:$0x850] =	vst v4  }
0x39: {  	[tilespmem:$0x8B0] =	vst v3  }
0x3a: {  	[tilespmem:$0x800] =	vst v2  }
0x3b: {  	[tilespmem:$0x860] =	vst v4  }
0x3c: {  	[tilespmem:$0x8C0] =	vst v3  }
0x3d: {  	[tilespmem:$0x810] =	vst v2  }
0x3e: {  	[tilespmem:$0x870] =	vst v4  }
0x3f: {  	[tilespmem:$0x8D0] =	vst v3  }
0x40: {  	[tilespmem:$0x820] =	vst v2  }
0x41: {  	[tilespmem:$0x880] =	vst v4  }
0x42: {  	[tilespmem:$0x8E0] =	vst v3  }
0x43: {  	[tilespmem:s3], [sflag:$0x2] =	stream.linear.gather [hbm4b:s2+s3], $0x7D0, $0x38;
	[tilespmem:$0x1EB0] =	vst v63  }
0x44: {  	_ =	swait.ge [sflag:s7], $0x7D0  }
0x45: {  	[sflag:s7] =	ssyncset.done $0x0  }
0x46: {  	[sflag:s7] =	ssyncadd.s32 $0xFFFFF830  }
0x47: {  	v28 =	vld [tilespmem:s3+$0x0];
	_ =	sdelay $0x1  }
0x48: {  	s18 =	simm.s32 $0x10;
	v27 =	vimm.s32 $0x0;
	v26 =	vimm.s32 $0x0;
	s17 =	simm.s32 $0x0;
	s19 =	simm.s32 $0x0  }
.LBB2_2:
0x49: {  	p0 =	sne.s32 s18, $0x7C0;
	_ =	sdelay $0x1  }
0x4a: {  	v28 =	vadd.s32 v0, v28  }
0x4b: {  	vm4 =	vlt.u32 v28, $0xD  }
0x4c: {  	v29 =	vsel vm4, $0x1, v4;
	v30 =	vmpcnt.ones.xlane vm4  }
0x4d: {  	v31 =	vperm.xlane v29, v5  }
0x4e: {  	vm3 =	veq.s32 v6, $0x0;
	v27 =	vadd.s32 v27, v30  }
0x4f: {  	v30 =	vsel vm3, $0x0, v31  }
0x50: {  	v29 =	vadd.s32 v29, v30  }
0x51: {  	v30 =	vperm.xlane v29, v7;
	_ =	sdelay $0x1  }
0x52: {  	v30 =	vsel vm0, $0x0, v30  }
0x53: {  	v29 =	vadd.s32 v30, v29  }
0x54: {  	v30 =	vperm.xlane v29, v8;
	_ =	sdelay $0x1  }
0x55: {  	v30 =	vsel vm1, $0x0, v30  }
0x56: {  	v29 =	vadd.s32 v30, v29  }
0x57: {  	v30 =	vperm.xlane v29, v9;
	_ =	sdelay $0x1  }
0x58: {  	v30 =	vsel vm2, $0x0, v30  }
0x59: {  	v30 =	vadd.s32 v30, v26;
	v26 =	vmov v27  }
0x5a: {  	v29 =	vadd.s32 v29, v30  }
0x5b: {  	v29 =	vadd.s32 $0xFFFFFFFF, v29;
	_ =	sdelay $0x4  }
0x5c: {  	v30 =	vor.u32 s17, v6;
	[tilespmem:v29+s8+$0x0] =	vst.idx.msk vm4, v28  }
.Ltmp0:
0x5d: {  	v28 =	vor.u32 s17, v10;
	s17 =	smov.u32 s18;
	[tilespmem:v29+s9+$0x0] =	vst.idx.msk vm4, v30;
	(pc) =	sbr.rel @p0 .LBB2_2-.Ltmp0, $3  }
0x5e: {  	s19 =	sadd.s32 $0x10, s19;
	[tilespmem:v29+s10+$0x0] =	vst.idx.msk vm4, v28  }
0x5f: {  	v28 =	vld [tilespmem:s19+$0x0];
	_ =	sdelay $0x1  }
0x60: {  	s18 =	sadd.s32 $0x10, s18  }
0x61: {  	_ =	sdelay $0x1  }
0x62: {  	v27 =	vadd.s32 v0, v28  }
0x63: {  	vm4 =	vlt.u32 v27, $0xD  }
0x64: {  	v62 =	vsel vm4, $0x1, v4  }
0x65: {  	v29 =	vperm.xlane v62, v5;
	_ =	sdelay $0x1  }
0x66: {  	v29 =	vsel vm3, $0x0, v29  }
0x67: {  	v28 =	vadd.s32 v62, v29  }
0x68: {  	v29 =	vperm.xlane v28, v7;
	_ =	sdelay $0x1  }
0x69: {  	v29 =	vsel vm0, $0x0, v29  }
0x6a: {  	v28 =	vadd.s32 v29, v28  }
0x6b: {  	v29 =	vperm.xlane v28, v8;
	_ =	sdelay $0x1  }
0x6c: {  	v29 =	vsel vm1, $0x0, v29  }
0x6d: {  	v28 =	vadd.s32 v29, v28  }
0x6e: {  	v29 =	vperm.xlane v28, v9;
	_ =	sdelay $0x1  }
0x6f: {  	v29 =	vsel vm2, $0x0, v29  }
0x70: {  	v26 =	vadd.s32 v29, v26  }
0x71: {  	v26 =	vadd.s32 v28, v26  }
0x72: {  	v26 =	vadd.s32 $0xFFFFFFFF, v26;
	_ =	sdelay $0x4  }
0x73: {  	v63 =	vor.u32 s17, v6;
	[tilespmem:v26+s8+$0x0] =	vst.idx.msk vm4, v27  }
0x74: {  	v27 =	vor.u32 s17, v10;
	[tilespmem:v26+s9+$0x0] =	vst.idx.msk vm4, v63  }
0x75: {  	[tilespmem:v26+s10+$0x0] =	vst.idx.msk vm4, v27  }
0x76: {  	[tilespmem:s12], [sflag:$0x1] =	stream.indirect.gather [hbm4b:s4+s11], $0x20, s9, s11, $0xb8;
	[tilespmem:$0x1EB0] =	vst v63  }
0x77: {  	_ =	swait.ge [sflag:s13], $0xA00  }
0x78: {  	[sflag:s13] =	ssyncset.done $0x0  }
0x79: {  	[sflag:s13] =	ssyncadd.s32 $0xFFFFF600  }
0x7a: {  	[tilespmem:s14], [sflag:$0x1] =	stream.indirect.gather [hbm4b:s4+s11], $0x20, s10, s11, $0xb8;
	[tilespmem:$0x1EB0] =	vst v63  }
0x7b: {  	_ =	swait.ge [sflag:s13], $0xA00  }
0x7c: {  	[sflag:s13] =	ssyncset.done $0x0  }
0x7d: {  	s18 =	simm.s32 $0x7D0;
	s17 =	simm.s32 $0x7C0;
	[sflag:s13] =	ssyncadd.s32 $0xFFFFF600  }
.LBB2_4:
0x7e: {  	v26 =	vld [tilespmem:s18+$0x0];
	_ =	sdelay $0x4  }
0x7f: {  	v27 =	vperm.xlane v26, v4;
	_ =	sdelay $0x1  }
0x80: {  	v27 =	vshll.u32 v27, $0x5  }
0x81: {  	s19 =	sshra.s32 s17, $0x2;
	v28 =	vor.u32 v6, v27  }
0x82: {  	v29 =	vld [tilespmem:s19+$0x700]  }
0x83: {  	v30 =	vld [tilespmem:s19+$0x1100];
	_ =	sdelay $0x2  }
0x84: {  	v31 =	vld.idx.msk [tilespmem:v28+s15+$0x0], $0xffff;
	_ =	sdelay $0x1  }
0x85: {  	v29 =	vadd.f32 v30, v29;
	_ =	sdelay $0x1  }
0x86: {  	v29 =	vmax.f32 v29, $0.0e+00  }
0x87: {  	v29 =	vmax.f32 v31, v29  }
0x88: {  	v27 =	vor.u32 v12, v27;
	[tilespmem:v28+s15+$0x0] =	vst.idx.msk $0xffff, v29  }
0x89: {  	v28 =	vld [tilespmem:s19+$0x710]  }
0x8a: {  	v29 =	vld [tilespmem:s19+$0x1110];
	_ =	sdelay $0x2  }
0x8b: {  	v53 =	vld.idx.msk [tilespmem:v27+s15+$0x0], $0xffff;
	_ =	sdelay $0x1  }
0x8c: {  	v28 =	vadd.f32 v29, v28  }
0x8d: {  	v54 =	vperm.xlane v26, v13  }
0x8e: {  	v28 =	vmax.f32 v28, $0.0e+00  }
0x8f: {  	v29 =	vshll.u32 v54, $0x5;
	v28 =	vmax.f32 v53, v28  }
0x90: {  	[tilespmem:v27+s15+$0x0] =	vst.idx.msk $0xffff, v28;
	v27 =	vor.u32 v6, v29  }
0x91: {  	v28 =	vld [tilespmem:s19+$0x720]  }
0x92: {  	v55 =	vld [tilespmem:s19+$0x1120];
	_ =	sdelay $0x2  }
0x93: {  	v56 =	vld.idx.msk [tilespmem:v27+s15+$0x0], $0xffff;
	_ =	sdelay $0x1  }
0x94: {  	v28 =	vadd.f32 v55, v28;
	_ =	sdelay $0x1  }
0x95: {  	v28 =	vmax.f32 v28, $0.0e+00  }
0x96: {  	v28 =	vmax.f32 v56, v28  }
0x97: {  	[tilespmem:v27+s15+$0x0] =	vst.idx.msk $0xffff, v28;
	v27 =	vor.u32 v12, v29  }
0x98: {  	v28 =	vld [tilespmem:s19+$0x730]  }
0x99: {  	v57 =	vld [tilespmem:s19+$0x1130];
	_ =	sdelay $0x2  }
0x9a: {  	v58 =	vld.idx.msk [tilespmem:v27+s15+$0x0], $0xffff;
	_ =	sdelay $0x1  }
0x9b: {  	v28 =	vadd.f32 v57, v28  }
0x9c: {  	v59 =	vperm.xlane v26, v14  }
0x9d: {  	v28 =	vmax.f32 v28, $0.0e+00  }
0x9e: {  	v29 =	vshll.u32 v59, $0x5;
	v28 =	vmax.f32 v58, v28  }
0x9f: {  	[tilespmem:v27+s15+$0x0] =	vst.idx.msk $0xffff, v28;
	v27 =	vor.u32 v6, v29  }
0xa0: {  	v28 =	vld [tilespmem:s19+$0x740]  }
0xa1: {  	v60 =	vld [tilespmem:s19+$0x1140];
	_ =	sdelay $0x2  }
0xa2: {  	v61 =	vld.idx.msk [tilespmem:v27+s15+$0x0], $0xffff;
	_ =	sdelay $0x1  }
0xa3: {  	v28 =	vadd.f32 v60, v28;
	_ =	sdelay $0x1  }
0xa4: {  	v28 =	vmax.f32 v28, $0.0e+00  }
0xa5: {  	v28 =	vmax.f32 v61, v28  }
0xa6: {  	[tilespmem:v27+s15+$0x0] =	vst.idx.msk $0xffff, v28;
	v27 =	vor.u32 v12, v29  }
0xa7: {  	v28 =	vld [tilespmem:s19+$0x750]  }
0xa8: {  	v62 =	vld [tilespmem:s19+$0x1150];
	_ =	sdelay $0x2  }
0xa9: {  	v63 =	vld.idx.msk [tilespmem:v27+s15+$0x0], $0xffff;
	_ =	sdelay $0x1  }
0xaa: {  	v28 =	vadd.f32 v62, v28  }
0xab: {  	v32 =	vperm.xlane v26, v15  }
0xac: {  	v28 =	vmax.f32 v28, $0.0e+00  }
0xad: {  	v29 =	vshll.u32 v32, $0x5;
	v28 =	vmax.f32 v63, v28  }
0xae: {  	[tilespmem:v27+s15+$0x0] =	vst.idx.msk $0xffff, v28;
	v27 =	vor.u32 v6, v29  }
0xaf: {  	v28 =	vld [tilespmem:s19+$0x760]  }
0xb0: {  	v33 =	vld [tilespmem:s19+$0x1160];
	_ =	sdelay $0x2  }
0xb1: {  	v34 =	vld.idx.msk [tilespmem:v27+s15+$0x0], $0xffff;
	_ =	sdelay $0x1  }
0xb2: {  	v28 =	vadd.f32 v33, v28;
	_ =	sdelay $0x1  }
0xb3: {  	v28 =	vmax.f32 v28, $0.0e+00  }
0xb4: {  	v28 =	vmax.f32 v34, v28  }
0xb5: {  	[tilespmem:v27+s15+$0x0] =	vst.idx.msk $0xffff, v28;
	v27 =	vor.u32 v12, v29  }
0xb6: {  	v28 =	vld [tilespmem:s19+$0x770]  }
0xb7: {  	v35 =	vld [tilespmem:s19+$0x1170];
	_ =	sdelay $0x2  }
0xb8: {  	v36 =	vld.idx.msk [tilespmem:v27+s15+$0x0], $0xffff;
	_ =	sdelay $0x1  }
0xb9: {  	v28 =	vadd.f32 v35, v28  }
0xba: {  	v37 =	vperm.xlane v26, v16  }
0xbb: {  	v28 =	vmax.f32 v28, $0.0e+00  }
0xbc: {  	v29 =	vshll.u32 v37, $0x5;
	v28 =	vmax.f32 v36, v28  }
0xbd: {  	[tilespmem:v27+s15+$0x0] =	vst.idx.msk $0xffff, v28;
	v27 =	vor.u32 v6, v29  }
0xbe: {  	v28 =	vld [tilespmem:s19+$0x780]  }
0xbf: {  	v38 =	vld [tilespmem:s19+$0x1180];
	_ =	sdelay $0x2  }
0xc0: {  	v39 =	vld.idx.msk [tilespmem:v27+s15+$0x0], $0xffff;
	_ =	sdelay $0x1  }
0xc1: {  	v28 =	vadd.f32 v38, v28;
	_ =	sdelay $0x1  }
0xc2: {  	v28 =	vmax.f32 v28, $0.0e+00  }
0xc3: {  	v28 =	vmax.f32 v39, v28  }
0xc4: {  	[tilespmem:v27+s15+$0x0] =	vst.idx.msk $0xffff, v28;
	v27 =	vor.u32 v12, v29  }
0xc5: {  	v28 =	vld [tilespmem:s19+$0x790]  }
0xc6: {  	v40 =	vld [tilespmem:s19+$0x1190];
	_ =	sdelay $0x2  }
0xc7: {  	v41 =	vld.idx.msk [tilespmem:v27+s15+$0x0], $0xffff;
	_ =	sdelay $0x1  }
0xc8: {  	v28 =	vadd.f32 v40, v28  }
0xc9: {  	v42 =	vperm.xlane v26, v11  }
0xca: {  	v28 =	vmax.f32 v28, $0.0e+00  }
0xcb: {  	v29 =	vshll.u32 v42, $0x5;
	v28 =	vmax.f32 v41, v28  }
0xcc: {  	[tilespmem:v27+s15+$0x0] =	vst.idx.msk $0xffff, v28;
	v27 =	vor.u32 v6, v29  }
0xcd: {  	v28 =	vld [tilespmem:s19+$0x7A0]  }
0xce: {  	v43 =	vld [tilespmem:s19+$0x11A0];
	_ =	sdelay $0x2  }
0xcf: {  	v44 =	vld.idx.msk [tilespmem:v27+s15+$0x0], $0xffff;
	_ =	sdelay $0x1  }
0xd0: {  	v28 =	vadd.f32 v43, v28;
	_ =	sdelay $0x1  }
0xd1: {  	v28 =	vmax.f32 v28, $0.0e+00  }
0xd2: {  	v28 =	vmax.f32 v44, v28  }
0xd3: {  	[tilespmem:v27+s15+$0x0] =	vst.idx.msk $0xffff, v28;
	v27 =	vor.u32 v12, v29  }
0xd4: {  	v28 =	vld [tilespmem:s19+$0x7B0]  }
0xd5: {  	v45 =	vld [tilespmem:s19+$0x11B0];
	_ =	sdelay $0x2  }
0xd6: {  	v46 =	vld.idx.msk [tilespmem:v27+s15+$0x0], $0xffff;
	_ =	sdelay $0x1  }
0xd7: {  	v28 =	vadd.f32 v45, v28  }
0xd8: {  	v47 =	vperm.xlane v26, v17  }
0xd9: {  	v28 =	vmax.f32 v28, $0.0e+00  }
0xda: {  	v29 =	vshll.u32 v47, $0x5;
	v28 =	vmax.f32 v46, v28  }
0xdb: {  	[tilespmem:v27+s15+$0x0] =	vst.idx.msk $0xffff, v28;
	v27 =	vor.u32 v6, v29  }
0xdc: {  	v28 =	vld [tilespmem:s19+$0x7C0]  }
0xdd: {  	v48 =	vld [tilespmem:s19+$0x11C0];
	_ =	sdelay $0x2  }
0xde: {  	v49 =	vld.idx.msk [tilespmem:v27+s15+$0x0], $0xffff;
	_ =	sdelay $0x1  }
0xdf: {  	v28 =	vadd.f32 v48, v28;
	_ =	sdelay $0x1  }
0xe0: {  	v28 =	vmax.f32 v28, $0.0e+00  }
0xe1: {  	v28 =	vmax.f32 v49, v28  }
0xe2: {  	[tilespmem:v27+s15+$0x0] =	vst.idx.msk $0xffff, v28;
	v27 =	vor.u32 v12, v29  }
0xe3: {  	v28 =	vld [tilespmem:s19+$0x7D0]  }
0xe4: {  	v50 =	vld [tilespmem:s19+$0x11D0];
	_ =	sdelay $0x2  }
0xe5: {  	v51 =	vld.idx.msk [tilespmem:v27+s15+$0x0], $0xffff;
	_ =	sdelay $0x1  }
0xe6: {  	v28 =	vadd.f32 v50, v28  }
0xe7: {  	v52 =	vperm.xlane v26, v18  }
0xe8: {  	v28 =	vmax.f32 v28, $0.0e+00  }
0xe9: {  	v29 =	vshll.u32 v52, $0x5;
	v28 =	vmax.f32 v51, v28  }
0xea: {  	[tilespmem:v27+s15+$0x0] =	vst.idx.msk $0xffff, v28;
	v27 =	vor.u32 v6, v29  }
0xeb: {  	v28 =	vld [tilespmem:s19+$0x7E0]  }
0xec: {  	v53 =	vld [tilespmem:s19+$0x11E0];
	_ =	sdelay $0x2  }
0xed: {  	v54 =	vld.idx.msk [tilespmem:v27+s15+$0x0], $0xffff;
	_ =	sdelay $0x1  }
0xee: {  	v28 =	vadd.f32 v53, v28;
	_ =	sdelay $0x1  }
0xef: {  	v28 =	vmax.f32 v28, $0.0e+00  }
0xf0: {  	v28 =	vmax.f32 v54, v28  }
0xf1: {  	[tilespmem:v27+s15+$0x0] =	vst.idx.msk $0xffff, v28;
	v27 =	vor.u32 v12, v29  }
0xf2: {  	v28 =	vld [tilespmem:s19+$0x7F0]  }
0xf3: {  	v55 =	vld [tilespmem:s19+$0x11F0];
	_ =	sdelay $0x2  }
0xf4: {  	v56 =	vld.idx.msk [tilespmem:v27+s15+$0x0], $0xffff;
	_ =	sdelay $0x1  }
0xf5: {  	v28 =	vadd.f32 v55, v28  }
0xf6: {  	v57 =	vperm.xlane v26, v19  }
0xf7: {  	v28 =	vmax.f32 v28, $0.0e+00  }
0xf8: {  	v29 =	vshll.u32 v57, $0x5;
	v28 =	vmax.f32 v56, v28  }
0xf9: {  	[tilespmem:v27+s15+$0x0] =	vst.idx.msk $0xffff, v28;
	v27 =	vor.u32 v6, v29  }
0xfa: {  	v28 =	vld [tilespmem:s19+$0x800]  }
0xfb: {  	v58 =	vld [tilespmem:s19+$0x1200];
	_ =	sdelay $0x2  }
0xfc: {  	v59 =	vld.idx.msk [tilespmem:v27+s15+$0x0], $0xffff;
	_ =	sdelay $0x1  }
0xfd: {  	v28 =	vadd.f32 v58, v28;
	_ =	sdelay $0x1  }
0xfe: {  	v28 =	vmax.f32 v28, $0.0e+00  }
0xff: {  	v28 =	vmax.f32 v59, v28  }
0x100: {  	[tilespmem:v27+s15+$0x0] =	vst.idx.msk $0xffff, v28;
	v27 =	vor.u32 v12, v29  }
0x101: {  	v28 =	vld [tilespmem:s19+$0x810]  }
0x102: {  	v60 =	vld [tilespmem:s19+$0x1210];
	_ =	sdelay $0x2  }
0x103: {  	v61 =	vld.idx.msk [tilespmem:v27+s15+$0x0], $0xffff;
	_ =	sdelay $0x1  }
0x104: {  	v28 =	vadd.f32 v60, v28  }
0x105: {  	v62 =	vperm.xlane v26, v20  }
0x106: {  	v28 =	vmax.f32 v28, $0.0e+00  }
0x107: {  	v29 =	vshll.u32 v62, $0x5;
	v28 =	vmax.f32 v61, v28  }
0x108: {  	[tilespmem:v27+s15+$0x0] =	vst.idx.msk $0xffff, v28;
	v27 =	vor.u32 v6, v29  }
0x109: {  	v28 =	vld [tilespmem:s19+$0x820]  }
0x10a: {  	v63 =	vld [tilespmem:s19+$0x1220];
	_ =	sdelay $0x2  }
0x10b: {  	v33 =	vld.idx.msk [tilespmem:v27+s15+$0x0], $0xffff;
	_ =	sdelay $0x1  }
0x10c: {  	v28 =	vadd.f32 v63, v28;
	_ =	sdelay $0x1  }
0x10d: {  	v28 =	vmax.f32 v28, $0.0e+00  }
0x10e: {  	v28 =	vmax.f32 v33, v28  }
0x10f: {  	[tilespmem:v27+s15+$0x0] =	vst.idx.msk $0xffff, v28;
	v27 =	vor.u32 v12, v29  }
0x110: {  	v28 =	vld [tilespmem:s19+$0x830]  }
0x111: {  	v34 =	vld [tilespmem:s19+$0x1230];
	_ =	sdelay $0x2  }
0x112: {  	v35 =	vld.idx.msk [tilespmem:v27+s15+$0x0], $0xffff;
	_ =	sdelay $0x1  }
0x113: {  	v28 =	vadd.f32 v34, v28  }
0x114: {  	v36 =	vperm.xlane v26, v21  }
0x115: {  	v28 =	vmax.f32 v28, $0.0e+00  }
0x116: {  	v29 =	vshll.u32 v36, $0x5;
	v28 =	vmax.f32 v35, v28  }
0x117: {  	[tilespmem:v27+s15+$0x0] =	vst.idx.msk $0xffff, v28;
	v27 =	vor.u32 v6, v29  }
0x118: {  	v28 =	vld [tilespmem:s19+$0x840]  }
0x119: {  	v37 =	vld [tilespmem:s19+$0x1240];
	_ =	sdelay $0x2  }
0x11a: {  	v38 =	vld.idx.msk [tilespmem:v27+s15+$0x0], $0xffff;
	_ =	sdelay $0x1  }
0x11b: {  	v28 =	vadd.f32 v37, v28;
	_ =	sdelay $0x1  }
0x11c: {  	v28 =	vmax.f32 v28, $0.0e+00  }
0x11d: {  	v28 =	vmax.f32 v38, v28  }
0x11e: {  	[tilespmem:v27+s15+$0x0] =	vst.idx.msk $0xffff, v28;
	v27 =	vor.u32 v12, v29  }
0x11f: {  	v28 =	vld [tilespmem:s19+$0x850]  }
0x120: {  	v39 =	vld [tilespmem:s19+$0x1250];
	_ =	sdelay $0x2  }
0x121: {  	v40 =	vld.idx.msk [tilespmem:v27+s15+$0x0], $0xffff;
	_ =	sdelay $0x1  }
0x122: {  	v28 =	vadd.f32 v39, v28  }
0x123: {  	v41 =	vperm.xlane v26, v22  }
0x124: {  	v28 =	vmax.f32 v28, $0.0e+00  }
0x125: {  	v29 =	vshll.u32 v41, $0x5;
	v28 =	vmax.f32 v40, v28  }
0x126: {  	[tilespmem:v27+s15+$0x0] =	vst.idx.msk $0xffff, v28;
	v27 =	vor.u32 v6, v29  }
0x127: {  	v28 =	vld [tilespmem:s19+$0x860]  }
0x128: {  	v42 =	vld [tilespmem:s19+$0x1260];
	_ =	sdelay $0x2  }
0x129: {  	v43 =	vld.idx.msk [tilespmem:v27+s15+$0x0], $0xffff;
	_ =	sdelay $0x1  }
0x12a: {  	v28 =	vadd.f32 v42, v28;
	_ =	sdelay $0x1  }
0x12b: {  	v28 =	vmax.f32 v28, $0.0e+00  }
0x12c: {  	v28 =	vmax.f32 v43, v28  }
0x12d: {  	[tilespmem:v27+s15+$0x0] =	vst.idx.msk $0xffff, v28;
	v27 =	vor.u32 v12, v29  }
0x12e: {  	v28 =	vld [tilespmem:s19+$0x870]  }
0x12f: {  	v44 =	vld [tilespmem:s19+$0x1270];
	_ =	sdelay $0x2  }
0x130: {  	v45 =	vld.idx.msk [tilespmem:v27+s15+$0x0], $0xffff;
	_ =	sdelay $0x1  }
0x131: {  	v28 =	vadd.f32 v44, v28  }
0x132: {  	v46 =	vperm.xlane v26, v23  }
0x133: {  	v28 =	vmax.f32 v28, $0.0e+00  }
0x134: {  	v29 =	vshll.u32 v46, $0x5;
	v28 =	vmax.f32 v45, v28  }
0x135: {  	[tilespmem:v27+s15+$0x0] =	vst.idx.msk $0xffff, v28;
	v27 =	vor.u32 v6, v29  }
0x136: {  	v28 =	vld [tilespmem:s19+$0x880]  }
0x137: {  	v47 =	vld [tilespmem:s19+$0x1280];
	_ =	sdelay $0x2  }
0x138: {  	v48 =	vld.idx.msk [tilespmem:v27+s15+$0x0], $0xffff;
	_ =	sdelay $0x1  }
0x139: {  	v28 =	vadd.f32 v47, v28;
	_ =	sdelay $0x1  }
0x13a: {  	v28 =	vmax.f32 v28, $0.0e+00  }
0x13b: {  	v28 =	vmax.f32 v48, v28  }
0x13c: {  	[tilespmem:v27+s15+$0x0] =	vst.idx.msk $0xffff, v28;
	v27 =	vor.u32 v12, v29  }
0x13d: {  	v28 =	vld [tilespmem:s19+$0x890]  }
0x13e: {  	v49 =	vld [tilespmem:s19+$0x1290];
	_ =	sdelay $0x2  }
0x13f: {  	v50 =	vld.idx.msk [tilespmem:v27+s15+$0x0], $0xffff;
	_ =	sdelay $0x1  }
0x140: {  	v28 =	vadd.f32 v49, v28  }
0x141: {  	v51 =	vperm.xlane v26, v2  }
0x142: {  	v28 =	vmax.f32 v28, $0.0e+00  }
0x143: {  	v29 =	vshll.u32 v51, $0x5;
	v28 =	vmax.f32 v50, v28  }
0x144: {  	[tilespmem:v27+s15+$0x0] =	vst.idx.msk $0xffff, v28;
	v27 =	vor.u32 v6, v29  }
0x145: {  	v28 =	vld [tilespmem:s19+$0x8A0]  }
0x146: {  	v52 =	vld [tilespmem:s19+$0x12A0];
	_ =	sdelay $0x2  }
0x147: {  	v53 =	vld.idx.msk [tilespmem:v27+s15+$0x0], $0xffff;
	_ =	sdelay $0x1  }
0x148: {  	v28 =	vadd.f32 v52, v28;
	_ =	sdelay $0x1  }
0x149: {  	v28 =	vmax.f32 v28, $0.0e+00  }
0x14a: {  	v28 =	vmax.f32 v53, v28  }
0x14b: {  	[tilespmem:v27+s15+$0x0] =	vst.idx.msk $0xffff, v28;
	v27 =	vor.u32 v12, v29  }
0x14c: {  	v28 =	vld [tilespmem:s19+$0x8B0]  }
0x14d: {  	v54 =	vld [tilespmem:s19+$0x12B0];
	_ =	sdelay $0x2  }
0x14e: {  	v55 =	vld.idx.msk [tilespmem:v27+s15+$0x0], $0xffff;
	_ =	sdelay $0x1  }
0x14f: {  	v28 =	vadd.f32 v54, v28  }
0x150: {  	v56 =	vperm.xlane v26, v24  }
0x151: {  	v28 =	vmax.f32 v28, $0.0e+00  }
0x152: {  	v29 =	vshll.u32 v56, $0x5;
	v28 =	vmax.f32 v55, v28  }
0x153: {  	[tilespmem:v27+s15+$0x0] =	vst.idx.msk $0xffff, v28;
	v27 =	vor.u32 v6, v29  }
0x154: {  	v28 =	vld [tilespmem:s19+$0x8C0]  }
0x155: {  	v57 =	vld [tilespmem:s19+$0x12C0];
	_ =	sdelay $0x2  }
0x156: {  	v58 =	vld.idx.msk [tilespmem:v27+s15+$0x0], $0xffff;
	_ =	sdelay $0x1  }
0x157: {  	v28 =	vadd.f32 v57, v28;
	_ =	sdelay $0x1  }
0x158: {  	v28 =	vmax.f32 v28, $0.0e+00  }
0x159: {  	v28 =	vmax.f32 v58, v28  }
0x15a: {  	[tilespmem:v27+s15+$0x0] =	vst.idx.msk $0xffff, v28;
	v27 =	vor.u32 v12, v29  }
0x15b: {  	v28 =	vld [tilespmem:s19+$0x8D0]  }
0x15c: {  	v59 =	vld [tilespmem:s19+$0x12D0];
	_ =	sdelay $0x2  }
0x15d: {  	v60 =	vld.idx.msk [tilespmem:v27+s15+$0x0], $0xffff;
	_ =	sdelay $0x1  }
0x15e: {  	v28 =	vadd.f32 v59, v28  }
0x15f: {  	v26 =	vperm.xlane v26, v25  }
0x160: {  	v28 =	vmax.f32 v28, $0.0e+00  }
0x161: {  	v26 =	vshll.u32 v26, $0x5;
	v28 =	vmax.f32 v60, v28  }
0x162: {  	[tilespmem:v27+s15+$0x0] =	vst.idx.msk $0xffff, v28;
	v27 =	vor.u32 v6, v26  }
0x163: {  	v28 =	vld [tilespmem:s19+$0x8E0]  }
0x164: {  	v61 =	vld [tilespmem:s19+$0x12E0];
	_ =	sdelay $0x2  }
0x165: {  	v62 =	vld.idx.msk [tilespmem:v27+s15+$0x0], $0xffff;
	_ =	sdelay $0x1  }
0x166: {  	v28 =	vadd.f32 v61, v28;
	_ =	sdelay $0x1  }
0x167: {  	v28 =	vmax.f32 v28, $0.0e+00  }
0x168: {  	v28 =	vmax.f32 v62, v28  }
0x169: {  	v26 =	vor.u32 v12, v26;
	[tilespmem:v27+s15+$0x0] =	vst.idx.msk $0xffff, v28  }
0x16a: {  	v27 =	vld [tilespmem:s19+$0x8F0]  }
0x16b: {  	v28 =	vld [tilespmem:s19+$0x12F0];
	_ =	sdelay $0x2  }
0x16c: {  	v63 =	vld.idx.msk [tilespmem:v26+s15+$0x0], $0xffff  }
0x16d: {  	p0 =	sne.s32 s17, $0x27C0  }
.Ltmp1:
0x16e: {  	v27 =	vadd.f32 v28, v27;
	(pc) =	sbr.rel @p0 .LBB2_4-.Ltmp1, $4  }
0x16f: {  	_ = 	snop  }
0x170: {  	v27 =	vmax.f32 v27, $0.0e+00  }
0x171: {  	v27 =	vmax.f32 v63, v27  }
0x172: {  	s18 =	sadd.s32 $0x10, s18;
	s17 =	sadd.s32 $0x800, s17;
	[tilespmem:v26+s15+$0x0] =	vst.idx.msk $0xffff, v27  }
0x173: {  	s16 =	sadd.s32 $0x1, s16  }
0x174: {  	p0 =	sne.s32 s16, s6  }
.Ltmp2:
0x175: {  	_ = 	snop;
	(pc) =	sbr.rel @p0 .LBB2_1-.Ltmp2, $4  }
0x176: {  	[hbm4b:s5+s3] =	stream.linear.scatter [tilespmem:s15], [sflag:$0x2], $0x1A0, $0x38;
	[tilespmem:$0x1EB0] =	vst v63  }
0x177: {  	_ =	swait.ge [sflag:s7], $0x1A0  }
0x178: {  	[sflag:s7] =	ssyncset.done $0x0  }
0x179: {  	[sflag:s7] =	ssyncadd.s32 $0xFFFFFE60  }
0x17a: {  	_ =	sfence.sel $0x180000  }
0x17b: {  	[bflag:$0x0] =	sbarrier.arrive $0xFFFF  }
0x17c: {  	p0 =	sne.s32 s0, $0x0;
	_ =	strace $0x90000050  }
0x17d: {  	s0 =	sadd.s32 @!p0 $0x100000, s1;
	[bflag:$0x2] =	sbarrier.arrive $0xFFFF  }
0x17e: {  	[sflag:s0] =	ssyncadd.tile.s32 @!p0 $0x1;
	_ =	shalt  }
.Lfunc_end2:
_tile_overlayer_lowered:
.L_overlay_start_2:
0x17f: {  	(tag) =	ssettag $0x2  }
0x180: {  	s0 =	rddreg [dreg:$0x0];
	s2 =	stileid.u32  }
0x181: {  	s1 =	rddreg [dreg:$0x1];
	p0 =	sne.s32 s2, $0x0  }
0x182: {  	s3 =	rddreg [dreg:$0x2];
	[bflag:$0x3] =	sbarrier.arrive $0xFFFF;
	s2 =	simm.s32 @!p0 $0x1C02  }
0x183: {  	[timem:s3], [sflag:s2] =	dma.local @!p0 [hbm:s0], s1  }
0x184: {  	s0 =	simm.s32 @!p0 $0x2  }
0x185: {  	_ =	swait.ge @!p0 [sflag:s0], s1  }
0x186: {  	s1 =	ssub.s32 @!p0 $0x0, s1;
	[sflag:s0] =	ssyncset.done @!p0 $0x0  }
0x187: {  	[sflag:s0] =	ssyncadd.s32 @!p0 s1  }
0x188: {  	[bflag:$0x3] =	sbarrier.arrive $0xFFFF  }
0x189: {  	_ =	shalt  }

// kernel: kernel.8.cloned.1.call-start
scs
__scs_entry_jumppad:
0x0: {  	(pc) =	sbr.rel $0x88, $3  }
0x1: {  	(tag) =	ssettag $0x0;
	lr =	simm.s32 $0x1  }
0x2: {  	[smem:$0x3F97] =	sst lr;
	_ =	strace $0xD0000000  }
0x3: {  	_ = 	snop  }
0x4: {  	_ = 	snop  }
0x5: {  	_ = 	snop  }
0x6: {  	_ = 	snop  }
0x7: {  	_ = 	snop  }
__scs_overlays_trampoline_lowered:
0x8: {  	[smem:$0x3FA6] =	sst s0  }
0x9: {  	[smem:$0x3FA7] =	sst s1  }
0xa: {  	[smem:$0x3FA8] =	sst s2  }
0xb: {  	[smem:$0x3FA9] =	sst s3  }
0xc: {  	[smem:$0x3FAA] =	sst s4  }
0xd: {  	[smem:$0x3FAB] =	sst s5  }
0xe: {  	[smem:$0x3FAC] =	sst s6  }
0xf: {  	[smem:$0x3FAD] =	sst s7  }
0x10: {  	[smem:$0x3FAE] =	sst s8  }
0x11: {  	[smem:$0x3FAF] =	sst s9;
	s0 =	simm.s32 @!p0 $0x0  }
0x12: {  	s1 =	sld [smem:$0x3F95];
	s0 =	simm.s32 @p0 $0x1  }
0x13: {  	[smem:$0x3FB0] =	sst s0;
	s0 =	simm.s32 @!p1 $0x0  }
0x14: {  	s2 =	sld [smem:$0x3F94];
	s0 =	simm.s32 @p1 $0x1  }
0x15: {  	[smem:$0x3FB1] =	sst s0;
	s0 =	simm.s32 @!p2 $0x0  }
0x16: {  	s3 =	sld [smem:$0x3FDB];
	s0 =	simm.s32 @p2 $0x1  }
0x17: {  	s4 =	simm.s32 $0x1BF5;
	[smem:$0x3FB3] =	sst s0  }
0x18: {  	s0 =	sld [smem:$0x3F96];
	_ =	swait.ge [sflag:s4], $0x0  }
0x19: {  	s7 =	sld [smem:$0x3F97]  }
0x1a: {  	s8 =	sadd.s32 $0xFFFFE003, lr  }
0x1b: {  	s9 =	sadd.s32 $0xFFFFFEF7, lr;
	s5 =	simm.s32 $0xFFFFFFFF;
	p2 =	slt.u32 s8, $0xFFFFF086  }
0x1c: {  	p1 =	slt.u32 s9, $0xF7A;
	s5 =	simm.s32 @!p2 $0x0  }
0x1d: {  	s5 =	simm.s32 @p1 $0x1;
	p0 =	seq.s32 s7, s2  }
0x1e: {  	s7 =	smul.u32 @!p0 $0xF7A, s2;
	p2 =	seq.s32 @!p0 s5, $0x0  }
0x1f: {  	s9 =	smul.u32 $0xF7A, s1;
	s8 =	simm.s32 @!p0 $0x1BF5;
	p2 =	por !p2, p0  }
0x20: {  	[sflag:s8] =	ssyncset.s32 @!p0 $0xFFFFF086;
	s6 =	sadd.s32 @!p0 s3, s7;
	s7 =	simm.s32 @!p0 $0x108  }
0x21: {  	s3 =	sadd.s32 s3, s9;
	s6 =	sadd.s32 @!p0 $0x88, s6;
	s7 =	simm.s32 @p2 $0x1082  }
0x22: {  	[simem:s7], [sflag:s8] =	dma.local @!p0 [hbm:s6], $0xF7A  }
0x23: {  	s9 =	sor.u32 $0xD0000000, s2;
	s6 =	simm.s32 $0x108;
	_ =	swait.ge @!p0 [sflag:s8], $0x0  }
0x24: {  	s3 =	sadd.s32 $0x88, s3;
	s6 =	simm.s32 @!p1 $0x1082;
	[sflag:s4] =	ssyncset.s32 $0xFFFFF086  }
0x25: {  	[simem:s6], [sflag:s4] =	dma.local [hbm:s3], $0xF7A  }
0x26: {  	[smem:$0x3F97] =	sst s1;
	(tag) =	ssettag s2;
	_ =	strace s9  }
0x27: {  	s1 =	sld [smem:$0x3FA7]  }
0x28: {  	s2 =	sld [smem:$0x3FA8]  }
0x29: {  	s4 =	sld [smem:$0x3FAA]  }
0x2a: {  	p0 =	seq.s32 s5, $0x0;
	s5 =	sld [smem:$0x3FAB]  }
0x2b: {  	s6 =	sld [smem:$0x3FAC]  }
0x2c: {  	s7 =	sld [smem:$0x3FAD]  }
0x2d: {  	s3 =	simm.s32 $0x108;
	s8 =	sld [smem:$0x3FAE]  }
0x2e: {  	s3 =	simm.s32 @!p0 $0x1082;
	s9 =	sld [smem:$0x3FAF]  }
0x2f: {  	lr =	sadd.s32 s0, s3;
	s0 =	sld [smem:$0x3FA6]  }
0x30: {  	s3 =	sld [smem:$0x3FA9]  }
0x31: {  	[smem:$0x3FB2] =	sst s10  }
0x32: {  	s10 =	sld [smem:$0x3FB0];
	_ =	sdelay $0x3  }
0x33: {  	p0 =	seq.s32 s10, $0x1;
	s10 =	sld [smem:$0x3FB2];
	_ =	sdelay $0x3  }
0x34: {  	[smem:$0x3FB2] =	sst s10  }
0x35: {  	s10 =	sld [smem:$0x3FB1];
	_ =	sdelay $0x3  }
0x36: {  	p1 =	seq.s32 s10, $0x1;
	s10 =	sld [smem:$0x3FB2];
	_ =	sdelay $0x3  }
0x37: {  	[smem:$0x3FB2] =	sst s10  }
0x38: {  	s10 =	sld [smem:$0x3FB3]  }
0x39: {  	_ = 	snop;
	(pc) =	sbr.ind lr, $3  }
0x3a: {  	_ = 	snop  }
0x3b: {  	_ = 	snop  }
0x3c: {  	p2 =	seq.s32 s10, $0x1;
	s10 =	sld [smem:$0x3FB2]  }
0x3d: {  	_ =	shalt  }
0x3e: {  	_ =	shalt  }
0x3f: {  	_ =	shalt  }
0x40: {  	_ =	shalt  }
0x41: {  	_ =	shalt  }
0x42: {  	_ =	shalt  }
0x43: {  	_ =	shalt  }
0x44: {  	_ =	shalt  }
0x45: {  	_ =	shalt  }
0x46: {  	_ =	shalt  }
0x47: {  	_ =	shalt  }
0x48: {  	_ =	shalt  }
0x49: {  	_ =	shalt  }
0x4a: {  	_ =	shalt  }
0x4b: {  	_ =	shalt  }
0x4c: {  	_ =	shalt  }
0x4d: {  	_ =	shalt  }
0x4e: {  	_ =	shalt  }
0x4f: {  	_ =	shalt  }
0x50: {  	_ =	shalt  }
0x51: {  	_ =	shalt  }
0x52: {  	_ =	shalt  }
0x53: {  	_ =	shalt  }
0x54: {  	_ =	shalt  }
0x55: {  	_ =	shalt  }
0x56: {  	_ =	shalt  }
0x57: {  	_ =	shalt  }
0x58: {  	_ =	shalt  }
0x59: {  	_ =	shalt  }
0x5a: {  	_ =	shalt  }
0x5b: {  	_ =	shalt  }
0x5c: {  	_ =	shalt  }
0x5d: {  	_ =	shalt  }
0x5e: {  	_ =	shalt  }
0x5f: {  	_ =	shalt  }
0x60: {  	_ =	shalt  }
0x61: {  	_ =	shalt  }
0x62: {  	_ =	shalt  }
0x63: {  	_ =	shalt  }
0x64: {  	_ =	shalt  }
0x65: {  	_ =	shalt  }
0x66: {  	_ =	shalt  }
0x67: {  	_ =	shalt  }
0x68: {  	_ =	shalt  }
0x69: {  	_ =	shalt  }
0x6a: {  	_ =	shalt  }
0x6b: {  	_ =	shalt  }
0x6c: {  	_ =	shalt  }
0x6d: {  	_ =	shalt  }
0x6e: {  	_ =	shalt  }
0x6f: {  	_ =	shalt  }
0x70: {  	_ =	shalt  }
0x71: {  	_ =	shalt  }
0x72: {  	_ =	shalt  }
0x73: {  	_ =	shalt  }
0x74: {  	_ =	shalt  }
0x75: {  	_ =	shalt  }
0x76: {  	_ =	shalt  }
0x77: {  	_ =	shalt  }
0x78: {  	_ =	shalt  }
0x79: {  	_ =	shalt  }
0x7a: {  	_ =	shalt  }
0x7b: {  	_ =	shalt  }
0x7c: {  	_ =	shalt  }
0x7d: {  	_ =	shalt  }
0x7e: {  	_ =	shalt  }
0x7f: {  	_ =	shalt  }
0x80: {  	_ =	shalt  }
0x81: {  	_ =	shalt  }
0x82: {  	_ =	shalt  }
0x83: {  	_ =	shalt  }
0x84: {  	_ =	shalt  }
0x85: {  	_ =	shalt  }
0x86: {  	_ =	shalt  }
0x87: {  	_ =	shalt  }
.Lfunc_end0:
.L_simem_size_0:
called_computation_lowered:
.L_overlay_start_0:
0x88: {  	s2 =	sld [smem:$0x3FD9]  }
0x89: {  	s3 =	sld [smem:$0x3FFE];
	_ =	sdelay $0x1  }
0x8a: {  	s1 =	srdreg.scid  }
0x8b: {  	s0 =	sand.u32 $0x1, s1  }
0x8c: {  	s16 =	sshll.u32 s0, $0xA;
	s2 =	sadd.s32 s3, s2  }
0x8d: {  	s2 =	sadd.s32 s2, s16  }
0x8e: {  	[smem:$0x3FBE] =	sst s2  }
0x8f: {  	_ = 	snop  }
0x90: {  	(tm) =	ssettm $0x1  }
0x91: {  	s17 =	sld [smem:$0x3FFB];
	_ =	sdelay $0x3  }
0x92: {  	_ =	strace s17  }
0x93: {  	s2 =	sld [smem:$0x3FFC];
	_ =	sdelay $0x3  }
0x94: {  	_ =	strace s2  }
0x95: {  	s2 =	sld [smem:$0x3FFD];
	_ =	sdelay $0x3  }
0x96: {  	_ =	strace s2  }
0x97: {  	_ =	strace $0x8FFFFFFF  }
0x98: {  	s18 =	sld [smem:$0x3FDB];
	_ =	sdelay $0x1  }
0x99: {  	s19 =	simm.s32 $_scs_section_size  }
0x9a: {  	s4 =	simm.s32 $_size__tile_overlayer_lowered;
	s5 =	simm.s32 $_tile_overlayer_lowered  }
0x9b: {  	s22 =	simm.s32 $0x1BFF;
	s21 =	sshll.u32 s5, $0x1;
	s2 =	sadd.s32 s19, s18  }
0x9c: {  	s6 =	simm.s32 $0x0;
	s20 =	sshll.u32 s4, $0x1;
	s4 =	sadd.s32 s21, s2  }
0x9d: {  	[timem:s6], [sflag:s22] =	dma.local [hbm:s4], s20  }
0x9e: {  	_ =	swait.ge [sflag:s22], s20  }
0x9f: {  	s3 =	ssub.s32 $0x0, s20;
	[sflag:s22] =	ssyncset.done $0x0  }
0xa0: {  	[sflag:s22] =	ssyncadd.s32 s3;
	_ =	sdelay $0x1  }
0xa1: {  	s23 =	simm.s32 $0x1B8B  }
0xa2: {  	_ =	swait.ge [sflag:s23], $0x1  }
0xa3: {  	[sflag:s23] =	ssyncset.done $0x0  }
0xa4: {  	s25 =	simm.s32 $0x1B8E;
	s24 =	sld [smem:$0x3FFE];
	[sflag:s23] =	ssyncadd.s32 $0xFFFFFFFF  }
0xa5: {  	s26 =	simm.s32 $execute0_lowered;
	[smem:$0x3FD2] =	sst s25  }
0xa6: {  	s4 =	sshll.u32 s26, $0x1;
	_ =	strace $0x80000046;
	[dreg:$0x1] =	wrdreg $0xFFFFFFFF  }
0xa7: {  	s28 =	simm.s32 $_size_execute0_lowered;
	s2 =	sadd.s32 s2, s4;
	[dreg:$0x0] =	wrdreg $0x0  }
0xa8: {  	s4 =	sshll.u32 s28, $0x1;
	[dreg:$0x2] =	wrdreg s2  }
0xa9: {  	[dreg:$0x3] =	wrdreg s4  }
0xaa: {  	[dreg:$0x4] =	wrdreg $0xC0  }
0xab: {  	_ =	task [dreg:s6], $0x5FFFF  }
0xac: {  	[dreg:$0x1] =	wrdreg $0xFFFFFFFF  }
0xad: {  	[dreg:$0x0] =	wrdreg $0x60  }
0xae: {  	[dreg:$0x2] =	wrdreg s24  }
0xaf: {  	[dreg:$0x3] =	wrdreg $0x87000  }
0xb0: {  	[dreg:$0x4] =	wrdreg $0xAF000  }
0xb1: {  	[dreg:$0x5] =	wrdreg $0x9  }
0xb2: {  	_ =	task.clear_ibuf [dreg:s6], $0x6FFFF;
	_ =	strace $0x90000046  }
0xb3: {  	s29 =	simm.s32 $0x9;
	_ =	strace $0x80000048  }
0xb4: {  	_ =	swait.ge [sflag:s29], $0x1  }
0xb5: {  	[sflag:s29] =	ssyncadd.s32 $0xFFFFFFFF  }
0xb6: {  	_ =	strace $0x90000048  }
0xb7: {  	_ =	sfence  }
0xb8: {  	s30 =	sld [smem:$0x0];
	_ =	sdelay $0x2  }
0xb9: {  	s31 =	sshll.u32 s1, $0xD;
	s1 =	sshrl.u32 s1, $0x2  }
0xba: {  	s3 =	sand.u32 $0x4000, s31;
	s1 =	sadd.s32 s1, s30  }
0xbb: {  	s0 =	sor.u32 s3, s0;
	s1 =	sshll.u32 s1, $0x11  }
0xbc: {  	s0 =	sor.u32 s1, s0  }
0xbd: {  	s0 =	sadd.s32 $0x8F2B, s0  }
0xbe: {  	[sflag:s0] =	ssyncadd.remote.s32 $0x1  }
0xbf: {  	_ =	sfence.sel $0xFFFF  }
0xc0: {  	[dreg:$0x0] =	wrdreg $0xFFFFFFFF;
	(pc) =	sbr.abs _section_cstart, $3  }
0xc1: {  	[dreg:$0x1] =	wrdreg $0xFFFFFFFF  }
0xc2: {  	_ =	task.clear_ibuf [dreg:s6], $0x2FFFF;
	_ =	strace $0x9FFFFFFF  }
0xc3: {  	(tm) =	ssettm $0x7FFFFFFF  }
tec
execute0_lowered:
.L_overlay_start_1:
0x0: {  	(tag) =	ssettag $0x1  }
0x1: {  	s5 =	rddreg [dreg:$0x0]  }
0x2: {  	s2 =	rddreg [dreg:$0x1]  }
0x3: {  	s0 =	srdreg.scid;
	s3 =	rddreg [dreg:$0x2];
	s4 =	simm.s32 $0x0  }
0x4: {  	s15 =	simm.s32 $0x80;
	s16 =	simm.s32 $0x4F00;
	s17 =	simm.s32 $0x1  }
0x5: {  	s18 =	simm.s32 $0x5700;
	s19 =	simm.s32 $0x2;
	s20 =	simm.s32 $0x3  }
0x6: {  	s21 =	simm.s32 $0x4;
	s6 =	sand.u32 $0x1, s0;
	s0 =	stileid.u32  }
0x7: {  	s22 =	simm.s32 $0x2700;
	s23 =	simm.s32 $0x4E00;
	s7 =	smul.u32 $0x2710, s0  }
0x8: {  	s24 =	simm.s32 $0x4E80;
	s25 =	simm.s32 $0x0;
	s9 =	smul.u32 $0x500, s0  }
0x9: {  	[smem:$0x7FF] =	sst s4;
	s1 =	sshll.u32 s6, $0x4;
	s11 =	smul.u32 $0x5000, s6  }
0xa: {  	s6 =	ssub.s32 $0x2, s6;
	s12 =	smul.u32 $0xA000, s0;
	s8 =	sor.u32 s0, s1  }
0xb: {  	s1 =	rddreg [dreg:$0x3];
	_ =	strace $0x80000047;
	s30 =	sshrl.u32 s6, $0x1  }
0xc: {  	s8 =	smul.u32 $0x4F0, s8;
	s10 =	sshrl.u32 s7, $0x3;
	s29 =	sadd.s32 s9, s11  }
0xd: {  	s14 =	ssub.s32 s6, s30;
	s31 =	sshrl.u32 s12, $0x2;
	s7 =	sadd.s32 s7, s3  }
0xe: {  	s12 =	simm.s32 $0x5F00;
	s10 =	sadd.s32 s10, s5;
	s11 =	sadd.s32 s29, s5  }
0xf: {  	s13 =	sadd.s32 s8, s5;
	s5 =	sadd.s32 s31, s2;
	s6 =	sadd.s32 $0x1600, s10  }
0x10: {  	s10 =	sadd.s32 $0x1A200, s11;
	s11 =	smax.u32 s14, $0x1;
	s14 =	simm.s32 $0x2780  }
0x11: {  	v0 =	vimm.f32 $0.0e+00;
	s8 =	sadd.s32 $0x6600, s13;
	s9 =	sadd.s32 $0x10400, s13;
	s13 =	simm.s32 $0x5  }
.LBB2_1:
0x12: {  	s26 =	simm.s32 $0x40;
	s28 =	simm.s32 $0x0  }
.LBB2_2:
0x13: {  	p0 =	sne.s32 s26, $0x9FC0;
	[tilespmem:s28+$0x5F00] =	vst v0;
	s28 =	smov.u32 s26;
	s26 =	sadd.s32 $0x40, s26  }
.Ltmp0:
0x14: {  	(pc) =	sbr.rel @p0 .LBB2_2-.Ltmp0, $2  }
0x15: {  	_ =	sdelay $0x2  }
0x16: {  	s28 =	sshra.s32 s28, $0x2  }
0x17: {  	[tilespmem:s28+$0x5F00] =	vst v0  }
0x18: {  	[spmem:s5] =	stream.linear.scatter [tilespmem:s12], [sflag:$0x5], $0x2800, $0x38;
	[tilespmem:$0xD610] =	vst v63  }
0x19: {  	_ =	swait.ge [sflag:s13], $0x2800  }
0x1a: {  	[sflag:s13] =	ssyncset.done $0x0  }
0x1b: {  	[sflag:s13] =	ssyncadd.s32 $0xFFFFD800  }
0x1c: {  	[tilespmem:s12], [sflag:$0x5] =	stream.linear.gather [hbm4b:s6+s4], $0x2710, $0x38;
	[tilespmem:$0xD610] =	vst v63  }
0x1d: {  	_ =	swait.ge [sflag:s13], $0x2710  }
0x1e: {  	[sflag:s13] =	ssyncset.done $0x0  }
0x1f: {  	[sflag:s13] =	ssyncadd.s32 $0xFFFFD8F0  }
0x20: {  	[spmem:s7] =	stream.linear.scatter [tilespmem:s12], [sflag:$0x5], $0x2710, $0x38;
	[tilespmem:$0xD610] =	vst v63  }
0x21: {  	_ =	swait.ge [sflag:s13], $0x2710  }
0x22: {  	[sflag:s13] =	ssyncset.done $0x0  }
0x23: {  	[sflag:s13] =	ssyncadd.s32 $0xFFFFD8F0  }
0x24: {  	[tilespmem:s4], [sflag:$0x5] =	stream.linear.gather [hbm4b:s8+s4], $0x2780, $0x38;
	[tilespmem:$0xD610] =	vst v63  }
0x25: {  	_ =	swait.ge [sflag:s13], $0x2780  }
0x26: {  	[sflag:s13] =	ssyncset.done $0x0  }
0x27: {  	[sflag:s13] =	ssyncadd.s32 $0xFFFFD880  }
0x28: {  	[tilespmem:s14], [sflag:$0x5] =	stream.linear.gather [hbm4b:s9+s4], $0x2780, $0x38;
	[tilespmem:$0xD610] =	vst v63  }
0x29: {  	_ =	swait.ge [sflag:s13], $0x2780  }
0x2a: {  	[sflag:s13] =	ssyncset.done $0x0  }
0x2b: {  	[sflag:s13] =	ssyncadd.s32 $0xFFFFD880  }
0x2c: {  	[bflag:$0x0] =	sbarrier.arrive $0xFFFF  }
0x2d: {  	[tilespmem:s16], [sflag:$0x1] =	stream.indirect.gather [spmem:s3], $0x10, s4, s15, $0xb8;
	[tilespmem:$0xD610] =	vst v63  }
0x2e: {  	_ =	swait.ge [sflag:s17], $0x800  }
0x2f: {  	[sflag:s17] =	ssyncset.done $0x0  }
0x30: {  	[sflag:s17] =	ssyncadd.s32 $0xFFFFF800  }
0x31: {  	[tilespmem:s18], [sflag:$0x2] =	stream.indirect.gather [spmem:s3], $0x10, s15, s15, $0xb8;
	[tilespmem:$0xD610] =	vst v63  }
0x32: {  	_ = 	snop  }
0x33: {  	[spmem:s2] =	stream.indirect.scatter.add.f32 [tilespmem:s16], [sflag:$0x3], $0x10, s14, s15, $0xb8;
	[tilespmem:$0xD610] =	vst v63  }
0x34: {  	_ =	swait.ge [sflag:s19], $0x800  }
0x35: {  	[sflag:s19] =	ssyncset.done $0x0  }
0x36: {  	[sflag:s19] =	ssyncadd.s32 $0xFFFFF800  }
0x37: {  	_ =	swait.ge [sflag:s20], $0x800  }
0x38: {  	[sflag:s20] =	ssyncset.done $0x0  }
0x39: {  	s26 =	simm.s32 $0x100;
	[sflag:s20] =	ssyncadd.s32 $0xFFFFF800  }
0x3a: {  	[tilespmem:s16], [sflag:$0x1] =	stream.indirect.gather [spmem:s3], $0x10, s26, s15, $0xb8;
	[tilespmem:$0xD610] =	vst v63  }
0x3b: {  	s30 =	simm.s32 $0x2800  }
0x3c: {  	[spmem:s2] =	stream.indirect.scatter.add.f32 [tilespmem:s18], [sflag:$0x4], $0x10, s30, s15, $0xb8;
	[tilespmem:$0xD610] =	vst v63  }
0x3d: {  	_ =	swait.ge [sflag:s17], $0x800  }
0x3e: {  	[sflag:s17] =	ssyncset.done $0x0  }
0x3f: {  	[sflag:s17] =	ssyncadd.s32 $0xFFFFF800  }
0x40: {  	_ =	swait.ge [sflag:s21], $0x800  }
0x41: {  	s31 =	simm.s32 $0x180;
	[sflag:s21] =	ssyncset.done $0x0  }
0x42: {  	s28 =	simm.s32 $0x2880;
	s26 =	simm.s32 $0xFFFF6C00;
	[sflag:s21] =	ssyncadd.s32 $0xFFFFF800  }
0x43: {  	[tilespmem:s18], [sflag:$0x2] =	stream.indirect.gather [spmem:s3], $0x10, s31, s15, $0xb8;
	[tilespmem:$0xD610] =	vst v63  }
.LBB2_4:
0x44: {  	[spmem:s2] =	stream.indirect.scatter.add.f32 [tilespmem:s16], [sflag:$0x3], $0x10, s28, s15, $0xb8;
	[tilespmem:$0xD610] =	vst v63  }
0x45: {  	s28 =	smov.u32 s26  }
0x46: {  	p0 =	sne.s32 s26, $0xFFFFFC00;
	s26 =	sadd.s32 $0x400, s26;
	_ =	swait.ge [sflag:s19], $0x800  }
0x47: {  	[sflag:s19] =	ssyncset.done $0x0  }
0x48: {  	[sflag:s19] =	ssyncadd.s32 $0xFFFFF800  }
0x49: {  	_ =	swait.ge [sflag:s20], $0x800  }
0x4a: {  	s28 =	sshra.s32 s28, $0x2;
	[sflag:s20] =	ssyncset.done $0x0  }
0x4b: {  	s29 =	sadd.s32 $0x2700, s28;
	[sflag:s20] =	ssyncadd.s32 $0xFFFFF800  }
0x4c: {  	[tilespmem:s16], [sflag:$0x1] =	stream.indirect.gather [spmem:s3], $0x10, s29, s15, $0xb8;
	[tilespmem:$0xD610] =	vst v63  }
0x4d: {  	s29 =	sadd.s32 $0x4E00, s28  }
0x4e: {  	[spmem:s2] =	stream.indirect.scatter.add.f32 [tilespmem:s18], [sflag:$0x4], $0x10, s29, s15, $0xb8;
	[tilespmem:$0xD610] =	vst v63  }
0x4f: {  	_ =	swait.ge [sflag:s17], $0x800  }
0x50: {  	[sflag:s17] =	ssyncset.done $0x0  }
0x51: {  	[sflag:s17] =	ssyncadd.s32 $0xFFFFF800  }
.Ltmp1:
0x52: {  	_ =	swait.ge [sflag:s21], $0x800;
	(pc) =	sbr.rel @p0 .LBB2_4-.Ltmp1, $4  }
0x53: {  	[sflag:s21] =	ssyncset.done $0x0  }
0x54: {  	s29 =	sadd.s32 $0x2780, s28;
	[sflag:s21] =	ssyncadd.s32 $0xFFFFF800  }
0x55: {  	[tilespmem:s18], [sflag:$0x2] =	stream.indirect.gather [spmem:s3], $0x10, s29, s15, $0xb8;
	[tilespmem:$0xD610] =	vst v63  }
0x56: {  	s28 =	sadd.s32 $0x4E80, s28  }
0x57: {  	[spmem:s2] =	stream.indirect.scatter.add.f32 [tilespmem:s16], [sflag:$0x3], $0x10, s28, s15, $0xb8;
	[tilespmem:$0xD610] =	vst v63  }
0x58: {  	_ =	swait.ge [sflag:s19], $0x800  }
0x59: {  	[sflag:s19] =	ssyncset.done $0x0  }
0x5a: {  	[sflag:s19] =	ssyncadd.s32 $0xFFFFF800  }
0x5b: {  	_ =	swait.ge [sflag:s20], $0x800  }
0x5c: {  	[sflag:s20] =	ssyncset.done $0x0  }
0x5d: {  	[sflag:s20] =	ssyncadd.s32 $0xFFFFF800  }
0x5e: {  	[tilespmem:s16], [sflag:$0x1] =	stream.indirect.gather [spmem:s3], $0x10, s22, s15, $0xb8;
	[tilespmem:$0xD610] =	vst v63  }
0x5f: {  	_ = 	snop  }
0x60: {  	[spmem:s2] =	stream.indirect.scatter.add.f32 [tilespmem:s18], [sflag:$0x4], $0x10, s23, s15, $0xb8;
	[tilespmem:$0xD610] =	vst v63  }
0x61: {  	_ =	swait.ge [sflag:s17], $0x800  }
0x62: {  	[sflag:s17] =	ssyncset.done $0x0  }
0x63: {  	[sflag:s17] =	ssyncadd.s32 $0xFFFFF800  }
0x64: {  	_ =	swait.ge [sflag:s21], $0x800  }
0x65: {  	[sflag:s21] =	ssyncset.done $0x0  }
0x66: {  	[sflag:s21] =	ssyncadd.s32 $0xFFFFF800  }
0x67: {  	[spmem:s2] =	stream.indirect.scatter.add.f32 [tilespmem:s16], [sflag:$0x3], $0x10, s24, s15, $0xb8;
	[tilespmem:$0xD610] =	vst v63  }
0x68: {  	_ =	swait.ge [sflag:s20], $0x800  }
0x69: {  	[sflag:s20] =	ssyncset.done $0x0  }
0x6a: {  	[sflag:s20] =	ssyncadd.s32 $0xFFFFF800  }
0x6b: {  	[bflag:$0x0] =	sbarrier.arrive $0xFFFF  }
0x6c: {  	[tilespmem:s12], [sflag:$0x5] =	stream.linear.gather [spmem:s5], $0x2800, $0x38;
	[tilespmem:$0xD610] =	vst v63  }
0x6d: {  	s25 =	sadd.s32 $0x1, s25;
	_ =	swait.ge [sflag:s13], $0x2800  }
0x6e: {  	p0 =	sne.s32 s25, s11;
	[sflag:s13] =	ssyncset.done $0x0  }
.Ltmp2:
0x6f: {  	[sflag:s13] =	ssyncadd.s32 $0xFFFFD800;
	(pc) =	sbr.rel @p0 .LBB2_1-.Ltmp2, $4  }
0x70: {  	[hbm4b:s10+s4] =	stream.linear.scatter [tilespmem:s12], [sflag:$0x5], $0x2800, $0x38;
	[tilespmem:$0xD610] =	vst v63  }
0x71: {  	_ =	swait.ge [sflag:s13], $0x2800  }
0x72: {  	[sflag:s13] =	ssyncset.done $0x0  }
0x73: {  	[sflag:s13] =	ssyncadd.s32 $0xFFFFD800  }
0x74: {  	_ =	sfence.sel $0x180000  }
0x75: {  	[bflag:$0x0] =	sbarrier.arrive $0xFFFF  }
0x76: {  	p0 =	sne.s32 s0, $0x0;
	_ =	strace $0x90000047  }
0x77: {  	s0 =	sadd.s32 @!p0 $0x100000, s1;
	[bflag:$0x2] =	sbarrier.arrive $0xFFFF  }
0x78: {  	[sflag:s0] =	ssyncadd.tile.s32 @!p0 $0x1;
	_ =	shalt  }
.Lfunc_end2:
_tile_overlayer_lowered:
.L_overlay_start_2:
0x79: {  	(tag) =	ssettag $0x2  }
0x7a: {  	s0 =	rddreg [dreg:$0x0];
	s2 =	stileid.u32  }
0x7b: {  	s1 =	rddreg [dreg:$0x1];
	p0 =	sne.s32 s2, $0x0  }
0x7c: {  	s3 =	rddreg [dreg:$0x2];
	[bflag:$0x3] =	sbarrier.arrive $0xFFFF;
	s2 =	simm.s32 @!p0 $0x1C05  }
0x7d: {  	[timem:s3], [sflag:s2] =	dma.local @!p0 [hbm:s0], s1  }
0x7e: {  	s0 =	simm.s32 @!p0 $0x5  }
0x7f: {  	_ =	swait.ge @!p0 [sflag:s0], s1  }
0x80: {  	s1 =	ssub.s32 @!p0 $0x0, s1;
	[sflag:s0] =	ssyncset.done @!p0 $0x0  }
0x81: {  	[sflag:s0] =	ssyncadd.s32 @!p0 s1  }
0x82: {  	[bflag:$0x3] =	sbarrier.arrive $0xFFFF  }
0x83: {  	_ =	shalt  }

</sc_bundles>
